<compile_context>
chip_gen: v7x
topology: tpu7x:2x2x1
jax: 0.10.2.dev20260603
libtpu: 0.0.44.dev20260713+nightly
codegen_flags: <defaults>
</compile_context>

<pallas_src>
import functools

import jax
import jax.numpy as jnp
from jax import lax
from jax.experimental import pallas as pl
from jax.experimental.pallas import tpu as pltpu
from jax.experimental.pallas import tpu_sc as plsc

M = 131072
NB = 2048
D = 256
L = 16
NCORES = 2
NSUB = 16
NW = NCORES * NSUB
SPW = M // NW
GROUPS = SPW // L
TCON = 32
GROW_K = 1024
EPS = 1e-8
EFF = 0.05
POL = 0.01
EST_MAG = EFF * 16 + abs(POL)
BIG = 2**30

K2_ROWS = 512
K5_ROWS = 256



def _tstats_body(t_ref, spos_ref, cpos_ref, mpos_ref, mall_ref):
    i = pl.program_id(0)
    t = t_ref[...]
    pos = t > 0.0
    tp = jnp.where(pos, t, 0.0)
    s = jnp.reshape(jnp.sum(tp), (1, 1))
    c = jnp.reshape(jnp.sum(pos.astype(jnp.float32)), (1, 1))
    mp = jnp.reshape(jnp.max(tp), (1, 1))
    ma = jnp.reshape(jnp.max(t), (1, 1))

    @pl.when(i == 0)
    def _():
        spos_ref[...] = s
        cpos_ref[...] = c
        mpos_ref[...] = mp
        mall_ref[...] = ma

    @pl.when(i != 0)
    def _():
        spos_ref[...] += s
        cpos_ref[...] += c
        mpos_ref[...] = jnp.maximum(mpos_ref[...], mp)
        mall_ref[...] = jnp.maximum(mall_ref[...], ma)


def _tstats_call(t):
    scalar = jax.ShapeDtypeStruct((1, 1), jnp.float32)
    return pl.pallas_call(
        _tstats_body,
        grid=(NB // K5_ROWS,),
        in_specs=[pl.BlockSpec((K5_ROWS, NB), lambda i: (i, 0))],
        out_specs=[pl.BlockSpec((1, 1), lambda i: (0, 0))] * 4,
        out_shape=[scalar] * 4,
    )(t)


def _copy_mag_body(w_ref, out_ref, m2_ref):
    x = w_ref[...]
    out_ref[...] = x
    m2_ref[...] = jnp.sum(x * x, axis=1, keepdims=True)


def _copy_mag_call(w2):
    return pl.pallas_call(
        _copy_mag_body,
        grid=(M // K2_ROWS,),
        in_specs=[pl.BlockSpec((K2_ROWS, D), lambda i: (i, 0))],
        out_specs=[
            pl.BlockSpec((K2_ROWS, D), lambda i: (i, 0)),
            pl.BlockSpec((K2_ROWS, 1), lambda i: (i, 0)),
        ],
        out_shape=[
            jax.ShapeDtypeStruct((M, D), jnp.float32),
            jax.ShapeDtypeStruct((M, 1), jnp.float32),
        ],
    )(w2)


def _thr_body(m2_ref, af_ref, spos_ref, cpos_ref, mpos_ref, mag_ref, thr_ref,
              mam_ref):
    m2 = m2_ref[...]
    af = af_ref[...]
    mag = jnp.sqrt(m2 + EPS)
    mag_ref[...] = mag
    mam_ref[...] = jnp.reshape(
        jnp.min(jnp.where(af > 0, mag, jnp.float32(3.4e38))), (1, 1))
    na = jnp.reshape(jnp.sum(af), (1, 1))
    sma = jnp.reshape(jnp.sum(mag * af), (1, 1))
    num_free = M - na
    scarcity = 1.0 - num_free / M
    cnt = jnp.maximum(cpos_ref[...], 1.0)
    avg_t = spos_ref[...] / cnt
    ntd = jnp.clip(avg_t / (mpos_ref[...] + EPS), 0.0, 1.0)
    mean_mag = sma / jnp.maximum(na, 1.0)
    thr_ref[...] = scarcity * mean_mag * (1.0 + ntd)


def _thr_call(m2r, afr, spos, cpos, mpos):
    full = pl.BlockSpec((M // 128, 128), lambda: (0, 0))
    scal = pl.BlockSpec((1, 1), lambda: (0, 0))
    return pl.pallas_call(
        _thr_body,
        in_specs=[full, full, scal, scal, scal],
        out_specs=[full, scal, scal],
        out_shape=[
            jax.ShapeDtypeStruct((M // 128, 128), jnp.float32),
            jax.ShapeDtypeStruct((1, 1), jnp.float32),
            jax.ShapeDtypeStruct((1, 1), jnp.float32),
        ],
    )(m2r, afr, spos, cpos, mpos)


def _count_body(t_ref, pres_ref, dout_ref, din_ref, od_ref, id_ref, thr_ref,
                c_ref):
    i = pl.program_id(0)
    t = t_ref[...]
    pres = pres_ref[...]
    od2 = od_ref[...] - jnp.sum(dout_ref[...], axis=0, keepdims=True)
    id2 = id_ref[...] - jnp.sum(din_ref[...], axis=0, keepdims=True)
    rows = lax.broadcasted_iota(jnp.int32, (K5_ROWS, NB), 0) + i * K5_ROWS
    lanes = lax.broadcasted_iota(jnp.int32, (K5_ROWS, NB), 1)
    odb = jnp.broadcast_to(od2, (K5_ROWS, NB))
    od_rows = jnp.sum(jnp.where(lanes == rows, odb, 0), axis=1, keepdims=True)
    v = jnp.float32(EST_MAG) * (1.0 + t)
    valid = ((pres == 0) & (od_rows < TCON) & (id2 < TCON)
             & (v > thr_ref[...]))
    s = jnp.reshape(jnp.sum(valid.astype(jnp.float32)), (1, 1))

    @pl.when(i == 0)
    def _():
        c_ref[...] = s

    @pl.when(i != 0)
    def _():
        c_ref[...] += s


def _count_call(t, pres, doutall, dinall, odeg, ideg, thr):
    row_blk = pl.BlockSpec((K5_ROWS, NB), lambda i: (i, 0))
    deg_blk = pl.BlockSpec((NW, NB), lambda i: (0, 0))
    vec_blk = pl.BlockSpec((1, NB), lambda i: (0, 0))
    scal = pl.BlockSpec((1, 1), lambda i: (0, 0))
    return pl.pallas_call(
        _count_body,
        grid=(NB // K5_ROWS,),
        in_specs=[row_blk, row_blk, deg_blk, deg_blk, vec_blk, vec_blk, scal],
        out_specs=[scal],
        out_shape=[jax.ShapeDtypeStruct((1, 1), jnp.float32)],
    )(t, pres, doutall, dinall, odeg, ideg, thr)



def _slot_body(rows_hbm, cols_hbm, act_hbm, mag_hbm, thrv_hbm, tflat_hbm,
               map_ref,
               prune_hbm, newact_hbm, doutall_hbm, dinall_hbm, fcnt_hbm,
               rows_v, cols_v, act_v, mag_v, idx2, tv2, pidx2, pr_v, na_v,
               dout_loc, din_loc, ones_v, row16, thr_v, sem, gsem):
    wid = lax.axis_index("s") * NCORES + lax.axis_index("c")
    base = wid * SPW
    pltpu.sync_copy(rows_hbm.at[pl.ds(base, SPW)], rows_v)
    pltpu.sync_copy(cols_hbm.at[pl.ds(base, SPW)], cols_v)
    pltpu.sync_copy(act_hbm.at[pl.ds(base, SPW)], act_v)
    pltpu.sync_copy(mag_hbm.at[pl.ds(base, SPW)], mag_v)
    pltpu.sync_copy(thrv_hbm, thr_v)
    thr = thr_v[...]

    zi = jnp.zeros((L,), jnp.int32)

    @pl.loop(0, NB // L)
    def _(i):
        dout_loc[pl.ds(i * L, L)] = zi
        din_loc[pl.ds(i * L, L)] = zi

    @pl.loop(0, 128 // L)
    def _(i):
        ones_v[pl.ds(i * L, L)] = zi + 1

    @pl.loop(0, GROUPS // 8)
    def _(j):
        for k in range(8):
            sl = pl.ds((j * 8 + k) * L, L)
            idx2[j, pl.ds(k * L, L)] = rows_v[sl] * NB + cols_v[sl]
        pltpu.async_copy(tflat_hbm.at[idx2.at[j]], tv2.at[j], gsem)

    def c_body(j, carry):
        na_acc, last_vec, first_vec = carry
        pltpu.make_async_copy(tflat_hbm.at[idx2.at[j]], tv2.at[j], gsem).wait()
        for k in range(8):
            sl = pl.ds((j * 8 + k) * L, L)
            ol = pl.ds(k * L, L)
            a = act_v[sl]
            m = mag_v[sl]
            idx = idx2[j, ol]
            t = tv2[j, ol]
            v = m * (1.0 + t)
            pr = jnp.where(v < thr, a, 0)
            na = a - pr
            pr_v[sl] = pr
            na_v[sl] = na
            plsc.addupdate_scatter(dout_loc, [rows_v[sl]], pr)
            plsc.addupdate_scatter(din_loc, [cols_v[sl]], pr)
            na_acc = na_acc + na
            last_vec = jnp.where(na == 1, idx, last_vec)
            first_vec = jnp.where((first_vec < 0) & (na == 1), idx, first_vec)
            pidx2[j, ol] = last_vec
        return na_acc, last_vec, first_vec

    zi16 = jnp.zeros((L,), jnp.int32)
    na_acc, _lv, first_vec = lax.fori_loop(
        0, GROUPS // 8, c_body, (zi16, zi16 - 1, zi16 - 1))
    sum_na = jnp.sum(na_acc)

    @pl.when(sum_na > 0)
    def _():
        mn = jnp.min(jnp.where(first_vec < 0, BIG, first_vec))
        fv = jnp.where(first_vec < 0, mn, first_vec)

        @pl.loop(0, GROUPS // 8)
        def _(j):
            for k in range(8):
                ol = pl.ds(k * L, L)
                p = pidx2[j, ol]
                pidx2[j, ol] = jnp.where(p < 0, fv, p)
            pltpu.async_copy(ones_v, map_ref.at[pidx2.at[j]], sem)

        @pl.loop(0, GROUPS // 8)
        def _(j):
            pltpu.make_async_copy(ones_v, map_ref.at[pidx2.at[j]], sem).wait()

    pltpu.sync_copy(pr_v, prune_hbm.at[pl.ds(base, SPW)])
    pltpu.sync_copy(na_v, newact_hbm.at[pl.ds(base, SPW)])
    pltpu.sync_copy(dout_loc, doutall_hbm.at[wid])
    pltpu.sync_copy(din_loc, dinall_hbm.at[wid])
    row16[...] = (jnp.int32(SPW) - sum_na) + jnp.zeros((L,), jnp.int32)
    pltpu.sync_copy(row16, fcnt_hbm.at[wid])


@functools.cache
def _slot_kernel():
    mesh = plsc.VectorSubcoreMesh(core_axis_name="c", subcore_axis_name="s")
    return pl.kernel(
        _slot_body,
        out_type=[
            jax.ShapeDtypeStruct((M,), jnp.int32),
            jax.ShapeDtypeStruct((M,), jnp.int32),
            jax.ShapeDtypeStruct((NW, NB), jnp.int32),
            jax.ShapeDtypeStruct((NW, NB), jnp.int32),
            jax.ShapeDtypeStruct((NW, L), jnp.int32),
        ],
        mesh=mesh,
        compiler_params=pltpu.CompilerParams(needs_layout_passes=False),
        scratch_types=[
            pltpu.VMEM((SPW,), jnp.int32),
            pltpu.VMEM((SPW,), jnp.int32),
            pltpu.VMEM((SPW,), jnp.int32),
            pltpu.VMEM((SPW,), jnp.float32),
            pltpu.VMEM((GROUPS // 8, 128), jnp.int32),
            pltpu.VMEM((GROUPS // 8, 128), jnp.float32),
            pltpu.VMEM((GROUPS // 8, 128), jnp.int32),
            pltpu.VMEM((SPW,), jnp.int32),
            pltpu.VMEM((SPW,), jnp.int32),
            pltpu.VMEM((NB,), jnp.int32),
            pltpu.VMEM((NB,), jnp.int32),
            pltpu.VMEM((128,), jnp.int32),
            pltpu.VMEM((L,), jnp.int32),
            pltpu.VMEM((L,), jnp.float32),
            pltpu.SemaphoreType.DMA,
            pltpu.SemaphoreType.DMA,
        ],
    )


def _slot_lite_body(rows_hbm, cols_hbm, act_hbm, mag_hbm, thrv_hbm, tflat_hbm,
                    out_ref,
                    rows_v, cols_v, act_v, mag_v, idx2, tv2, zrows, thr_v,
                    gsem, sem):
    wid = lax.axis_index("s") * NCORES + lax.axis_index("c")
    base = wid * SPW
    pltpu.sync_copy(rows_hbm.at[pl.ds(base, SPW)], rows_v)
    pltpu.sync_copy(cols_hbm.at[pl.ds(base, SPW)], cols_v)
    pltpu.sync_copy(act_hbm.at[pl.ds(base, SPW)], act_v)
    pltpu.sync_copy(mag_hbm.at[pl.ds(base, SPW)], mag_v)
    pltpu.sync_copy(thrv_hbm, thr_v)
    thr = thr_v[...]
    zf = jnp.zeros((L,), jnp.float32)

    @pl.loop(0, L * (D // L))
    def _(i):
        zrows[i // (D // L), pl.ds((i % (D // L)) * L, L)] = zf

    @pl.loop(0, GROUPS // 8)
    def _(j):
        for k in range(8):
            sl = pl.ds((j * 8 + k) * L, L)
            idx2[j, pl.ds(k * L, L)] = rows_v[sl] * NB + cols_v[sl]
        pltpu.async_copy(tflat_hbm.at[idx2.at[j]], tv2.at[j], gsem)

    iota = lax.iota(jnp.int32, L)

    @pl.loop(0, GROUPS // 8)
    def _(j):
        pltpu.make_async_copy(tflat_hbm.at[idx2.at[j]], tv2.at[j], gsem).wait()
        for k in range(8):
            sl = pl.ds((j * 8 + k) * L, L)
            a = act_v[sl]
            m = mag_v[sl]
            t = tv2[j, pl.ds(k * L, L)]
            v = m * (1.0 + t)
            pr = jnp.where(v < thr, a, 0)
            npr = jnp.sum(pr)

            @pl.when(npr > 0)
            def _():
                slots = base + (j * 8 + k) * L + iota
                firstp = jnp.min(jnp.where(pr == 1, slots, BIG))
                pidx = jnp.where(pr == 1, slots, firstp)
                pltpu.async_copy(zrows, out_ref.at[pidx], sem).wait()


@functools.cache
def _slot_lite_kernel():
    mesh = plsc.VectorSubcoreMesh(core_axis_name="c", subcore_axis_name="s")
    return pl.kernel(
        _slot_lite_body,
        out_type=[],
        mesh=mesh,
        compiler_params=pltpu.CompilerParams(needs_layout_passes=False),
        scratch_types=[
            pltpu.VMEM((SPW,), jnp.int32),
            pltpu.VMEM((SPW,), jnp.int32),
            pltpu.VMEM((SPW,), jnp.int32),
            pltpu.VMEM((SPW,), jnp.float32),
            pltpu.VMEM((GROUPS // 8, 128), jnp.int32),
            pltpu.VMEM((GROUPS // 8, 128), jnp.float32),
            pltpu.VMEM((L, D), jnp.float32),
            pltpu.VMEM((L,), jnp.float32),
            pltpu.SemaphoreType.DMA,
            pltpu.SemaphoreType.DMA,
        ],
    )


def _fix_body(prune_hbm, newact_hbm, fcnt_hbm, cmin_hbm, neww_hbm, out_ref,
              pr_v, na_v, fc2, cmin_v, zrows, buf, sem):
    wid = lax.axis_index("s") * NCORES + lax.axis_index("c")
    base = wid * SPW
    pltpu.sync_copy(prune_hbm.at[pl.ds(base, SPW)], pr_v)
    pltpu.sync_copy(newact_hbm.at[pl.ds(base, SPW)], na_v)
    pltpu.sync_copy(fcnt_hbm, fc2)
    pltpu.sync_copy(cmin_hbm, cmin_v)

    zf = jnp.zeros((L,), jnp.float32)

    @pl.loop(0, L * (D // L))
    def _(i):
        zrows[i // (D // L), pl.ds((i % (D // L)) * L, L)] = zf

    def pb(w, acc):
        val = jnp.min(fc2[w, :])
        return acc + jnp.where(w < wid, val, 0)

    rank_base0 = lax.fori_loop(0, NW, pb, jnp.int32(0))
    cmin = jnp.min(cmin_v[...])
    iota = lax.iota(jnp.int32, L)

    def g_body(i, rank_base):
        sl = pl.ds(i * L, L)
        pr = pr_v[sl]
        na = na_v[sl]
        free = 1 - na
        csum = plsc.cumsum(free)
        rank = rank_base + csum - free
        slots = base + i * L + iota
        npr = jnp.sum(pr)

        @pl.when(npr > 0)
        def _():
            firstp = jnp.min(jnp.where(pr == 1, slots, BIG))
            pidx = jnp.where(pr == 1, slots, firstp)
            pltpu.async_copy(zrows, out_ref.at[pidx], sem).wait()

        grow = jnp.where(rank < cmin, free, 0)
        ngr = jnp.sum(grow)

        @pl.when(ngr > 0)
        def _():
            firstr = jnp.min(jnp.where(grow == 1, rank, BIG))
            firsts = jnp.min(jnp.where(grow == 1, slots, BIG))
            ridx = jnp.where(grow == 1, rank, firstr)
            sidx = jnp.where(grow == 1, slots, firsts)
            pltpu.async_copy(neww_hbm.at[ridx], buf, sem).wait()
            pltpu.async_copy(buf, out_ref.at[sidx], sem).wait()

        return rank_base + jnp.sum(free)

    lax.fori_loop(0, GROUPS, g_body, rank_base0)


@functools.cache
def _fix_kernel():
    mesh = plsc.VectorSubcoreMesh(core_axis_name="c", subcore_axis_name="s")
    return pl.kernel(
        _fix_body,
        out_type=[],
        mesh=mesh,
        compiler_params=pltpu.CompilerParams(needs_layout_passes=False),
        scratch_types=[
            pltpu.VMEM((SPW,), jnp.int32),
            pltpu.VMEM((SPW,), jnp.int32),
            pltpu.VMEM((NW, L), jnp.int32),
            pltpu.VMEM((L,), jnp.int32),
            pltpu.VMEM((L, D), jnp.float32),
            pltpu.VMEM((L, D), jnp.float32),
            pltpu.SemaphoreType.DMA,
        ],
    )



def kernel(weight_values, trophic_support_map, weight_rows, weight_cols,
           active_blocks, in_degree, out_degree):
    w2 = weight_values.reshape(M, D)
    t = trophic_support_map
    tflat = t.reshape(NB * NB)
    rows = weight_rows.astype(jnp.int32)
    cols = weight_cols.astype(jnp.int32)
    act_i = active_blocks.astype(jnp.int32)
    af = active_blocks.astype(jnp.float32)

    spos, cpos, mpos, mall = _tstats_call(t)
    copy_out, mag2 = _copy_mag_call(w2)
    magr, thr, min_act_mag = _thr_call(mag2.reshape(M // 128, 128),
                                       af.reshape(M // 128, 128),
                                       spos, cpos, mpos)
    mag_flat = magr.reshape(M)
    thr_vec = jnp.broadcast_to(thr.reshape(1), (L,))

    out_ref = jax.new_ref(copy_out)

    def grow_path():
        map_ref = jax.new_ref(jnp.zeros((NB * NB,), jnp.int32))
        prune_i, newact_i, doutall, dinall, fcnt = _slot_kernel()(
            rows, cols, act_i, mag_flat, thr_vec, tflat, map_ref)
        pres = jax.freeze(map_ref).reshape(NB, NB)
        c_f, = _count_call(t, pres, doutall, dinall,
                           out_degree.astype(jnp.int32).reshape(1, NB),
                           in_degree.astype(jnp.int32).reshape(1, NB), thr)
        cmin = jnp.minimum(c_f, float(GROW_K)).astype(jnp.int32)
        cmin_vec = jnp.broadcast_to(cmin.reshape(1), (L,))
        noise = jax.random.normal(jax.random.key(1), (GROW_K, 16, 16),
                                  dtype=jnp.float32)
        new_w = (EFF * noise + POL).reshape(GROW_K, D)
        _fix_kernel()(prune_i, newact_i, fcnt, cmin_vec, new_w, out_ref)
        return 0

    def prune_path():
        _slot_lite_kernel()(rows, cols, act_i, mag_flat, thr_vec, tflat,
                            out_ref)
        return 0

    def no_grow_path():
        return lax.cond(min_act_mag[0, 0] < thr[0, 0],
                        prune_path, lambda: 0)

    grow_possible = jnp.float32(EST_MAG) * (1.0 + mall[0, 0]) > thr[0, 0]
    lax.cond(grow_possible, grow_path, no_grow_path)
    return jax.freeze(out_ref).reshape(M, 16, 16)

# --- scband reference (transcript-rebuilt; emitter-appended) ---
"""Pipeline reference for scband-structural-plasticity-79542794321996 (READ-ONLY COPY).

The authoritative reference and input builder live on the scoring server;
editing this copy changes nothing except your own understanding.
"""

import jax, jax.numpy as jnp
import numpy as np

NUM_BLOCKS = 2048
NEURONS_PER_BLOCK = 16
MAX_SLOTS = 131072
TARGET_CONNECTIVITY = 32
INITIAL_SYNAPTIC_EFFICACY = 0.05
INITIAL_SYNAPTIC_POLARITY = 0.01
EPS = 1e-8
GROW_K = 1024


def setup_inputs(seed: int = 0) -> dict:
    key = jax.random.key(seed)
    ks = jax.random.split(key, 8)
    weight_values = jax.random.normal(ks[0], (MAX_SLOTS, NEURONS_PER_BLOCK, NEURONS_PER_BLOCK), dtype=jnp.float32)
    weight_rows = jax.random.randint(ks[1], (MAX_SLOTS,), 0, NUM_BLOCKS)
    weight_cols = jax.random.randint(ks[2], (MAX_SLOTS,), 0, NUM_BLOCKS)
    active_blocks = jax.random.randint(ks[3], (MAX_SLOTS,), 0, 2) > 0
    in_degree = jax.random.randint(ks[4], (NUM_BLOCKS,), 0, TARGET_CONNECTIVITY)
    out_degree = jax.random.randint(ks[5], (NUM_BLOCKS,), 0, TARGET_CONNECTIVITY)
    trophic_support_map = jax.random.uniform(ks[6], (NUM_BLOCKS, NUM_BLOCKS), dtype=jnp.float32)
    return {
        "weight_values": weight_values,
        "trophic_support_map": trophic_support_map,
        "weight_rows": weight_rows,
        "weight_cols": weight_cols,
        "active_blocks": active_blocks,
        "in_degree": in_degree,
        "out_degree": out_degree,
    }


def _structural_step(weight_values, trophic_support_map, weight_rows, weight_cols, active_blocks, in_degree, out_degree):
    active_f = active_blocks.astype(jnp.float32)
    num_active = jnp.sum(active_f)
    num_free = MAX_SLOTS - num_active
    resource_scarcity = 1.0 - num_free / MAX_SLOTS
    # trophic demand from positive entries of the support map
    pos = trophic_support_map > 0
    cnt = jnp.maximum(jnp.sum(pos), 1).astype(jnp.float32)
    avg_t = jnp.sum(jnp.where(pos, trophic_support_map, 0.0)) / cnt
    max_t = jnp.max(jnp.where(pos, trophic_support_map, 0.0))
    normalized_trophic_demand = jnp.clip(avg_t / (max_t + EPS), 0.0, 1.0)
    # viability = magnitude * (1 + trophic_support) ; trophic gathered per connection
    magnitude = jnp.sqrt(jnp.sum(weight_values * weight_values, axis=(1, 2)) + EPS)
    trophic = trophic_support_map[weight_rows, weight_cols]
    viability = magnitude * (1.0 + trophic)
    mean_active_mag = jnp.sum(magnitude * active_f) / jnp.maximum(num_active, 1.0)
    survival_threshold = resource_scarcity * mean_active_mag * (1.0 + normalized_trophic_demand)
    # ---- prune: active connections below the survival threshold ----
    prune_mask = active_blocks & (viability < survival_threshold)
    new_active = active_blocks & jnp.logical_not(prune_mask)
    pruned_w = jnp.where(prune_mask[:, None, None], jnp.zeros_like(weight_values), weight_values)
    d_out = jax.ops.segment_sum(prune_mask.astype(jnp.int32), weight_rows, num_segments=NUM_BLOCKS)
    d_in = jax.ops.segment_sum(prune_mask.astype(jnp.int32), weight_cols, num_segments=NUM_BLOCKS)
    out_degree2 = out_degree.astype(jnp.int32) - d_out
    in_degree2 = in_degree.astype(jnp.int32) - d_in
    # ---- grow: potential connections with estimated viability above threshold ----
    est_mag = INITIAL_SYNAPTIC_EFFICACY * NEURONS_PER_BLOCK + abs(INITIAL_SYNAPTIC_POLARITY)
    cand_viability = est_mag * (1.0 + trophic_support_map)
    invalid_i = jnp.zeros((NUM_BLOCKS, NUM_BLOCKS), dtype=jnp.int32).at[weight_rows, weight_cols].max(new_active.astype(jnp.int32))
    row_full = out_degree2 >= TARGET_CONNECTIVITY
    col_full = in_degree2 >= TARGET_CONNECTIVITY
    invalid = (invalid_i > 0) | row_full[:, None] | col_full[None, :]
    masked = jnp.where(invalid, -jnp.inf, cand_viability)
    top_vals, top_idx = jax.lax.top_k(masked.reshape(-1), GROW_K)
    grow_valid = (top_vals > survival_threshold) & jnp.isfinite(top_vals)
    # free slot pool: slots whose active flag is False come first in the sort
    order = jnp.argsort(new_active.astype(jnp.int32))
    slot_idx = order[:GROW_K]
    slot_is_free = jnp.logical_not(new_active[slot_idx])
    grow_valid = grow_valid & slot_is_free
    noise = jax.random.normal(jax.random.key(1), (GROW_K, NEURONS_PER_BLOCK, NEURONS_PER_BLOCK), dtype=jnp.float32)
    new_w = INITIAL_SYNAPTIC_EFFICACY * noise + INITIAL_SYNAPTIC_POLARITY
    cur = pruned_w[slot_idx]
    updated = pruned_w.at[slot_idx].set(jnp.where(grow_valid[:, None, None], new_w, cur))
    return updated


def reference(weight_values, trophic_support_map, weight_rows, weight_cols, active_blocks, in_degree, out_degree):
    return _structural_step(weight_values, trophic_support_map, weight_rows, weight_cols, active_blocks, in_degree, out_degree)

if __name__ == "__main__":
    import jax
    _d = setup_inputs()
    print(jax.jit(kernel)(*tuple(_d.values())))

</pallas_src>

<mosaic_0001>
#map = affine_map<(d0, d1) -> (0)>
#map1 = affine_map<(d0, d1) -> (0, 0)>
module attributes {stable_mosaic.version = 14 : i64} {
  func.func @new_body(%arg0: i32, %arg1: i32, %arg2: memref<131072xi32, #tpu.memory_space<hbm>>, %arg3: memref<131072xi32, #tpu.memory_space<hbm>>, %arg4: memref<32x16xi32, #tpu.memory_space<hbm>>, %arg5: memref<16xi32, #tpu.memory_space<hbm>>, %arg6: memref<1024x256xf32, #tpu.memory_space<hbm>>, %arg7: memref<131072x256xf32, #tpu.memory_space<hbm>>, %arg8: memref<131072x256xf32, #tpu.memory_space<hbm>>, %arg9: memref<4096xi32, #tpu.memory_space<vmem>>, %arg10: memref<4096xi32, #tpu.memory_space<vmem>>, %arg11: memref<32x16xi32, #tpu.memory_space<vmem>>, %arg12: memref<16xi32, #tpu.memory_space<vmem>>, %arg13: memref<16x256xf32, #tpu.memory_space<vmem>>, %arg14: memref<16x256xf32, #tpu.memory_space<vmem>>, %arg15: memref<!tpu.dma_semaphore, #tpu.memory_space<semaphore_mem>>) attributes {dimension_semantics = [#tpu.dimension_semantics<core_parallel>, #tpu.dimension_semantics<subcore_parallel>], iteration_bounds = array<i64: 2, 16>, scalar_prefetch = 0 : i64, scratch_operands = 7 : i64, tpu.core_type = #tpu.core_type<sc_vector_subcore>, window_params = [{transform_indices = #map}, {transform_indices = #map}, {transform_indices = #map1}, {transform_indices = #map}, {transform_indices = #map1}, {transform_indices = #map1}, {transform_indices = #map1}]} {
    %mul3A = arith.constant 2 : i32
    %mul3A_0 = arith.muli %arg1, %mul3A : i32
    %add3A = arith.addi %mul3A_0, %arg0 : i32
    %mul3A_1 = arith.constant 4096 : i32
    %mul3A_2 = arith.muli %add3A, %mul3A_1 : i32
    "tpu.region"() ({
      %run_scoped3A = tpu.sem_alloc : memref<!tpu.dma_semaphore, #tpu.memory_space<semaphore_mem>>
      %dma_start3A = tpu.memref_slice %arg2[%mul3A_2] : memref<131072xi32, #tpu.memory_space<hbm>> -> memref<4096xi32, #tpu.memory_space<hbm>>
      %dma_start3A_29 = tpu.memref_slice %arg2[%mul3A_2] : memref<131072xi32, #tpu.memory_space<hbm>> -> memref<4096xi32, #tpu.memory_space<hbm>>
      tpu.enqueue_dma source(%dma_start3A_29 : memref<4096xi32, #tpu.memory_space<hbm>>) target(%arg9 : memref<4096xi32, #tpu.memory_space<vmem>>) target_semaphore(%run_scoped3A : memref<!tpu.dma_semaphore, #tpu.memory_space<semaphore_mem>>)
      %dma_wait3A = tpu.memref_slice %arg2[%mul3A_2] : memref<131072xi32, #tpu.memory_space<hbm>> -> memref<4096xi32, #tpu.memory_space<hbm>>
      %dma_wait3A_30 = tpu.memref_slice %arg2[%mul3A_2] : memref<131072xi32, #tpu.memory_space<hbm>> -> memref<4096xi32, #tpu.memory_space<hbm>>
      tpu.wait_dma2 semaphore(%run_scoped3A : memref<!tpu.dma_semaphore, #tpu.memory_space<semaphore_mem>>) src(%dma_wait3A_30 : memref<4096xi32, #tpu.memory_space<hbm>>) dst(%arg9 : memref<4096xi32, #tpu.memory_space<vmem>>)
      tpu.yield
    }) : () -> ()
    "tpu.region"() ({
      %run_scoped3A = tpu.sem_alloc : memref<!tpu.dma_semaphore, #tpu.memory_space<semaphore_mem>>
      %dma_start3A = tpu.memref_slice %arg3[%mul3A_2] : memref<131072xi32, #tpu.memory_space<hbm>> -> memref<4096xi32, #tpu.memory_space<hbm>>
      %dma_start3A_29 = tpu.memref_slice %arg3[%mul3A_2] : memref<131072xi32, #tpu.memory_space<hbm>> -> memref<4096xi32, #tpu.memory_space<hbm>>
      tpu.enqueue_dma source(%dma_start3A_29 : memref<4096xi32, #tpu.memory_space<hbm>>) target(%arg10 : memref<4096xi32, #tpu.memory_space<vmem>>) target_semaphore(%run_scoped3A : memref<!tpu.dma_semaphore, #tpu.memory_space<semaphore_mem>>)
      %dma_wait3A = tpu.memref_slice %arg3[%mul3A_2] : memref<131072xi32, #tpu.memory_space<hbm>> -> memref<4096xi32, #tpu.memory_space<hbm>>
      %dma_wait3A_30 = tpu.memref_slice %arg3[%mul3A_2] : memref<131072xi32, #tpu.memory_space<hbm>> -> memref<4096xi32, #tpu.memory_space<hbm>>
      tpu.wait_dma2 semaphore(%run_scoped3A : memref<!tpu.dma_semaphore, #tpu.memory_space<semaphore_mem>>) src(%dma_wait3A_30 : memref<4096xi32, #tpu.memory_space<hbm>>) dst(%arg10 : memref<4096xi32, #tpu.memory_space<vmem>>)
      tpu.yield
    }) : () -> ()
    "tpu.region"() ({
      %run_scoped3A = tpu.sem_alloc : memref<!tpu.dma_semaphore, #tpu.memory_space<semaphore_mem>>
      tpu.enqueue_dma source(%arg4 : memref<32x16xi32, #tpu.memory_space<hbm>>) target(%arg11 : memref<32x16xi32, #tpu.memory_space<vmem>>) target_semaphore(%run_scoped3A : memref<!tpu.dma_semaphore, #tpu.memory_space<semaphore_mem>>)
      tpu.wait_dma2 semaphore(%run_scoped3A : memref<!tpu.dma_semaphore, #tpu.memory_space<semaphore_mem>>) src(%arg4 : memref<32x16xi32, #tpu.memory_space<hbm>>) dst(%arg11 : memref<32x16xi32, #tpu.memory_space<vmem>>)
      tpu.yield
    }) : () -> ()
    "tpu.region"() ({
      %run_scoped3A = tpu.sem_alloc : memref<!tpu.dma_semaphore, #tpu.memory_space<semaphore_mem>>
      tpu.enqueue_dma source(%arg5 : memref<16xi32, #tpu.memory_space<hbm>>) target(%arg12 : memref<16xi32, #tpu.memory_space<vmem>>) target_semaphore(%run_scoped3A : memref<!tpu.dma_semaphore, #tpu.memory_space<semaphore_mem>>)
      tpu.wait_dma2 semaphore(%run_scoped3A : memref<!tpu.dma_semaphore, #tpu.memory_space<semaphore_mem>>) src(%arg5 : memref<16xi32, #tpu.memory_space<hbm>>) dst(%arg12 : memref<16xi32, #tpu.memory_space<vmem>>)
      tpu.yield
    }) : () -> ()
    %broadcast_in_dim3A = arith.constant 0.000000e+00 : f32
    %broadcast_in_dim3A_3 = vector.broadcast %broadcast_in_dim3A : f32 to vector<16xf32>
    %scan3A = arith.constant 0 : i32
    %scan3A_4 = arith.constant 256 : i32
    %scan3A_5 = arith.addi %scan3A, %scan3A_4 : i32
    %scan3A_6 = arith.constant 1 : i32
    scf.for %scan3A_29 = %scan3A to %scan3A_5 step %scan3A_6  : i32 {
      %mul3A_30 = arith.constant 1 : i32
      %mul3A_31 = arith.muli %scan3A_29, %mul3A_30 : i32
      %add3A_32 = arith.constant 0 : i32
      %add3A_33 = arith.addi %add3A_32, %mul3A_31 : i32
      %jit3A = arith.constant 16 : i32
      %div3A = arith.divsi %add3A_33, %jit3A : i32
      %sign3A = arith.constant 0 : i32
      %sign3A_34 = arith.cmpi sgt, %add3A_33, %sign3A : i32
      %sign3A_35 = arith.extui %sign3A_34 : i1 to i32
      %sign3A_36 = arith.constant 0 : i32
      %sign3A_37 = arith.cmpi slt, %add3A_33, %sign3A_36 : i32
      %sign3A_38 = arith.extui %sign3A_37 : i1 to i32
      %sign3A_39 = arith.subi %sign3A_35, %sign3A_38 : i32
      %sign3A_40 = arith.constant 0 : i32
      %sign3A_41 = arith.cmpi sgt, %jit3A, %sign3A_40 : i32
      %sign3A_42 = arith.extui %sign3A_41 : i1 to i32
      %sign3A_43 = arith.constant 0 : i32
      %sign3A_44 = arith.cmpi slt, %jit3A, %sign3A_43 : i32
      %sign3A_45 = arith.extui %sign3A_44 : i1 to i32
      %sign3A_46 = arith.subi %sign3A_42, %sign3A_45 : i32
      %ne3A = arith.cmpi ne, %sign3A_39, %sign3A_46 : i32
      %rem3A = arith.remsi %add3A_33, %jit3A : i32
      %ne3A_47 = arith.constant 0 : i32
      %ne3A_48 = arith.cmpi ne, %rem3A, %ne3A_47 : i32
      %and3A = arith.andi %ne3A, %ne3A_48 : i1
      %sub3A = arith.constant 1 : i32
      %sub3A_49 = arith.subi %div3A, %sub3A : i32
      %select_n3A = arith.select %and3A, %sub3A_49, %div3A : i32
      %jit3A_50 = arith.constant 16 : i32
      %eq3A = arith.constant 0 : i32
      %eq3A_51 = arith.cmpi eq, %jit3A_50, %eq3A : i32
      %jit3A_52 = arith.constant 1 : i32
      %select_n3A_53 = arith.select %eq3A_51, %jit3A_52, %jit3A_50 : i32
      %rem3A_54 = arith.remsi %add3A_33, %select_n3A_53 : i32
      %ne3A_55 = arith.constant 0 : i32
      %ne3A_56 = arith.cmpi ne, %rem3A_54, %ne3A_55 : i32
      %lt3A = arith.constant 0 : i32
      %lt3A_57 = arith.cmpi slt, %rem3A_54, %lt3A : i32
      %lt3A_58 = arith.constant 0 : i32
      %lt3A_59 = arith.cmpi slt, %select_n3A_53, %lt3A_58 : i32
      %ne3A_60 = arith.xori %lt3A_57, %lt3A_59 : i1
      %and3A_61 = arith.andi %ne3A_60, %ne3A_56 : i1
      %add3A_62 = arith.addi %rem3A_54, %select_n3A_53 : i32
      %select_n3A_63 = arith.select %and3A_61, %add3A_62, %rem3A_54 : i32
      %mul3A_64 = arith.constant 16 : i32
      %mul3A_65 = arith.muli %select_n3A_63, %mul3A_64 : i32
      %swap3A = arith.index_cast %select_n3A : i32 to index
      %swap3A_66 = arith.index_cast %mul3A_65 : i32 to index
      %swap3A_67 = tpu.vector_load %arg13[%swap3A, %swap3A_66] {strides = array<i32>} : memref<16x256xf32, #tpu.memory_space<vmem>>, vector<16xf32>,
      tpu.vector_store %arg13[%swap3A, %swap3A_66], %broadcast_in_dim3A_3 {strides = array<i32>} : memref<16x256xf32, #tpu.memory_space<vmem>>, vector<16xf32>,
    }
    %scan3A_7 = arith.constant 256 : i32
    %scan3A_8 = arith.constant 0 : i32
    %scan3A_9 = arith.constant 0 : i32
    %scan3A_10 = arith.constant 32 : i32
    %scan3A_11 = arith.addi %scan3A_9, %scan3A_10 : i32
    %scan3A_12 = arith.constant 1 : i32
    %scan3A_13 = scf.for %scan3A_29 = %scan3A_9 to %scan3A_11 step %scan3A_12 iter_args(%scan3A_30 = %scan3A_8) -> (i32)  : i32 {
      %get3A_31 = arith.index_cast %scan3A_29 : i32 to index
      %get3A_32 = arith.constant 0 : index
      %get3A_33 = tpu.vector_load %arg11[%get3A_31, %get3A_32] {strides = array<i32>} : memref<32x16xi32, #tpu.memory_space<vmem>>, vector<16xi32>,
      %reduce_min3A_34 = arith.constant true
      %reduce_min3A_35 = vector.broadcast %reduce_min3A_34 : i1 to vector<16xi1>
      %reduce_min3A_36 = arith.constant -2147483648 : i32
      %reduce_min3A_37 = vector.broadcast %reduce_min3A_36 : i32 to vector<16xi32>
      %reduce_min3A_38 = arith.xori %get3A_33, %reduce_min3A_37 : vector<16xi32>
      %reduce_min3A_39 = tpu.scan <min>, %reduce_min3A_38 masked %reduce_min3A_35 : vector<16xi32>, vector<16xi1> -> vector<16xi32>
      %reduce_min3A_40 = arith.xori %reduce_min3A_39, %reduce_min3A_37 : vector<16xi32>
      %reduce_min3A_41 = vector.extract %reduce_min3A_40[15] : i32 from vector<16xi32>
      %lt3A = arith.cmpi slt, %scan3A_29, %add3A : i32
      %jit3A = arith.constant 0 : i32
      %select_n3A = arith.select %lt3A, %reduce_min3A_41, %jit3A : i32
      %add3A_42 = arith.addi %scan3A_30, %select_n3A : i32
      scf.yield %add3A_42 : i32
    }
    %scan3A_14 = arith.constant 32 : i32
    %get3A = arith.constant 0 : index
    %get3A_15 = tpu.vector_load %arg12[%get3A] {strides = array<i32>} : memref<16xi32, #tpu.memory_space<vmem>>, vector<16xi32>,
    %reduce_min3A = arith.constant true
    %reduce_min3A_16 = vector.broadcast %reduce_min3A : i1 to vector<16xi1>
    %reduce_min3A_17 = arith.constant -2147483648 : i32
    %reduce_min3A_18 = vector.broadcast %reduce_min3A_17 : i32 to vector<16xi32>
    %reduce_min3A_19 = arith.xori %get3A_15, %reduce_min3A_18 : vector<16xi32>
    %reduce_min3A_20 = tpu.scan <min>, %reduce_min3A_19 masked %reduce_min3A_16 : vector<16xi32>, vector<16xi1> -> vector<16xi32>
    %reduce_min3A_21 = arith.xori %reduce_min3A_20, %reduce_min3A_18 : vector<16xi32>
    %reduce_min3A_22 = vector.extract %reduce_min3A_21[15] : i32 from vector<16xi32>
    %iota3A = tpu.iota {dimensions = array<i32: 0>} : vector<16xi32>
    %scan3A_23 = arith.constant 0 : i32
    %scan3A_24 = arith.constant 256 : i32
    %scan3A_25 = arith.addi %scan3A_23, %scan3A_24 : i32
    %scan3A_26 = arith.constant 1 : i32
    %scan3A_27 = scf.for %scan3A_29 = %scan3A_23 to %scan3A_25 step %scan3A_26 iter_args(%scan3A_30 = %scan3A_13) -> (i32)  : i32 {
      %mul3A_31 = arith.constant 16 : i32
      %mul3A_32 = arith.muli %scan3A_29, %mul3A_31 : i32
      %get3A_33 = arith.index_cast %mul3A_32 : i32 to index
      %get3A_34 = tpu.vector_load %arg9[%get3A_33] {strides = array<i32>} : memref<4096xi32, #tpu.memory_space<vmem>>, vector<16xi32>,
      %get3A_35 = arith.index_cast %mul3A_32 : i32 to index
      %get3A_36 = tpu.vector_load %arg10[%get3A_35] {strides = array<i32>} : memref<4096xi32, #tpu.memory_space<vmem>>, vector<16xi32>,
      %sub3A = arith.constant 1 : i32
      %sub3A_37 = vector.broadcast %sub3A : i32 to vector<16xi32>
      %sub3A_38 = arith.subi %sub3A_37, %get3A_36 : vector<16xi32>
      %broadcast_in_dim3A_39 = arith.constant true
      %broadcast_in_dim3A_40 = vector.broadcast %broadcast_in_dim3A_39 : i1 to vector<16xi1>
      %masked_cumsum3A = tpu.scan <sum>, %sub3A_38 masked %broadcast_in_dim3A_40 : vector<16xi32>, vector<16xi1> -> vector<16xi32>
      %add3A_41 = vector.broadcast %scan3A_30 : i32 to vector<16xi32>
      %add3A_42 = arith.addi %add3A_41, %masked_cumsum3A : vector<16xi32>
      %sub3A_43 = arith.subi %add3A_42, %sub3A_38 : vector<16xi32>
      %mul3A_44 = arith.constant 16 : i32
      %mul3A_45 = arith.muli %scan3A_29, %mul3A_44 : i32
      %add3A_46 = arith.addi %mul3A_2, %mul3A_45 : i32
      %add3A_47 = vector.broadcast %add3A_46 : i32 to vector<16xi32>
      %add3A_48 = arith.addi %add3A_47, %iota3A : vector<16xi32>
      %reduce_sum3A = arith.constant true
      %reduce_sum3A_49 = vector.broadcast %reduce_sum3A : i1 to vector<16xi1>
      %reduce_sum3A_50 = tpu.scan <sum>, %get3A_34 masked %reduce_sum3A_49 : vector<16xi32>, vector<16xi1> -> vector<16xi32>
      %reduce_sum3A_51 = vector.extract %reduce_sum3A_50[15] : i32 from vector<16xi32>
      %gt3A = arith.constant 0 : i32
      %gt3A_52 = arith.cmpi sgt, %reduce_sum3A_51, %gt3A : i32
      %convert_element_type3A = arith.extui %gt3A_52 : i1 to i32
      %cond3A = arith.constant 0 : i32
      %cond3A_53 = arith.cmpi ne, %convert_element_type3A, %cond3A : i32
      scf.if %cond3A_53 {
        %eq3A = arith.constant 1 : i32
        %eq3A_70 = vector.broadcast %eq3A : i32 to vector<16xi32>
        %eq3A_71 = arith.cmpi eq, %get3A_34, %eq3A_70 : vector<16xi32>
        %jit3A_72 = arith.constant 1073741824 : i32
        %broadcast_in_dim3A_73 = vector.broadcast %jit3A_72 : i32 to vector<16xi32>
        %select_n3A_74 = arith.select %eq3A_71, %add3A_48, %broadcast_in_dim3A_73 : vector<16xi1>, vector<16xi32>
        %reduce_min3A_75 = arith.constant true
        %reduce_min3A_76 = vector.broadcast %reduce_min3A_75 : i1 to vector<16xi1>
        %reduce_min3A_77 = arith.constant -2147483648 : i32
        %reduce_min3A_78 = vector.broadcast %reduce_min3A_77 : i32 to vector<16xi32>
        %reduce_min3A_79 = arith.xori %select_n3A_74, %reduce_min3A_78 : vector<16xi32>
        %reduce_min3A_80 = tpu.scan <min>, %reduce_min3A_79 masked %reduce_min3A_76 : vector<16xi32>, vector<16xi1> -> vector<16xi32>
        %reduce_min3A_81 = arith.xori %reduce_min3A_80, %reduce_min3A_78 : vector<16xi32>
        %reduce_min3A_82 = vector.extract %reduce_min3A_81[15] : i32 from vector<16xi32>
        %eq3A_83 = arith.constant 1 : i32
        %eq3A_84 = vector.broadcast %eq3A_83 : i32 to vector<16xi32>
        %eq3A_85 = arith.cmpi eq, %get3A_34, %eq3A_84 : vector<16xi32>
        %broadcast_in_dim3A_86 = vector.broadcast %reduce_min3A_82 : i32 to vector<16xi32>
        %select_n3A_87 = arith.select %eq3A_85, %add3A_48, %broadcast_in_dim3A_86 : vector<16xi1>, vector<16xi32>
        %dma_start3A = arith.constant 0 : i32
        %dma_start3A_88 = arith.constant 0 : i32
        %dma_start3A_89 = tpu.memref_slice %arg7[%dma_start3A, %dma_start3A_88] : memref<131072x256xf32, #tpu.memory_space<hbm>> -> memref<131072x256xf32, #tpu.memory_space<hbm>>
        tpu.enqueue_indirect_dma source(%arg13 : memref<16x256xf32, #tpu.memory_space<vmem>>) target(%dma_start3A_89 : memref<131072x256xf32, #tpu.memory_space<hbm>>) offsets(%select_n3A_87 : vector<16xi32>) semaphore(%arg15 : memref<!tpu.dma_semaphore, #tpu.memory_space<semaphore_mem>>)
        %dma_wait3A = arith.constant 0 : i32
        %dma_wait3A_90 = arith.constant 0 : i32
        %dma_wait3A_91 = tpu.memref_slice %arg7[%dma_wait3A, %dma_wait3A_90] : memref<131072x256xf32, #tpu.memory_space<hbm>> -> memref<131072x256xf32, #tpu.memory_space<hbm>>
        tpu.wait_indirect_dma semaphore(%arg15 : memref<!tpu.dma_semaphore, #tpu.memory_space<semaphore_mem>>) src(%arg13 : memref<16x256xf32, #tpu.memory_space<vmem>>) dst(%dma_wait3A_91 : memref<131072x256xf32, #tpu.memory_space<hbm>>)
      } else {
      }
      %lt3A = vector.broadcast %reduce_min3A_22 : i32 to vector<16xi32>
      %lt3A_54 = arith.cmpi slt, %sub3A_43, %lt3A : vector<16xi32>
      %jit3A = arith.constant 0 : i32
      %broadcast_in_dim3A_55 = vector.broadcast %jit3A : i32 to vector<16xi32>
      %select_n3A = arith.select %lt3A_54, %sub3A_38, %broadcast_in_dim3A_55 : vector<16xi1>, vector<16xi32>
      %reduce_sum3A_56 = arith.constant true
      %reduce_sum3A_57 = vector.broadcast %reduce_sum3A_56 : i1 to vector<16xi1>
      %reduce_sum3A_58 = tpu.scan <sum>, %select_n3A masked %reduce_sum3A_57 : vector<16xi32>, vector<16xi1> -> vector<16xi32>
      %reduce_sum3A_59 = vector.extract %reduce_sum3A_58[15] : i32 from vector<16xi32>
      %gt3A_60 = arith.constant 0 : i32
      %gt3A_61 = arith.cmpi sgt, %reduce_sum3A_59, %gt3A_60 : i32
      %convert_element_type3A_62 = arith.extui %gt3A_61 : i1 to i32
      %cond3A_63 = arith.constant 0 : i32
      %cond3A_64 = arith.cmpi ne, %convert_element_type3A_62, %cond3A_63 : i32
      scf.if %cond3A_64 {
        %eq3A = arith.constant 1 : i32
        %eq3A_70 = vector.broadcast %eq3A : i32 to vector<16xi32>
        %eq3A_71 = arith.cmpi eq, %select_n3A, %eq3A_70 : vector<16xi32>
        %jit3A_72 = arith.constant 1073741824 : i32
        %broadcast_in_dim3A_73 = vector.broadcast %jit3A_72 : i32 to vector<16xi32>
        %select_n3A_74 = arith.select %eq3A_71, %sub3A_43, %broadcast_in_dim3A_73 : vector<16xi1>, vector<16xi32>
        %reduce_min3A_75 = arith.constant true
        %reduce_min3A_76 = vector.broadcast %reduce_min3A_75 : i1 to vector<16xi1>
        %reduce_min3A_77 = arith.constant -2147483648 : i32
        %reduce_min3A_78 = vector.broadcast %reduce_min3A_77 : i32 to vector<16xi32>
        %reduce_min3A_79 = arith.xori %select_n3A_74, %reduce_min3A_78 : vector<16xi32>
        %reduce_min3A_80 = tpu.scan <min>, %reduce_min3A_79 masked %reduce_min3A_76 : vector<16xi32>, vector<16xi1> -> vector<16xi32>
        %reduce_min3A_81 = arith.xori %reduce_min3A_80, %reduce_min3A_78 : vector<16xi32>
        %reduce_min3A_82 = vector.extract %reduce_min3A_81[15] : i32 from vector<16xi32>
        %eq3A_83 = arith.constant 1 : i32
        %eq3A_84 = vector.broadcast %eq3A_83 : i32 to vector<16xi32>
        %eq3A_85 = arith.cmpi eq, %select_n3A, %eq3A_84 : vector<16xi32>
        %jit3A_86 = arith.constant 1073741824 : i32
        %broadcast_in_dim3A_87 = vector.broadcast %jit3A_86 : i32 to vector<16xi32>
        %select_n3A_88 = arith.select %eq3A_85, %add3A_48, %broadcast_in_dim3A_87 : vector<16xi1>, vector<16xi32>
        %reduce_min3A_89 = arith.constant true
        %reduce_min3A_90 = vector.broadcast %reduce_min3A_89 : i1 to vector<16xi1>
        %reduce_min3A_91 = arith.constant -2147483648 : i32
        %reduce_min3A_92 = vector.broadcast %reduce_min3A_91 : i32 to vector<16xi32>
        %reduce_min3A_93 = arith.xori %select_n3A_88, %reduce_min3A_92 : vector<16xi32>
        %reduce_min3A_94 = tpu.scan <min>, %reduce_min3A_93 masked %reduce_min3A_90 : vector<16xi32>, vector<16xi1> -> vector<16xi32>
        %reduce_min3A_95 = arith.xori %reduce_min3A_94, %reduce_min3A_92 : vector<16xi32>
        %reduce_min3A_96 = vector.extract %reduce_min3A_95[15] : i32 from vector<16xi32>
        %eq3A_97 = arith.constant 1 : i32
        %eq3A_98 = vector.broadcast %eq3A_97 : i32 to vector<16xi32>
        %eq3A_99 = arith.cmpi eq, %select_n3A, %eq3A_98 : vector<16xi32>
        %broadcast_in_dim3A_100 = vector.broadcast %reduce_min3A_82 : i32 to vector<16xi32>
        %select_n3A_101 = arith.select %eq3A_99, %sub3A_43, %broadcast_in_dim3A_100 : vector<16xi1>, vector<16xi32>
        %eq3A_102 = arith.constant 1 : i32
        %eq3A_103 = vector.broadcast %eq3A_102 : i32 to vector<16xi32>
        %eq3A_104 = arith.cmpi eq, %select_n3A, %eq3A_103 : vector<16xi32>
        %broadcast_in_dim3A_105 = vector.broadcast %reduce_min3A_96 : i32 to vector<16xi32>
        %select_n3A_106 = arith.select %eq3A_104, %add3A_48, %broadcast_in_dim3A_105 : vector<16xi1>, vector<16xi32>
        %dma_start3A = arith.constant 0 : i32
        %dma_start3A_107 = arith.constant 0 : i32
        %dma_start3A_108 = tpu.memref_slice %arg6[%dma_start3A, %dma_start3A_107] : memref<1024x256xf32, #tpu.memory_space<hbm>> -> memref<1024x256xf32, #tpu.memory_space<hbm>>
        tpu.enqueue_indirect_dma source(%dma_start3A_108 : memref<1024x256xf32, #tpu.memory_space<hbm>>) target(%arg14 : memref<16x256xf32, #tpu.memory_space<vmem>>) offsets(%select_n3A_101 : vector<16xi32>) semaphore(%arg15 : memref<!tpu.dma_semaphore, #tpu.memory_space<semaphore_mem>>)
        %dma_wait3A = arith.constant 0 : i32
        %dma_wait3A_109 = arith.constant 0 : i32
        %dma_wait3A_110 = tpu.memref_slice %arg6[%dma_wait3A, %dma_wait3A_109] : memref<1024x256xf32, #tpu.memory_space<hbm>> -> memref<1024x256xf32, #tpu.memory_space<hbm>>
        tpu.wait_indirect_dma semaphore(%arg15 : memref<!tpu.dma_semaphore, #tpu.memory_space<semaphore_mem>>) src(%dma_wait3A_110 : memref<1024x256xf32, #tpu.memory_space<hbm>>) dst(%arg14 : memref<16x256xf32, #tpu.memory_space<vmem>>)
        %dma_start3A_111 = arith.constant 0 : i32
        %dma_start3A_112 = arith.constant 0 : i32
        %dma_start3A_113 = tpu.memref_slice %arg7[%dma_start3A_111, %dma_start3A_112] : memref<131072x256xf32, #tpu.memory_space<hbm>> -> memref<131072x256xf32, #tpu.memory_space<hbm>>
        tpu.enqueue_indirect_dma source(%arg14 : memref<16x256xf32, #tpu.memory_space<vmem>>) target(%dma_start3A_113 : memref<131072x256xf32, #tpu.memory_space<hbm>>) offsets(%select_n3A_106 : vector<16xi32>) semaphore(%arg15 : memref<!tpu.dma_semaphore, #tpu.memory_space<semaphore_mem>>)
        %dma_wait3A_114 = arith.constant 0 : i32
        %dma_wait3A_115 = arith.constant 0 : i32
        %dma_wait3A_116 = tpu.memref_slice %arg7[%dma_wait3A_114, %dma_wait3A_115] : memref<131072x256xf32, #tpu.memory_space<hbm>> -> memref<131072x256xf32, #tpu.memory_space<hbm>>
        tpu.wait_indirect_dma semaphore(%arg15 : memref<!tpu.dma_semaphore, #tpu.memory_space<semaphore_mem>>) src(%arg14 : memref<16x256xf32, #tpu.memory_space<vmem>>) dst(%dma_wait3A_116 : memref<131072x256xf32, #tpu.memory_space<hbm>>)
      } else {
      }
      %reduce_sum3A_65 = arith.constant true
      %reduce_sum3A_66 = vector.broadcast %reduce_sum3A_65 : i1 to vector<16xi1>
      %reduce_sum3A_67 = tpu.scan <sum>, %sub3A_38 masked %reduce_sum3A_66 : vector<16xi32>, vector<16xi1> -> vector<16xi32>
      %reduce_sum3A_68 = vector.extract %reduce_sum3A_67[15] : i32 from vector<16xi32>
      %add3A_69 = arith.addi %scan3A_30, %reduce_sum3A_68 : i32
      scf.yield %add3A_69 : i32
    }
    %scan3A_28 = arith.constant 256 : i32
    return
  }
}

#map = affine_map<(d0, d1) -> (0)>
#map1 = affine_map<(d0, d1) -> (0, 0)>
module attributes {stable_mosaic.version = 14 : i64} {
  func.func @new_body(%arg0: i32, %arg1: i32, %arg2: memref<131072xi32, #tpu.memory_space<hbm>>, %arg3: memref<131072xi32, #tpu.memory_space<hbm>>, %arg4: memref<131072xi32, #tpu.memory_space<hbm>>, %arg5: memref<131072xf32, #tpu.memory_space<hbm>>, %arg6: memref<16xf32, #tpu.memory_space<hbm>>, %arg7: memref<4194304xf32, #tpu.memory_space<hbm>>, %arg8: memref<4194304xi32, #tpu.memory_space<hbm>>, %arg9: memref<131072xi32, #tpu.memory_space<hbm>>, %arg10: memref<131072xi32, #tpu.memory_space<hbm>>, %arg11: memref<32x2048xi32, #tpu.memory_space<hbm>>, %arg12: memref<32x2048xi32, #tpu.memory_space<hbm>>, %arg13: memref<32x16xi32, #tpu.memory_space<hbm>>, %arg14: memref<4194304xi32, #tpu.memory_space<hbm>>, %arg15: memref<4096xi32, #tpu.memory_space<vmem>>, %arg16: memref<4096xi32, #tpu.memory_space<vmem>>, %arg17: memref<4096xi32, #tpu.memory_space<vmem>>, %arg18: memref<4096xf32, #tpu.memory_space<vmem>>, %arg19: memref<32x128xi32, #tpu.memory_space<vmem>>, %arg20: memref<32x128xf32, #tpu.memory_space<vmem>>, %arg21: memref<32x128xi32, #tpu.memory_space<vmem>>, %arg22: memref<4096xi32, #tpu.memory_space<vmem>>, %arg23: memref<4096xi32, #tpu.memory_space<vmem>>, %arg24: memref<2048xi32, #tpu.memory_space<vmem>>, %arg25: memref<2048xi32, #tpu.memory_space<vmem>>, %arg26: memref<128xi32, #tpu.memory_space<vmem>>, %arg27: memref<16xi32, #tpu.memory_space<vmem>>, %arg28: memref<16xf32, #tpu.memory_space<vmem>>, %arg29: memref<!tpu.dma_semaphore, #tpu.memory_space<semaphore_mem>>, %arg30: memref<!tpu.dma_semaphore, #tpu.memory_space<semaphore_mem>>) attributes {dimension_semantics = [#tpu.dimension_semantics<core_parallel>, #tpu.dimension_semantics<subcore_parallel>], iteration_bounds = array<i64: 2, 16>, scalar_prefetch = 0 : i64, scratch_operands = 16 : i64, tpu.core_type = #tpu.core_type<sc_vector_subcore>, window_params = [{transform_indices = #map}, {transform_indices = #map}, {transform_indices = #map}, {transform_indices = #map}, {transform_indices = #map}, {transform_indices = #map}, {transform_indices = #map}, {transform_indices = #map}, {transform_indices = #map}, {transform_indices = #map1}, {transform_indices = #map1}, {transform_indices = #map1}, {transform_indices = #map}]} {
    %mul3A = arith.constant 2 : i32
    %mul3A_0 = arith.muli %arg1, %mul3A : i32
    %add3A = arith.addi %mul3A_0, %arg0 : i32
    %mul3A_1 = arith.constant 4096 : i32
    %mul3A_2 = arith.muli %add3A, %mul3A_1 : i32
    "tpu.region"() ({
      %run_scoped3A = tpu.sem_alloc : memref<!tpu.dma_semaphore, #tpu.memory_space<semaphore_mem>>
      %dma_start3A = tpu.memref_slice %arg2[%mul3A_2] : memref<131072xi32, #tpu.memory_space<hbm>> -> memref<4096xi32, #tpu.memory_space<hbm>>
      %dma_start3A_44 = tpu.memref_slice %arg2[%mul3A_2] : memref<131072xi32, #tpu.memory_space<hbm>> -> memref<4096xi32, #tpu.memory_space<hbm>>
      tpu.enqueue_dma source(%dma_start3A_44 : memref<4096xi32, #tpu.memory_space<hbm>>) target(%arg15 : memref<4096xi32, #tpu.memory_space<vmem>>) target_semaphore(%run_scoped3A : memref<!tpu.dma_semaphore, #tpu.memory_space<semaphore_mem>>)
      %dma_wait3A = tpu.memref_slice %arg2[%mul3A_2] : memref<131072xi32, #tpu.memory_space<hbm>> -> memref<4096xi32, #tpu.memory_space<hbm>>
      %dma_wait3A_45 = tpu.memref_slice %arg2[%mul3A_2] : memref<131072xi32, #tpu.memory_space<hbm>> -> memref<4096xi32, #tpu.memory_space<hbm>>
      tpu.wait_dma2 semaphore(%run_scoped3A : memref<!tpu.dma_semaphore, #tpu.memory_space<semaphore_mem>>) src(%dma_wait3A_45 : memref<4096xi32, #tpu.memory_space<hbm>>) dst(%arg15 : memref<4096xi32, #tpu.memory_space<vmem>>)
      tpu.yield
    }) : () -> ()
    "tpu.region"() ({
      %run_scoped3A = tpu.sem_alloc : memref<!tpu.dma_semaphore, #tpu.memory_space<semaphore_mem>>
      %dma_start3A = tpu.memref_slice %arg3[%mul3A_2] : memref<131072xi32, #tpu.memory_space<hbm>> -> memref<4096xi32, #tpu.memory_space<hbm>>
      %dma_start3A_44 = tpu.memref_slice %arg3[%mul3A_2] : memref<131072xi32, #tpu.memory_space<hbm>> -> memref<4096xi32, #tpu.memory_space<hbm>>
      tpu.enqueue_dma source(%dma_start3A_44 : memref<4096xi32, #tpu.memory_space<hbm>>) target(%arg16 : memref<4096xi32, #tpu.memory_space<vmem>>) target_semaphore(%run_scoped3A : memref<!tpu.dma_semaphore, #tpu.memory_space<semaphore_mem>>)
      %dma_wait3A = tpu.memref_slice %arg3[%mul3A_2] : memref<131072xi32, #tpu.memory_space<hbm>> -> memref<4096xi32, #tpu.memory_space<hbm>>
      %dma_wait3A_45 = tpu.memref_slice %arg3[%mul3A_2] : memref<131072xi32, #tpu.memory_space<hbm>> -> memref<4096xi32, #tpu.memory_space<hbm>>
      tpu.wait_dma2 semaphore(%run_scoped3A : memref<!tpu.dma_semaphore, #tpu.memory_space<semaphore_mem>>) src(%dma_wait3A_45 : memref<4096xi32, #tpu.memory_space<hbm>>) dst(%arg16 : memref<4096xi32, #tpu.memory_space<vmem>>)
      tpu.yield
    }) : () -> ()
    "tpu.region"() ({
      %run_scoped3A = tpu.sem_alloc : memref<!tpu.dma_semaphore, #tpu.memory_space<semaphore_mem>>
      %dma_start3A = tpu.memref_slice %arg4[%mul3A_2] : memref<131072xi32, #tpu.memory_space<hbm>> -> memref<4096xi32, #tpu.memory_space<hbm>>
      %dma_start3A_44 = tpu.memref_slice %arg4[%mul3A_2] : memref<131072xi32, #tpu.memory_space<hbm>> -> memref<4096xi32, #tpu.memory_space<hbm>>
      tpu.enqueue_dma source(%dma_start3A_44 : memref<4096xi32, #tpu.memory_space<hbm>>) target(%arg17 : memref<4096xi32, #tpu.memory_space<vmem>>) target_semaphore(%run_scoped3A : memref<!tpu.dma_semaphore, #tpu.memory_space<semaphore_mem>>)
      %dma_wait3A = tpu.memref_slice %arg4[%mul3A_2] : memref<131072xi32, #tpu.memory_space<hbm>> -> memref<4096xi32, #tpu.memory_space<hbm>>
      %dma_wait3A_45 = tpu.memref_slice %arg4[%mul3A_2] : memref<131072xi32, #tpu.memory_space<hbm>> -> memref<4096xi32, #tpu.memory_space<hbm>>
      tpu.wait_dma2 semaphore(%run_scoped3A : memref<!tpu.dma_semaphore, #tpu.memory_space<semaphore_mem>>) src(%dma_wait3A_45 : memref<4096xi32, #tpu.memory_space<hbm>>) dst(%arg17 : memref<4096xi32, #tpu.memory_space<vmem>>)
      tpu.yield
    }) : () -> ()
    "tpu.region"() ({
      %run_scoped3A = tpu.sem_alloc : memref<!tpu.dma_semaphore, #tpu.memory_space<semaphore_mem>>
      %dma_start3A = tpu.memref_slice %arg5[%mul3A_2] : memref<131072xf32, #tpu.memory_space<hbm>> -> memref<4096xf32, #tpu.memory_space<hbm>>
      %dma_start3A_44 = tpu.memref_slice %arg5[%mul3A_2] : memref<131072xf32, #tpu.memory_space<hbm>> -> memref<4096xf32, #tpu.memory_space<hbm>>
      tpu.enqueue_dma source(%dma_start3A_44 : memref<4096xf32, #tpu.memory_space<hbm>>) target(%arg18 : memref<4096xf32, #tpu.memory_space<vmem>>) target_semaphore(%run_scoped3A : memref<!tpu.dma_semaphore, #tpu.memory_space<semaphore_mem>>)
      %dma_wait3A = tpu.memref_slice %arg5[%mul3A_2] : memref<131072xf32, #tpu.memory_space<hbm>> -> memref<4096xf32, #tpu.memory_space<hbm>>
      %dma_wait3A_45 = tpu.memref_slice %arg5[%mul3A_2] : memref<131072xf32, #tpu.memory_space<hbm>> -> memref<4096xf32, #tpu.memory_space<hbm>>
      tpu.wait_dma2 semaphore(%run_scoped3A : memref<!tpu.dma_semaphore, #tpu.memory_space<semaphore_mem>>) src(%dma_wait3A_45 : memref<4096xf32, #tpu.memory_space<hbm>>) dst(%arg18 : memref<4096xf32, #tpu.memory_space<vmem>>)
      tpu.yield
    }) : () -> ()
    "tpu.region"() ({
      %run_scoped3A = tpu.sem_alloc : memref<!tpu.dma_semaphore, #tpu.memory_space<semaphore_mem>>
      tpu.enqueue_dma source(%arg6 : memref<16xf32, #tpu.memory_space<hbm>>) target(%arg28 : memref<16xf32, #tpu.memory_space<vmem>>) target_semaphore(%run_scoped3A : memref<!tpu.dma_semaphore, #tpu.memory_space<semaphore_mem>>)
      tpu.wait_dma2 semaphore(%run_scoped3A : memref<!tpu.dma_semaphore, #tpu.memory_space<semaphore_mem>>) src(%arg6 : memref<16xf32, #tpu.memory_space<hbm>>) dst(%arg28 : memref<16xf32, #tpu.memory_space<vmem>>)
      tpu.yield
    }) : () -> ()
    %get3A = arith.constant 0 : index
    %get3A_3 = tpu.vector_load %arg28[%get3A] {strides = array<i32>} : memref<16xf32, #tpu.memory_space<vmem>>, vector<16xf32>,
    %broadcast_in_dim3A = arith.constant 0 : i32
    %broadcast_in_dim3A_4 = vector.broadcast %broadcast_in_dim3A : i32 to vector<16xi32>
    %scan3A = arith.constant 0 : i32
    %scan3A_5 = arith.constant 128 : i32
    %scan3A_6 = arith.addi %scan3A, %scan3A_5 : i32
    %scan3A_7 = arith.constant 1 : i32
    scf.for %scan3A_44 = %scan3A to %scan3A_6 step %scan3A_7  : i32 {
      %mul3A_45 = arith.constant 1 : i32
      %mul3A_46 = arith.muli %scan3A_44, %mul3A_45 : i32
      %add3A_47 = arith.constant 0 : i32
      %add3A_48 = arith.addi %add3A_47, %mul3A_46 : i32
      %mul3A_49 = arith.constant 16 : i32
      %mul3A_50 = arith.muli %add3A_48, %mul3A_49 : i32
      %swap3A_51 = arith.index_cast %mul3A_50 : i32 to index
      %swap3A_52 = tpu.vector_load %arg24[%swap3A_51] {strides = array<i32>} : memref<2048xi32, #tpu.memory_space<vmem>>, vector<16xi32>,
      tpu.vector_store %arg24[%swap3A_51], %broadcast_in_dim3A_4 {strides = array<i32>} : memref<2048xi32, #tpu.memory_space<vmem>>, vector<16xi32>,
      %mul3A_53 = arith.constant 16 : i32
      %mul3A_54 = arith.muli %add3A_48, %mul3A_53 : i32
      %swap3A_55 = arith.index_cast %mul3A_54 : i32 to index
      %swap3A_56 = tpu.vector_load %arg25[%swap3A_55] {strides = array<i32>} : memref<2048xi32, #tpu.memory_space<vmem>>, vector<16xi32>,
      tpu.vector_store %arg25[%swap3A_55], %broadcast_in_dim3A_4 {strides = array<i32>} : memref<2048xi32, #tpu.memory_space<vmem>>, vector<16xi32>,
    }
    %scan3A_8 = arith.constant 128 : i32
    %scan3A_9 = arith.constant 0 : i32
    %scan3A_10 = arith.constant 8 : i32
    %scan3A_11 = arith.addi %scan3A_9, %scan3A_10 : i32
    %scan3A_12 = arith.constant 1 : i32
    scf.for %scan3A_44 = %scan3A_9 to %scan3A_11 step %scan3A_12  : i32 {
      %mul3A_45 = arith.constant 1 : i32
      %mul3A_46 = arith.muli %scan3A_44, %mul3A_45 : i32
      %add3A_47 = arith.constant 0 : i32
      %add3A_48 = arith.addi %add3A_47, %mul3A_46 : i32
      %add3A_49 = arith.constant 1 : i32
      %add3A_50 = vector.broadcast %add3A_49 : i32 to vector<16xi32>
      %add3A_51 = arith.addi %broadcast_in_dim3A_4, %add3A_50 : vector<16xi32>
      %mul3A_52 = arith.constant 16 : i32
      %mul3A_53 = arith.muli %add3A_48, %mul3A_52 : i32
      %swap3A_54 = arith.index_cast %mul3A_53 : i32 to index
      %swap3A_55 = tpu.vector_load %arg26[%swap3A_54] {strides = array<i32>} : memref<128xi32, #tpu.memory_space<vmem>>, vector<16xi32>,
      tpu.vector_store %arg26[%swap3A_54], %add3A_51 {strides = array<i32>} : memref<128xi32, #tpu.memory_space<vmem>>, vector<16xi32>,
    }
    %scan3A_13 = arith.constant 8 : i32
    %scan3A_14 = arith.constant 0 : i32
    %scan3A_15 = arith.constant 32 : i32
    %scan3A_16 = arith.addi %scan3A_14, %scan3A_15 : i32
    %scan3A_17 = arith.constant 1 : i32
    scf.for %scan3A_44 = %scan3A_14 to %scan3A_16 step %scan3A_17  : i32 {
      %mul3A_45 = arith.constant 1 : i32
      %mul3A_46 = arith.muli %scan3A_44, %mul3A_45 : i32
      %add3A_47 = arith.constant 0 : i32
      %add3A_48 = arith.addi %add3A_47, %mul3A_46 : i32
      %mul3A_49 = arith.constant 8 : i32
      %mul3A_50 = arith.muli %add3A_48, %mul3A_49 : i32
      %add3A_51 = arith.constant 0 : i32
      %add3A_52 = arith.addi %mul3A_50, %add3A_51 : i32
      %mul3A_53 = arith.constant 16 : i32
      %mul3A_54 = arith.muli %add3A_52, %mul3A_53 : i32
      %get3A_55 = arith.index_cast %mul3A_54 : i32 to index
      %get3A_56 = tpu.vector_load %arg15[%get3A_55] {strides = array<i32>} : memref<4096xi32, #tpu.memory_space<vmem>>, vector<16xi32>,
      %mul3A_57 = arith.constant 2048 : i32
      %mul3A_58 = vector.broadcast %mul3A_57 : i32 to vector<16xi32>
      %mul3A_59 = arith.muli %get3A_56, %mul3A_58 : vector<16xi32>
      %get3A_60 = arith.index_cast %mul3A_54 : i32 to index
      %get3A_61 = tpu.vector_load %arg16[%get3A_60] {strides = array<i32>} : memref<4096xi32, #tpu.memory_space<vmem>>, vector<16xi32>,
      %add3A_62 = arith.addi %mul3A_59, %get3A_61 : vector<16xi32>
      %swap3A_63 = arith.index_cast %add3A_48 : i32 to index
      %swap3A_64 = arith.constant 0 : index
      %swap3A_65 = tpu.vector_load %arg19[%swap3A_63, %swap3A_64] {strides = array<i32>} : memref<32x128xi32, #tpu.memory_space<vmem>>, vector<16xi32>,
      tpu.vector_store %arg19[%swap3A_63, %swap3A_64], %add3A_62 {strides = array<i32>} : memref<32x128xi32, #tpu.memory_space<vmem>>, vector<16xi32>,
      %mul3A_66 = arith.constant 8 : i32
      %mul3A_67 = arith.muli %add3A_48, %mul3A_66 : i32
      %add3A_68 = arith.constant 1 : i32
      %add3A_69 = arith.addi %mul3A_67, %add3A_68 : i32
      %mul3A_70 = arith.constant 16 : i32
      %mul3A_71 = arith.muli %add3A_69, %mul3A_70 : i32
      %get3A_72 = arith.index_cast %mul3A_71 : i32 to index
      %get3A_73 = tpu.vector_load %arg15[%get3A_72] {strides = array<i32>} : memref<4096xi32, #tpu.memory_space<vmem>>, vector<16xi32>,
      %mul3A_74 = arith.constant 2048 : i32
      %mul3A_75 = vector.broadcast %mul3A_74 : i32 to vector<16xi32>
      %mul3A_76 = arith.muli %get3A_73, %mul3A_75 : vector<16xi32>
      %get3A_77 = arith.index_cast %mul3A_71 : i32 to index
      %get3A_78 = tpu.vector_load %arg16[%get3A_77] {strides = array<i32>} : memref<4096xi32, #tpu.memory_space<vmem>>, vector<16xi32>,
      %add3A_79 = arith.addi %mul3A_76, %get3A_78 : vector<16xi32>
      %swap3A_80 = arith.index_cast %add3A_48 : i32 to index
      %swap3A_81 = arith.constant 16 : index
      %swap3A_82 = tpu.vector_load %arg19[%swap3A_80, %swap3A_81] {strides = array<i32>} : memref<32x128xi32, #tpu.memory_space<vmem>>, vector<16xi32>,
      tpu.vector_store %arg19[%swap3A_80, %swap3A_81], %add3A_79 {strides = array<i32>} : memref<32x128xi32, #tpu.memory_space<vmem>>, vector<16xi32>,
      %mul3A_83 = arith.constant 8 : i32
      %mul3A_84 = arith.muli %add3A_48, %mul3A_83 : i32
      %add3A_85 = arith.constant 2 : i32
      %add3A_86 = arith.addi %mul3A_84, %add3A_85 : i32
      %mul3A_87 = arith.constant 16 : i32
      %mul3A_88 = arith.muli %add3A_86, %mul3A_87 : i32
      %get3A_89 = arith.index_cast %mul3A_88 : i32 to index
      %get3A_90 = tpu.vector_load %arg15[%get3A_89] {strides = array<i32>} : memref<4096xi32, #tpu.memory_space<vmem>>, vector<16xi32>,
      %mul3A_91 = arith.constant 2048 : i32
      %mul3A_92 = vector.broadcast %mul3A_91 : i32 to vector<16xi32>
      %mul3A_93 = arith.muli %get3A_90, %mul3A_92 : vector<16xi32>
      %get3A_94 = arith.index_cast %mul3A_88 : i32 to index
      %get3A_95 = tpu.vector_load %arg16[%get3A_94] {strides = array<i32>} : memref<4096xi32, #tpu.memory_space<vmem>>, vector<16xi32>,
      %add3A_96 = arith.addi %mul3A_93, %get3A_95 : vector<16xi32>
      %swap3A_97 = arith.index_cast %add3A_48 : i32 to index
      %swap3A_98 = arith.constant 32 : index
      %swap3A_99 = tpu.vector_load %arg19[%swap3A_97, %swap3A_98] {strides = array<i32>} : memref<32x128xi32, #tpu.memory_space<vmem>>, vector<16xi32>,
      tpu.vector_store %arg19[%swap3A_97, %swap3A_98], %add3A_96 {strides = array<i32>} : memref<32x128xi32, #tpu.memory_space<vmem>>, vector<16xi32>,
      %mul3A_100 = arith.constant 8 : i32
      %mul3A_101 = arith.muli %add3A_48, %mul3A_100 : i32
      %add3A_102 = arith.constant 3 : i32
      %add3A_103 = arith.addi %mul3A_101, %add3A_102 : i32
      %mul3A_104 = arith.constant 16 : i32
      %mul3A_105 = arith.muli %add3A_103, %mul3A_104 : i32
      %get3A_106 = arith.index_cast %mul3A_105 : i32 to index
      %get3A_107 = tpu.vector_load %arg15[%get3A_106] {strides = array<i32>} : memref<4096xi32, #tpu.memory_space<vmem>>, vector<16xi32>,
      %mul3A_108 = arith.constant 2048 : i32
      %mul3A_109 = vector.broadcast %mul3A_108 : i32 to vector<16xi32>
      %mul3A_110 = arith.muli %get3A_107, %mul3A_109 : vector<16xi32>
      %get3A_111 = arith.index_cast %mul3A_105 : i32 to index
      %get3A_112 = tpu.vector_load %arg16[%get3A_111] {strides = array<i32>} : memref<4096xi32, #tpu.memory_space<vmem>>, vector<16xi32>,
      %add3A_113 = arith.addi %mul3A_110, %get3A_112 : vector<16xi32>
      %swap3A_114 = arith.index_cast %add3A_48 : i32 to index
      %swap3A_115 = arith.constant 48 : index
      %swap3A_116 = tpu.vector_load %arg19[%swap3A_114, %swap3A_115] {strides = array<i32>} : memref<32x128xi32, #tpu.memory_space<vmem>>, vector<16xi32>,
      tpu.vector_store %arg19[%swap3A_114, %swap3A_115], %add3A_113 {strides = array<i32>} : memref<32x128xi32, #tpu.memory_space<vmem>>, vector<16xi32>,
      %mul3A_117 = arith.constant 8 : i32
      %mul3A_118 = arith.muli %add3A_48, %mul3A_117 : i32
      %add3A_119 = arith.constant 4 : i32
      %add3A_120 = arith.addi %mul3A_118, %add3A_119 : i32
      %mul3A_121 = arith.constant 16 : i32
      %mul3A_122 = arith.muli %add3A_120, %mul3A_121 : i32
      %get3A_123 = arith.index_cast %mul3A_122 : i32 to index
      %get3A_124 = tpu.vector_load %arg15[%get3A_123] {strides = array<i32>} : memref<4096xi32, #tpu.memory_space<vmem>>, vector<16xi32>,
      %mul3A_125 = arith.constant 2048 : i32
      %mul3A_126 = vector.broadcast %mul3A_125 : i32 to vector<16xi32>
      %mul3A_127 = arith.muli %get3A_124, %mul3A_126 : vector<16xi32>
      %get3A_128 = arith.index_cast %mul3A_122 : i32 to index
      %get3A_129 = tpu.vector_load %arg16[%get3A_128] {strides = array<i32>} : memref<4096xi32, #tpu.memory_space<vmem>>, vector<16xi32>,
      %add3A_130 = arith.addi %mul3A_127, %get3A_129 : vector<16xi32>
      %swap3A_131 = arith.index_cast %add3A_48 : i32 to index
      %swap3A_132 = arith.constant 64 : index
      %swap3A_133 = tpu.vector_load %arg19[%swap3A_131, %swap3A_132] {strides = array<i32>} : memref<32x128xi32, #tpu.memory_space<vmem>>, vector<16xi32>,
      tpu.vector_store %arg19[%swap3A_131, %swap3A_132], %add3A_130 {strides = array<i32>} : memref<32x128xi32, #tpu.memory_space<vmem>>, vector<16xi32>,
      %mul3A_134 = arith.constant 8 : i32
      %mul3A_135 = arith.muli %add3A_48, %mul3A_134 : i32
      %add3A_136 = arith.constant 5 : i32
      %add3A_137 = arith.addi %mul3A_135, %add3A_136 : i32
      %mul3A_138 = arith.constant 16 : i32
      %mul3A_139 = arith.muli %add3A_137, %mul3A_138 : i32
      %get3A_140 = arith.index_cast %mul3A_139 : i32 to index
      %get3A_141 = tpu.vector_load %arg15[%get3A_140] {strides = array<i32>} : memref<4096xi32, #tpu.memory_space<vmem>>, vector<16xi32>,
      %mul3A_142 = arith.constant 2048 : i32
      %mul3A_143 = vector.broadcast %mul3A_142 : i32 to vector<16xi32>
      %mul3A_144 = arith.muli %get3A_141, %mul3A_143 : vector<16xi32>
      %get3A_145 = arith.index_cast %mul3A_139 : i32 to index
      %get3A_146 = tpu.vector_load %arg16[%get3A_145] {strides = array<i32>} : memref<4096xi32, #tpu.memory_space<vmem>>, vector<16xi32>,
      %add3A_147 = arith.addi %mul3A_144, %get3A_146 : vector<16xi32>
      %swap3A_148 = arith.index_cast %add3A_48 : i32 to index
      %swap3A_149 = arith.constant 80 : index
      %swap3A_150 = tpu.vector_load %arg19[%swap3A_148, %swap3A_149] {strides = array<i32>} : memref<32x128xi32, #tpu.memory_space<vmem>>, vector<16xi32>,
      tpu.vector_store %arg19[%swap3A_148, %swap3A_149], %add3A_147 {strides = array<i32>} : memref<32x128xi32, #tpu.memory_space<vmem>>, vector<16xi32>,
      %mul3A_151 = arith.constant 8 : i32
      %mul3A_152 = arith.muli %add3A_48, %mul3A_151 : i32
      %add3A_153 = arith.constant 6 : i32
      %add3A_154 = arith.addi %mul3A_152, %add3A_153 : i32
      %mul3A_155 = arith.constant 16 : i32
      %mul3A_156 = arith.muli %add3A_154, %mul3A_155 : i32
      %get3A_157 = arith.index_cast %mul3A_156 : i32 to index
      %get3A_158 = tpu.vector_load %arg15[%get3A_157] {strides = array<i32>} : memref<4096xi32, #tpu.memory_space<vmem>>, vector<16xi32>,
      %mul3A_159 = arith.constant 2048 : i32
      %mul3A_160 = vector.broadcast %mul3A_159 : i32 to vector<16xi32>
      %mul3A_161 = arith.muli %get3A_158, %mul3A_160 : vector<16xi32>
      %get3A_162 = arith.index_cast %mul3A_156 : i32 to index
      %get3A_163 = tpu.vector_load %arg16[%get3A_162] {strides = array<i32>} : memref<4096xi32, #tpu.memory_space<vmem>>, vector<16xi32>,
      %add3A_164 = arith.addi %mul3A_161, %get3A_163 : vector<16xi32>
      %swap3A_165 = arith.index_cast %add3A_48 : i32 to index
      %swap3A_166 = arith.constant 96 : index
      %swap3A_167 = tpu.vector_load %arg19[%swap3A_165, %swap3A_166] {strides = array<i32>} : memref<32x128xi32, #tpu.memory_space<vmem>>, vector<16xi32>,
      tpu.vector_store %arg19[%swap3A_165, %swap3A_166], %add3A_164 {strides = array<i32>} : memref<32x128xi32, #tpu.memory_space<vmem>>, vector<16xi32>,
      %mul3A_168 = arith.constant 8 : i32
      %mul3A_169 = arith.muli %add3A_48, %mul3A_168 : i32
      %add3A_170 = arith.constant 7 : i32
      %add3A_171 = arith.addi %mul3A_169, %add3A_170 : i32
      %mul3A_172 = arith.constant 16 : i32
      %mul3A_173 = arith.muli %add3A_171, %mul3A_172 : i32
      %get3A_174 = arith.index_cast %mul3A_173 : i32 to index
      %get3A_175 = tpu.vector_load %arg15[%get3A_174] {strides = array<i32>} : memref<4096xi32, #tpu.memory_space<vmem>>, vector<16xi32>,
      %mul3A_176 = arith.constant 2048 : i32
      %mul3A_177 = vector.broadcast %mul3A_176 : i32 to vector<16xi32>
      %mul3A_178 = arith.muli %get3A_175, %mul3A_177 : vector<16xi32>
      %get3A_179 = arith.index_cast %mul3A_173 : i32 to index
      %get3A_180 = tpu.vector_load %arg16[%get3A_179] {strides = array<i32>} : memref<4096xi32, #tpu.memory_space<vmem>>, vector<16xi32>,
      %add3A_181 = arith.addi %mul3A_178, %get3A_180 : vector<16xi32>
      %swap3A_182 = arith.index_cast %add3A_48 : i32 to index
      %swap3A_183 = arith.constant 112 : index
      %swap3A_184 = tpu.vector_load %arg19[%swap3A_182, %swap3A_183] {strides = array<i32>} : memref<32x128xi32, #tpu.memory_space<vmem>>, vector<16xi32>,
      tpu.vector_store %arg19[%swap3A_182, %swap3A_183], %add3A_181 {strides = array<i32>} : memref<32x128xi32, #tpu.memory_space<vmem>>, vector<16xi32>,
      %dma_start3A = arith.constant 0 : i32
      %dma_start3A_185 = tpu.memref_slice %arg20[%add3A_48, %dma_start3A] : memref<32x128xf32, #tpu.memory_space<vmem>> -> memref<1x128xf32, #tpu.memory_space<vmem>>
      %dma_start3A_186 = tpu.memref_squeeze %dma_start3A_185 : memref<1x128xf32, #tpu.memory_space<vmem>> -> memref<128xf32, #tpu.memory_space<vmem>>
      %dma_start3A_187 = arith.constant 0 : i32
      %dma_start3A_188 = tpu.memref_slice %arg19[%add3A_48, %dma_start3A_187] : memref<32x128xi32, #tpu.memory_space<vmem>> -> memref<1x128xi32, #tpu.memory_space<vmem>>
      %dma_start3A_189 = tpu.memref_squeeze %dma_start3A_188 : memref<1x128xi32, #tpu.memory_space<vmem>> -> memref<128xi32, #tpu.memory_space<vmem>>
      %dma_start3A_190 = arith.constant 0 : i32
      %dma_start3A_191 = tpu.memref_slice %arg7[%dma_start3A_190] : memref<4194304xf32, #tpu.memory_space<hbm>> -> memref<4194304xf32, #tpu.memory_space<hbm>>
      tpu.enqueue_indirect_dma source(%dma_start3A_191 : memref<4194304xf32, #tpu.memory_space<hbm>>) target(%dma_start3A_186 : memref<128xf32, #tpu.memory_space<vmem>>) offsets(%dma_start3A_189 : memref<128xi32, #tpu.memory_space<vmem>>) semaphore(%arg30 : memref<!tpu.dma_semaphore, #tpu.memory_space<semaphore_mem>>)
    }
    %scan3A_18 = arith.constant 32 : i32
    %broadcast_in_dim3A_19 = arith.constant 0 : i32
    %broadcast_in_dim3A_20 = vector.broadcast %broadcast_in_dim3A_19 : i32 to vector<16xi32>
    %sub3A = arith.constant 1 : i32
    %sub3A_21 = vector.broadcast %sub3A : i32 to vector<16xi32>
    %sub3A_22 = arith.subi %broadcast_in_dim3A_20, %sub3A_21 : vector<16xi32>
    %sub3A_23 = arith.constant 1 : i32
    %sub3A_24 = vector.broadcast %sub3A_23 : i32 to vector<16xi32>
    %sub3A_25 = arith.subi %broadcast_in_dim3A_20, %sub3A_24 : vector<16xi32>
    %scan3A_26 = arith.constant 0 : i32
    %scan3A_27 = arith.constant 32 : i32
    %scan3A_28 = arith.addi %scan3A_26, %scan3A_27 : i32
    %scan3A_29 = arith.constant 1 : i32
    %scan3A_30:3 = scf.for %scan3A_44 = %scan3A_26 to %scan3A_28 step %scan3A_29 iter_args(%scan3A_45 = %broadcast_in_dim3A_20, %scan3A_46 = %sub3A_22, %scan3A_47 = %sub3A_25) -> (vector<16xi32>, vector<16xi32>, vector<16xi32>)  : i32 {
      %dma_wait3A = arith.constant 0 : i32
      %dma_wait3A_48 = tpu.memref_slice %arg20[%scan3A_44, %dma_wait3A] : memref<32x128xf32, #tpu.memory_space<vmem>> -> memref<1x128xf32, #tpu.memory_space<vmem>>
      %dma_wait3A_49 = tpu.memref_squeeze %dma_wait3A_48 : memref<1x128xf32, #tpu.memory_space<vmem>> -> memref<128xf32, #tpu.memory_space<vmem>>
      %dma_wait3A_50 = arith.constant 0 : i32
      %dma_wait3A_51 = tpu.memref_slice %arg19[%scan3A_44, %dma_wait3A_50] : memref<32x128xi32, #tpu.memory_space<vmem>> -> memref<1x128xi32, #tpu.memory_space<vmem>>
      %dma_wait3A_52 = tpu.memref_squeeze %dma_wait3A_51 : memref<1x128xi32, #tpu.memory_space<vmem>> -> memref<128xi32, #tpu.memory_space<vmem>>
      %dma_wait3A_53 = arith.constant 0 : i32
      %dma_wait3A_54 = tpu.memref_slice %arg7[%dma_wait3A_53] : memref<4194304xf32, #tpu.memory_space<hbm>> -> memref<4194304xf32, #tpu.memory_space<hbm>>
      tpu.wait_indirect_dma semaphore(%arg30 : memref<!tpu.dma_semaphore, #tpu.memory_space<semaphore_mem>>) src(%dma_wait3A_54 : memref<4194304xf32, #tpu.memory_space<hbm>>) dst(%dma_wait3A_49 : memref<128xf32, #tpu.memory_space<vmem>>)
      %mul3A_55 = arith.constant 8 : i32
      %mul3A_56 = arith.muli %scan3A_44, %mul3A_55 : i32
      %add3A_57 = arith.constant 0 : i32
      %add3A_58 = arith.addi %mul3A_56, %add3A_57 : i32
      %mul3A_59 = arith.constant 16 : i32
      %mul3A_60 = arith.muli %add3A_58, %mul3A_59 : i32
      %get3A_61 = arith.index_cast %mul3A_60 : i32 to index
      %get3A_62 = tpu.vector_load %arg17[%get3A_61] {strides = array<i32>} : memref<4096xi32, #tpu.memory_space<vmem>>, vector<16xi32>,
      %get3A_63 = arith.index_cast %mul3A_60 : i32 to index
      %get3A_64 = tpu.vector_load %arg18[%get3A_63] {strides = array<i32>} : memref<4096xf32, #tpu.memory_space<vmem>>, vector<16xf32>,
      %get3A_65 = arith.index_cast %scan3A_44 : i32 to index
      %get3A_66 = arith.constant 0 : index
      %get3A_67 = tpu.vector_load %arg19[%get3A_65, %get3A_66] {strides = array<i32>} : memref<32x128xi32, #tpu.memory_space<vmem>>, vector<16xi32>,
      %get3A_68 = arith.index_cast %scan3A_44 : i32 to index
      %get3A_69 = arith.constant 0 : index
      %get3A_70 = tpu.vector_load %arg20[%get3A_68, %get3A_69] {strides = array<i32>} : memref<32x128xf32, #tpu.memory_space<vmem>>, vector<16xf32>,
      %add3A_71 = arith.constant 1.000000e+00 : f32
      %add3A_72 = vector.broadcast %add3A_71 : f32 to vector<16xf32>
      %add3A_73 = arith.addf %add3A_72, %get3A_70 : vector<16xf32>
      %mul3A_74 = arith.mulf %get3A_64, %add3A_73 : vector<16xf32>
      %lt3A = arith.cmpf olt, %mul3A_74, %get3A_3 : vector<16xf32>
      %jit3A = arith.constant 0 : i32
      %broadcast_in_dim3A_75 = vector.broadcast %jit3A : i32 to vector<16xi32>
      %select_n3A = arith.select %lt3A, %get3A_62, %broadcast_in_dim3A_75 : vector<16xi1>, vector<16xi32>
      %sub3A_76 = arith.subi %get3A_62, %select_n3A : vector<16xi32>
      %swap3A_77 = arith.index_cast %mul3A_60 : i32 to index
      %swap3A_78 = tpu.vector_load %arg22[%swap3A_77] {strides = array<i32>} : memref<4096xi32, #tpu.memory_space<vmem>>, vector<16xi32>,
      tpu.vector_store %arg22[%swap3A_77], %select_n3A {strides = array<i32>} : memref<4096xi32, #tpu.memory_space<vmem>>, vector<16xi32>,
      %swap3A_79 = arith.index_cast %mul3A_60 : i32 to index
      %swap3A_80 = tpu.vector_load %arg23[%swap3A_79] {strides = array<i32>} : memref<4096xi32, #tpu.memory_space<vmem>>, vector<16xi32>,
      tpu.vector_store %arg23[%swap3A_79], %sub3A_76 {strides = array<i32>} : memref<4096xi32, #tpu.memory_space<vmem>>, vector<16xi32>,
      %get3A_81 = arith.index_cast %mul3A_60 : i32 to index
      %get3A_82 = tpu.vector_load %arg15[%get3A_81] {strides = array<i32>} : memref<4096xi32, #tpu.memory_space<vmem>>, vector<16xi32>,
      tpu.vector_store_idx %arg24[%get3A_82], %select_n3A {add = true} : memref<2048xi32, #tpu.memory_space<vmem>>[vector<16xi32>], vector<16xi32>,
      %get3A_83 = arith.index_cast %mul3A_60 : i32 to index
      %get3A_84 = tpu.vector_load %arg16[%get3A_83] {strides = array<i32>} : memref<4096xi32, #tpu.memory_space<vmem>>, vector<16xi32>,
      tpu.vector_store_idx %arg25[%get3A_84], %select_n3A {add = true} : memref<2048xi32, #tpu.memory_space<vmem>>[vector<16xi32>], vector<16xi32>,
      %add3A_85 = arith.addi %scan3A_45, %sub3A_76 : vector<16xi32>
      %eq3A = arith.constant 1 : i32
      %eq3A_86 = vector.broadcast %eq3A : i32 to vector<16xi32>
      %eq3A_87 = arith.cmpi eq, %sub3A_76, %eq3A_86 : vector<16xi32>
      %select_n3A_88 = arith.select %eq3A_87, %get3A_67, %scan3A_46 : vector<16xi1>, vector<16xi32>
      %lt3A_89 = arith.constant 0 : i32
      %lt3A_90 = vector.broadcast %lt3A_89 : i32 to vector<16xi32>
      %lt3A_91 = arith.cmpi slt, %scan3A_47, %lt3A_90 : vector<16xi32>
      %eq3A_92 = arith.constant 1 : i32
      %eq3A_93 = vector.broadcast %eq3A_92 : i32 to vector<16xi32>
      %eq3A_94 = arith.cmpi eq, %sub3A_76, %eq3A_93 : vector<16xi32>
      %and3A = arith.andi %lt3A_91, %eq3A_94 : vector<16xi1>
      %select_n3A_95 = arith.select %and3A, %get3A_67, %scan3A_47 : vector<16xi1>, vector<16xi32>
      %swap3A_96 = arith.index_cast %scan3A_44 : i32 to index
      %swap3A_97 = arith.constant 0 : index
      %swap3A_98 = tpu.vector_load %arg21[%swap3A_96, %swap3A_97] {strides = array<i32>} : memref<32x128xi32, #tpu.memory_space<vmem>>, vector<16xi32>,
      tpu.vector_store %arg21[%swap3A_96, %swap3A_97], %select_n3A_88 {strides = array<i32>} : memref<32x128xi32, #tpu.memory_space<vmem>>, vector<16xi32>,
      %mul3A_99 = arith.constant 8 : i32
      %mul3A_100 = arith.muli %scan3A_44, %mul3A_99 : i32
      %add3A_101 = arith.constant 1 : i32
      %add3A_102 = arith.addi %mul3A_100, %add3A_101 : i32
      %mul3A_103 = arith.constant 16 : i32
      %mul3A_104 = arith.muli %add3A_102, %mul3A_103 : i32
      %get3A_105 = arith.index_cast %mul3A_104 : i32 to index
      %get3A_106 = tpu.vector_load %arg17[%get3A_105] {strides = array<i32>} : memref<4096xi32, #tpu.memory_space<vmem>>, vector<16xi32>,
      %get3A_107 = arith.index_cast %mul3A_104 : i32 to index
      %get3A_108 = tpu.vector_load %arg18[%get3A_107] {strides = array<i32>} : memref<4096xf32, #tpu.memory_space<vmem>>, vector<16xf32>,
      %get3A_109 = arith.index_cast %scan3A_44 : i32 to index
      %get3A_110 = arith.constant 16 : index
      %get3A_111 = tpu.vector_load %arg19[%get3A_109, %get3A_110] {strides = array<i32>} : memref<32x128xi32, #tpu.memory_space<vmem>>, vector<16xi32>,
      %get3A_112 = arith.index_cast %scan3A_44 : i32 to index
      %get3A_113 = arith.constant 16 : index
      %get3A_114 = tpu.vector_load %arg20[%get3A_112, %get3A_113] {strides = array<i32>} : memref<32x128xf32, #tpu.memory_space<vmem>>, vector<16xf32>,
      %add3A_115 = arith.constant 1.000000e+00 : f32
      %add3A_116 = vector.broadcast %add3A_115 : f32 to vector<16xf32>
      %add3A_117 = arith.addf %add3A_116, %get3A_114 : vector<16xf32>
      %mul3A_118 = arith.mulf %get3A_108, %add3A_117 : vector<16xf32>
      %lt3A_119 = arith.cmpf olt, %mul3A_118, %get3A_3 : vector<16xf32>
      %jit3A_120 = arith.constant 0 : i32
      %broadcast_in_dim3A_121 = vector.broadcast %jit3A_120 : i32 to vector<16xi32>
      %select_n3A_122 = arith.select %lt3A_119, %get3A_106, %broadcast_in_dim3A_121 : vector<16xi1>, vector<16xi32>
      %sub3A_123 = arith.subi %get3A_106, %select_n3A_122 : vector<16xi32>
      %swap3A_124 = arith.index_cast %mul3A_104 : i32 to index
      %swap3A_125 = tpu.vector_load %arg22[%swap3A_124] {strides = array<i32>} : memref<4096xi32, #tpu.memory_space<vmem>>, vector<16xi32>,
      tpu.vector_store %arg22[%swap3A_124], %select_n3A_122 {strides = array<i32>} : memref<4096xi32, #tpu.memory_space<vmem>>, vector<16xi32>,
      %swap3A_126 = arith.index_cast %mul3A_104 : i32 to index
      %swap3A_127 = tpu.vector_load %arg23[%swap3A_126] {strides = array<i32>} : memref<4096xi32, #tpu.memory_space<vmem>>, vector<16xi32>,
      tpu.vector_store %arg23[%swap3A_126], %sub3A_123 {strides = array<i32>} : memref<4096xi32, #tpu.memory_space<vmem>>, vector<16xi32>,
      %get3A_128 = arith.index_cast %mul3A_104 : i32 to index
      %get3A_129 = tpu.vector_load %arg15[%get3A_128] {strides = array<i32>} : memref<4096xi32, #tpu.memory_space<vmem>>, vector<16xi32>,
      tpu.vector_store_idx %arg24[%get3A_129], %select_n3A_122 {add = true} : memref<2048xi32, #tpu.memory_space<vmem>>[vector<16xi32>], vector<16xi32>,
      %get3A_130 = arith.index_cast %mul3A_104 : i32 to index
      %get3A_131 = tpu.vector_load %arg16[%get3A_130] {strides = array<i32>} : memref<4096xi32, #tpu.memory_space<vmem>>, vector<16xi32>,
      tpu.vector_store_idx %arg25[%get3A_131], %select_n3A_122 {add = true} : memref<2048xi32, #tpu.memory_space<vmem>>[vector<16xi32>], vector<16xi32>,
      %add3A_132 = arith.addi %add3A_85, %sub3A_123 : vector<16xi32>
      %eq3A_133 = arith.constant 1 : i32
      %eq3A_134 = vector.broadcast %eq3A_133 : i32 to vector<16xi32>
      %eq3A_135 = arith.cmpi eq, %sub3A_123, %eq3A_134 : vector<16xi32>
      %select_n3A_136 = arith.select %eq3A_135, %get3A_111, %select_n3A_88 : vector<16xi1>, vector<16xi32>
      %lt3A_137 = arith.constant 0 : i32
      %lt3A_138 = vector.broadcast %lt3A_137 : i32 to vector<16xi32>
      %lt3A_139 = arith.cmpi slt, %select_n3A_95, %lt3A_138 : vector<16xi32>
      %eq3A_140 = arith.constant 1 : i32
      %eq3A_141 = vector.broadcast %eq3A_140 : i32 to vector<16xi32>
      %eq3A_142 = arith.cmpi eq, %sub3A_123, %eq3A_141 : vector<16xi32>
      %and3A_143 = arith.andi %lt3A_139, %eq3A_142 : vector<16xi1>
      %select_n3A_144 = arith.select %and3A_143, %get3A_111, %select_n3A_95 : vector<16xi1>, vector<16xi32>
      %swap3A_145 = arith.index_cast %scan3A_44 : i32 to index
      %swap3A_146 = arith.constant 16 : index
      %swap3A_147 = tpu.vector_load %arg21[%swap3A_145, %swap3A_146] {strides = array<i32>} : memref<32x128xi32, #tpu.memory_space<vmem>>, vector<16xi32>,
      tpu.vector_store %arg21[%swap3A_145, %swap3A_146], %select_n3A_136 {strides = array<i32>} : memref<32x128xi32, #tpu.memory_space<vmem>>, vector<16xi32>,
      %mul3A_148 = arith.constant 8 : i32
      %mul3A_149 = arith.muli %scan3A_44, %mul3A_148 : i32
      %add3A_150 = arith.constant 2 : i32
      %add3A_151 = arith.addi %mul3A_149, %add3A_150 : i32
      %mul3A_152 = arith.constant 16 : i32
      %mul3A_153 = arith.muli %add3A_151, %mul3A_152 : i32
      %get3A_154 = arith.index_cast %mul3A_153 : i32 to index
      %get3A_155 = tpu.vector_load %arg17[%get3A_154] {strides = array<i32>} : memref<4096xi32, #tpu.memory_space<vmem>>, vector<16xi32>,
      %get3A_156 = arith.index_cast %mul3A_153 : i32 to index
      %get3A_157 = tpu.vector_load %arg18[%get3A_156] {strides = array<i32>} : memref<4096xf32, #tpu.memory_space<vmem>>, vector<16xf32>,
      %get3A_158 = arith.index_cast %scan3A_44 : i32 to index
      %get3A_159 = arith.constant 32 : index
      %get3A_160 = tpu.vector_load %arg19[%get3A_158, %get3A_159] {strides = array<i32>} : memref<32x128xi32, #tpu.memory_space<vmem>>, vector<16xi32>,
      %get3A_161 = arith.index_cast %scan3A_44 : i32 to index
      %get3A_162 = arith.constant 32 : index
      %get3A_163 = tpu.vector_load %arg20[%get3A_161, %get3A_162] {strides = array<i32>} : memref<32x128xf32, #tpu.memory_space<vmem>>, vector<16xf32>,
      %add3A_164 = arith.constant 1.000000e+00 : f32
      %add3A_165 = vector.broadcast %add3A_164 : f32 to vector<16xf32>
      %add3A_166 = arith.addf %add3A_165, %get3A_163 : vector<16xf32>
      %mul3A_167 = arith.mulf %get3A_157, %add3A_166 : vector<16xf32>
      %lt3A_168 = arith.cmpf olt, %mul3A_167, %get3A_3 : vector<16xf32>
      %jit3A_169 = arith.constant 0 : i32
      %broadcast_in_dim3A_170 = vector.broadcast %jit3A_169 : i32 to vector<16xi32>
      %select_n3A_171 = arith.select %lt3A_168, %get3A_155, %broadcast_in_dim3A_170 : vector<16xi1>, vector<16xi32>
      %sub3A_172 = arith.subi %get3A_155, %select_n3A_171 : vector<16xi32>
      %swap3A_173 = arith.index_cast %mul3A_153 : i32 to index
      %swap3A_174 = tpu.vector_load %arg22[%swap3A_173] {strides = array<i32>} : memref<4096xi32, #tpu.memory_space<vmem>>, vector<16xi32>,
      tpu.vector_store %arg22[%swap3A_173], %select_n3A_171 {strides = array<i32>} : memref<4096xi32, #tpu.memory_space<vmem>>, vector<16xi32>,
      %swap3A_175 = arith.index_cast %mul3A_153 : i32 to index
      %swap3A_176 = tpu.vector_load %arg23[%swap3A_175] {strides = array<i32>} : memref<4096xi32, #tpu.memory_space<vmem>>, vector<16xi32>,
      tpu.vector_store %arg23[%swap3A_175], %sub3A_172 {strides = array<i32>} : memref<4096xi32, #tpu.memory_space<vmem>>, vector<16xi32>,
      %get3A_177 = arith.index_cast %mul3A_153 : i32 to index
      %get3A_178 = tpu.vector_load %arg15[%get3A_177] {strides = array<i32>} : memref<4096xi32, #tpu.memory_space<vmem>>, vector<16xi32>,
      tpu.vector_store_idx %arg24[%get3A_178], %select_n3A_171 {add = true} : memref<2048xi32, #tpu.memory_space<vmem>>[vector<16xi32>], vector<16xi32>,
      %get3A_179 = arith.index_cast %mul3A_153 : i32 to index
      %get3A_180 = tpu.vector_load %arg16[%get3A_179] {strides = array<i32>} : memref<4096xi32, #tpu.memory_space<vmem>>, vector<16xi32>,
      tpu.vector_store_idx %arg25[%get3A_180], %select_n3A_171 {add = true} : memref<2048xi32, #tpu.memory_space<vmem>>[vector<16xi32>], vector<16xi32>,
      %add3A_181 = arith.addi %add3A_132, %sub3A_172 : vector<16xi32>
      %eq3A_182 = arith.constant 1 : i32
      %eq3A_183 = vector.broadcast %eq3A_182 : i32 to vector<16xi32>
      %eq3A_184 = arith.cmpi eq, %sub3A_172, %eq3A_183 : vector<16xi32>
      %select_n3A_185 = arith.select %eq3A_184, %get3A_160, %select_n3A_136 : vector<16xi1>, vector<16xi32>
      %lt3A_186 = arith.constant 0 : i32
      %lt3A_187 = vector.broadcast %lt3A_186 : i32 to vector<16xi32>
      %lt3A_188 = arith.cmpi slt, %select_n3A_144, %lt3A_187 : vector<16xi32>
      %eq3A_189 = arith.constant 1 : i32
      %eq3A_190 = vector.broadcast %eq3A_189 : i32 to vector<16xi32>
      %eq3A_191 = arith.cmpi eq, %sub3A_172, %eq3A_190 : vector<16xi32>
      %and3A_192 = arith.andi %lt3A_188, %eq3A_191 : vector<16xi1>
      %select_n3A_193 = arith.select %and3A_192, %get3A_160, %select_n3A_144 : vector<16xi1>, vector<16xi32>
      %swap3A_194 = arith.index_cast %scan3A_44 : i32 to index
      %swap3A_195 = arith.constant 32 : index
      %swap3A_196 = tpu.vector_load %arg21[%swap3A_194, %swap3A_195] {strides = array<i32>} : memref<32x128xi32, #tpu.memory_space<vmem>>, vector<16xi32>,
      tpu.vector_store %arg21[%swap3A_194, %swap3A_195], %select_n3A_185 {strides = array<i32>} : memref<32x128xi32, #tpu.memory_space<vmem>>, vector<16xi32>,
      %mul3A_197 = arith.constant 8 : i32
      %mul3A_198 = arith.muli %scan3A_44, %mul3A_197 : i32
      %add3A_199 = arith.constant 3 : i32
      %add3A_200 = arith.addi %mul3A_198, %add3A_199 : i32
      %mul3A_201 = arith.constant 16 : i32
      %mul3A_202 = arith.muli %add3A_200, %mul3A_201 : i32
      %get3A_203 = arith.index_cast %mul3A_202 : i32 to index
      %get3A_204 = tpu.vector_load %arg17[%get3A_203] {strides = array<i32>} : memref<4096xi32, #tpu.memory_space<vmem>>, vector<16xi32>,
      %get3A_205 = arith.index_cast %mul3A_202 : i32 to index
      %get3A_206 = tpu.vector_load %arg18[%get3A_205] {strides = array<i32>} : memref<4096xf32, #tpu.memory_space<vmem>>, vector<16xf32>,
      %get3A_207 = arith.index_cast %scan3A_44 : i32 to index
      %get3A_208 = arith.constant 48 : index
      %get3A_209 = tpu.vector_load %arg19[%get3A_207, %get3A_208] {strides = array<i32>} : memref<32x128xi32, #tpu.memory_space<vmem>>, vector<16xi32>,
      %get3A_210 = arith.index_cast %scan3A_44 : i32 to index
      %get3A_211 = arith.constant 48 : index
      %get3A_212 = tpu.vector_load %arg20[%get3A_210, %get3A_211] {strides = array<i32>} : memref<32x128xf32, #tpu.memory_space<vmem>>, vector<16xf32>,
      %add3A_213 = arith.constant 1.000000e+00 : f32
      %add3A_214 = vector.broadcast %add3A_213 : f32 to vector<16xf32>
      %add3A_215 = arith.addf %add3A_214, %get3A_212 : vector<16xf32>
      %mul3A_216 = arith.mulf %get3A_206, %add3A_215 : vector<16xf32>
      %lt3A_217 = arith.cmpf olt, %mul3A_216, %get3A_3 : vector<16xf32>
      %jit3A_218 = arith.constant 0 : i32
      %broadcast_in_dim3A_219 = vector.broadcast %jit3A_218 : i32 to vector<16xi32>
      %select_n3A_220 = arith.select %lt3A_217, %get3A_204, %broadcast_in_dim3A_219 : vector<16xi1>, vector<16xi32>
      %sub3A_221 = arith.subi %get3A_204, %select_n3A_220 : vector<16xi32>
      %swap3A_222 = arith.index_cast %mul3A_202 : i32 to index
      %swap3A_223 = tpu.vector_load %arg22[%swap3A_222] {strides = array<i32>} : memref<4096xi32, #tpu.memory_space<vmem>>, vector<16xi32>,
      tpu.vector_store %arg22[%swap3A_222], %select_n3A_220 {strides = array<i32>} : memref<4096xi32, #tpu.memory_space<vmem>>, vector<16xi32>,
      %swap3A_224 = arith.index_cast %mul3A_202 : i32 to index
      %swap3A_225 = tpu.vector_load %arg23[%swap3A_224] {strides = array<i32>} : memref<4096xi32, #tpu.memory_space<vmem>>, vector<16xi32>,
      tpu.vector_store %arg23[%swap3A_224], %sub3A_221 {strides = array<i32>} : memref<4096xi32, #tpu.memory_space<vmem>>, vector<16xi32>,
      %get3A_226 = arith.index_cast %mul3A_202 : i32 to index
      %get3A_227 = tpu.vector_load %arg15[%get3A_226] {strides = array<i32>} : memref<4096xi32, #tpu.memory_space<vmem>>, vector<16xi32>,
      tpu.vector_store_idx %arg24[%get3A_227], %select_n3A_220 {add = true} : memref<2048xi32, #tpu.memory_space<vmem>>[vector<16xi32>], vector<16xi32>,
      %get3A_228 = arith.index_cast %mul3A_202 : i32 to index
      %get3A_229 = tpu.vector_load %arg16[%get3A_228] {strides = array<i32>} : memref<4096xi32, #tpu.memory_space<vmem>>, vector<16xi32>,
      tpu.vector_store_idx %arg25[%get3A_229], %select_n3A_220 {add = true} : memref<2048xi32, #tpu.memory_space<vmem>>[vector<16xi32>], vector<16xi32>,
      %add3A_230 = arith.addi %add3A_181, %sub3A_221 : vector<16xi32>
      %eq3A_231 = arith.constant 1 : i32
      %eq3A_232 = vector.broadcast %eq3A_231 : i32 to vector<16xi32>
      %eq3A_233 = arith.cmpi eq, %sub3A_221, %eq3A_232 : vector<16xi32>
      %select_n3A_234 = arith.select %eq3A_233, %get3A_209, %select_n3A_185 : vector<16xi1>, vector<16xi32>
      %lt3A_235 = arith.constant 0 : i32
      %lt3A_236 = vector.broadcast %lt3A_235 : i32 to vector<16xi32>
      %lt3A_237 = arith.cmpi slt, %select_n3A_193, %lt3A_236 : vector<16xi32>
      %eq3A_238 = arith.constant 1 : i32
      %eq3A_239 = vector.broadcast %eq3A_238 : i32 to vector<16xi32>
      %eq3A_240 = arith.cmpi eq, %sub3A_221, %eq3A_239 : vector<16xi32>
      %and3A_241 = arith.andi %lt3A_237, %eq3A_240 : vector<16xi1>
      %select_n3A_242 = arith.select %and3A_241, %get3A_209, %select_n3A_193 : vector<16xi1>, vector<16xi32>
      %swap3A_243 = arith.index_cast %scan3A_44 : i32 to index
      %swap3A_244 = arith.constant 48 : index
      %swap3A_245 = tpu.vector_load %arg21[%swap3A_243, %swap3A_244] {strides = array<i32>} : memref<32x128xi32, #tpu.memory_space<vmem>>, vector<16xi32>,
      tpu.vector_store %arg21[%swap3A_243, %swap3A_244], %select_n3A_234 {strides = array<i32>} : memref<32x128xi32, #tpu.memory_space<vmem>>, vector<16xi32>,
      %mul3A_246 = arith.constant 8 : i32
      %mul3A_247 = arith.muli %scan3A_44, %mul3A_246 : i32
      %add3A_248 = arith.constant 4 : i32
      %add3A_249 = arith.addi %mul3A_247, %add3A_248 : i32
      %mul3A_250 = arith.constant 16 : i32
      %mul3A_251 = arith.muli %add3A_249, %mul3A_250 : i32
      %get3A_252 = arith.index_cast %mul3A_251 : i32 to index
      %get3A_253 = tpu.vector_load %arg17[%get3A_252] {strides = array<i32>} : memref<4096xi32, #tpu.memory_space<vmem>>, vector<16xi32>,
      %get3A_254 = arith.index_cast %mul3A_251 : i32 to index
      %get3A_255 = tpu.vector_load %arg18[%get3A_254] {strides = array<i32>} : memref<4096xf32, #tpu.memory_space<vmem>>, vector<16xf32>,
      %get3A_256 = arith.index_cast %scan3A_44 : i32 to index
      %get3A_257 = arith.constant 64 : index
      %get3A_258 = tpu.vector_load %arg19[%get3A_256, %get3A_257] {strides = array<i32>} : memref<32x128xi32, #tpu.memory_space<vmem>>, vector<16xi32>,
      %get3A_259 = arith.index_cast %scan3A_44 : i32 to index
      %get3A_260 = arith.constant 64 : index
      %get3A_261 = tpu.vector_load %arg20[%get3A_259, %get3A_260] {strides = array<i32>} : memref<32x128xf32, #tpu.memory_space<vmem>>, vector<16xf32>,
      %add3A_262 = arith.constant 1.000000e+00 : f32
      %add3A_263 = vector.broadcast %add3A_262 : f32 to vector<16xf32>
      %add3A_264 = arith.addf %add3A_263, %get3A_261 : vector<16xf32>
      %mul3A_265 = arith.mulf %get3A_255, %add3A_264 : vector<16xf32>
      %lt3A_266 = arith.cmpf olt, %mul3A_265, %get3A_3 : vector<16xf32>
      %jit3A_267 = arith.constant 0 : i32
      %broadcast_in_dim3A_268 = vector.broadcast %jit3A_267 : i32 to vector<16xi32>
      %select_n3A_269 = arith.select %lt3A_266, %get3A_253, %broadcast_in_dim3A_268 : vector<16xi1>, vector<16xi32>
      %sub3A_270 = arith.subi %get3A_253, %select_n3A_269 : vector<16xi32>
      %swap3A_271 = arith.index_cast %mul3A_251 : i32 to index
      %swap3A_272 = tpu.vector_load %arg22[%swap3A_271] {strides = array<i32>} : memref<4096xi32, #tpu.memory_space<vmem>>, vector<16xi32>,
      tpu.vector_store %arg22[%swap3A_271], %select_n3A_269 {strides = array<i32>} : memref<4096xi32, #tpu.memory_space<vmem>>, vector<16xi32>,
      %swap3A_273 = arith.index_cast %mul3A_251 : i32 to index
      %swap3A_274 = tpu.vector_load %arg23[%swap3A_273] {strides = array<i32>} : memref<4096xi32, #tpu.memory_space<vmem>>, vector<16xi32>,
      tpu.vector_store %arg23[%swap3A_273], %sub3A_270 {strides = array<i32>} : memref<4096xi32, #tpu.memory_space<vmem>>, vector<16xi32>,
      %get3A_275 = arith.index_cast %mul3A_251 : i32 to index
      %get3A_276 = tpu.vector_load %arg15[%get3A_275] {strides = array<i32>} : memref<4096xi32, #tpu.memory_space<vmem>>, vector<16xi32>,
      tpu.vector_store_idx %arg24[%get3A_276], %select_n3A_269 {add = true} : memref<2048xi32, #tpu.memory_space<vmem>>[vector<16xi32>], vector<16xi32>,
      %get3A_277 = arith.index_cast %mul3A_251 : i32 to index
      %get3A_278 = tpu.vector_load %arg16[%get3A_277] {strides = array<i32>} : memref<4096xi32, #tpu.memory_space<vmem>>, vector<16xi32>,
      tpu.vector_store_idx %arg25[%get3A_278], %select_n3A_269 {add = true} : memref<2048xi32, #tpu.memory_space<vmem>>[vector<16xi32>], vector<16xi32>,
      %add3A_279 = arith.addi %add3A_230, %sub3A_270 : vector<16xi32>
      %eq3A_280 = arith.constant 1 : i32
      %eq3A_281 = vector.broadcast %eq3A_280 : i32 to vector<16xi32>
      %eq3A_282 = arith.cmpi eq, %sub3A_270, %eq3A_281 : vector<16xi32>
      %select_n3A_283 = arith.select %eq3A_282, %get3A_258, %select_n3A_234 : vector<16xi1>, vector<16xi32>
      %lt3A_284 = arith.constant 0 : i32
      %lt3A_285 = vector.broadcast %lt3A_284 : i32 to vector<16xi32>
      %lt3A_286 = arith.cmpi slt, %select_n3A_242, %lt3A_285 : vector<16xi32>
      %eq3A_287 = arith.constant 1 : i32
      %eq3A_288 = vector.broadcast %eq3A_287 : i32 to vector<16xi32>
      %eq3A_289 = arith.cmpi eq, %sub3A_270, %eq3A_288 : vector<16xi32>
      %and3A_290 = arith.andi %lt3A_286, %eq3A_289 : vector<16xi1>
      %select_n3A_291 = arith.select %and3A_290, %get3A_258, %select_n3A_242 : vector<16xi1>, vector<16xi32>
      %swap3A_292 = arith.index_cast %scan3A_44 : i32 to index
      %swap3A_293 = arith.constant 64 : index
      %swap3A_294 = tpu.vector_load %arg21[%swap3A_292, %swap3A_293] {strides = array<i32>} : memref<32x128xi32, #tpu.memory_space<vmem>>, vector<16xi32>,
      tpu.vector_store %arg21[%swap3A_292, %swap3A_293], %select_n3A_283 {strides = array<i32>} : memref<32x128xi32, #tpu.memory_space<vmem>>, vector<16xi32>,
      %mul3A_295 = arith.constant 8 : i32
      %mul3A_296 = arith.muli %scan3A_44, %mul3A_295 : i32
      %add3A_297 = arith.constant 5 : i32
      %add3A_298 = arith.addi %mul3A_296, %add3A_297 : i32
      %mul3A_299 = arith.constant 16 : i32
      %mul3A_300 = arith.muli %add3A_298, %mul3A_299 : i32
      %get3A_301 = arith.index_cast %mul3A_300 : i32 to index
      %get3A_302 = tpu.vector_load %arg17[%get3A_301] {strides = array<i32>} : memref<4096xi32, #tpu.memory_space<vmem>>, vector<16xi32>,
      %get3A_303 = arith.index_cast %mul3A_300 : i32 to index
      %get3A_304 = tpu.vector_load %arg18[%get3A_303] {strides = array<i32>} : memref<4096xf32, #tpu.memory_space<vmem>>, vector<16xf32>,
      %get3A_305 = arith.index_cast %scan3A_44 : i32 to index
      %get3A_306 = arith.constant 80 : index
      %get3A_307 = tpu.vector_load %arg19[%get3A_305, %get3A_306] {strides = array<i32>} : memref<32x128xi32, #tpu.memory_space<vmem>>, vector<16xi32>,
      %get3A_308 = arith.index_cast %scan3A_44 : i32 to index
      %get3A_309 = arith.constant 80 : index
      %get3A_310 = tpu.vector_load %arg20[%get3A_308, %get3A_309] {strides = array<i32>} : memref<32x128xf32, #tpu.memory_space<vmem>>, vector<16xf32>,
      %add3A_311 = arith.constant 1.000000e+00 : f32
      %add3A_312 = vector.broadcast %add3A_311 : f32 to vector<16xf32>
      %add3A_313 = arith.addf %add3A_312, %get3A_310 : vector<16xf32>
      %mul3A_314 = arith.mulf %get3A_304, %add3A_313 : vector<16xf32>
      %lt3A_315 = arith.cmpf olt, %mul3A_314, %get3A_3 : vector<16xf32>
      %jit3A_316 = arith.constant 0 : i32
      %broadcast_in_dim3A_317 = vector.broadcast %jit3A_316 : i32 to vector<16xi32>
      %select_n3A_318 = arith.select %lt3A_315, %get3A_302, %broadcast_in_dim3A_317 : vector<16xi1>, vector<16xi32>
      %sub3A_319 = arith.subi %get3A_302, %select_n3A_318 : vector<16xi32>
      %swap3A_320 = arith.index_cast %mul3A_300 : i32 to index
      %swap3A_321 = tpu.vector_load %arg22[%swap3A_320] {strides = array<i32>} : memref<4096xi32, #tpu.memory_space<vmem>>, vector<16xi32>,
      tpu.vector_store %arg22[%swap3A_320], %select_n3A_318 {strides = array<i32>} : memref<4096xi32, #tpu.memory_space<vmem>>, vector<16xi32>,
      %swap3A_322 = arith.index_cast %mul3A_300 : i32 to index
      %swap3A_323 = tpu.vector_load %arg23[%swap3A_322] {strides = array<i32>} : memref<4096xi32, #tpu.memory_space<vmem>>, vector<16xi32>,
      tpu.vector_store %arg23[%swap3A_322], %sub3A_319 {strides = array<i32>} : memref<4096xi32, #tpu.memory_space<vmem>>, vector<16xi32>,
      %get3A_324 = arith.index_cast %mul3A_300 : i32 to index
      %get3A_325 = tpu.vector_load %arg15[%get3A_324] {strides = array<i32>} : memref<4096xi32, #tpu.memory_space<vmem>>, vector<16xi32>,
      tpu.vector_store_idx %arg24[%get3A_325], %select_n3A_318 {add = true} : memref<2048xi32, #tpu.memory_space<vmem>>[vector<16xi32>], vector<16xi32>,
      %get3A_326 = arith.index_cast %mul3A_300 : i32 to index
      %get3A_327 = tpu.vector_load %arg16[%get3A_326] {strides = array<i32>} : memref<4096xi32, #tpu.memory_space<vmem>>, vector<16xi32>,
      tpu.vector_store_idx %arg25[%get3A_327], %select_n3A_318 {add = true} : memref<2048xi32, #tpu.memory_space<vmem>>[vector<16xi32>], vector<16xi32>,
      %add3A_328 = arith.addi %add3A_279, %sub3A_319 : vector<16xi32>
      %eq3A_329 = arith.constant 1 : i32
      %eq3A_330 = vector.broadcast %eq3A_329 : i32 to vector<16xi32>
      %eq3A_331 = arith.cmpi eq, %sub3A_319, %eq3A_330 : vector<16xi32>
      %select_n3A_332 = arith.select %eq3A_331, %get3A_307, %select_n3A_283 : vector<16xi1>, vector<16xi32>
      %lt3A_333 = arith.constant 0 : i32
      %lt3A_334 = vector.broadcast %lt3A_333 : i32 to vector<16xi32>
      %lt3A_335 = arith.cmpi slt, %select_n3A_291, %lt3A_334 : vector<16xi32>
      %eq3A_336 = arith.constant 1 : i32
      %eq3A_337 = vector.broadcast %eq3A_336 : i32 to vector<16xi32>
      %eq3A_338 = arith.cmpi eq, %sub3A_319, %eq3A_337 : vector<16xi32>
      %and3A_339 = arith.andi %lt3A_335, %eq3A_338 : vector<16xi1>
      %select_n3A_340 = arith.select %and3A_339, %get3A_307, %select_n3A_291 : vector<16xi1>, vector<16xi32>
      %swap3A_341 = arith.index_cast %scan3A_44 : i32 to index
      %swap3A_342 = arith.constant 80 : index
      %swap3A_343 = tpu.vector_load %arg21[%swap3A_341, %swap3A_342] {strides = array<i32>} : memref<32x128xi32, #tpu.memory_space<vmem>>, vector<16xi32>,
      tpu.vector_store %arg21[%swap3A_341, %swap3A_342], %select_n3A_332 {strides = array<i32>} : memref<32x128xi32, #tpu.memory_space<vmem>>, vector<16xi32>,
      %mul3A_344 = arith.constant 8 : i32
      %mul3A_345 = arith.muli %scan3A_44, %mul3A_344 : i32
      %add3A_346 = arith.constant 6 : i32
      %add3A_347 = arith.addi %mul3A_345, %add3A_346 : i32
      %mul3A_348 = arith.constant 16 : i32
      %mul3A_349 = arith.muli %add3A_347, %mul3A_348 : i32
      %get3A_350 = arith.index_cast %mul3A_349 : i32 to index
      %get3A_351 = tpu.vector_load %arg17[%get3A_350] {strides = array<i32>} : memref<4096xi32, #tpu.memory_space<vmem>>, vector<16xi32>,
      %get3A_352 = arith.index_cast %mul3A_349 : i32 to index
      %get3A_353 = tpu.vector_load %arg18[%get3A_352] {strides = array<i32>} : memref<4096xf32, #tpu.memory_space<vmem>>, vector<16xf32>,
      %get3A_354 = arith.index_cast %scan3A_44 : i32 to index
      %get3A_355 = arith.constant 96 : index
      %get3A_356 = tpu.vector_load %arg19[%get3A_354, %get3A_355] {strides = array<i32>} : memref<32x128xi32, #tpu.memory_space<vmem>>, vector<16xi32>,
      %get3A_357 = arith.index_cast %scan3A_44 : i32 to index
      %get3A_358 = arith.constant 96 : index
      %get3A_359 = tpu.vector_load %arg20[%get3A_357, %get3A_358] {strides = array<i32>} : memref<32x128xf32, #tpu.memory_space<vmem>>, vector<16xf32>,
      %add3A_360 = arith.constant 1.000000e+00 : f32
      %add3A_361 = vector.broadcast %add3A_360 : f32 to vector<16xf32>
      %add3A_362 = arith.addf %add3A_361, %get3A_359 : vector<16xf32>
      %mul3A_363 = arith.mulf %get3A_353, %add3A_362 : vector<16xf32>
      %lt3A_364 = arith.cmpf olt, %mul3A_363, %get3A_3 : vector<16xf32>
      %jit3A_365 = arith.constant 0 : i32
      %broadcast_in_dim3A_366 = vector.broadcast %jit3A_365 : i32 to vector<16xi32>
      %select_n3A_367 = arith.select %lt3A_364, %get3A_351, %broadcast_in_dim3A_366 : vector<16xi1>, vector<16xi32>
      %sub3A_368 = arith.subi %get3A_351, %select_n3A_367 : vector<16xi32>
      %swap3A_369 = arith.index_cast %mul3A_349 : i32 to index
      %swap3A_370 = tpu.vector_load %arg22[%swap3A_369] {strides = array<i32>} : memref<4096xi32, #tpu.memory_space<vmem>>, vector<16xi32>,
      tpu.vector_store %arg22[%swap3A_369], %select_n3A_367 {strides = array<i32>} : memref<4096xi32, #tpu.memory_space<vmem>>, vector<16xi32>,
      %swap3A_371 = arith.index_cast %mul3A_349 : i32 to index
      %swap3A_372 = tpu.vector_load %arg23[%swap3A_371] {strides = array<i32>} : memref<4096xi32, #tpu.memory_space<vmem>>, vector<16xi32>,
      tpu.vector_store %arg23[%swap3A_371], %sub3A_368 {strides = array<i32>} : memref<4096xi32, #tpu.memory_space<vmem>>, vector<16xi32>,
      %get3A_373 = arith.index_cast %mul3A_349 : i32 to index
      %get3A_374 = tpu.vector_load %arg15[%get3A_373] {strides = array<i32>} : memref<4096xi32, #tpu.memory_space<vmem>>, vector<16xi32>,
      tpu.vector_store_idx %arg24[%get3A_374], %select_n3A_367 {add = true} : memref<2048xi32, #tpu.memory_space<vmem>>[vector<16xi32>], vector<16xi32>,
      %get3A_375 = arith.index_cast %mul3A_349 : i32 to index
      %get3A_376 = tpu.vector_load %arg16[%get3A_375] {strides = array<i32>} : memref<4096xi32, #tpu.memory_space<vmem>>, vector<16xi32>,
      tpu.vector_store_idx %arg25[%get3A_376], %select_n3A_367 {add = true} : memref<2048xi32, #tpu.memory_space<vmem>>[vector<16xi32>], vector<16xi32>,
      %add3A_377 = arith.addi %add3A_328, %sub3A_368 : vector<16xi32>
      %eq3A_378 = arith.constant 1 : i32
      %eq3A_379 = vector.broadcast %eq3A_378 : i32 to vector<16xi32>
      %eq3A_380 = arith.cmpi eq, %sub3A_368, %eq3A_379 : vector<16xi32>
      %select_n3A_381 = arith.select %eq3A_380, %get3A_356, %select_n3A_332 : vector<16xi1>, vector<16xi32>
      %lt3A_382 = arith.constant 0 : i32
      %lt3A_383 = vector.broadcast %lt3A_382 : i32 to vector<16xi32>
      %lt3A_384 = arith.cmpi slt, %select_n3A_340, %lt3A_383 : vector<16xi32>
      %eq3A_385 = arith.constant 1 : i32
      %eq3A_386 = vector.broadcast %eq3A_385 : i32 to vector<16xi32>
      %eq3A_387 = arith.cmpi eq, %sub3A_368, %eq3A_386 : vector<16xi32>
      %and3A_388 = arith.andi %lt3A_384, %eq3A_387 : vector<16xi1>
      %select_n3A_389 = arith.select %and3A_388, %get3A_356, %select_n3A_340 : vector<16xi1>, vector<16xi32>
      %swap3A_390 = arith.index_cast %scan3A_44 : i32 to index
      %swap3A_391 = arith.constant 96 : index
      %swap3A_392 = tpu.vector_load %arg21[%swap3A_390, %swap3A_391] {strides = array<i32>} : memref<32x128xi32, #tpu.memory_space<vmem>>, vector<16xi32>,
      tpu.vector_store %arg21[%swap3A_390, %swap3A_391], %select_n3A_381 {strides = array<i32>} : memref<32x128xi32, #tpu.memory_space<vmem>>, vector<16xi32>,
      %mul3A_393 = arith.constant 8 : i32
      %mul3A_394 = arith.muli %scan3A_44, %mul3A_393 : i32
      %add3A_395 = arith.constant 7 : i32
      %add3A_396 = arith.addi %mul3A_394, %add3A_395 : i32
      %mul3A_397 = arith.constant 16 : i32
      %mul3A_398 = arith.muli %add3A_396, %mul3A_397 : i32
      %get3A_399 = arith.index_cast %mul3A_398 : i32 to index
      %get3A_400 = tpu.vector_load %arg17[%get3A_399] {strides = array<i32>} : memref<4096xi32, #tpu.memory_space<vmem>>, vector<16xi32>,
      %get3A_401 = arith.index_cast %mul3A_398 : i32 to index
      %get3A_402 = tpu.vector_load %arg18[%get3A_401] {strides = array<i32>} : memref<4096xf32, #tpu.memory_space<vmem>>, vector<16xf32>,
      %get3A_403 = arith.index_cast %scan3A_44 : i32 to index
      %get3A_404 = arith.constant 112 : index
      %get3A_405 = tpu.vector_load %arg19[%get3A_403, %get3A_404] {strides = array<i32>} : memref<32x128xi32, #tpu.memory_space<vmem>>, vector<16xi32>,
      %get3A_406 = arith.index_cast %scan3A_44 : i32 to index
      %get3A_407 = arith.constant 112 : index
      %get3A_408 = tpu.vector_load %arg20[%get3A_406, %get3A_407] {strides = array<i32>} : memref<32x128xf32, #tpu.memory_space<vmem>>, vector<16xf32>,
      %add3A_409 = arith.constant 1.000000e+00 : f32
      %add3A_410 = vector.broadcast %add3A_409 : f32 to vector<16xf32>
      %add3A_411 = arith.addf %add3A_410, %get3A_408 : vector<16xf32>
      %mul3A_412 = arith.mulf %get3A_402, %add3A_411 : vector<16xf32>
      %lt3A_413 = arith.cmpf olt, %mul3A_412, %get3A_3 : vector<16xf32>
      %jit3A_414 = arith.constant 0 : i32
      %broadcast_in_dim3A_415 = vector.broadcast %jit3A_414 : i32 to vector<16xi32>
      %select_n3A_416 = arith.select %lt3A_413, %get3A_400, %broadcast_in_dim3A_415 : vector<16xi1>, vector<16xi32>
      %sub3A_417 = arith.subi %get3A_400, %select_n3A_416 : vector<16xi32>
      %swap3A_418 = arith.index_cast %mul3A_398 : i32 to index
      %swap3A_419 = tpu.vector_load %arg22[%swap3A_418] {strides = array<i32>} : memref<4096xi32, #tpu.memory_space<vmem>>, vector<16xi32>,
      tpu.vector_store %arg22[%swap3A_418], %select_n3A_416 {strides = array<i32>} : memref<4096xi32, #tpu.memory_space<vmem>>, vector<16xi32>,
      %swap3A_420 = arith.index_cast %mul3A_398 : i32 to index
      %swap3A_421 = tpu.vector_load %arg23[%swap3A_420] {strides = array<i32>} : memref<4096xi32, #tpu.memory_space<vmem>>, vector<16xi32>,
      tpu.vector_store %arg23[%swap3A_420], %sub3A_417 {strides = array<i32>} : memref<4096xi32, #tpu.memory_space<vmem>>, vector<16xi32>,
      %get3A_422 = arith.index_cast %mul3A_398 : i32 to index
      %get3A_423 = tpu.vector_load %arg15[%get3A_422] {strides = array<i32>} : memref<4096xi32, #tpu.memory_space<vmem>>, vector<16xi32>,
      tpu.vector_store_idx %arg24[%get3A_423], %select_n3A_416 {add = true} : memref<2048xi32, #tpu.memory_space<vmem>>[vector<16xi32>], vector<16xi32>,
      %get3A_424 = arith.index_cast %mul3A_398 : i32 to index
      %get3A_425 = tpu.vector_load %arg16[%get3A_424] {strides = array<i32>} : memref<4096xi32, #tpu.memory_space<vmem>>, vector<16xi32>,
      tpu.vector_store_idx %arg25[%get3A_425], %select_n3A_416 {add = true} : memref<2048xi32, #tpu.memory_space<vmem>>[vector<16xi32>], vector<16xi32>,
      %add3A_426 = arith.addi %add3A_377, %sub3A_417 : vector<16xi32>
      %eq3A_427 = arith.constant 1 : i32
      %eq3A_428 = vector.broadcast %eq3A_427 : i32 to vector<16xi32>
      %eq3A_429 = arith.cmpi eq, %sub3A_417, %eq3A_428 : vector<16xi32>
      %select_n3A_430 = arith.select %eq3A_429, %get3A_405, %select_n3A_381 : vector<16xi1>, vector<16xi32>
      %lt3A_431 = arith.constant 0 : i32
      %lt3A_432 = vector.broadcast %lt3A_431 : i32 to vector<16xi32>
      %lt3A_433 = arith.cmpi slt, %select_n3A_389, %lt3A_432 : vector<16xi32>
      %eq3A_434 = arith.constant 1 : i32
      %eq3A_435 = vector.broadcast %eq3A_434 : i32 to vector<16xi32>
      %eq3A_436 = arith.cmpi eq, %sub3A_417, %eq3A_435 : vector<16xi32>
      %and3A_437 = arith.andi %lt3A_433, %eq3A_436 : vector<16xi1>
      %select_n3A_438 = arith.select %and3A_437, %get3A_405, %select_n3A_389 : vector<16xi1>, vector<16xi32>
      %swap3A_439 = arith.index_cast %scan3A_44 : i32 to index
      %swap3A_440 = arith.constant 112 : index
      %swap3A_441 = tpu.vector_load %arg21[%swap3A_439, %swap3A_440] {strides = array<i32>} : memref<32x128xi32, #tpu.memory_space<vmem>>, vector<16xi32>,
      tpu.vector_store %arg21[%swap3A_439, %swap3A_440], %select_n3A_430 {strides = array<i32>} : memref<32x128xi32, #tpu.memory_space<vmem>>, vector<16xi32>,
      scf.yield %add3A_426, %select_n3A_430, %select_n3A_438 : vector<16xi32>, vector<16xi32>, vector<16xi32>
    }
    %scan3A_31 = arith.constant 32 : i32
    %reduce_sum3A = arith.constant true
    %reduce_sum3A_32 = vector.broadcast %reduce_sum3A : i1 to vector<16xi1>
    %reduce_sum3A_33 = tpu.scan <sum>, %scan3A_30#0 masked %reduce_sum3A_32 : vector<16xi32>, vector<16xi1> -> vector<16xi32>
    %reduce_sum3A_34 = vector.extract %reduce_sum3A_33[15] : i32 from vector<16xi32>
    %gt3A = arith.constant 0 : i32
    %gt3A_35 = arith.cmpi sgt, %reduce_sum3A_34, %gt3A : i32
    %convert_element_type3A = arith.extui %gt3A_35 : i1 to i32
    %cond3A = arith.constant 0 : i32
    %cond3A_36 = arith.cmpi ne, %convert_element_type3A, %cond3A : i32
    scf.if %cond3A_36 {
      %lt3A = arith.constant 0 : i32
      %lt3A_44 = vector.broadcast %lt3A : i32 to vector<16xi32>
      %lt3A_45 = arith.cmpi slt, %scan3A_30#2, %lt3A_44 : vector<16xi32>
      %jit3A = arith.constant 1073741824 : i32
      %broadcast_in_dim3A_46 = vector.broadcast %jit3A : i32 to vector<16xi32>
      %select_n3A = arith.select %lt3A_45, %broadcast_in_dim3A_46, %scan3A_30#2 : vector<16xi1>, vector<16xi32>
      %reduce_min3A = arith.constant true
      %reduce_min3A_47 = vector.broadcast %reduce_min3A : i1 to vector<16xi1>
      %reduce_min3A_48 = arith.constant -2147483648 : i32
      %reduce_min3A_49 = vector.broadcast %reduce_min3A_48 : i32 to vector<16xi32>
      %reduce_min3A_50 = arith.xori %select_n3A, %reduce_min3A_49 : vector<16xi32>
      %reduce_min3A_51 = tpu.scan <min>, %reduce_min3A_50 masked %reduce_min3A_47 : vector<16xi32>, vector<16xi1> -> vector<16xi32>
      %reduce_min3A_52 = arith.xori %reduce_min3A_51, %reduce_min3A_49 : vector<16xi32>
      %reduce_min3A_53 = vector.extract %reduce_min3A_52[15] : i32 from vector<16xi32>
      %lt3A_54 = arith.constant 0 : i32
      %lt3A_55 = vector.broadcast %lt3A_54 : i32 to vector<16xi32>
      %lt3A_56 = arith.cmpi slt, %scan3A_30#2, %lt3A_55 : vector<16xi32>
      %broadcast_in_dim3A_57 = vector.broadcast %reduce_min3A_53 : i32 to vector<16xi32>
      %select_n3A_58 = arith.select %lt3A_56, %broadcast_in_dim3A_57, %scan3A_30#2 : vector<16xi1>, vector<16xi32>
      %scan3A_59 = arith.constant 0 : i32
      %scan3A_60 = arith.constant 32 : i32
      %scan3A_61 = arith.addi %scan3A_59, %scan3A_60 : i32
      %scan3A_62 = arith.constant 1 : i32
      scf.for %scan3A_69 = %scan3A_59 to %scan3A_61 step %scan3A_62  : i32 {
        %mul3A_70 = arith.constant 1 : i32
        %mul3A_71 = arith.muli %scan3A_69, %mul3A_70 : i32
        %add3A_72 = arith.constant 0 : i32
        %add3A_73 = arith.addi %add3A_72, %mul3A_71 : i32
        %get3A_74 = arith.index_cast %add3A_73 : i32 to index
        %get3A_75 = arith.constant 0 : index
        %get3A_76 = tpu.vector_load %arg21[%get3A_74, %get3A_75] {strides = array<i32>} : memref<32x128xi32, #tpu.memory_space<vmem>>, vector<16xi32>,
        %lt3A_77 = arith.constant 0 : i32
        %lt3A_78 = vector.broadcast %lt3A_77 : i32 to vector<16xi32>
        %lt3A_79 = arith.cmpi slt, %get3A_76, %lt3A_78 : vector<16xi32>
        %select_n3A_80 = arith.select %lt3A_79, %select_n3A_58, %get3A_76 : vector<16xi1>, vector<16xi32>
        %swap3A_81 = arith.index_cast %add3A_73 : i32 to index
        %swap3A_82 = arith.constant 0 : index
        %swap3A_83 = tpu.vector_load %arg21[%swap3A_81, %swap3A_82] {strides = array<i32>} : memref<32x128xi32, #tpu.memory_space<vmem>>, vector<16xi32>,
        tpu.vector_store %arg21[%swap3A_81, %swap3A_82], %select_n3A_80 {strides = array<i32>} : memref<32x128xi32, #tpu.memory_space<vmem>>, vector<16xi32>,
        %get3A_84 = arith.index_cast %add3A_73 : i32 to index
        %get3A_85 = arith.constant 16 : index
        %get3A_86 = tpu.vector_load %arg21[%get3A_84, %get3A_85] {strides = array<i32>} : memref<32x128xi32, #tpu.memory_space<vmem>>, vector<16xi32>,
        %lt3A_87 = arith.constant 0 : i32
        %lt3A_88 = vector.broadcast %lt3A_87 : i32 to vector<16xi32>
        %lt3A_89 = arith.cmpi slt, %get3A_86, %lt3A_88 : vector<16xi32>
        %select_n3A_90 = arith.select %lt3A_89, %select_n3A_58, %get3A_86 : vector<16xi1>, vector<16xi32>
        %swap3A_91 = arith.index_cast %add3A_73 : i32 to index
        %swap3A_92 = arith.constant 16 : index
        %swap3A_93 = tpu.vector_load %arg21[%swap3A_91, %swap3A_92] {strides = array<i32>} : memref<32x128xi32, #tpu.memory_space<vmem>>, vector<16xi32>,
        tpu.vector_store %arg21[%swap3A_91, %swap3A_92], %select_n3A_90 {strides = array<i32>} : memref<32x128xi32, #tpu.memory_space<vmem>>, vector<16xi32>,
        %get3A_94 = arith.index_cast %add3A_73 : i32 to index
        %get3A_95 = arith.constant 32 : index
        %get3A_96 = tpu.vector_load %arg21[%get3A_94, %get3A_95] {strides = array<i32>} : memref<32x128xi32, #tpu.memory_space<vmem>>, vector<16xi32>,
        %lt3A_97 = arith.constant 0 : i32
        %lt3A_98 = vector.broadcast %lt3A_97 : i32 to vector<16xi32>
        %lt3A_99 = arith.cmpi slt, %get3A_96, %lt3A_98 : vector<16xi32>
        %select_n3A_100 = arith.select %lt3A_99, %select_n3A_58, %get3A_96 : vector<16xi1>, vector<16xi32>
        %swap3A_101 = arith.index_cast %add3A_73 : i32 to index
        %swap3A_102 = arith.constant 32 : index
        %swap3A_103 = tpu.vector_load %arg21[%swap3A_101, %swap3A_102] {strides = array<i32>} : memref<32x128xi32, #tpu.memory_space<vmem>>, vector<16xi32>,
        tpu.vector_store %arg21[%swap3A_101, %swap3A_102], %select_n3A_100 {strides = array<i32>} : memref<32x128xi32, #tpu.memory_space<vmem>>, vector<16xi32>,
        %get3A_104 = arith.index_cast %add3A_73 : i32 to index
        %get3A_105 = arith.constant 48 : index
        %get3A_106 = tpu.vector_load %arg21[%get3A_104, %get3A_105] {strides = array<i32>} : memref<32x128xi32, #tpu.memory_space<vmem>>, vector<16xi32>,
        %lt3A_107 = arith.constant 0 : i32
        %lt3A_108 = vector.broadcast %lt3A_107 : i32 to vector<16xi32>
        %lt3A_109 = arith.cmpi slt, %get3A_106, %lt3A_108 : vector<16xi32>
        %select_n3A_110 = arith.select %lt3A_109, %select_n3A_58, %get3A_106 : vector<16xi1>, vector<16xi32>
        %swap3A_111 = arith.index_cast %add3A_73 : i32 to index
        %swap3A_112 = arith.constant 48 : index
        %swap3A_113 = tpu.vector_load %arg21[%swap3A_111, %swap3A_112] {strides = array<i32>} : memref<32x128xi32, #tpu.memory_space<vmem>>, vector<16xi32>,
        tpu.vector_store %arg21[%swap3A_111, %swap3A_112], %select_n3A_110 {strides = array<i32>} : memref<32x128xi32, #tpu.memory_space<vmem>>, vector<16xi32>,
        %get3A_114 = arith.index_cast %add3A_73 : i32 to index
        %get3A_115 = arith.constant 64 : index
        %get3A_116 = tpu.vector_load %arg21[%get3A_114, %get3A_115] {strides = array<i32>} : memref<32x128xi32, #tpu.memory_space<vmem>>, vector<16xi32>,
        %lt3A_117 = arith.constant 0 : i32
        %lt3A_118 = vector.broadcast %lt3A_117 : i32 to vector<16xi32>
        %lt3A_119 = arith.cmpi slt, %get3A_116, %lt3A_118 : vector<16xi32>
        %select_n3A_120 = arith.select %lt3A_119, %select_n3A_58, %get3A_116 : vector<16xi1>, vector<16xi32>
        %swap3A_121 = arith.index_cast %add3A_73 : i32 to index
        %swap3A_122 = arith.constant 64 : index
        %swap3A_123 = tpu.vector_load %arg21[%swap3A_121, %swap3A_122] {strides = array<i32>} : memref<32x128xi32, #tpu.memory_space<vmem>>, vector<16xi32>,
        tpu.vector_store %arg21[%swap3A_121, %swap3A_122], %select_n3A_120 {strides = array<i32>} : memref<32x128xi32, #tpu.memory_space<vmem>>, vector<16xi32>,
        %get3A_124 = arith.index_cast %add3A_73 : i32 to index
        %get3A_125 = arith.constant 80 : index
        %get3A_126 = tpu.vector_load %arg21[%get3A_124, %get3A_125] {strides = array<i32>} : memref<32x128xi32, #tpu.memory_space<vmem>>, vector<16xi32>,
        %lt3A_127 = arith.constant 0 : i32
        %lt3A_128 = vector.broadcast %lt3A_127 : i32 to vector<16xi32>
        %lt3A_129 = arith.cmpi slt, %get3A_126, %lt3A_128 : vector<16xi32>
        %select_n3A_130 = arith.select %lt3A_129, %select_n3A_58, %get3A_126 : vector<16xi1>, vector<16xi32>
        %swap3A_131 = arith.index_cast %add3A_73 : i32 to index
        %swap3A_132 = arith.constant 80 : index
        %swap3A_133 = tpu.vector_load %arg21[%swap3A_131, %swap3A_132] {strides = array<i32>} : memref<32x128xi32, #tpu.memory_space<vmem>>, vector<16xi32>,
        tpu.vector_store %arg21[%swap3A_131, %swap3A_132], %select_n3A_130 {strides = array<i32>} : memref<32x128xi32, #tpu.memory_space<vmem>>, vector<16xi32>,
        %get3A_134 = arith.index_cast %add3A_73 : i32 to index
        %get3A_135 = arith.constant 96 : index
        %get3A_136 = tpu.vector_load %arg21[%get3A_134, %get3A_135] {strides = array<i32>} : memref<32x128xi32, #tpu.memory_space<vmem>>, vector<16xi32>,
        %lt3A_137 = arith.constant 0 : i32
        %lt3A_138 = vector.broadcast %lt3A_137 : i32 to vector<16xi32>
        %lt3A_139 = arith.cmpi slt, %get3A_136, %lt3A_138 : vector<16xi32>
        %select_n3A_140 = arith.select %lt3A_139, %select_n3A_58, %get3A_136 : vector<16xi1>, vector<16xi32>
        %swap3A_141 = arith.index_cast %add3A_73 : i32 to index
        %swap3A_142 = arith.constant 96 : index
        %swap3A_143 = tpu.vector_load %arg21[%swap3A_141, %swap3A_142] {strides = array<i32>} : memref<32x128xi32, #tpu.memory_space<vmem>>, vector<16xi32>,
        tpu.vector_store %arg21[%swap3A_141, %swap3A_142], %select_n3A_140 {strides = array<i32>} : memref<32x128xi32, #tpu.memory_space<vmem>>, vector<16xi32>,
        %get3A_144 = arith.index_cast %add3A_73 : i32 to index
        %get3A_145 = arith.constant 112 : index
        %get3A_146 = tpu.vector_load %arg21[%get3A_144, %get3A_145] {strides = array<i32>} : memref<32x128xi32, #tpu.memory_space<vmem>>, vector<16xi32>,
        %lt3A_147 = arith.constant 0 : i32
        %lt3A_148 = vector.broadcast %lt3A_147 : i32 to vector<16xi32>
        %lt3A_149 = arith.cmpi slt, %get3A_146, %lt3A_148 : vector<16xi32>
        %select_n3A_150 = arith.select %lt3A_149, %select_n3A_58, %get3A_146 : vector<16xi1>, vector<16xi32>
        %swap3A_151 = arith.index_cast %add3A_73 : i32 to index
        %swap3A_152 = arith.constant 112 : index
        %swap3A_153 = tpu.vector_load %arg21[%swap3A_151, %swap3A_152] {strides = array<i32>} : memref<32x128xi32, #tpu.memory_space<vmem>>, vector<16xi32>,
        tpu.vector_store %arg21[%swap3A_151, %swap3A_152], %select_n3A_150 {strides = array<i32>} : memref<32x128xi32, #tpu.memory_space<vmem>>, vector<16xi32>,
        %dma_start3A = arith.constant 0 : i32
        %dma_start3A_154 = tpu.memref_slice %arg21[%add3A_73, %dma_start3A] : memref<32x128xi32, #tpu.memory_space<vmem>> -> memref<1x128xi32, #tpu.memory_space<vmem>>
        %dma_start3A_155 = tpu.memref_squeeze %dma_start3A_154 : memref<1x128xi32, #tpu.memory_space<vmem>> -> memref<128xi32, #tpu.memory_space<vmem>>
        %dma_start3A_156 = arith.constant 0 : i32
        %dma_start3A_157 = tpu.memref_slice %arg8[%dma_start3A_156] : memref<4194304xi32, #tpu.memory_space<hbm>> -> memref<4194304xi32, #tpu.memory_space<hbm>>
        tpu.enqueue_indirect_dma source(%arg26 : memref<128xi32, #tpu.memory_space<vmem>>) target(%dma_start3A_157 : memref<4194304xi32, #tpu.memory_space<hbm>>) offsets(%dma_start3A_155 : memref<128xi32, #tpu.memory_space<vmem>>) semaphore(%arg29 : memref<!tpu.dma_semaphore, #tpu.memory_space<semaphore_mem>>)
      }
      %scan3A_63 = arith.constant 32 : i32
      %scan3A_64 = arith.constant 0 : i32
      %scan3A_65 = arith.constant 32 : i32
      %scan3A_66 = arith.addi %scan3A_64, %scan3A_65 : i32
      %scan3A_67 = arith.constant 1 : i32
      scf.for %scan3A_69 = %scan3A_64 to %scan3A_66 step %scan3A_67  : i32 {
        %mul3A_70 = arith.constant 1 : i32
        %mul3A_71 = arith.muli %scan3A_69, %mul3A_70 : i32
        %add3A_72 = arith.constant 0 : i32
        %add3A_73 = arith.addi %add3A_72, %mul3A_71 : i32
        %dma_wait3A = arith.constant 0 : i32
        %dma_wait3A_74 = tpu.memref_slice %arg21[%add3A_73, %dma_wait3A] : memref<32x128xi32, #tpu.memory_space<vmem>> -> memref<1x128xi32, #tpu.memory_space<vmem>>
        %dma_wait3A_75 = tpu.memref_squeeze %dma_wait3A_74 : memref<1x128xi32, #tpu.memory_space<vmem>> -> memref<128xi32, #tpu.memory_space<vmem>>
        %dma_wait3A_76 = arith.constant 0 : i32
        %dma_wait3A_77 = tpu.memref_slice %arg8[%dma_wait3A_76] : memref<4194304xi32, #tpu.memory_space<hbm>> -> memref<4194304xi32, #tpu.memory_space<hbm>>
        tpu.wait_indirect_dma semaphore(%arg29 : memref<!tpu.dma_semaphore, #tpu.memory_space<semaphore_mem>>) src(%arg26 : memref<128xi32, #tpu.memory_space<vmem>>) dst(%dma_wait3A_77 : memref<4194304xi32, #tpu.memory_space<hbm>>)
      }
      %scan3A_68 = arith.constant 32 : i32
    } else {
    }
    "tpu.region"() ({
      %run_scoped3A = tpu.sem_alloc : memref<!tpu.dma_semaphore, #tpu.memory_space<semaphore_mem>>
      %dma_start3A = tpu.memref_slice %arg9[%mul3A_2] : memref<131072xi32, #tpu.memory_space<hbm>> -> memref<4096xi32, #tpu.memory_space<hbm>>
      %dma_start3A_44 = tpu.memref_slice %arg9[%mul3A_2] : memref<131072xi32, #tpu.memory_space<hbm>> -> memref<4096xi32, #tpu.memory_space<hbm>>
      tpu.enqueue_dma source(%arg22 : memref<4096xi32, #tpu.memory_space<vmem>>) target(%dma_start3A_44 : memref<4096xi32, #tpu.memory_space<hbm>>) target_semaphore(%run_scoped3A : memref<!tpu.dma_semaphore, #tpu.memory_space<semaphore_mem>>)
      %dma_wait3A = tpu.memref_slice %arg9[%mul3A_2] : memref<131072xi32, #tpu.memory_space<hbm>> -> memref<4096xi32, #tpu.memory_space<hbm>>
      %dma_wait3A_45 = tpu.memref_slice %arg9[%mul3A_2] : memref<131072xi32, #tpu.memory_space<hbm>> -> memref<4096xi32, #tpu.memory_space<hbm>>
      tpu.wait_dma2 semaphore(%run_scoped3A : memref<!tpu.dma_semaphore, #tpu.memory_space<semaphore_mem>>) src(%arg22 : memref<4096xi32, #tpu.memory_space<vmem>>) dst(%dma_wait3A_45 : memref<4096xi32, #tpu.memory_space<hbm>>)
      tpu.yield
    }) : () -> ()
    "tpu.region"() ({
      %run_scoped3A = tpu.sem_alloc : memref<!tpu.dma_semaphore, #tpu.memory_space<semaphore_mem>>
      %dma_start3A = tpu.memref_slice %arg10[%mul3A_2] : memref<131072xi32, #tpu.memory_space<hbm>> -> memref<4096xi32, #tpu.memory_space<hbm>>
      %dma_start3A_44 = tpu.memref_slice %arg10[%mul3A_2] : memref<131072xi32, #tpu.memory_space<hbm>> -> memref<4096xi32, #tpu.memory_space<hbm>>
      tpu.enqueue_dma source(%arg23 : memref<4096xi32, #tpu.memory_space<vmem>>) target(%dma_start3A_44 : memref<4096xi32, #tpu.memory_space<hbm>>) target_semaphore(%run_scoped3A : memref<!tpu.dma_semaphore, #tpu.memory_space<semaphore_mem>>)
      %dma_wait3A = tpu.memref_slice %arg10[%mul3A_2] : memref<131072xi32, #tpu.memory_space<hbm>> -> memref<4096xi32, #tpu.memory_space<hbm>>
      %dma_wait3A_45 = tpu.memref_slice %arg10[%mul3A_2] : memref<131072xi32, #tpu.memory_space<hbm>> -> memref<4096xi32, #tpu.memory_space<hbm>>
      tpu.wait_dma2 semaphore(%run_scoped3A : memref<!tpu.dma_semaphore, #tpu.memory_space<semaphore_mem>>) src(%arg23 : memref<4096xi32, #tpu.memory_space<vmem>>) dst(%dma_wait3A_45 : memref<4096xi32, #tpu.memory_space<hbm>>)
      tpu.yield
    }) : () -> ()
    "tpu.region"() ({
      %run_scoped3A = tpu.sem_alloc : memref<!tpu.dma_semaphore, #tpu.memory_space<semaphore_mem>>
      %dma_start3A = arith.constant 0 : i32
      %dma_start3A_44 = tpu.memref_slice %arg11[%add3A, %dma_start3A] : memref<32x2048xi32, #tpu.memory_space<hbm>> -> memref<1x2048xi32, #tpu.memory_space<hbm>>
      %dma_start3A_45 = tpu.memref_squeeze %dma_start3A_44 : memref<1x2048xi32, #tpu.memory_space<hbm>> -> memref<2048xi32, #tpu.memory_space<hbm>>
      %dma_start3A_46 = arith.constant 0 : i32
      %dma_start3A_47 = tpu.memref_slice %arg11[%add3A, %dma_start3A_46] : memref<32x2048xi32, #tpu.memory_space<hbm>> -> memref<1x2048xi32, #tpu.memory_space<hbm>>
      %dma_start3A_48 = tpu.memref_squeeze %dma_start3A_47 : memref<1x2048xi32, #tpu.memory_space<hbm>> -> memref<2048xi32, #tpu.memory_space<hbm>>
      tpu.enqueue_dma source(%arg24 : memref<2048xi32, #tpu.memory_space<vmem>>) target(%dma_start3A_48 : memref<2048xi32, #tpu.memory_space<hbm>>) target_semaphore(%run_scoped3A : memref<!tpu.dma_semaphore, #tpu.memory_space<semaphore_mem>>)
      %dma_wait3A = arith.constant 0 : i32
      %dma_wait3A_49 = tpu.memref_slice %arg11[%add3A, %dma_wait3A] : memref<32x2048xi32, #tpu.memory_space<hbm>> -> memref<1x2048xi32, #tpu.memory_space<hbm>>
      %dma_wait3A_50 = tpu.memref_squeeze %dma_wait3A_49 : memref<1x2048xi32, #tpu.memory_space<hbm>> -> memref<2048xi32, #tpu.memory_space<hbm>>
      %dma_wait3A_51 = arith.constant 0 : i32
      %dma_wait3A_52 = tpu.memref_slice %arg11[%add3A, %dma_wait3A_51] : memref<32x2048xi32, #tpu.memory_space<hbm>> -> memref<1x2048xi32, #tpu.memory_space<hbm>>
      %dma_wait3A_53 = tpu.memref_squeeze %dma_wait3A_52 : memref<1x2048xi32, #tpu.memory_space<hbm>> -> memref<2048xi32, #tpu.memory_space<hbm>>
      tpu.wait_dma2 semaphore(%run_scoped3A : memref<!tpu.dma_semaphore, #tpu.memory_space<semaphore_mem>>) src(%arg24 : memref<2048xi32, #tpu.memory_space<vmem>>) dst(%dma_wait3A_53 : memref<2048xi32, #tpu.memory_space<hbm>>)
      tpu.yield
    }) : () -> ()
    "tpu.region"() ({
      %run_scoped3A = tpu.sem_alloc : memref<!tpu.dma_semaphore, #tpu.memory_space<semaphore_mem>>
      %dma_start3A = arith.constant 0 : i32
      %dma_start3A_44 = tpu.memref_slice %arg12[%add3A, %dma_start3A] : memref<32x2048xi32, #tpu.memory_space<hbm>> -> memref<1x2048xi32, #tpu.memory_space<hbm>>
      %dma_start3A_45 = tpu.memref_squeeze %dma_start3A_44 : memref<1x2048xi32, #tpu.memory_space<hbm>> -> memref<2048xi32, #tpu.memory_space<hbm>>
      %dma_start3A_46 = arith.constant 0 : i32
      %dma_start3A_47 = tpu.memref_slice %arg12[%add3A, %dma_start3A_46] : memref<32x2048xi32, #tpu.memory_space<hbm>> -> memref<1x2048xi32, #tpu.memory_space<hbm>>
      %dma_start3A_48 = tpu.memref_squeeze %dma_start3A_47 : memref<1x2048xi32, #tpu.memory_space<hbm>> -> memref<2048xi32, #tpu.memory_space<hbm>>
      tpu.enqueue_dma source(%arg25 : memref<2048xi32, #tpu.memory_space<vmem>>) target(%dma_start3A_48 : memref<2048xi32, #tpu.memory_space<hbm>>) target_semaphore(%run_scoped3A : memref<!tpu.dma_semaphore, #tpu.memory_space<semaphore_mem>>)
      %dma_wait3A = arith.constant 0 : i32
      %dma_wait3A_49 = tpu.memref_slice %arg12[%add3A, %dma_wait3A] : memref<32x2048xi32, #tpu.memory_space<hbm>> -> memref<1x2048xi32, #tpu.memory_space<hbm>>
      %dma_wait3A_50 = tpu.memref_squeeze %dma_wait3A_49 : memref<1x2048xi32, #tpu.memory_space<hbm>> -> memref<2048xi32, #tpu.memory_space<hbm>>
      %dma_wait3A_51 = arith.constant 0 : i32
      %dma_wait3A_52 = tpu.memref_slice %arg12[%add3A, %dma_wait3A_51] : memref<32x2048xi32, #tpu.memory_space<hbm>> -> memref<1x2048xi32, #tpu.memory_space<hbm>>
      %dma_wait3A_53 = tpu.memref_squeeze %dma_wait3A_52 : memref<1x2048xi32, #tpu.memory_space<hbm>> -> memref<2048xi32, #tpu.memory_space<hbm>>
      tpu.wait_dma2 semaphore(%run_scoped3A : memref<!tpu.dma_semaphore, #tpu.memory_space<semaphore_mem>>) src(%arg25 : memref<2048xi32, #tpu.memory_space<vmem>>) dst(%dma_wait3A_53 : memref<2048xi32, #tpu.memory_space<hbm>>)
      tpu.yield
    }) : () -> ()
    %sub3A_37 = arith.constant 4096 : i32
    %sub3A_38 = arith.subi %sub3A_37, %reduce_sum3A_34 : i32
    %broadcast_in_dim3A_39 = arith.constant 0 : i32
    %broadcast_in_dim3A_40 = vector.broadcast %broadcast_in_dim3A_39 : i32 to vector<16xi32>
    %add3A_41 = vector.broadcast %sub3A_38 : i32 to vector<16xi32>
    %add3A_42 = arith.addi %add3A_41, %broadcast_in_dim3A_40 : vector<16xi32>
    %swap3A = arith.constant 0 : index
    %swap3A_43 = tpu.vector_load %arg27[%swap3A] {strides = array<i32>} : memref<16xi32, #tpu.memory_space<vmem>>, vector<16xi32>,
    tpu.vector_store %arg27[%swap3A], %add3A_42 {strides = array<i32>} : memref<16xi32, #tpu.memory_space<vmem>>, vector<16xi32>,
    "tpu.region"() ({
      %run_scoped3A = tpu.sem_alloc : memref<!tpu.dma_semaphore, #tpu.memory_space<semaphore_mem>>
      %dma_start3A = arith.constant 0 : i32
      %dma_start3A_44 = tpu.memref_slice %arg13[%add3A, %dma_start3A] : memref<32x16xi32, #tpu.memory_space<hbm>> -> memref<1x16xi32, #tpu.memory_space<hbm>>
      %dma_start3A_45 = tpu.memref_squeeze %dma_start3A_44 : memref<1x16xi32, #tpu.memory_space<hbm>> -> memref<16xi32, #tpu.memory_space<hbm>>
      %dma_start3A_46 = arith.constant 0 : i32
      %dma_start3A_47 = tpu.memref_slice %arg13[%add3A, %dma_start3A_46] : memref<32x16xi32, #tpu.memory_space<hbm>> -> memref<1x16xi32, #tpu.memory_space<hbm>>
      %dma_start3A_48 = tpu.memref_squeeze %dma_start3A_47 : memref<1x16xi32, #tpu.memory_space<hbm>> -> memref<16xi32, #tpu.memory_space<hbm>>
      tpu.enqueue_dma source(%arg27 : memref<16xi32, #tpu.memory_space<vmem>>) target(%dma_start3A_48 : memref<16xi32, #tpu.memory_space<hbm>>) target_semaphore(%run_scoped3A : memref<!tpu.dma_semaphore, #tpu.memory_space<semaphore_mem>>)
      %dma_wait3A = arith.constant 0 : i32
      %dma_wait3A_49 = tpu.memref_slice %arg13[%add3A, %dma_wait3A] : memref<32x16xi32, #tpu.memory_space<hbm>> -> memref<1x16xi32, #tpu.memory_space<hbm>>
      %dma_wait3A_50 = tpu.memref_squeeze %dma_wait3A_49 : memref<1x16xi32, #tpu.memory_space<hbm>> -> memref<16xi32, #tpu.memory_space<hbm>>
      %dma_wait3A_51 = arith.constant 0 : i32
      %dma_wait3A_52 = tpu.memref_slice %arg13[%add3A, %dma_wait3A_51] : memref<32x16xi32, #tpu.memory_space<hbm>> -> memref<1x16xi32, #tpu.memory_space<hbm>>
      %dma_wait3A_53 = tpu.memref_squeeze %dma_wait3A_52 : memref<1x16xi32, #tpu.memory_space<hbm>> -> memref<16xi32, #tpu.memory_space<hbm>>
      tpu.wait_dma2 semaphore(%run_scoped3A : memref<!tpu.dma_semaphore, #tpu.memory_space<semaphore_mem>>) src(%arg27 : memref<16xi32, #tpu.memory_space<vmem>>) dst(%dma_wait3A_53 : memref<16xi32, #tpu.memory_space<hbm>>)
      tpu.yield
    }) : () -> ()
    return
  }
}

#map = affine_map<(d0, d1) -> (0)>
#map1 = affine_map<(d0, d1) -> (0, 0)>
module attributes {stable_mosaic.version = 14 : i64} {
  func.func @new_body(%arg0: i32, %arg1: i32, %arg2: memref<131072xi32, #tpu.memory_space<hbm>>, %arg3: memref<131072xi32, #tpu.memory_space<hbm>>, %arg4: memref<131072xi32, #tpu.memory_space<hbm>>, %arg5: memref<131072xf32, #tpu.memory_space<hbm>>, %arg6: memref<16xf32, #tpu.memory_space<hbm>>, %arg7: memref<4194304xf32, #tpu.memory_space<hbm>>, %arg8: memref<131072x256xf32, #tpu.memory_space<hbm>>, %arg9: memref<131072x256xf32, #tpu.memory_space<hbm>>, %arg10: memref<4096xi32, #tpu.memory_space<vmem>>, %arg11: memref<4096xi32, #tpu.memory_space<vmem>>, %arg12: memref<4096xi32, #tpu.memory_space<vmem>>, %arg13: memref<4096xf32, #tpu.memory_space<vmem>>, %arg14: memref<32x128xi32, #tpu.memory_space<vmem>>, %arg15: memref<32x128xf32, #tpu.memory_space<vmem>>, %arg16: memref<16x256xf32, #tpu.memory_space<vmem>>, %arg17: memref<16xf32, #tpu.memory_space<vmem>>, %arg18: memref<!tpu.dma_semaphore, #tpu.memory_space<semaphore_mem>>, %arg19: memref<!tpu.dma_semaphore, #tpu.memory_space<semaphore_mem>>) attributes {dimension_semantics = [#tpu.dimension_semantics<core_parallel>, #tpu.dimension_semantics<subcore_parallel>], iteration_bounds = array<i64: 2, 16>, scalar_prefetch = 0 : i64, scratch_operands = 10 : i64, tpu.core_type = #tpu.core_type<sc_vector_subcore>, window_params = [{transform_indices = #map}, {transform_indices = #map}, {transform_indices = #map}, {transform_indices = #map}, {transform_indices = #map}, {transform_indices = #map}, {transform_indices = #map1}, {transform_indices = #map1}]} {
    %mul3A = arith.constant 2 : i32
    %mul3A_0 = arith.muli %arg1, %mul3A : i32
    %add3A = arith.addi %mul3A_0, %arg0 : i32
    %mul3A_1 = arith.constant 4096 : i32
    %mul3A_2 = arith.muli %add3A, %mul3A_1 : i32
    "tpu.region"() ({
      %run_scoped3A = tpu.sem_alloc : memref<!tpu.dma_semaphore, #tpu.memory_space<semaphore_mem>>
      %dma_start3A = tpu.memref_slice %arg2[%mul3A_2] : memref<131072xi32, #tpu.memory_space<hbm>> -> memref<4096xi32, #tpu.memory_space<hbm>>
      %dma_start3A_19 = tpu.memref_slice %arg2[%mul3A_2] : memref<131072xi32, #tpu.memory_space<hbm>> -> memref<4096xi32, #tpu.memory_space<hbm>>
      tpu.enqueue_dma source(%dma_start3A_19 : memref<4096xi32, #tpu.memory_space<hbm>>) target(%arg10 : memref<4096xi32, #tpu.memory_space<vmem>>) target_semaphore(%run_scoped3A : memref<!tpu.dma_semaphore, #tpu.memory_space<semaphore_mem>>)
      %dma_wait3A = tpu.memref_slice %arg2[%mul3A_2] : memref<131072xi32, #tpu.memory_space<hbm>> -> memref<4096xi32, #tpu.memory_space<hbm>>
      %dma_wait3A_20 = tpu.memref_slice %arg2[%mul3A_2] : memref<131072xi32, #tpu.memory_space<hbm>> -> memref<4096xi32, #tpu.memory_space<hbm>>
      tpu.wait_dma2 semaphore(%run_scoped3A : memref<!tpu.dma_semaphore, #tpu.memory_space<semaphore_mem>>) src(%dma_wait3A_20 : memref<4096xi32, #tpu.memory_space<hbm>>) dst(%arg10 : memref<4096xi32, #tpu.memory_space<vmem>>)
      tpu.yield
    }) : () -> ()
    "tpu.region"() ({
      %run_scoped3A = tpu.sem_alloc : memref<!tpu.dma_semaphore, #tpu.memory_space<semaphore_mem>>
      %dma_start3A = tpu.memref_slice %arg3[%mul3A_2] : memref<131072xi32, #tpu.memory_space<hbm>> -> memref<4096xi32, #tpu.memory_space<hbm>>
      %dma_start3A_19 = tpu.memref_slice %arg3[%mul3A_2] : memref<131072xi32, #tpu.memory_space<hbm>> -> memref<4096xi32, #tpu.memory_space<hbm>>
      tpu.enqueue_dma source(%dma_start3A_19 : memref<4096xi32, #tpu.memory_space<hbm>>) target(%arg11 : memref<4096xi32, #tpu.memory_space<vmem>>) target_semaphore(%run_scoped3A : memref<!tpu.dma_semaphore, #tpu.memory_space<semaphore_mem>>)
      %dma_wait3A = tpu.memref_slice %arg3[%mul3A_2] : memref<131072xi32, #tpu.memory_space<hbm>> -> memref<4096xi32, #tpu.memory_space<hbm>>
      %dma_wait3A_20 = tpu.memref_slice %arg3[%mul3A_2] : memref<131072xi32, #tpu.memory_space<hbm>> -> memref<4096xi32, #tpu.memory_space<hbm>>
      tpu.wait_dma2 semaphore(%run_scoped3A : memref<!tpu.dma_semaphore, #tpu.memory_space<semaphore_mem>>) src(%dma_wait3A_20 : memref<4096xi32, #tpu.memory_space<hbm>>) dst(%arg11 : memref<4096xi32, #tpu.memory_space<vmem>>)
      tpu.yield
    }) : () -> ()
    "tpu.region"() ({
      %run_scoped3A = tpu.sem_alloc : memref<!tpu.dma_semaphore, #tpu.memory_space<semaphore_mem>>
      %dma_start3A = tpu.memref_slice %arg4[%mul3A_2] : memref<131072xi32, #tpu.memory_space<hbm>> -> memref<4096xi32, #tpu.memory_space<hbm>>
      %dma_start3A_19 = tpu.memref_slice %arg4[%mul3A_2] : memref<131072xi32, #tpu.memory_space<hbm>> -> memref<4096xi32, #tpu.memory_space<hbm>>
      tpu.enqueue_dma source(%dma_start3A_19 : memref<4096xi32, #tpu.memory_space<hbm>>) target(%arg12 : memref<4096xi32, #tpu.memory_space<vmem>>) target_semaphore(%run_scoped3A : memref<!tpu.dma_semaphore, #tpu.memory_space<semaphore_mem>>)
      %dma_wait3A = tpu.memref_slice %arg4[%mul3A_2] : memref<131072xi32, #tpu.memory_space<hbm>> -> memref<4096xi32, #tpu.memory_space<hbm>>
      %dma_wait3A_20 = tpu.memref_slice %arg4[%mul3A_2] : memref<131072xi32, #tpu.memory_space<hbm>> -> memref<4096xi32, #tpu.memory_space<hbm>>
      tpu.wait_dma2 semaphore(%run_scoped3A : memref<!tpu.dma_semaphore, #tpu.memory_space<semaphore_mem>>) src(%dma_wait3A_20 : memref<4096xi32, #tpu.memory_space<hbm>>) dst(%arg12 : memref<4096xi32, #tpu.memory_space<vmem>>)
      tpu.yield
    }) : () -> ()
    "tpu.region"() ({
      %run_scoped3A = tpu.sem_alloc : memref<!tpu.dma_semaphore, #tpu.memory_space<semaphore_mem>>
      %dma_start3A = tpu.memref_slice %arg5[%mul3A_2] : memref<131072xf32, #tpu.memory_space<hbm>> -> memref<4096xf32, #tpu.memory_space<hbm>>
      %dma_start3A_19 = tpu.memref_slice %arg5[%mul3A_2] : memref<131072xf32, #tpu.memory_space<hbm>> -> memref<4096xf32, #tpu.memory_space<hbm>>
      tpu.enqueue_dma source(%dma_start3A_19 : memref<4096xf32, #tpu.memory_space<hbm>>) target(%arg13 : memref<4096xf32, #tpu.memory_space<vmem>>) target_semaphore(%run_scoped3A : memref<!tpu.dma_semaphore, #tpu.memory_space<semaphore_mem>>)
      %dma_wait3A = tpu.memref_slice %arg5[%mul3A_2] : memref<131072xf32, #tpu.memory_space<hbm>> -> memref<4096xf32, #tpu.memory_space<hbm>>
      %dma_wait3A_20 = tpu.memref_slice %arg5[%mul3A_2] : memref<131072xf32, #tpu.memory_space<hbm>> -> memref<4096xf32, #tpu.memory_space<hbm>>
      tpu.wait_dma2 semaphore(%run_scoped3A : memref<!tpu.dma_semaphore, #tpu.memory_space<semaphore_mem>>) src(%dma_wait3A_20 : memref<4096xf32, #tpu.memory_space<hbm>>) dst(%arg13 : memref<4096xf32, #tpu.memory_space<vmem>>)
      tpu.yield
    }) : () -> ()
    "tpu.region"() ({
      %run_scoped3A = tpu.sem_alloc : memref<!tpu.dma_semaphore, #tpu.memory_space<semaphore_mem>>
      tpu.enqueue_dma source(%arg6 : memref<16xf32, #tpu.memory_space<hbm>>) target(%arg17 : memref<16xf32, #tpu.memory_space<vmem>>) target_semaphore(%run_scoped3A : memref<!tpu.dma_semaphore, #tpu.memory_space<semaphore_mem>>)
      tpu.wait_dma2 semaphore(%run_scoped3A : memref<!tpu.dma_semaphore, #tpu.memory_space<semaphore_mem>>) src(%arg6 : memref<16xf32, #tpu.memory_space<hbm>>) dst(%arg17 : memref<16xf32, #tpu.memory_space<vmem>>)
      tpu.yield
    }) : () -> ()
    %get3A = arith.constant 0 : index
    %get3A_3 = tpu.vector_load %arg17[%get3A] {strides = array<i32>} : memref<16xf32, #tpu.memory_space<vmem>>, vector<16xf32>,
    %broadcast_in_dim3A = arith.constant 0.000000e+00 : f32
    %broadcast_in_dim3A_4 = vector.broadcast %broadcast_in_dim3A : f32 to vector<16xf32>
    %scan3A = arith.constant 0 : i32
    %scan3A_5 = arith.constant 256 : i32
    %scan3A_6 = arith.addi %scan3A, %scan3A_5 : i32
    %scan3A_7 = arith.constant 1 : i32
    scf.for %scan3A_19 = %scan3A to %scan3A_6 step %scan3A_7  : i32 {
      %mul3A_20 = arith.constant 1 : i32
      %mul3A_21 = arith.muli %scan3A_19, %mul3A_20 : i32
      %add3A_22 = arith.constant 0 : i32
      %add3A_23 = arith.addi %add3A_22, %mul3A_21 : i32
      %jit3A = arith.constant 16 : i32
      %div3A = arith.divsi %add3A_23, %jit3A : i32
      %sign3A = arith.constant 0 : i32
      %sign3A_24 = arith.cmpi sgt, %add3A_23, %sign3A : i32
      %sign3A_25 = arith.extui %sign3A_24 : i1 to i32
      %sign3A_26 = arith.constant 0 : i32
      %sign3A_27 = arith.cmpi slt, %add3A_23, %sign3A_26 : i32
      %sign3A_28 = arith.extui %sign3A_27 : i1 to i32
      %sign3A_29 = arith.subi %sign3A_25, %sign3A_28 : i32
      %sign3A_30 = arith.constant 0 : i32
      %sign3A_31 = arith.cmpi sgt, %jit3A, %sign3A_30 : i32
      %sign3A_32 = arith.extui %sign3A_31 : i1 to i32
      %sign3A_33 = arith.constant 0 : i32
      %sign3A_34 = arith.cmpi slt, %jit3A, %sign3A_33 : i32
      %sign3A_35 = arith.extui %sign3A_34 : i1 to i32
      %sign3A_36 = arith.subi %sign3A_32, %sign3A_35 : i32
      %ne3A = arith.cmpi ne, %sign3A_29, %sign3A_36 : i32
      %rem3A = arith.remsi %add3A_23, %jit3A : i32
      %ne3A_37 = arith.constant 0 : i32
      %ne3A_38 = arith.cmpi ne, %rem3A, %ne3A_37 : i32
      %and3A = arith.andi %ne3A, %ne3A_38 : i1
      %sub3A = arith.constant 1 : i32
      %sub3A_39 = arith.subi %div3A, %sub3A : i32
      %select_n3A = arith.select %and3A, %sub3A_39, %div3A : i32
      %jit3A_40 = arith.constant 16 : i32
      %eq3A = arith.constant 0 : i32
      %eq3A_41 = arith.cmpi eq, %jit3A_40, %eq3A : i32
      %jit3A_42 = arith.constant 1 : i32
      %select_n3A_43 = arith.select %eq3A_41, %jit3A_42, %jit3A_40 : i32
      %rem3A_44 = arith.remsi %add3A_23, %select_n3A_43 : i32
      %ne3A_45 = arith.constant 0 : i32
      %ne3A_46 = arith.cmpi ne, %rem3A_44, %ne3A_45 : i32
      %lt3A = arith.constant 0 : i32
      %lt3A_47 = arith.cmpi slt, %rem3A_44, %lt3A : i32
      %lt3A_48 = arith.constant 0 : i32
      %lt3A_49 = arith.cmpi slt, %select_n3A_43, %lt3A_48 : i32
      %ne3A_50 = arith.xori %lt3A_47, %lt3A_49 : i1
      %and3A_51 = arith.andi %ne3A_50, %ne3A_46 : i1
      %add3A_52 = arith.addi %rem3A_44, %select_n3A_43 : i32
      %select_n3A_53 = arith.select %and3A_51, %add3A_52, %rem3A_44 : i32
      %mul3A_54 = arith.constant 16 : i32
      %mul3A_55 = arith.muli %select_n3A_53, %mul3A_54 : i32
      %swap3A = arith.index_cast %select_n3A : i32 to index
      %swap3A_56 = arith.index_cast %mul3A_55 : i32 to index
      %swap3A_57 = tpu.vector_load %arg16[%swap3A, %swap3A_56] {strides = array<i32>} : memref<16x256xf32, #tpu.memory_space<vmem>>, vector<16xf32>,
      tpu.vector_store %arg16[%swap3A, %swap3A_56], %broadcast_in_dim3A_4 {strides = array<i32>} : memref<16x256xf32, #tpu.memory_space<vmem>>, vector<16xf32>,
    }
    %scan3A_8 = arith.constant 256 : i32
    %scan3A_9 = arith.constant 0 : i32
    %scan3A_10 = arith.constant 32 : i32
    %scan3A_11 = arith.addi %scan3A_9, %scan3A_10 : i32
    %scan3A_12 = arith.constant 1 : i32
    scf.for %scan3A_19 = %scan3A_9 to %scan3A_11 step %scan3A_12  : i32 {
      %mul3A_20 = arith.constant 1 : i32
      %mul3A_21 = arith.muli %scan3A_19, %mul3A_20 : i32
      %add3A_22 = arith.constant 0 : i32
      %add3A_23 = arith.addi %add3A_22, %mul3A_21 : i32
      %mul3A_24 = arith.constant 8 : i32
      %mul3A_25 = arith.muli %add3A_23, %mul3A_24 : i32
      %add3A_26 = arith.constant 0 : i32
      %add3A_27 = arith.addi %mul3A_25, %add3A_26 : i32
      %mul3A_28 = arith.constant 16 : i32
      %mul3A_29 = arith.muli %add3A_27, %mul3A_28 : i32
      %get3A_30 = arith.index_cast %mul3A_29 : i32 to index
      %get3A_31 = tpu.vector_load %arg10[%get3A_30] {strides = array<i32>} : memref<4096xi32, #tpu.memory_space<vmem>>, vector<16xi32>,
      %mul3A_32 = arith.constant 2048 : i32
      %mul3A_33 = vector.broadcast %mul3A_32 : i32 to vector<16xi32>
      %mul3A_34 = arith.muli %get3A_31, %mul3A_33 : vector<16xi32>
      %get3A_35 = arith.index_cast %mul3A_29 : i32 to index
      %get3A_36 = tpu.vector_load %arg11[%get3A_35] {strides = array<i32>} : memref<4096xi32, #tpu.memory_space<vmem>>, vector<16xi32>,
      %add3A_37 = arith.addi %mul3A_34, %get3A_36 : vector<16xi32>
      %swap3A = arith.index_cast %add3A_23 : i32 to index
      %swap3A_38 = arith.constant 0 : index
      %swap3A_39 = tpu.vector_load %arg14[%swap3A, %swap3A_38] {strides = array<i32>} : memref<32x128xi32, #tpu.memory_space<vmem>>, vector<16xi32>,
      tpu.vector_store %arg14[%swap3A, %swap3A_38], %add3A_37 {strides = array<i32>} : memref<32x128xi32, #tpu.memory_space<vmem>>, vector<16xi32>,
      %mul3A_40 = arith.constant 8 : i32
      %mul3A_41 = arith.muli %add3A_23, %mul3A_40 : i32
      %add3A_42 = arith.constant 1 : i32
      %add3A_43 = arith.addi %mul3A_41, %add3A_42 : i32
      %mul3A_44 = arith.constant 16 : i32
      %mul3A_45 = arith.muli %add3A_43, %mul3A_44 : i32
      %get3A_46 = arith.index_cast %mul3A_45 : i32 to index
      %get3A_47 = tpu.vector_load %arg10[%get3A_46] {strides = array<i32>} : memref<4096xi32, #tpu.memory_space<vmem>>, vector<16xi32>,
      %mul3A_48 = arith.constant 2048 : i32
      %mul3A_49 = vector.broadcast %mul3A_48 : i32 to vector<16xi32>
      %mul3A_50 = arith.muli %get3A_47, %mul3A_49 : vector<16xi32>
      %get3A_51 = arith.index_cast %mul3A_45 : i32 to index
      %get3A_52 = tpu.vector_load %arg11[%get3A_51] {strides = array<i32>} : memref<4096xi32, #tpu.memory_space<vmem>>, vector<16xi32>,
      %add3A_53 = arith.addi %mul3A_50, %get3A_52 : vector<16xi32>
      %swap3A_54 = arith.index_cast %add3A_23 : i32 to index
      %swap3A_55 = arith.constant 16 : index
      %swap3A_56 = tpu.vector_load %arg14[%swap3A_54, %swap3A_55] {strides = array<i32>} : memref<32x128xi32, #tpu.memory_space<vmem>>, vector<16xi32>,
      tpu.vector_store %arg14[%swap3A_54, %swap3A_55], %add3A_53 {strides = array<i32>} : memref<32x128xi32, #tpu.memory_space<vmem>>, vector<16xi32>,
      %mul3A_57 = arith.constant 8 : i32
      %mul3A_58 = arith.muli %add3A_23, %mul3A_57 : i32
      %add3A_59 = arith.constant 2 : i32
      %add3A_60 = arith.addi %mul3A_58, %add3A_59 : i32
      %mul3A_61 = arith.constant 16 : i32
      %mul3A_62 = arith.muli %add3A_60, %mul3A_61 : i32
      %get3A_63 = arith.index_cast %mul3A_62 : i32 to index
      %get3A_64 = tpu.vector_load %arg10[%get3A_63] {strides = array<i32>} : memref<4096xi32, #tpu.memory_space<vmem>>, vector<16xi32>,
      %mul3A_65 = arith.constant 2048 : i32
      %mul3A_66 = vector.broadcast %mul3A_65 : i32 to vector<16xi32>
      %mul3A_67 = arith.muli %get3A_64, %mul3A_66 : vector<16xi32>
      %get3A_68 = arith.index_cast %mul3A_62 : i32 to index
      %get3A_69 = tpu.vector_load %arg11[%get3A_68] {strides = array<i32>} : memref<4096xi32, #tpu.memory_space<vmem>>, vector<16xi32>,
      %add3A_70 = arith.addi %mul3A_67, %get3A_69 : vector<16xi32>
      %swap3A_71 = arith.index_cast %add3A_23 : i32 to index
      %swap3A_72 = arith.constant 32 : index
      %swap3A_73 = tpu.vector_load %arg14[%swap3A_71, %swap3A_72] {strides = array<i32>} : memref<32x128xi32, #tpu.memory_space<vmem>>, vector<16xi32>,
      tpu.vector_store %arg14[%swap3A_71, %swap3A_72], %add3A_70 {strides = array<i32>} : memref<32x128xi32, #tpu.memory_space<vmem>>, vector<16xi32>,
      %mul3A_74 = arith.constant 8 : i32
      %mul3A_75 = arith.muli %add3A_23, %mul3A_74 : i32
      %add3A_76 = arith.constant 3 : i32
      %add3A_77 = arith.addi %mul3A_75, %add3A_76 : i32
      %mul3A_78 = arith.constant 16 : i32
      %mul3A_79 = arith.muli %add3A_77, %mul3A_78 : i32
      %get3A_80 = arith.index_cast %mul3A_79 : i32 to index
      %get3A_81 = tpu.vector_load %arg10[%get3A_80] {strides = array<i32>} : memref<4096xi32, #tpu.memory_space<vmem>>, vector<16xi32>,
      %mul3A_82 = arith.constant 2048 : i32
      %mul3A_83 = vector.broadcast %mul3A_82 : i32 to vector<16xi32>
      %mul3A_84 = arith.muli %get3A_81, %mul3A_83 : vector<16xi32>
      %get3A_85 = arith.index_cast %mul3A_79 : i32 to index
      %get3A_86 = tpu.vector_load %arg11[%get3A_85] {strides = array<i32>} : memref<4096xi32, #tpu.memory_space<vmem>>, vector<16xi32>,
      %add3A_87 = arith.addi %mul3A_84, %get3A_86 : vector<16xi32>
      %swap3A_88 = arith.index_cast %add3A_23 : i32 to index
      %swap3A_89 = arith.constant 48 : index
      %swap3A_90 = tpu.vector_load %arg14[%swap3A_88, %swap3A_89] {strides = array<i32>} : memref<32x128xi32, #tpu.memory_space<vmem>>, vector<16xi32>,
      tpu.vector_store %arg14[%swap3A_88, %swap3A_89], %add3A_87 {strides = array<i32>} : memref<32x128xi32, #tpu.memory_space<vmem>>, vector<16xi32>,
      %mul3A_91 = arith.constant 8 : i32
      %mul3A_92 = arith.muli %add3A_23, %mul3A_91 : i32
      %add3A_93 = arith.constant 4 : i32
      %add3A_94 = arith.addi %mul3A_92, %add3A_93 : i32
      %mul3A_95 = arith.constant 16 : i32
      %mul3A_96 = arith.muli %add3A_94, %mul3A_95 : i32
      %get3A_97 = arith.index_cast %mul3A_96 : i32 to index
      %get3A_98 = tpu.vector_load %arg10[%get3A_97] {strides = array<i32>} : memref<4096xi32, #tpu.memory_space<vmem>>, vector<16xi32>,
      %mul3A_99 = arith.constant 2048 : i32
      %mul3A_100 = vector.broadcast %mul3A_99 : i32 to vector<16xi32>
      %mul3A_101 = arith.muli %get3A_98, %mul3A_100 : vector<16xi32>
      %get3A_102 = arith.index_cast %mul3A_96 : i32 to index
      %get3A_103 = tpu.vector_load %arg11[%get3A_102] {strides = array<i32>} : memref<4096xi32, #tpu.memory_space<vmem>>, vector<16xi32>,
      %add3A_104 = arith.addi %mul3A_101, %get3A_103 : vector<16xi32>
      %swap3A_105 = arith.index_cast %add3A_23 : i32 to index
      %swap3A_106 = arith.constant 64 : index
      %swap3A_107 = tpu.vector_load %arg14[%swap3A_105, %swap3A_106] {strides = array<i32>} : memref<32x128xi32, #tpu.memory_space<vmem>>, vector<16xi32>,
      tpu.vector_store %arg14[%swap3A_105, %swap3A_106], %add3A_104 {strides = array<i32>} : memref<32x128xi32, #tpu.memory_space<vmem>>, vector<16xi32>,
      %mul3A_108 = arith.constant 8 : i32
      %mul3A_109 = arith.muli %add3A_23, %mul3A_108 : i32
      %add3A_110 = arith.constant 5 : i32
      %add3A_111 = arith.addi %mul3A_109, %add3A_110 : i32
      %mul3A_112 = arith.constant 16 : i32
      %mul3A_113 = arith.muli %add3A_111, %mul3A_112 : i32
      %get3A_114 = arith.index_cast %mul3A_113 : i32 to index
      %get3A_115 = tpu.vector_load %arg10[%get3A_114] {strides = array<i32>} : memref<4096xi32, #tpu.memory_space<vmem>>, vector<16xi32>,
      %mul3A_116 = arith.constant 2048 : i32
      %mul3A_117 = vector.broadcast %mul3A_116 : i32 to vector<16xi32>
      %mul3A_118 = arith.muli %get3A_115, %mul3A_117 : vector<16xi32>
      %get3A_119 = arith.index_cast %mul3A_113 : i32 to index
      %get3A_120 = tpu.vector_load %arg11[%get3A_119] {strides = array<i32>} : memref<4096xi32, #tpu.memory_space<vmem>>, vector<16xi32>,
      %add3A_121 = arith.addi %mul3A_118, %get3A_120 : vector<16xi32>
      %swap3A_122 = arith.index_cast %add3A_23 : i32 to index
      %swap3A_123 = arith.constant 80 : index
      %swap3A_124 = tpu.vector_load %arg14[%swap3A_122, %swap3A_123] {strides = array<i32>} : memref<32x128xi32, #tpu.memory_space<vmem>>, vector<16xi32>,
      tpu.vector_store %arg14[%swap3A_122, %swap3A_123], %add3A_121 {strides = array<i32>} : memref<32x128xi32, #tpu.memory_space<vmem>>, vector<16xi32>,
      %mul3A_125 = arith.constant 8 : i32
      %mul3A_126 = arith.muli %add3A_23, %mul3A_125 : i32
      %add3A_127 = arith.constant 6 : i32
      %add3A_128 = arith.addi %mul3A_126, %add3A_127 : i32
      %mul3A_129 = arith.constant 16 : i32
      %mul3A_130 = arith.muli %add3A_128, %mul3A_129 : i32
      %get3A_131 = arith.index_cast %mul3A_130 : i32 to index
      %get3A_132 = tpu.vector_load %arg10[%get3A_131] {strides = array<i32>} : memref<4096xi32, #tpu.memory_space<vmem>>, vector<16xi32>,
      %mul3A_133 = arith.constant 2048 : i32
      %mul3A_134 = vector.broadcast %mul3A_133 : i32 to vector<16xi32>
      %mul3A_135 = arith.muli %get3A_132, %mul3A_134 : vector<16xi32>
      %get3A_136 = arith.index_cast %mul3A_130 : i32 to index
      %get3A_137 = tpu.vector_load %arg11[%get3A_136] {strides = array<i32>} : memref<4096xi32, #tpu.memory_space<vmem>>, vector<16xi32>,
      %add3A_138 = arith.addi %mul3A_135, %get3A_137 : vector<16xi32>
      %swap3A_139 = arith.index_cast %add3A_23 : i32 to index
      %swap3A_140 = arith.constant 96 : index
      %swap3A_141 = tpu.vector_load %arg14[%swap3A_139, %swap3A_140] {strides = array<i32>} : memref<32x128xi32, #tpu.memory_space<vmem>>, vector<16xi32>,
      tpu.vector_store %arg14[%swap3A_139, %swap3A_140], %add3A_138 {strides = array<i32>} : memref<32x128xi32, #tpu.memory_space<vmem>>, vector<16xi32>,
      %mul3A_142 = arith.constant 8 : i32
      %mul3A_143 = arith.muli %add3A_23, %mul3A_142 : i32
      %add3A_144 = arith.constant 7 : i32
      %add3A_145 = arith.addi %mul3A_143, %add3A_144 : i32
      %mul3A_146 = arith.constant 16 : i32
      %mul3A_147 = arith.muli %add3A_145, %mul3A_146 : i32
      %get3A_148 = arith.index_cast %mul3A_147 : i32 to index
      %get3A_149 = tpu.vector_load %arg10[%get3A_148] {strides = array<i32>} : memref<4096xi32, #tpu.memory_space<vmem>>, vector<16xi32>,
      %mul3A_150 = arith.constant 2048 : i32
      %mul3A_151 = vector.broadcast %mul3A_150 : i32 to vector<16xi32>
      %mul3A_152 = arith.muli %get3A_149, %mul3A_151 : vector<16xi32>
      %get3A_153 = arith.index_cast %mul3A_147 : i32 to index
      %get3A_154 = tpu.vector_load %arg11[%get3A_153] {strides = array<i32>} : memref<4096xi32, #tpu.memory_space<vmem>>, vector<16xi32>,
      %add3A_155 = arith.addi %mul3A_152, %get3A_154 : vector<16xi32>
      %swap3A_156 = arith.index_cast %add3A_23 : i32 to index
      %swap3A_157 = arith.constant 112 : index
      %swap3A_158 = tpu.vector_load %arg14[%swap3A_156, %swap3A_157] {strides = array<i32>} : memref<32x128xi32, #tpu.memory_space<vmem>>, vector<16xi32>,
      tpu.vector_store %arg14[%swap3A_156, %swap3A_157], %add3A_155 {strides = array<i32>} : memref<32x128xi32, #tpu.memory_space<vmem>>, vector<16xi32>,
      %dma_start3A = arith.constant 0 : i32
      %dma_start3A_159 = tpu.memref_slice %arg15[%add3A_23, %dma_start3A] : memref<32x128xf32, #tpu.memory_space<vmem>> -> memref<1x128xf32, #tpu.memory_space<vmem>>
      %dma_start3A_160 = tpu.memref_squeeze %dma_start3A_159 : memref<1x128xf32, #tpu.memory_space<vmem>> -> memref<128xf32, #tpu.memory_space<vmem>>
      %dma_start3A_161 = arith.constant 0 : i32
      %dma_start3A_162 = tpu.memref_slice %arg14[%add3A_23, %dma_start3A_161] : memref<32x128xi32, #tpu.memory_space<vmem>> -> memref<1x128xi32, #tpu.memory_space<vmem>>
      %dma_start3A_163 = tpu.memref_squeeze %dma_start3A_162 : memref<1x128xi32, #tpu.memory_space<vmem>> -> memref<128xi32, #tpu.memory_space<vmem>>
      %dma_start3A_164 = arith.constant 0 : i32
      %dma_start3A_165 = tpu.memref_slice %arg7[%dma_start3A_164] : memref<4194304xf32, #tpu.memory_space<hbm>> -> memref<4194304xf32, #tpu.memory_space<hbm>>
      tpu.enqueue_indirect_dma source(%dma_start3A_165 : memref<4194304xf32, #tpu.memory_space<hbm>>) target(%dma_start3A_160 : memref<128xf32, #tpu.memory_space<vmem>>) offsets(%dma_start3A_163 : memref<128xi32, #tpu.memory_space<vmem>>) semaphore(%arg18 : memref<!tpu.dma_semaphore, #tpu.memory_space<semaphore_mem>>)
    }
    %scan3A_13 = arith.constant 32 : i32
    %iota3A = tpu.iota {dimensions = array<i32: 0>} : vector<16xi32>
    %scan3A_14 = arith.constant 0 : i32
    %scan3A_15 = arith.constant 32 : i32
    %scan3A_16 = arith.addi %scan3A_14, %scan3A_15 : i32
    %scan3A_17 = arith.constant 1 : i32
    scf.for %scan3A_19 = %scan3A_14 to %scan3A_16 step %scan3A_17  : i32 {
      %mul3A_20 = arith.constant 1 : i32
      %mul3A_21 = arith.muli %scan3A_19, %mul3A_20 : i32
      %add3A_22 = arith.constant 0 : i32
      %add3A_23 = arith.addi %add3A_22, %mul3A_21 : i32
      %dma_wait3A = arith.constant 0 : i32
      %dma_wait3A_24 = tpu.memref_slice %arg15[%add3A_23, %dma_wait3A] : memref<32x128xf32, #tpu.memory_space<vmem>> -> memref<1x128xf32, #tpu.memory_space<vmem>>
      %dma_wait3A_25 = tpu.memref_squeeze %dma_wait3A_24 : memref<1x128xf32, #tpu.memory_space<vmem>> -> memref<128xf32, #tpu.memory_space<vmem>>
      %dma_wait3A_26 = arith.constant 0 : i32
      %dma_wait3A_27 = tpu.memref_slice %arg14[%add3A_23, %dma_wait3A_26] : memref<32x128xi32, #tpu.memory_space<vmem>> -> memref<1x128xi32, #tpu.memory_space<vmem>>
      %dma_wait3A_28 = tpu.memref_squeeze %dma_wait3A_27 : memref<1x128xi32, #tpu.memory_space<vmem>> -> memref<128xi32, #tpu.memory_space<vmem>>
      %dma_wait3A_29 = arith.constant 0 : i32
      %dma_wait3A_30 = tpu.memref_slice %arg7[%dma_wait3A_29] : memref<4194304xf32, #tpu.memory_space<hbm>> -> memref<4194304xf32, #tpu.memory_space<hbm>>
      tpu.wait_indirect_dma semaphore(%arg18 : memref<!tpu.dma_semaphore, #tpu.memory_space<semaphore_mem>>) src(%dma_wait3A_30 : memref<4194304xf32, #tpu.memory_space<hbm>>) dst(%dma_wait3A_25 : memref<128xf32, #tpu.memory_space<vmem>>)
      %mul3A_31 = arith.constant 8 : i32
      %mul3A_32 = arith.muli %add3A_23, %mul3A_31 : i32
      %add3A_33 = arith.constant 0 : i32
      %add3A_34 = arith.addi %mul3A_32, %add3A_33 : i32
      %mul3A_35 = arith.constant 16 : i32
      %mul3A_36 = arith.muli %add3A_34, %mul3A_35 : i32
      %get3A_37 = arith.index_cast %mul3A_36 : i32 to index
      %get3A_38 = tpu.vector_load %arg12[%get3A_37] {strides = array<i32>} : memref<4096xi32, #tpu.memory_space<vmem>>, vector<16xi32>,
      %get3A_39 = arith.index_cast %mul3A_36 : i32 to index
      %get3A_40 = tpu.vector_load %arg13[%get3A_39] {strides = array<i32>} : memref<4096xf32, #tpu.memory_space<vmem>>, vector<16xf32>,
      %get3A_41 = arith.index_cast %add3A_23 : i32 to index
      %get3A_42 = arith.constant 0 : index
      %get3A_43 = tpu.vector_load %arg15[%get3A_41, %get3A_42] {strides = array<i32>} : memref<32x128xf32, #tpu.memory_space<vmem>>, vector<16xf32>,
      %add3A_44 = arith.constant 1.000000e+00 : f32
      %add3A_45 = vector.broadcast %add3A_44 : f32 to vector<16xf32>
      %add3A_46 = arith.addf %add3A_45, %get3A_43 : vector<16xf32>
      %mul3A_47 = arith.mulf %get3A_40, %add3A_46 : vector<16xf32>
      %lt3A = arith.cmpf olt, %mul3A_47, %get3A_3 : vector<16xf32>
      %jit3A = arith.constant 0 : i32
      %broadcast_in_dim3A_48 = vector.broadcast %jit3A : i32 to vector<16xi32>
      %select_n3A = arith.select %lt3A, %get3A_38, %broadcast_in_dim3A_48 : vector<16xi1>, vector<16xi32>
      %reduce_sum3A = arith.constant true
      %reduce_sum3A_49 = vector.broadcast %reduce_sum3A : i1 to vector<16xi1>
      %reduce_sum3A_50 = tpu.scan <sum>, %select_n3A masked %reduce_sum3A_49 : vector<16xi32>, vector<16xi1> -> vector<16xi32>
      %reduce_sum3A_51 = vector.extract %reduce_sum3A_50[15] : i32 from vector<16xi32>
      %gt3A = arith.constant 0 : i32
      %gt3A_52 = arith.cmpi sgt, %reduce_sum3A_51, %gt3A : i32
      %convert_element_type3A = arith.extui %gt3A_52 : i1 to i32
      %cond3A = arith.constant 0 : i32
      %cond3A_53 = arith.cmpi ne, %convert_element_type3A, %cond3A : i32
      scf.if %cond3A_53 {
        %mul3A_264 = arith.constant 8 : i32
        %mul3A_265 = arith.muli %add3A_23, %mul3A_264 : i32
        %add3A_266 = arith.constant 0 : i32
        %add3A_267 = arith.addi %mul3A_265, %add3A_266 : i32
        %mul3A_268 = arith.constant 16 : i32
        %mul3A_269 = arith.muli %add3A_267, %mul3A_268 : i32
        %add3A_270 = arith.addi %mul3A_2, %mul3A_269 : i32
        %add3A_271 = vector.broadcast %add3A_270 : i32 to vector<16xi32>
        %add3A_272 = arith.addi %add3A_271, %iota3A : vector<16xi32>
        %eq3A = arith.constant 1 : i32
        %eq3A_273 = vector.broadcast %eq3A : i32 to vector<16xi32>
        %eq3A_274 = arith.cmpi eq, %select_n3A, %eq3A_273 : vector<16xi32>
        %jit3A_275 = arith.constant 1073741824 : i32
        %broadcast_in_dim3A_276 = vector.broadcast %jit3A_275 : i32 to vector<16xi32>
        %select_n3A_277 = arith.select %eq3A_274, %add3A_272, %broadcast_in_dim3A_276 : vector<16xi1>, vector<16xi32>
        %reduce_min3A = arith.constant true
        %reduce_min3A_278 = vector.broadcast %reduce_min3A : i1 to vector<16xi1>
        %reduce_min3A_279 = arith.constant -2147483648 : i32
        %reduce_min3A_280 = vector.broadcast %reduce_min3A_279 : i32 to vector<16xi32>
        %reduce_min3A_281 = arith.xori %select_n3A_277, %reduce_min3A_280 : vector<16xi32>
        %reduce_min3A_282 = tpu.scan <min>, %reduce_min3A_281 masked %reduce_min3A_278 : vector<16xi32>, vector<16xi1> -> vector<16xi32>
        %reduce_min3A_283 = arith.xori %reduce_min3A_282, %reduce_min3A_280 : vector<16xi32>
        %reduce_min3A_284 = vector.extract %reduce_min3A_283[15] : i32 from vector<16xi32>
        %eq3A_285 = arith.constant 1 : i32
        %eq3A_286 = vector.broadcast %eq3A_285 : i32 to vector<16xi32>
        %eq3A_287 = arith.cmpi eq, %select_n3A, %eq3A_286 : vector<16xi32>
        %broadcast_in_dim3A_288 = vector.broadcast %reduce_min3A_284 : i32 to vector<16xi32>
        %select_n3A_289 = arith.select %eq3A_287, %add3A_272, %broadcast_in_dim3A_288 : vector<16xi1>, vector<16xi32>
        %dma_start3A = arith.constant 0 : i32
        %dma_start3A_290 = arith.constant 0 : i32
        %dma_start3A_291 = tpu.memref_slice %arg8[%dma_start3A, %dma_start3A_290] : memref<131072x256xf32, #tpu.memory_space<hbm>> -> memref<131072x256xf32, #tpu.memory_space<hbm>>
        tpu.enqueue_indirect_dma source(%arg16 : memref<16x256xf32, #tpu.memory_space<vmem>>) target(%dma_start3A_291 : memref<131072x256xf32, #tpu.memory_space<hbm>>) offsets(%select_n3A_289 : vector<16xi32>) semaphore(%arg19 : memref<!tpu.dma_semaphore, #tpu.memory_space<semaphore_mem>>)
        %dma_wait3A_292 = arith.constant 0 : i32
        %dma_wait3A_293 = arith.constant 0 : i32
        %dma_wait3A_294 = tpu.memref_slice %arg8[%dma_wait3A_292, %dma_wait3A_293] : memref<131072x256xf32, #tpu.memory_space<hbm>> -> memref<131072x256xf32, #tpu.memory_space<hbm>>
        tpu.wait_indirect_dma semaphore(%arg19 : memref<!tpu.dma_semaphore, #tpu.memory_space<semaphore_mem>>) src(%arg16 : memref<16x256xf32, #tpu.memory_space<vmem>>) dst(%dma_wait3A_294 : memref<131072x256xf32, #tpu.memory_space<hbm>>)
      } else {
      }
      %mul3A_54 = arith.constant 8 : i32
      %mul3A_55 = arith.muli %add3A_23, %mul3A_54 : i32
      %add3A_56 = arith.constant 1 : i32
      %add3A_57 = arith.addi %mul3A_55, %add3A_56 : i32
      %mul3A_58 = arith.constant 16 : i32
      %mul3A_59 = arith.muli %add3A_57, %mul3A_58 : i32
      %get3A_60 = arith.index_cast %mul3A_59 : i32 to index
      %get3A_61 = tpu.vector_load %arg12[%get3A_60] {strides = array<i32>} : memref<4096xi32, #tpu.memory_space<vmem>>, vector<16xi32>,
      %get3A_62 = arith.index_cast %mul3A_59 : i32 to index
      %get3A_63 = tpu.vector_load %arg13[%get3A_62] {strides = array<i32>} : memref<4096xf32, #tpu.memory_space<vmem>>, vector<16xf32>,
      %get3A_64 = arith.index_cast %add3A_23 : i32 to index
      %get3A_65 = arith.constant 16 : index
      %get3A_66 = tpu.vector_load %arg15[%get3A_64, %get3A_65] {strides = array<i32>} : memref<32x128xf32, #tpu.memory_space<vmem>>, vector<16xf32>,
      %add3A_67 = arith.constant 1.000000e+00 : f32
      %add3A_68 = vector.broadcast %add3A_67 : f32 to vector<16xf32>
      %add3A_69 = arith.addf %add3A_68, %get3A_66 : vector<16xf32>
      %mul3A_70 = arith.mulf %get3A_63, %add3A_69 : vector<16xf32>
      %lt3A_71 = arith.cmpf olt, %mul3A_70, %get3A_3 : vector<16xf32>
      %jit3A_72 = arith.constant 0 : i32
      %broadcast_in_dim3A_73 = vector.broadcast %jit3A_72 : i32 to vector<16xi32>
      %select_n3A_74 = arith.select %lt3A_71, %get3A_61, %broadcast_in_dim3A_73 : vector<16xi1>, vector<16xi32>
      %reduce_sum3A_75 = arith.constant true
      %reduce_sum3A_76 = vector.broadcast %reduce_sum3A_75 : i1 to vector<16xi1>
      %reduce_sum3A_77 = tpu.scan <sum>, %select_n3A_74 masked %reduce_sum3A_76 : vector<16xi32>, vector<16xi1> -> vector<16xi32>
      %reduce_sum3A_78 = vector.extract %reduce_sum3A_77[15] : i32 from vector<16xi32>
      %gt3A_79 = arith.constant 0 : i32
      %gt3A_80 = arith.cmpi sgt, %reduce_sum3A_78, %gt3A_79 : i32
      %convert_element_type3A_81 = arith.extui %gt3A_80 : i1 to i32
      %cond3A_82 = arith.constant 0 : i32
      %cond3A_83 = arith.cmpi ne, %convert_element_type3A_81, %cond3A_82 : i32
      scf.if %cond3A_83 {
        %mul3A_264 = arith.constant 8 : i32
        %mul3A_265 = arith.muli %add3A_23, %mul3A_264 : i32
        %add3A_266 = arith.constant 1 : i32
        %add3A_267 = arith.addi %mul3A_265, %add3A_266 : i32
        %mul3A_268 = arith.constant 16 : i32
        %mul3A_269 = arith.muli %add3A_267, %mul3A_268 : i32
        %add3A_270 = arith.addi %mul3A_2, %mul3A_269 : i32
        %add3A_271 = vector.broadcast %add3A_270 : i32 to vector<16xi32>
        %add3A_272 = arith.addi %add3A_271, %iota3A : vector<16xi32>
        %eq3A = arith.constant 1 : i32
        %eq3A_273 = vector.broadcast %eq3A : i32 to vector<16xi32>
        %eq3A_274 = arith.cmpi eq, %select_n3A_74, %eq3A_273 : vector<16xi32>
        %jit3A_275 = arith.constant 1073741824 : i32
        %broadcast_in_dim3A_276 = vector.broadcast %jit3A_275 : i32 to vector<16xi32>
        %select_n3A_277 = arith.select %eq3A_274, %add3A_272, %broadcast_in_dim3A_276 : vector<16xi1>, vector<16xi32>
        %reduce_min3A = arith.constant true
        %reduce_min3A_278 = vector.broadcast %reduce_min3A : i1 to vector<16xi1>
        %reduce_min3A_279 = arith.constant -2147483648 : i32
        %reduce_min3A_280 = vector.broadcast %reduce_min3A_279 : i32 to vector<16xi32>
        %reduce_min3A_281 = arith.xori %select_n3A_277, %reduce_min3A_280 : vector<16xi32>
        %reduce_min3A_282 = tpu.scan <min>, %reduce_min3A_281 masked %reduce_min3A_278 : vector<16xi32>, vector<16xi1> -> vector<16xi32>
        %reduce_min3A_283 = arith.xori %reduce_min3A_282, %reduce_min3A_280 : vector<16xi32>
        %reduce_min3A_284 = vector.extract %reduce_min3A_283[15] : i32 from vector<16xi32>
        %eq3A_285 = arith.constant 1 : i32
        %eq3A_286 = vector.broadcast %eq3A_285 : i32 to vector<16xi32>
        %eq3A_287 = arith.cmpi eq, %select_n3A_74, %eq3A_286 : vector<16xi32>
        %broadcast_in_dim3A_288 = vector.broadcast %reduce_min3A_284 : i32 to vector<16xi32>
        %select_n3A_289 = arith.select %eq3A_287, %add3A_272, %broadcast_in_dim3A_288 : vector<16xi1>, vector<16xi32>
        %dma_start3A = arith.constant 0 : i32
        %dma_start3A_290 = arith.constant 0 : i32
        %dma_start3A_291 = tpu.memref_slice %arg8[%dma_start3A, %dma_start3A_290] : memref<131072x256xf32, #tpu.memory_space<hbm>> -> memref<131072x256xf32, #tpu.memory_space<hbm>>
        tpu.enqueue_indirect_dma source(%arg16 : memref<16x256xf32, #tpu.memory_space<vmem>>) target(%dma_start3A_291 : memref<131072x256xf32, #tpu.memory_space<hbm>>) offsets(%select_n3A_289 : vector<16xi32>) semaphore(%arg19 : memref<!tpu.dma_semaphore, #tpu.memory_space<semaphore_mem>>)
        %dma_wait3A_292 = arith.constant 0 : i32
        %dma_wait3A_293 = arith.constant 0 : i32
        %dma_wait3A_294 = tpu.memref_slice %arg8[%dma_wait3A_292, %dma_wait3A_293] : memref<131072x256xf32, #tpu.memory_space<hbm>> -> memref<131072x256xf32, #tpu.memory_space<hbm>>
        tpu.wait_indirect_dma semaphore(%arg19 : memref<!tpu.dma_semaphore, #tpu.memory_space<semaphore_mem>>) src(%arg16 : memref<16x256xf32, #tpu.memory_space<vmem>>) dst(%dma_wait3A_294 : memref<131072x256xf32, #tpu.memory_space<hbm>>)
      } else {
      }
      %mul3A_84 = arith.constant 8 : i32
      %mul3A_85 = arith.muli %add3A_23, %mul3A_84 : i32
      %add3A_86 = arith.constant 2 : i32
      %add3A_87 = arith.addi %mul3A_85, %add3A_86 : i32
      %mul3A_88 = arith.constant 16 : i32
      %mul3A_89 = arith.muli %add3A_87, %mul3A_88 : i32
      %get3A_90 = arith.index_cast %mul3A_89 : i32 to index
      %get3A_91 = tpu.vector_load %arg12[%get3A_90] {strides = array<i32>} : memref<4096xi32, #tpu.memory_space<vmem>>, vector<16xi32>,
      %get3A_92 = arith.index_cast %mul3A_89 : i32 to index
      %get3A_93 = tpu.vector_load %arg13[%get3A_92] {strides = array<i32>} : memref<4096xf32, #tpu.memory_space<vmem>>, vector<16xf32>,
      %get3A_94 = arith.index_cast %add3A_23 : i32 to index
      %get3A_95 = arith.constant 32 : index
      %get3A_96 = tpu.vector_load %arg15[%get3A_94, %get3A_95] {strides = array<i32>} : memref<32x128xf32, #tpu.memory_space<vmem>>, vector<16xf32>,
      %add3A_97 = arith.constant 1.000000e+00 : f32
      %add3A_98 = vector.broadcast %add3A_97 : f32 to vector<16xf32>
      %add3A_99 = arith.addf %add3A_98, %get3A_96 : vector<16xf32>
      %mul3A_100 = arith.mulf %get3A_93, %add3A_99 : vector<16xf32>
      %lt3A_101 = arith.cmpf olt, %mul3A_100, %get3A_3 : vector<16xf32>
      %jit3A_102 = arith.constant 0 : i32
      %broadcast_in_dim3A_103 = vector.broadcast %jit3A_102 : i32 to vector<16xi32>
      %select_n3A_104 = arith.select %lt3A_101, %get3A_91, %broadcast_in_dim3A_103 : vector<16xi1>, vector<16xi32>
      %reduce_sum3A_105 = arith.constant true
      %reduce_sum3A_106 = vector.broadcast %reduce_sum3A_105 : i1 to vector<16xi1>
      %reduce_sum3A_107 = tpu.scan <sum>, %select_n3A_104 masked %reduce_sum3A_106 : vector<16xi32>, vector<16xi1> -> vector<16xi32>
      %reduce_sum3A_108 = vector.extract %reduce_sum3A_107[15] : i32 from vector<16xi32>
      %gt3A_109 = arith.constant 0 : i32
      %gt3A_110 = arith.cmpi sgt, %reduce_sum3A_108, %gt3A_109 : i32
      %convert_element_type3A_111 = arith.extui %gt3A_110 : i1 to i32
      %cond3A_112 = arith.constant 0 : i32
      %cond3A_113 = arith.cmpi ne, %convert_element_type3A_111, %cond3A_112 : i32
      scf.if %cond3A_113 {
        %mul3A_264 = arith.constant 8 : i32
        %mul3A_265 = arith.muli %add3A_23, %mul3A_264 : i32
        %add3A_266 = arith.constant 2 : i32
        %add3A_267 = arith.addi %mul3A_265, %add3A_266 : i32
        %mul3A_268 = arith.constant 16 : i32
        %mul3A_269 = arith.muli %add3A_267, %mul3A_268 : i32
        %add3A_270 = arith.addi %mul3A_2, %mul3A_269 : i32
        %add3A_271 = vector.broadcast %add3A_270 : i32 to vector<16xi32>
        %add3A_272 = arith.addi %add3A_271, %iota3A : vector<16xi32>
        %eq3A = arith.constant 1 : i32
        %eq3A_273 = vector.broadcast %eq3A : i32 to vector<16xi32>
        %eq3A_274 = arith.cmpi eq, %select_n3A_104, %eq3A_273 : vector<16xi32>
        %jit3A_275 = arith.constant 1073741824 : i32
        %broadcast_in_dim3A_276 = vector.broadcast %jit3A_275 : i32 to vector<16xi32>
        %select_n3A_277 = arith.select %eq3A_274, %add3A_272, %broadcast_in_dim3A_276 : vector<16xi1>, vector<16xi32>
        %reduce_min3A = arith.constant true
        %reduce_min3A_278 = vector.broadcast %reduce_min3A : i1 to vector<16xi1>
        %reduce_min3A_279 = arith.constant -2147483648 : i32
        %reduce_min3A_280 = vector.broadcast %reduce_min3A_279 : i32 to vector<16xi32>
        %reduce_min3A_281 = arith.xori %select_n3A_277, %reduce_min3A_280 : vector<16xi32>
        %reduce_min3A_282 = tpu.scan <min>, %reduce_min3A_281 masked %reduce_min3A_278 : vector<16xi32>, vector<16xi1> -> vector<16xi32>
        %reduce_min3A_283 = arith.xori %reduce_min3A_282, %reduce_min3A_280 : vector<16xi32>
        %reduce_min3A_284 = vector.extract %reduce_min3A_283[15] : i32 from vector<16xi32>
        %eq3A_285 = arith.constant 1 : i32
        %eq3A_286 = vector.broadcast %eq3A_285 : i32 to vector<16xi32>
        %eq3A_287 = arith.cmpi eq, %select_n3A_104, %eq3A_286 : vector<16xi32>
        %broadcast_in_dim3A_288 = vector.broadcast %reduce_min3A_284 : i32 to vector<16xi32>
        %select_n3A_289 = arith.select %eq3A_287, %add3A_272, %broadcast_in_dim3A_288 : vector<16xi1>, vector<16xi32>
        %dma_start3A = arith.constant 0 : i32
        %dma_start3A_290 = arith.constant 0 : i32
        %dma_start3A_291 = tpu.memref_slice %arg8[%dma_start3A, %dma_start3A_290] : memref<131072x256xf32, #tpu.memory_space<hbm>> -> memref<131072x256xf32, #tpu.memory_space<hbm>>
        tpu.enqueue_indirect_dma source(%arg16 : memref<16x256xf32, #tpu.memory_space<vmem>>) target(%dma_start3A_291 : memref<131072x256xf32, #tpu.memory_space<hbm>>) offsets(%select_n3A_289 : vector<16xi32>) semaphore(%arg19 : memref<!tpu.dma_semaphore, #tpu.memory_space<semaphore_mem>>)
        %dma_wait3A_292 = arith.constant 0 : i32
        %dma_wait3A_293 = arith.constant 0 : i32
        %dma_wait3A_294 = tpu.memref_slice %arg8[%dma_wait3A_292, %dma_wait3A_293] : memref<131072x256xf32, #tpu.memory_space<hbm>> -> memref<131072x256xf32, #tpu.memory_space<hbm>>
        tpu.wait_indirect_dma semaphore(%arg19 : memref<!tpu.dma_semaphore, #tpu.memory_space<semaphore_mem>>) src(%arg16 : memref<16x256xf32, #tpu.memory_space<vmem>>) dst(%dma_wait3A_294 : memref<131072x256xf32, #tpu.memory_space<hbm>>)
      } else {
      }
      %mul3A_114 = arith.constant 8 : i32
      %mul3A_115 = arith.muli %add3A_23, %mul3A_114 : i32
      %add3A_116 = arith.constant 3 : i32
      %add3A_117 = arith.addi %mul3A_115, %add3A_116 : i32
      %mul3A_118 = arith.constant 16 : i32
      %mul3A_119 = arith.muli %add3A_117, %mul3A_118 : i32
      %get3A_120 = arith.index_cast %mul3A_119 : i32 to index
      %get3A_121 = tpu.vector_load %arg12[%get3A_120] {strides = array<i32>} : memref<4096xi32, #tpu.memory_space<vmem>>, vector<16xi32>,
      %get3A_122 = arith.index_cast %mul3A_119 : i32 to index
      %get3A_123 = tpu.vector_load %arg13[%get3A_122] {strides = array<i32>} : memref<4096xf32, #tpu.memory_space<vmem>>, vector<16xf32>,
      %get3A_124 = arith.index_cast %add3A_23 : i32 to index
      %get3A_125 = arith.constant 48 : index
      %get3A_126 = tpu.vector_load %arg15[%get3A_124, %get3A_125] {strides = array<i32>} : memref<32x128xf32, #tpu.memory_space<vmem>>, vector<16xf32>,
      %add3A_127 = arith.constant 1.000000e+00 : f32
      %add3A_128 = vector.broadcast %add3A_127 : f32 to vector<16xf32>
      %add3A_129 = arith.addf %add3A_128, %get3A_126 : vector<16xf32>
      %mul3A_130 = arith.mulf %get3A_123, %add3A_129 : vector<16xf32>
      %lt3A_131 = arith.cmpf olt, %mul3A_130, %get3A_3 : vector<16xf32>
      %jit3A_132 = arith.constant 0 : i32
      %broadcast_in_dim3A_133 = vector.broadcast %jit3A_132 : i32 to vector<16xi32>
      %select_n3A_134 = arith.select %lt3A_131, %get3A_121, %broadcast_in_dim3A_133 : vector<16xi1>, vector<16xi32>
      %reduce_sum3A_135 = arith.constant true
      %reduce_sum3A_136 = vector.broadcast %reduce_sum3A_135 : i1 to vector<16xi1>
      %reduce_sum3A_137 = tpu.scan <sum>, %select_n3A_134 masked %reduce_sum3A_136 : vector<16xi32>, vector<16xi1> -> vector<16xi32>
      %reduce_sum3A_138 = vector.extract %reduce_sum3A_137[15] : i32 from vector<16xi32>
      %gt3A_139 = arith.constant 0 : i32
      %gt3A_140 = arith.cmpi sgt, %reduce_sum3A_138, %gt3A_139 : i32
      %convert_element_type3A_141 = arith.extui %gt3A_140 : i1 to i32
      %cond3A_142 = arith.constant 0 : i32
      %cond3A_143 = arith.cmpi ne, %convert_element_type3A_141, %cond3A_142 : i32
      scf.if %cond3A_143 {
        %mul3A_264 = arith.constant 8 : i32
        %mul3A_265 = arith.muli %add3A_23, %mul3A_264 : i32
        %add3A_266 = arith.constant 3 : i32
        %add3A_267 = arith.addi %mul3A_265, %add3A_266 : i32
        %mul3A_268 = arith.constant 16 : i32
        %mul3A_269 = arith.muli %add3A_267, %mul3A_268 : i32
        %add3A_270 = arith.addi %mul3A_2, %mul3A_269 : i32
        %add3A_271 = vector.broadcast %add3A_270 : i32 to vector<16xi32>
        %add3A_272 = arith.addi %add3A_271, %iota3A : vector<16xi32>
        %eq3A = arith.constant 1 : i32
        %eq3A_273 = vector.broadcast %eq3A : i32 to vector<16xi32>
        %eq3A_274 = arith.cmpi eq, %select_n3A_134, %eq3A_273 : vector<16xi32>
        %jit3A_275 = arith.constant 1073741824 : i32
        %broadcast_in_dim3A_276 = vector.broadcast %jit3A_275 : i32 to vector<16xi32>
        %select_n3A_277 = arith.select %eq3A_274, %add3A_272, %broadcast_in_dim3A_276 : vector<16xi1>, vector<16xi32>
        %reduce_min3A = arith.constant true
        %reduce_min3A_278 = vector.broadcast %reduce_min3A : i1 to vector<16xi1>
        %reduce_min3A_279 = arith.constant -2147483648 : i32
        %reduce_min3A_280 = vector.broadcast %reduce_min3A_279 : i32 to vector<16xi32>
        %reduce_min3A_281 = arith.xori %select_n3A_277, %reduce_min3A_280 : vector<16xi32>
        %reduce_min3A_282 = tpu.scan <min>, %reduce_min3A_281 masked %reduce_min3A_278 : vector<16xi32>, vector<16xi1> -> vector<16xi32>
        %reduce_min3A_283 = arith.xori %reduce_min3A_282, %reduce_min3A_280 : vector<16xi32>
        %reduce_min3A_284 = vector.extract %reduce_min3A_283[15] : i32 from vector<16xi32>
        %eq3A_285 = arith.constant 1 : i32
        %eq3A_286 = vector.broadcast %eq3A_285 : i32 to vector<16xi32>
        %eq3A_287 = arith.cmpi eq, %select_n3A_134, %eq3A_286 : vector<16xi32>
        %broadcast_in_dim3A_288 = vector.broadcast %reduce_min3A_284 : i32 to vector<16xi32>
        %select_n3A_289 = arith.select %eq3A_287, %add3A_272, %broadcast_in_dim3A_288 : vector<16xi1>, vector<16xi32>
        %dma_start3A = arith.constant 0 : i32
        %dma_start3A_290 = arith.constant 0 : i32
        %dma_start3A_291 = tpu.memref_slice %arg8[%dma_start3A, %dma_start3A_290] : memref<131072x256xf32, #tpu.memory_space<hbm>> -> memref<131072x256xf32, #tpu.memory_space<hbm>>
        tpu.enqueue_indirect_dma source(%arg16 : memref<16x256xf32, #tpu.memory_space<vmem>>) target(%dma_start3A_291 : memref<131072x256xf32, #tpu.memory_space<hbm>>) offsets(%select_n3A_289 : vector<16xi32>) semaphore(%arg19 : memref<!tpu.dma_semaphore, #tpu.memory_space<semaphore_mem>>)
        %dma_wait3A_292 = arith.constant 0 : i32
        %dma_wait3A_293 = arith.constant 0 : i32
        %dma_wait3A_294 = tpu.memref_slice %arg8[%dma_wait3A_292, %dma_wait3A_293] : memref<131072x256xf32, #tpu.memory_space<hbm>> -> memref<131072x256xf32, #tpu.memory_space<hbm>>
        tpu.wait_indirect_dma semaphore(%arg19 : memref<!tpu.dma_semaphore, #tpu.memory_space<semaphore_mem>>) src(%arg16 : memref<16x256xf32, #tpu.memory_space<vmem>>) dst(%dma_wait3A_294 : memref<131072x256xf32, #tpu.memory_space<hbm>>)
      } else {
      }
      %mul3A_144 = arith.constant 8 : i32
      %mul3A_145 = arith.muli %add3A_23, %mul3A_144 : i32
      %add3A_146 = arith.constant 4 : i32
      %add3A_147 = arith.addi %mul3A_145, %add3A_146 : i32
      %mul3A_148 = arith.constant 16 : i32
      %mul3A_149 = arith.muli %add3A_147, %mul3A_148 : i32
      %get3A_150 = arith.index_cast %mul3A_149 : i32 to index
      %get3A_151 = tpu.vector_load %arg12[%get3A_150] {strides = array<i32>} : memref<4096xi32, #tpu.memory_space<vmem>>, vector<16xi32>,
      %get3A_152 = arith.index_cast %mul3A_149 : i32 to index
      %get3A_153 = tpu.vector_load %arg13[%get3A_152] {strides = array<i32>} : memref<4096xf32, #tpu.memory_space<vmem>>, vector<16xf32>,
      %get3A_154 = arith.index_cast %add3A_23 : i32 to index
      %get3A_155 = arith.constant 64 : index
      %get3A_156 = tpu.vector_load %arg15[%get3A_154, %get3A_155] {strides = array<i32>} : memref<32x128xf32, #tpu.memory_space<vmem>>, vector<16xf32>,
      %add3A_157 = arith.constant 1.000000e+00 : f32
      %add3A_158 = vector.broadcast %add3A_157 : f32 to vector<16xf32>
      %add3A_159 = arith.addf %add3A_158, %get3A_156 : vector<16xf32>
      %mul3A_160 = arith.mulf %get3A_153, %add3A_159 : vector<16xf32>
      %lt3A_161 = arith.cmpf olt, %mul3A_160, %get3A_3 : vector<16xf32>
      %jit3A_162 = arith.constant 0 : i32
      %broadcast_in_dim3A_163 = vector.broadcast %jit3A_162 : i32 to vector<16xi32>
      %select_n3A_164 = arith.select %lt3A_161, %get3A_151, %broadcast_in_dim3A_163 : vector<16xi1>, vector<16xi32>
      %reduce_sum3A_165 = arith.constant true
      %reduce_sum3A_166 = vector.broadcast %reduce_sum3A_165 : i1 to vector<16xi1>
      %reduce_sum3A_167 = tpu.scan <sum>, %select_n3A_164 masked %reduce_sum3A_166 : vector<16xi32>, vector<16xi1> -> vector<16xi32>
      %reduce_sum3A_168 = vector.extract %reduce_sum3A_167[15] : i32 from vector<16xi32>
      %gt3A_169 = arith.constant 0 : i32
      %gt3A_170 = arith.cmpi sgt, %reduce_sum3A_168, %gt3A_169 : i32
      %convert_element_type3A_171 = arith.extui %gt3A_170 : i1 to i32
      %cond3A_172 = arith.constant 0 : i32
      %cond3A_173 = arith.cmpi ne, %convert_element_type3A_171, %cond3A_172 : i32
      scf.if %cond3A_173 {
        %mul3A_264 = arith.constant 8 : i32
        %mul3A_265 = arith.muli %add3A_23, %mul3A_264 : i32
        %add3A_266 = arith.constant 4 : i32
        %add3A_267 = arith.addi %mul3A_265, %add3A_266 : i32
        %mul3A_268 = arith.constant 16 : i32
        %mul3A_269 = arith.muli %add3A_267, %mul3A_268 : i32
        %add3A_270 = arith.addi %mul3A_2, %mul3A_269 : i32
        %add3A_271 = vector.broadcast %add3A_270 : i32 to vector<16xi32>
        %add3A_272 = arith.addi %add3A_271, %iota3A : vector<16xi32>
        %eq3A = arith.constant 1 : i32
        %eq3A_273 = vector.broadcast %eq3A : i32 to vector<16xi32>
        %eq3A_274 = arith.cmpi eq, %select_n3A_164, %eq3A_273 : vector<16xi32>
        %jit3A_275 = arith.constant 1073741824 : i32
        %broadcast_in_dim3A_276 = vector.broadcast %jit3A_275 : i32 to vector<16xi32>
        %select_n3A_277 = arith.select %eq3A_274, %add3A_272, %broadcast_in_dim3A_276 : vector<16xi1>, vector<16xi32>
        %reduce_min3A = arith.constant true
        %reduce_min3A_278 = vector.broadcast %reduce_min3A : i1 to vector<16xi1>
        %reduce_min3A_279 = arith.constant -2147483648 : i32
        %reduce_min3A_280 = vector.broadcast %reduce_min3A_279 : i32 to vector<16xi32>
        %reduce_min3A_281 = arith.xori %select_n3A_277, %reduce_min3A_280 : vector<16xi32>
        %reduce_min3A_282 = tpu.scan <min>, %reduce_min3A_281 masked %reduce_min3A_278 : vector<16xi32>, vector<16xi1> -> vector<16xi32>
        %reduce_min3A_283 = arith.xori %reduce_min3A_282, %reduce_min3A_280 : vector<16xi32>
        %reduce_min3A_284 = vector.extract %reduce_min3A_283[15] : i32 from vector<16xi32>
        %eq3A_285 = arith.constant 1 : i32
        %eq3A_286 = vector.broadcast %eq3A_285 : i32 to vector<16xi32>
        %eq3A_287 = arith.cmpi eq, %select_n3A_164, %eq3A_286 : vector<16xi32>
        %broadcast_in_dim3A_288 = vector.broadcast %reduce_min3A_284 : i32 to vector<16xi32>
        %select_n3A_289 = arith.select %eq3A_287, %add3A_272, %broadcast_in_dim3A_288 : vector<16xi1>, vector<16xi32>
        %dma_start3A = arith.constant 0 : i32
        %dma_start3A_290 = arith.constant 0 : i32
        %dma_start3A_291 = tpu.memref_slice %arg8[%dma_start3A, %dma_start3A_290] : memref<131072x256xf32, #tpu.memory_space<hbm>> -> memref<131072x256xf32, #tpu.memory_space<hbm>>
        tpu.enqueue_indirect_dma source(%arg16 : memref<16x256xf32, #tpu.memory_space<vmem>>) target(%dma_start3A_291 : memref<131072x256xf32, #tpu.memory_space<hbm>>) offsets(%select_n3A_289 : vector<16xi32>) semaphore(%arg19 : memref<!tpu.dma_semaphore, #tpu.memory_space<semaphore_mem>>)
        %dma_wait3A_292 = arith.constant 0 : i32
        %dma_wait3A_293 = arith.constant 0 : i32
        %dma_wait3A_294 = tpu.memref_slice %arg8[%dma_wait3A_292, %dma_wait3A_293] : memref<131072x256xf32, #tpu.memory_space<hbm>> -> memref<131072x256xf32, #tpu.memory_space<hbm>>
        tpu.wait_indirect_dma semaphore(%arg19 : memref<!tpu.dma_semaphore, #tpu.memory_space<semaphore_mem>>) src(%arg16 : memref<16x256xf32, #tpu.memory_space<vmem>>) dst(%dma_wait3A_294 : memref<131072x256xf32, #tpu.memory_space<hbm>>)
      } else {
      }
      %mul3A_174 = arith.constant 8 : i32
      %mul3A_175 = arith.muli %add3A_23, %mul3A_174 : i32
      %add3A_176 = arith.constant 5 : i32
      %add3A_177 = arith.addi %mul3A_175, %add3A_176 : i32
      %mul3A_178 = arith.constant 16 : i32
      %mul3A_179 = arith.muli %add3A_177, %mul3A_178 : i32
      %get3A_180 = arith.index_cast %mul3A_179 : i32 to index
      %get3A_181 = tpu.vector_load %arg12[%get3A_180] {strides = array<i32>} : memref<4096xi32, #tpu.memory_space<vmem>>, vector<16xi32>,
      %get3A_182 = arith.index_cast %mul3A_179 : i32 to index
      %get3A_183 = tpu.vector_load %arg13[%get3A_182] {strides = array<i32>} : memref<4096xf32, #tpu.memory_space<vmem>>, vector<16xf32>,
      %get3A_184 = arith.index_cast %add3A_23 : i32 to index
      %get3A_185 = arith.constant 80 : index
      %get3A_186 = tpu.vector_load %arg15[%get3A_184, %get3A_185] {strides = array<i32>} : memref<32x128xf32, #tpu.memory_space<vmem>>, vector<16xf32>,
      %add3A_187 = arith.constant 1.000000e+00 : f32
      %add3A_188 = vector.broadcast %add3A_187 : f32 to vector<16xf32>
      %add3A_189 = arith.addf %add3A_188, %get3A_186 : vector<16xf32>
      %mul3A_190 = arith.mulf %get3A_183, %add3A_189 : vector<16xf32>
      %lt3A_191 = arith.cmpf olt, %mul3A_190, %get3A_3 : vector<16xf32>
      %jit3A_192 = arith.constant 0 : i32
      %broadcast_in_dim3A_193 = vector.broadcast %jit3A_192 : i32 to vector<16xi32>
      %select_n3A_194 = arith.select %lt3A_191, %get3A_181, %broadcast_in_dim3A_193 : vector<16xi1>, vector<16xi32>
      %reduce_sum3A_195 = arith.constant true
      %reduce_sum3A_196 = vector.broadcast %reduce_sum3A_195 : i1 to vector<16xi1>
      %reduce_sum3A_197 = tpu.scan <sum>, %select_n3A_194 masked %reduce_sum3A_196 : vector<16xi32>, vector<16xi1> -> vector<16xi32>
      %reduce_sum3A_198 = vector.extract %reduce_sum3A_197[15] : i32 from vector<16xi32>
      %gt3A_199 = arith.constant 0 : i32
      %gt3A_200 = arith.cmpi sgt, %reduce_sum3A_198, %gt3A_199 : i32
      %convert_element_type3A_201 = arith.extui %gt3A_200 : i1 to i32
      %cond3A_202 = arith.constant 0 : i32
      %cond3A_203 = arith.cmpi ne, %convert_element_type3A_201, %cond3A_202 : i32
      scf.if %cond3A_203 {
        %mul3A_264 = arith.constant 8 : i32
        %mul3A_265 = arith.muli %add3A_23, %mul3A_264 : i32
        %add3A_266 = arith.constant 5 : i32
        %add3A_267 = arith.addi %mul3A_265, %add3A_266 : i32
        %mul3A_268 = arith.constant 16 : i32
        %mul3A_269 = arith.muli %add3A_267, %mul3A_268 : i32
        %add3A_270 = arith.addi %mul3A_2, %mul3A_269 : i32
        %add3A_271 = vector.broadcast %add3A_270 : i32 to vector<16xi32>
        %add3A_272 = arith.addi %add3A_271, %iota3A : vector<16xi32>
        %eq3A = arith.constant 1 : i32
        %eq3A_273 = vector.broadcast %eq3A : i32 to vector<16xi32>
        %eq3A_274 = arith.cmpi eq, %select_n3A_194, %eq3A_273 : vector<16xi32>
        %jit3A_275 = arith.constant 1073741824 : i32
        %broadcast_in_dim3A_276 = vector.broadcast %jit3A_275 : i32 to vector<16xi32>
        %select_n3A_277 = arith.select %eq3A_274, %add3A_272, %broadcast_in_dim3A_276 : vector<16xi1>, vector<16xi32>
        %reduce_min3A = arith.constant true
        %reduce_min3A_278 = vector.broadcast %reduce_min3A : i1 to vector<16xi1>
        %reduce_min3A_279 = arith.constant -2147483648 : i32
        %reduce_min3A_280 = vector.broadcast %reduce_min3A_279 : i32 to vector<16xi32>
        %reduce_min3A_281 = arith.xori %select_n3A_277, %reduce_min3A_280 : vector<16xi32>
        %reduce_min3A_282 = tpu.scan <min>, %reduce_min3A_281 masked %reduce_min3A_278 : vector<16xi32>, vector<16xi1> -> vector<16xi32>
        %reduce_min3A_283 = arith.xori %reduce_min3A_282, %reduce_min3A_280 : vector<16xi32>
        %reduce_min3A_284 = vector.extract %reduce_min3A_283[15] : i32 from vector<16xi32>
        %eq3A_285 = arith.constant 1 : i32
        %eq3A_286 = vector.broadcast %eq3A_285 : i32 to vector<16xi32>
        %eq3A_287 = arith.cmpi eq, %select_n3A_194, %eq3A_286 : vector<16xi32>
        %broadcast_in_dim3A_288 = vector.broadcast %reduce_min3A_284 : i32 to vector<16xi32>
        %select_n3A_289 = arith.select %eq3A_287, %add3A_272, %broadcast_in_dim3A_288 : vector<16xi1>, vector<16xi32>
        %dma_start3A = arith.constant 0 : i32
        %dma_start3A_290 = arith.constant 0 : i32
        %dma_start3A_291 = tpu.memref_slice %arg8[%dma_start3A, %dma_start3A_290] : memref<131072x256xf32, #tpu.memory_space<hbm>> -> memref<131072x256xf32, #tpu.memory_space<hbm>>
        tpu.enqueue_indirect_dma source(%arg16 : memref<16x256xf32, #tpu.memory_space<vmem>>) target(%dma_start3A_291 : memref<131072x256xf32, #tpu.memory_space<hbm>>) offsets(%select_n3A_289 : vector<16xi32>) semaphore(%arg19 : memref<!tpu.dma_semaphore, #tpu.memory_space<semaphore_mem>>)
        %dma_wait3A_292 = arith.constant 0 : i32
        %dma_wait3A_293 = arith.constant 0 : i32
        %dma_wait3A_294 = tpu.memref_slice %arg8[%dma_wait3A_292, %dma_wait3A_293] : memref<131072x256xf32, #tpu.memory_space<hbm>> -> memref<131072x256xf32, #tpu.memory_space<hbm>>
        tpu.wait_indirect_dma semaphore(%arg19 : memref<!tpu.dma_semaphore, #tpu.memory_space<semaphore_mem>>) src(%arg16 : memref<16x256xf32, #tpu.memory_space<vmem>>) dst(%dma_wait3A_294 : memref<131072x256xf32, #tpu.memory_space<hbm>>)
      } else {
      }
      %mul3A_204 = arith.constant 8 : i32
      %mul3A_205 = arith.muli %add3A_23, %mul3A_204 : i32
      %add3A_206 = arith.constant 6 : i32
      %add3A_207 = arith.addi %mul3A_205, %add3A_206 : i32
      %mul3A_208 = arith.constant 16 : i32
      %mul3A_209 = arith.muli %add3A_207, %mul3A_208 : i32
      %get3A_210 = arith.index_cast %mul3A_209 : i32 to index
      %get3A_211 = tpu.vector_load %arg12[%get3A_210] {strides = array<i32>} : memref<4096xi32, #tpu.memory_space<vmem>>, vector<16xi32>,
      %get3A_212 = arith.index_cast %mul3A_209 : i32 to index
      %get3A_213 = tpu.vector_load %arg13[%get3A_212] {strides = array<i32>} : memref<4096xf32, #tpu.memory_space<vmem>>, vector<16xf32>,
      %get3A_214 = arith.index_cast %add3A_23 : i32 to index
      %get3A_215 = arith.constant 96 : index
      %get3A_216 = tpu.vector_load %arg15[%get3A_214, %get3A_215] {strides = array<i32>} : memref<32x128xf32, #tpu.memory_space<vmem>>, vector<16xf32>,
      %add3A_217 = arith.constant 1.000000e+00 : f32
      %add3A_218 = vector.broadcast %add3A_217 : f32 to vector<16xf32>
      %add3A_219 = arith.addf %add3A_218, %get3A_216 : vector<16xf32>
      %mul3A_220 = arith.mulf %get3A_213, %add3A_219 : vector<16xf32>
      %lt3A_221 = arith.cmpf olt, %mul3A_220, %get3A_3 : vector<16xf32>
      %jit3A_222 = arith.constant 0 : i32
      %broadcast_in_dim3A_223 = vector.broadcast %jit3A_222 : i32 to vector<16xi32>
      %select_n3A_224 = arith.select %lt3A_221, %get3A_211, %broadcast_in_dim3A_223 : vector<16xi1>, vector<16xi32>
      %reduce_sum3A_225 = arith.constant true
      %reduce_sum3A_226 = vector.broadcast %reduce_sum3A_225 : i1 to vector<16xi1>
      %reduce_sum3A_227 = tpu.scan <sum>, %select_n3A_224 masked %reduce_sum3A_226 : vector<16xi32>, vector<16xi1> -> vector<16xi32>
      %reduce_sum3A_228 = vector.extract %reduce_sum3A_227[15] : i32 from vector<16xi32>
      %gt3A_229 = arith.constant 0 : i32
      %gt3A_230 = arith.cmpi sgt, %reduce_sum3A_228, %gt3A_229 : i32
      %convert_element_type3A_231 = arith.extui %gt3A_230 : i1 to i32
      %cond3A_232 = arith.constant 0 : i32
      %cond3A_233 = arith.cmpi ne, %convert_element_type3A_231, %cond3A_232 : i32
      scf.if %cond3A_233 {
        %mul3A_264 = arith.constant 8 : i32
        %mul3A_265 = arith.muli %add3A_23, %mul3A_264 : i32
        %add3A_266 = arith.constant 6 : i32
        %add3A_267 = arith.addi %mul3A_265, %add3A_266 : i32
        %mul3A_268 = arith.constant 16 : i32
        %mul3A_269 = arith.muli %add3A_267, %mul3A_268 : i32
        %add3A_270 = arith.addi %mul3A_2, %mul3A_269 : i32
        %add3A_271 = vector.broadcast %add3A_270 : i32 to vector<16xi32>
        %add3A_272 = arith.addi %add3A_271, %iota3A : vector<16xi32>
        %eq3A = arith.constant 1 : i32
        %eq3A_273 = vector.broadcast %eq3A : i32 to vector<16xi32>
        %eq3A_274 = arith.cmpi eq, %select_n3A_224, %eq3A_273 : vector<16xi32>
        %jit3A_275 = arith.constant 1073741824 : i32
        %broadcast_in_dim3A_276 = vector.broadcast %jit3A_275 : i32 to vector<16xi32>
        %select_n3A_277 = arith.select %eq3A_274, %add3A_272, %broadcast_in_dim3A_276 : vector<16xi1>, vector<16xi32>
        %reduce_min3A = arith.constant true
        %reduce_min3A_278 = vector.broadcast %reduce_min3A : i1 to vector<16xi1>
        %reduce_min3A_279 = arith.constant -2147483648 : i32
        %reduce_min3A_280 = vector.broadcast %reduce_min3A_279 : i32 to vector<16xi32>
        %reduce_min3A_281 = arith.xori %select_n3A_277, %reduce_min3A_280 : vector<16xi32>
        %reduce_min3A_282 = tpu.scan <min>, %reduce_min3A_281 masked %reduce_min3A_278 : vector<16xi32>, vector<16xi1> -> vector<16xi32>
        %reduce_min3A_283 = arith.xori %reduce_min3A_282, %reduce_min3A_280 : vector<16xi32>
        %reduce_min3A_284 = vector.extract %reduce_min3A_283[15] : i32 from vector<16xi32>
        %eq3A_285 = arith.constant 1 : i32
        %eq3A_286 = vector.broadcast %eq3A_285 : i32 to vector<16xi32>
        %eq3A_287 = arith.cmpi eq, %select_n3A_224, %eq3A_286 : vector<16xi32>
        %broadcast_in_dim3A_288 = vector.broadcast %reduce_min3A_284 : i32 to vector<16xi32>
        %select_n3A_289 = arith.select %eq3A_287, %add3A_272, %broadcast_in_dim3A_288 : vector<16xi1>, vector<16xi32>
        %dma_start3A = arith.constant 0 : i32
        %dma_start3A_290 = arith.constant 0 : i32
        %dma_start3A_291 = tpu.memref_slice %arg8[%dma_start3A, %dma_start3A_290] : memref<131072x256xf32, #tpu.memory_space<hbm>> -> memref<131072x256xf32, #tpu.memory_space<hbm>>
        tpu.enqueue_indirect_dma source(%arg16 : memref<16x256xf32, #tpu.memory_space<vmem>>) target(%dma_start3A_291 : memref<131072x256xf32, #tpu.memory_space<hbm>>) offsets(%select_n3A_289 : vector<16xi32>) semaphore(%arg19 : memref<!tpu.dma_semaphore, #tpu.memory_space<semaphore_mem>>)
        %dma_wait3A_292 = arith.constant 0 : i32
        %dma_wait3A_293 = arith.constant 0 : i32
        %dma_wait3A_294 = tpu.memref_slice %arg8[%dma_wait3A_292, %dma_wait3A_293] : memref<131072x256xf32, #tpu.memory_space<hbm>> -> memref<131072x256xf32, #tpu.memory_space<hbm>>
        tpu.wait_indirect_dma semaphore(%arg19 : memref<!tpu.dma_semaphore, #tpu.memory_space<semaphore_mem>>) src(%arg16 : memref<16x256xf32, #tpu.memory_space<vmem>>) dst(%dma_wait3A_294 : memref<131072x256xf32, #tpu.memory_space<hbm>>)
      } else {
      }
      %mul3A_234 = arith.constant 8 : i32
      %mul3A_235 = arith.muli %add3A_23, %mul3A_234 : i32
      %add3A_236 = arith.constant 7 : i32
      %add3A_237 = arith.addi %mul3A_235, %add3A_236 : i32
      %mul3A_238 = arith.constant 16 : i32
      %mul3A_239 = arith.muli %add3A_237, %mul3A_238 : i32
      %get3A_240 = arith.index_cast %mul3A_239 : i32 to index
      %get3A_241 = tpu.vector_load %arg12[%get3A_240] {strides = array<i32>} : memref<4096xi32, #tpu.memory_space<vmem>>, vector<16xi32>,
      %get3A_242 = arith.index_cast %mul3A_239 : i32 to index
      %get3A_243 = tpu.vector_load %arg13[%get3A_242] {strides = array<i32>} : memref<4096xf32, #tpu.memory_space<vmem>>, vector<16xf32>,
      %get3A_244 = arith.index_cast %add3A_23 : i32 to index
      %get3A_245 = arith.constant 112 : index
      %get3A_246 = tpu.vector_load %arg15[%get3A_244, %get3A_245] {strides = array<i32>} : memref<32x128xf32, #tpu.memory_space<vmem>>, vector<16xf32>,
      %add3A_247 = arith.constant 1.000000e+00 : f32
      %add3A_248 = vector.broadcast %add3A_247 : f32 to vector<16xf32>
      %add3A_249 = arith.addf %add3A_248, %get3A_246 : vector<16xf32>
      %mul3A_250 = arith.mulf %get3A_243, %add3A_249 : vector<16xf32>
      %lt3A_251 = arith.cmpf olt, %mul3A_250, %get3A_3 : vector<16xf32>
      %jit3A_252 = arith.constant 0 : i32
      %broadcast_in_dim3A_253 = vector.broadcast %jit3A_252 : i32 to vector<16xi32>
      %select_n3A_254 = arith.select %lt3A_251, %get3A_241, %broadcast_in_dim3A_253 : vector<16xi1>, vector<16xi32>
      %reduce_sum3A_255 = arith.constant true
      %reduce_sum3A_256 = vector.broadcast %reduce_sum3A_255 : i1 to vector<16xi1>
      %reduce_sum3A_257 = tpu.scan <sum>, %select_n3A_254 masked %reduce_sum3A_256 : vector<16xi32>, vector<16xi1> -> vector<16xi32>
      %reduce_sum3A_258 = vector.extract %reduce_sum3A_257[15] : i32 from vector<16xi32>
      %gt3A_259 = arith.constant 0 : i32
      %gt3A_260 = arith.cmpi sgt, %reduce_sum3A_258, %gt3A_259 : i32
      %convert_element_type3A_261 = arith.extui %gt3A_260 : i1 to i32
      %cond3A_262 = arith.constant 0 : i32
      %cond3A_263 = arith.cmpi ne, %convert_element_type3A_261, %cond3A_262 : i32
      scf.if %cond3A_263 {
        %mul3A_264 = arith.constant 8 : i32
        %mul3A_265 = arith.muli %add3A_23, %mul3A_264 : i32
        %add3A_266 = arith.constant 7 : i32
        %add3A_267 = arith.addi %mul3A_265, %add3A_266 : i32
        %mul3A_268 = arith.constant 16 : i32
        %mul3A_269 = arith.muli %add3A_267, %mul3A_268 : i32
        %add3A_270 = arith.addi %mul3A_2, %mul3A_269 : i32
        %add3A_271 = vector.broadcast %add3A_270 : i32 to vector<16xi32>
        %add3A_272 = arith.addi %add3A_271, %iota3A : vector<16xi32>
        %eq3A = arith.constant 1 : i32
        %eq3A_273 = vector.broadcast %eq3A : i32 to vector<16xi32>
        %eq3A_274 = arith.cmpi eq, %select_n3A_254, %eq3A_273 : vector<16xi32>
        %jit3A_275 = arith.constant 1073741824 : i32
        %broadcast_in_dim3A_276 = vector.broadcast %jit3A_275 : i32 to vector<16xi32>
        %select_n3A_277 = arith.select %eq3A_274, %add3A_272, %broadcast_in_dim3A_276 : vector<16xi1>, vector<16xi32>
        %reduce_min3A = arith.constant true
        %reduce_min3A_278 = vector.broadcast %reduce_min3A : i1 to vector<16xi1>
        %reduce_min3A_279 = arith.constant -2147483648 : i32
        %reduce_min3A_280 = vector.broadcast %reduce_min3A_279 : i32 to vector<16xi32>
        %reduce_min3A_281 = arith.xori %select_n3A_277, %reduce_min3A_280 : vector<16xi32>
        %reduce_min3A_282 = tpu.scan <min>, %reduce_min3A_281 masked %reduce_min3A_278 : vector<16xi32>, vector<16xi1> -> vector<16xi32>
        %reduce_min3A_283 = arith.xori %reduce_min3A_282, %reduce_min3A_280 : vector<16xi32>
        %reduce_min3A_284 = vector.extract %reduce_min3A_283[15] : i32 from vector<16xi32>
        %eq3A_285 = arith.constant 1 : i32
        %eq3A_286 = vector.broadcast %eq3A_285 : i32 to vector<16xi32>
        %eq3A_287 = arith.cmpi eq, %select_n3A_254, %eq3A_286 : vector<16xi32>
        %broadcast_in_dim3A_288 = vector.broadcast %reduce_min3A_284 : i32 to vector<16xi32>
        %select_n3A_289 = arith.select %eq3A_287, %add3A_272, %broadcast_in_dim3A_288 : vector<16xi1>, vector<16xi32>
        %dma_start3A = arith.constant 0 : i32
        %dma_start3A_290 = arith.constant 0 : i32
        %dma_start3A_291 = tpu.memref_slice %arg8[%dma_start3A, %dma_start3A_290] : memref<131072x256xf32, #tpu.memory_space<hbm>> -> memref<131072x256xf32, #tpu.memory_space<hbm>>
        tpu.enqueue_indirect_dma source(%arg16 : memref<16x256xf32, #tpu.memory_space<vmem>>) target(%dma_start3A_291 : memref<131072x256xf32, #tpu.memory_space<hbm>>) offsets(%select_n3A_289 : vector<16xi32>) semaphore(%arg19 : memref<!tpu.dma_semaphore, #tpu.memory_space<semaphore_mem>>)
        %dma_wait3A_292 = arith.constant 0 : i32
        %dma_wait3A_293 = arith.constant 0 : i32
        %dma_wait3A_294 = tpu.memref_slice %arg8[%dma_wait3A_292, %dma_wait3A_293] : memref<131072x256xf32, #tpu.memory_space<hbm>> -> memref<131072x256xf32, #tpu.memory_space<hbm>>
        tpu.wait_indirect_dma semaphore(%arg19 : memref<!tpu.dma_semaphore, #tpu.memory_space<semaphore_mem>>) src(%arg16 : memref<16x256xf32, #tpu.memory_space<vmem>>) dst(%dma_wait3A_294 : memref<131072x256xf32, #tpu.memory_space<hbm>>)
      } else {
      }
    }
    %scan3A_18 = arith.constant 32 : i32
    return
  }
}

module attributes {stable_mosaic.version = 14 : i64} {
  func.func @_tstats_body(%arg0: i32, %arg1: memref<256x2048xf32, #tpu.memory_space<vmem>>, %arg2: memref<1x1xf32, #tpu.memory_space<vmem>>, %arg3: memref<1x1xf32, #tpu.memory_space<vmem>>, %arg4: memref<1x1xf32, #tpu.memory_space<vmem>>, %arg5: memref<1x1xf32, #tpu.memory_space<vmem>>) attributes {dimension_semantics = [#tpu.dimension_semantics<arbitrary>], iteration_bounds = array<i64: 8>, scalar_prefetch = 0 : i64, scratch_operands = 0 : i64, tpu.core_type = #tpu.core_type<tc>, window_params = [{transform_indices = @transform_0, window_bounds = array<i64: 256, 2048>}, {pipeline_mode = #tpu.pipeline_mode<synchronous>, transform_indices = @transform_1, window_bounds = array<i64: 1, 1>}, {pipeline_mode = #tpu.pipeline_mode<synchronous>, transform_indices = @transform_2, window_bounds = array<i64: 1, 1>}, {pipeline_mode = #tpu.pipeline_mode<synchronous>, transform_indices = @transform_3, window_bounds = array<i64: 1, 1>}, {pipeline_mode = #tpu.pipeline_mode<synchronous>, transform_indices = @transform_4, window_bounds = array<i64: 1, 1>}]} {
    %get3A = arith.constant 0 : index
    %get3A_0 = arith.constant 0 : index
    %get3A_1 = vector.load %arg1[%get3A, %get3A_0] : memref<256x2048xf32, #tpu.memory_space<vmem>>, vector<256x2048xf32>
    %gt3A = arith.constant 0.000000e+00 : f32
    %gt3A_2 = vector.broadcast %gt3A : f32 to vector<256x2048xf32>
    %gt3A_3 = arith.cmpf ogt, %get3A_1, %gt3A_2 : vector<256x2048xf32>
    %jit3A = arith.constant 0.000000e+00 : f32
    %broadcast_in_dim3A = vector.broadcast %jit3A : f32 to vector<256x2048xf32>
    %select_n3A = arith.select %gt3A_3, %get3A_1, %broadcast_in_dim3A : vector<256x2048xi1>, vector<256x2048xf32>
    %reduce_sum3A = vector.shape_cast %select_n3A : vector<256x2048xf32> to vector<1x256x2048xf32>
    %reduce_sum3A_4 = arith.constant dense<0.000000e+00> : vector<1xf32>
    %reduce_sum3A_5 = vector.multi_reduction <add>, %reduce_sum3A, %reduce_sum3A_4 [1, 2] : vector<1x256x2048xf32> to vector<1xf32>
    %reduce_sum3A_6 = vector.shape_cast %reduce_sum3A_5 : vector<1xf32> to vector<1x1x1xf32>
    %reduce_sum3A_7 = vector.extract %reduce_sum3A_6[0, 0, 0] : f32 from vector<1x1x1xf32>
    %reshape3A = vector.broadcast %reduce_sum3A_7 : f32 to vector<1x1xf32>
    %convert_element_type3A = arith.extui %gt3A_3 : vector<256x2048xi1> to vector<256x2048xi32>
    %convert_element_type3A_8 = arith.sitofp %convert_element_type3A : vector<256x2048xi32> to vector<256x2048xf32>
    %reduce_sum3A_9 = vector.shape_cast %convert_element_type3A_8 : vector<256x2048xf32> to vector<1x256x2048xf32>
    %reduce_sum3A_10 = arith.constant dense<0.000000e+00> : vector<1xf32>
    %reduce_sum3A_11 = vector.multi_reduction <add>, %reduce_sum3A_9, %reduce_sum3A_10 [1, 2] : vector<1x256x2048xf32> to vector<1xf32>
    %reduce_sum3A_12 = vector.shape_cast %reduce_sum3A_11 : vector<1xf32> to vector<1x1x1xf32>
    %reduce_sum3A_13 = vector.extract %reduce_sum3A_12[0, 0, 0] : f32 from vector<1x1x1xf32>
    %reshape3A_14 = vector.broadcast %reduce_sum3A_13 : f32 to vector<1x1xf32>
    %reduce_max3A = vector.shape_cast %select_n3A : vector<256x2048xf32> to vector<1x256x2048xf32>
    %reduce_max3A_15 = arith.constant dense<0xFF800000> : vector<1xf32>
    %reduce_max3A_16 = vector.multi_reduction <maximumf>, %reduce_max3A, %reduce_max3A_15 [1, 2] : vector<1x256x2048xf32> to vector<1xf32>
    %reduce_max3A_17 = vector.shape_cast %reduce_max3A_16 : vector<1xf32> to vector<1x1x1xf32>
    %reduce_max3A_18 = vector.extract %reduce_max3A_17[0, 0, 0] : f32 from vector<1x1x1xf32>
    %reshape3A_19 = vector.broadcast %reduce_max3A_18 : f32 to vector<1x1xf32>
    %reduce_max3A_20 = vector.shape_cast %get3A_1 : vector<256x2048xf32> to vector<1x256x2048xf32>
    %reduce_max3A_21 = arith.constant dense<0xFF800000> : vector<1xf32>
    %reduce_max3A_22 = vector.multi_reduction <maximumf>, %reduce_max3A_20, %reduce_max3A_21 [1, 2] : vector<1x256x2048xf32> to vector<1xf32>
    %reduce_max3A_23 = vector.shape_cast %reduce_max3A_22 : vector<1xf32> to vector<1x1x1xf32>
    %reduce_max3A_24 = vector.extract %reduce_max3A_23[0, 0, 0] : f32 from vector<1x1x1xf32>
    %reshape3A_25 = vector.broadcast %reduce_max3A_24 : f32 to vector<1x1xf32>
    %eq3A = arith.constant 0 : i32
    %eq3A_26 = arith.cmpi eq, %arg0, %eq3A : i32
    %convert_element_type3A_27 = arith.extui %eq3A_26 : i1 to i32
    %cond3A = arith.constant 0 : i32
    %cond3A_28 = arith.cmpi ne, %convert_element_type3A_27, %cond3A : i32
    scf.if %cond3A_28 {
      %swap3A = arith.constant 0 : index
      %swap3A_33 = arith.constant 0 : index
      %swap3A_34 = vector.load %arg2[%swap3A, %swap3A_33] : memref<1x1xf32, #tpu.memory_space<vmem>>, vector<1x1xf32>
      tpu.vector_store %arg2[%swap3A, %swap3A_33], %reshape3A {strides = array<i32>} : memref<1x1xf32, #tpu.memory_space<vmem>>, vector<1x1xf32>,
      %swap3A_35 = arith.constant 0 : index
      %swap3A_36 = arith.constant 0 : index
      %swap3A_37 = vector.load %arg3[%swap3A_35, %swap3A_36] : memref<1x1xf32, #tpu.memory_space<vmem>>, vector<1x1xf32>
      tpu.vector_store %arg3[%swap3A_35, %swap3A_36], %reshape3A_14 {strides = array<i32>} : memref<1x1xf32, #tpu.memory_space<vmem>>, vector<1x1xf32>,
      %swap3A_38 = arith.constant 0 : index
      %swap3A_39 = arith.constant 0 : index
      %swap3A_40 = vector.load %arg4[%swap3A_38, %swap3A_39] : memref<1x1xf32, #tpu.memory_space<vmem>>, vector<1x1xf32>
      tpu.vector_store %arg4[%swap3A_38, %swap3A_39], %reshape3A_19 {strides = array<i32>} : memref<1x1xf32, #tpu.memory_space<vmem>>, vector<1x1xf32>,
      %swap3A_41 = arith.constant 0 : index
      %swap3A_42 = arith.constant 0 : index
      %swap3A_43 = vector.load %arg5[%swap3A_41, %swap3A_42] : memref<1x1xf32, #tpu.memory_space<vmem>>, vector<1x1xf32>
      tpu.vector_store %arg5[%swap3A_41, %swap3A_42], %reshape3A_25 {strides = array<i32>} : memref<1x1xf32, #tpu.memory_space<vmem>>, vector<1x1xf32>,
    } else {
    }
    %ne3A = arith.constant 0 : i32
    %ne3A_29 = arith.cmpi ne, %arg0, %ne3A : i32
    %convert_element_type3A_30 = arith.extui %ne3A_29 : i1 to i32
    %cond3A_31 = arith.constant 0 : i32
    %cond3A_32 = arith.cmpi ne, %convert_element_type3A_30, %cond3A_31 : i32
    scf.if %cond3A_32 {
      %get3A_33 = arith.constant 0 : index
      %get3A_34 = arith.constant 0 : index
      %get3A_35 = vector.load %arg2[%get3A_33, %get3A_34] : memref<1x1xf32, #tpu.memory_space<vmem>>, vector<1x1xf32>
      %add3A = arith.addf %get3A_35, %reshape3A : vector<1x1xf32>
      %swap3A = arith.constant 0 : index
      %swap3A_36 = arith.constant 0 : index
      %swap3A_37 = vector.load %arg2[%swap3A, %swap3A_36] : memref<1x1xf32, #tpu.memory_space<vmem>>, vector<1x1xf32>
      tpu.vector_store %arg2[%swap3A, %swap3A_36], %add3A {strides = array<i32>} : memref<1x1xf32, #tpu.memory_space<vmem>>, vector<1x1xf32>,
      %get3A_38 = arith.constant 0 : index
      %get3A_39 = arith.constant 0 : index
      %get3A_40 = vector.load %arg3[%get3A_38, %get3A_39] : memref<1x1xf32, #tpu.memory_space<vmem>>, vector<1x1xf32>
      %add3A_41 = arith.addf %get3A_40, %reshape3A_14 : vector<1x1xf32>
      %swap3A_42 = arith.constant 0 : index
      %swap3A_43 = arith.constant 0 : index
      %swap3A_44 = vector.load %arg3[%swap3A_42, %swap3A_43] : memref<1x1xf32, #tpu.memory_space<vmem>>, vector<1x1xf32>
      tpu.vector_store %arg3[%swap3A_42, %swap3A_43], %add3A_41 {strides = array<i32>} : memref<1x1xf32, #tpu.memory_space<vmem>>, vector<1x1xf32>,
      %get3A_45 = arith.constant 0 : index
      %get3A_46 = arith.constant 0 : index
      %get3A_47 = vector.load %arg4[%get3A_45, %get3A_46] : memref<1x1xf32, #tpu.memory_space<vmem>>, vector<1x1xf32>
      %max3A = arith.maximumf %get3A_47, %reshape3A_19 : vector<1x1xf32>
      %swap3A_48 = arith.constant 0 : index
      %swap3A_49 = arith.constant 0 : index
      %swap3A_50 = vector.load %arg4[%swap3A_48, %swap3A_49] : memref<1x1xf32, #tpu.memory_space<vmem>>, vector<1x1xf32>
      tpu.vector_store %arg4[%swap3A_48, %swap3A_49], %max3A {strides = array<i32>} : memref<1x1xf32, #tpu.memory_space<vmem>>, vector<1x1xf32>,
      %get3A_51 = arith.constant 0 : index
      %get3A_52 = arith.constant 0 : index
      %get3A_53 = vector.load %arg5[%get3A_51, %get3A_52] : memref<1x1xf32, #tpu.memory_space<vmem>>, vector<1x1xf32>
      %max3A_54 = arith.maximumf %get3A_53, %reshape3A_25 : vector<1x1xf32>
      %swap3A_55 = arith.constant 0 : index
      %swap3A_56 = arith.constant 0 : index
      %swap3A_57 = vector.load %arg5[%swap3A_55, %swap3A_56] : memref<1x1xf32, #tpu.memory_space<vmem>>, vector<1x1xf32>
      tpu.vector_store %arg5[%swap3A_55, %swap3A_56], %max3A_54 {strides = array<i32>} : memref<1x1xf32, #tpu.memory_space<vmem>>, vector<1x1xf32>,
    } else {
    }
    return
  }
  func.func @transform_0(%arg0: i32) -> (i32, i32) {
    %c0_i32 = arith.constant 0 : i32
    %c0_i32_0 = arith.constant 0 : i32
    return %arg0, %c0_i32 : i32, i32
  }
  func.func @transform_1(%arg0: i32) -> (i32, i32) {
    %c0_i32 = arith.constant 0 : i32
    %c0_i32_0 = arith.constant 0 : i32
    %c0_i32_1 = arith.constant 0 : i32
    return %c0_i32, %c0_i32_0 : i32, i32
  }
  func.func @transform_2(%arg0: i32) -> (i32, i32) {
    %c0_i32 = arith.constant 0 : i32
    %c0_i32_0 = arith.constant 0 : i32
    %c0_i32_1 = arith.constant 0 : i32
    return %c0_i32, %c0_i32_0 : i32, i32
  }
  func.func @transform_3(%arg0: i32) -> (i32, i32) {
    %c0_i32 = arith.constant 0 : i32
    %c0_i32_0 = arith.constant 0 : i32
    %c0_i32_1 = arith.constant 0 : i32
    return %c0_i32, %c0_i32_0 : i32, i32
  }
  func.func @transform_4(%arg0: i32) -> (i32, i32) {
    %c0_i32 = arith.constant 0 : i32
    %c0_i32_0 = arith.constant 0 : i32
    %c0_i32_1 = arith.constant 0 : i32
    return %c0_i32, %c0_i32_0 : i32, i32
  }
}

module attributes {stable_mosaic.version = 14 : i64} {
  func.func @_copy_mag_body(%arg0: i32, %arg1: memref<512x256xf32, #tpu.memory_space<vmem>>, %arg2: memref<512x256xf32, #tpu.memory_space<vmem>>, %arg3: memref<512x1xf32, #tpu.memory_space<vmem>>) attributes {dimension_semantics = [#tpu.dimension_semantics<arbitrary>], iteration_bounds = array<i64: 256>, scalar_prefetch = 0 : i64, scratch_operands = 0 : i64, tpu.core_type = #tpu.core_type<tc>, window_params = [{transform_indices = @transform_0, window_bounds = array<i64: 512, 256>}, {transform_indices = @transform_1, window_bounds = array<i64: 512, 256>}, {transform_indices = @transform_2, window_bounds = array<i64: 512, 1>}]} {
    %get3A = arith.constant 0 : index
    %get3A_0 = arith.constant 0 : index
    %get3A_1 = vector.load %arg1[%get3A, %get3A_0] : memref<512x256xf32, #tpu.memory_space<vmem>>, vector<512x256xf32>
    %swap3A = arith.constant 0 : index
    %swap3A_2 = arith.constant 0 : index
    %swap3A_3 = vector.load %arg2[%swap3A, %swap3A_2] : memref<512x256xf32, #tpu.memory_space<vmem>>, vector<512x256xf32>
    tpu.vector_store %arg2[%swap3A, %swap3A_2], %get3A_1 {strides = array<i32>} : memref<512x256xf32, #tpu.memory_space<vmem>>, vector<512x256xf32>,
    %mul3A = arith.mulf %get3A_1, %get3A_1 : vector<512x256xf32>
    %reduce_sum3A = arith.constant dense<0.000000e+00> : vector<512xf32>
    %reduce_sum3A_4 = vector.multi_reduction <add>, %mul3A, %reduce_sum3A [1] : vector<512x256xf32> to vector<512xf32>
    %broadcast_in_dim3A = vector.shape_cast %reduce_sum3A_4 : vector<512xf32> to vector<512x1xf32>
    %swap3A_5 = arith.constant 0 : index
    %swap3A_6 = arith.constant 0 : index
    %swap3A_7 = vector.load %arg3[%swap3A_5, %swap3A_6] : memref<512x1xf32, #tpu.memory_space<vmem>>, vector<512x1xf32>
    tpu.vector_store %arg3[%swap3A_5, %swap3A_6], %broadcast_in_dim3A {strides = array<i32>} : memref<512x1xf32, #tpu.memory_space<vmem>>, vector<512x1xf32>,
    return
  }
  func.func @transform_0(%arg0: i32) -> (i32, i32) {
    %c0_i32 = arith.constant 0 : i32
    %c0_i32_0 = arith.constant 0 : i32
    return %arg0, %c0_i32 : i32, i32
  }
  func.func @transform_1(%arg0: i32) -> (i32, i32) {
    %c0_i32 = arith.constant 0 : i32
    %c0_i32_0 = arith.constant 0 : i32
    return %arg0, %c0_i32 : i32, i32
  }
  func.func @transform_2(%arg0: i32) -> (i32, i32) {
    %c0_i32 = arith.constant 0 : i32
    %c0_i32_0 = arith.constant 0 : i32
    return %arg0, %c0_i32 : i32, i32
  }
}

module attributes {stable_mosaic.version = 14 : i64} {
  func.func @_thr_body(%arg0: memref<1024x128xf32, #tpu.memory_space<vmem>>, %arg1: memref<1024x128xf32, #tpu.memory_space<vmem>>, %arg2: memref<1x1xf32, #tpu.memory_space<vmem>>, %arg3: memref<1x1xf32, #tpu.memory_space<vmem>>, %arg4: memref<1x1xf32, #tpu.memory_space<vmem>>, %arg5: memref<1024x128xf32, #tpu.memory_space<vmem>>, %arg6: memref<1x1xf32, #tpu.memory_space<vmem>>, %arg7: memref<1x1xf32, #tpu.memory_space<vmem>>) attributes {dimension_semantics = [], scalar_prefetch = 0 : i64, scratch_operands = 0 : i64, tpu.core_type = #tpu.core_type<tc>} {
    %get3A = arith.constant 0 : index
    %get3A_0 = arith.constant 0 : index
    %get3A_1 = vector.load %arg0[%get3A, %get3A_0] : memref<1024x128xf32, #tpu.memory_space<vmem>>, vector<1024x128xf32>
    %get3A_2 = arith.constant 0 : index
    %get3A_3 = arith.constant 0 : index
    %get3A_4 = vector.load %arg1[%get3A_2, %get3A_3] : memref<1024x128xf32, #tpu.memory_space<vmem>>, vector<1024x128xf32>
    %add3A = arith.constant 9.99999993E-9 : f32
    %add3A_5 = vector.broadcast %add3A : f32 to vector<1024x128xf32>
    %add3A_6 = arith.addf %get3A_1, %add3A_5 : vector<1024x128xf32>
    %sqrt3A = math.sqrt %add3A_6 : vector<1024x128xf32>
    %swap3A = arith.constant 0 : index
    %swap3A_7 = arith.constant 0 : index
    %swap3A_8 = vector.load %arg5[%swap3A, %swap3A_7] : memref<1024x128xf32, #tpu.memory_space<vmem>>, vector<1024x128xf32>
    tpu.vector_store %arg5[%swap3A, %swap3A_7], %sqrt3A {strides = array<i32>} : memref<1024x128xf32, #tpu.memory_space<vmem>>, vector<1024x128xf32>,
    %gt3A = arith.constant 0.000000e+00 : f32
    %gt3A_9 = vector.broadcast %gt3A : f32 to vector<1024x128xf32>
    %gt3A_10 = arith.cmpf ogt, %get3A_4, %gt3A_9 : vector<1024x128xf32>
    %jit3A = arith.constant 3.400000e+38 : f32
    %broadcast_in_dim3A = vector.broadcast %jit3A : f32 to vector<1024x128xf32>
    %select_n3A = arith.select %gt3A_10, %sqrt3A, %broadcast_in_dim3A : vector<1024x128xi1>, vector<1024x128xf32>
    %reduce_min3A = vector.shape_cast %select_n3A : vector<1024x128xf32> to vector<1x1024x128xf32>
    %reduce_min3A_11 = arith.constant dense<0x7F800000> : vector<1xf32>
    %reduce_min3A_12 = vector.multi_reduction <minimumf>, %reduce_min3A, %reduce_min3A_11 [1, 2] : vector<1x1024x128xf32> to vector<1xf32>
    %reduce_min3A_13 = vector.shape_cast %reduce_min3A_12 : vector<1xf32> to vector<1x1x1xf32>
    %reduce_min3A_14 = vector.extract %reduce_min3A_13[0, 0, 0] : f32 from vector<1x1x1xf32>
    %reshape3A = vector.broadcast %reduce_min3A_14 : f32 to vector<1x1xf32>
    %swap3A_15 = arith.constant 0 : index
    %swap3A_16 = arith.constant 0 : index
    %swap3A_17 = vector.load %arg7[%swap3A_15, %swap3A_16] : memref<1x1xf32, #tpu.memory_space<vmem>>, vector<1x1xf32>
    tpu.vector_store %arg7[%swap3A_15, %swap3A_16], %reshape3A {strides = array<i32>} : memref<1x1xf32, #tpu.memory_space<vmem>>, vector<1x1xf32>,
    %reduce_sum3A = vector.shape_cast %get3A_4 : vector<1024x128xf32> to vector<1x1024x128xf32>
    %reduce_sum3A_18 = arith.constant dense<0.000000e+00> : vector<1xf32>
    %reduce_sum3A_19 = vector.multi_reduction <add>, %reduce_sum3A, %reduce_sum3A_18 [1, 2] : vector<1x1024x128xf32> to vector<1xf32>
    %reduce_sum3A_20 = vector.shape_cast %reduce_sum3A_19 : vector<1xf32> to vector<1x1x1xf32>
    %reduce_sum3A_21 = vector.extract %reduce_sum3A_20[0, 0, 0] : f32 from vector<1x1x1xf32>
    %reshape3A_22 = vector.broadcast %reduce_sum3A_21 : f32 to vector<1x1xf32>
    %mul3A = arith.mulf %sqrt3A, %get3A_4 : vector<1024x128xf32>
    %reduce_sum3A_23 = vector.shape_cast %mul3A : vector<1024x128xf32> to vector<1x1024x128xf32>
    %reduce_sum3A_24 = arith.constant dense<0.000000e+00> : vector<1xf32>
    %reduce_sum3A_25 = vector.multi_reduction <add>, %reduce_sum3A_23, %reduce_sum3A_24 [1, 2] : vector<1x1024x128xf32> to vector<1xf32>
    %reduce_sum3A_26 = vector.shape_cast %reduce_sum3A_25 : vector<1xf32> to vector<1x1x1xf32>
    %reduce_sum3A_27 = vector.extract %reduce_sum3A_26[0, 0, 0] : f32 from vector<1x1x1xf32>
    %reshape3A_28 = vector.broadcast %reduce_sum3A_27 : f32 to vector<1x1xf32>
    %sub3A = arith.constant 1.310720e+05 : f32
    %sub3A_29 = vector.broadcast %sub3A : f32 to vector<1x1xf32>
    %sub3A_30 = arith.subf %sub3A_29, %reshape3A_22 : vector<1x1xf32>
    %div3A = arith.constant 1.310720e+05 : f32
    %div3A_31 = vector.broadcast %div3A : f32 to vector<1x1xf32>
    %div3A_32 = arith.divf %sub3A_30, %div3A_31 : vector<1x1xf32>
    %sub3A_33 = arith.constant 1.000000e+00 : f32
    %sub3A_34 = vector.broadcast %sub3A_33 : f32 to vector<1x1xf32>
    %sub3A_35 = arith.subf %sub3A_34, %div3A_32 : vector<1x1xf32>
    %get3A_36 = arith.constant 0 : index
    %get3A_37 = arith.constant 0 : index
    %get3A_38 = vector.load %arg3[%get3A_36, %get3A_37] : memref<1x1xf32, #tpu.memory_space<vmem>>, vector<1x1xf32>
    %max3A = arith.constant 1.000000e+00 : f32
    %max3A_39 = vector.broadcast %max3A : f32 to vector<1x1xf32>
    %max3A_40 = arith.maximumf %get3A_38, %max3A_39 : vector<1x1xf32>
    %get3A_41 = arith.constant 0 : index
    %get3A_42 = arith.constant 0 : index
    %get3A_43 = vector.load %arg2[%get3A_41, %get3A_42] : memref<1x1xf32, #tpu.memory_space<vmem>>, vector<1x1xf32>
    %div3A_44 = arith.divf %get3A_43, %max3A_40 : vector<1x1xf32>
    %get3A_45 = arith.constant 0 : index
    %get3A_46 = arith.constant 0 : index
    %get3A_47 = vector.load %arg4[%get3A_45, %get3A_46] : memref<1x1xf32, #tpu.memory_space<vmem>>, vector<1x1xf32>
    %add3A_48 = arith.constant 9.99999993E-9 : f32
    %add3A_49 = vector.broadcast %add3A_48 : f32 to vector<1x1xf32>
    %add3A_50 = arith.addf %get3A_47, %add3A_49 : vector<1x1xf32>
    %div3A_51 = arith.divf %div3A_44, %add3A_50 : vector<1x1xf32>
    %jit3A_52 = arith.constant 0.000000e+00 : f32
    %jit3A_53 = arith.constant 1.000000e+00 : f32
    %max3A_54 = vector.broadcast %jit3A_52 : f32 to vector<1x1xf32>
    %max3A_55 = arith.maximumf %max3A_54, %div3A_51 : vector<1x1xf32>
    %min3A = vector.broadcast %jit3A_53 : f32 to vector<1x1xf32>
    %min3A_56 = arith.minimumf %min3A, %max3A_55 : vector<1x1xf32>
    %max3A_57 = arith.constant 1.000000e+00 : f32
    %max3A_58 = vector.broadcast %max3A_57 : f32 to vector<1x1xf32>
    %max3A_59 = arith.maximumf %reshape3A_22, %max3A_58 : vector<1x1xf32>
    %div3A_60 = arith.divf %reshape3A_28, %max3A_59 : vector<1x1xf32>
    %mul3A_61 = arith.mulf %sub3A_35, %div3A_60 : vector<1x1xf32>
    %add3A_62 = arith.constant 1.000000e+00 : f32
    %add3A_63 = vector.broadcast %add3A_62 : f32 to vector<1x1xf32>
    %add3A_64 = arith.addf %add3A_63, %min3A_56 : vector<1x1xf32>
    %mul3A_65 = arith.mulf %mul3A_61, %add3A_64 : vector<1x1xf32>
    %swap3A_66 = arith.constant 0 : index
    %swap3A_67 = arith.constant 0 : index
    %swap3A_68 = vector.load %arg6[%swap3A_66, %swap3A_67] : memref<1x1xf32, #tpu.memory_space<vmem>>, vector<1x1xf32>
    tpu.vector_store %arg6[%swap3A_66, %swap3A_67], %mul3A_65 {strides = array<i32>} : memref<1x1xf32, #tpu.memory_space<vmem>>, vector<1x1xf32>,
    return
  }
}

module attributes {stable_mosaic.version = 14 : i64} {
  func.func @_count_body(%arg0: i32, %arg1: memref<256x2048xf32, #tpu.memory_space<vmem>>, %arg2: memref<256x2048xi32, #tpu.memory_space<vmem>>, %arg3: memref<32x2048xi32, #tpu.memory_space<vmem>>, %arg4: memref<32x2048xi32, #tpu.memory_space<vmem>>, %arg5: memref<1x2048xi32, #tpu.memory_space<vmem>>, %arg6: memref<1x2048xi32, #tpu.memory_space<vmem>>, %arg7: memref<1x1xf32, #tpu.memory_space<vmem>>, %arg8: memref<1x1xf32, #tpu.memory_space<vmem>>) attributes {dimension_semantics = [#tpu.dimension_semantics<arbitrary>], iteration_bounds = array<i64: 8>, scalar_prefetch = 0 : i64, scratch_operands = 0 : i64, tpu.core_type = #tpu.core_type<tc>, window_params = [{transform_indices = @transform_0, window_bounds = array<i64: 256, 2048>}, {transform_indices = @transform_1, window_bounds = array<i64: 256, 2048>}, {pipeline_mode = #tpu.pipeline_mode<synchronous>, transform_indices = @transform_2, window_bounds = array<i64: 32, 2048>}, {pipeline_mode = #tpu.pipeline_mode<synchronous>, transform_indices = @transform_3, window_bounds = array<i64: 32, 2048>}, {pipeline_mode = #tpu.pipeline_mode<synchronous>, transform_indices = @transform_4, window_bounds = array<i64: 1, 2048>}, {pipeline_mode = #tpu.pipeline_mode<synchronous>, transform_indices = @transform_5, window_bounds = array<i64: 1, 2048>}, {pipeline_mode = #tpu.pipeline_mode<synchronous>, transform_indices = @transform_6, window_bounds = array<i64: 1, 1>}, {pipeline_mode = #tpu.pipeline_mode<synchronous>, transform_indices = @transform_7, window_bounds = array<i64: 1, 1>}]} {
    %get3A = arith.constant 0 : index
    %get3A_0 = arith.constant 0 : index
    %get3A_1 = vector.load %arg1[%get3A, %get3A_0] : memref<256x2048xf32, #tpu.memory_space<vmem>>, vector<256x2048xf32>
    %get3A_2 = arith.constant 0 : index
    %get3A_3 = arith.constant 0 : index
    %get3A_4 = vector.load %arg2[%get3A_2, %get3A_3] : memref<256x2048xi32, #tpu.memory_space<vmem>>, vector<256x2048xi32>
    %get3A_5 = arith.constant 0 : index
    %get3A_6 = arith.constant 0 : index
    %get3A_7 = vector.load %arg5[%get3A_5, %get3A_6] : memref<1x2048xi32, #tpu.memory_space<vmem>>, vector<1x2048xi32>
    %get3A_8 = arith.constant 0 : index
    %get3A_9 = arith.constant 0 : index
    %get3A_10 = vector.load %arg3[%get3A_8, %get3A_9] : memref<32x2048xi32, #tpu.memory_space<vmem>>, vector<32x2048xi32>
    %reduce_sum3A = arith.constant dense<0> : vector<2048xi32>
    %reduce_sum3A_11 = vector.multi_reduction <add>, %get3A_10, %reduce_sum3A [0] : vector<32x2048xi32> to vector<2048xi32>
    %broadcast_in_dim3A = vector.shape_cast %reduce_sum3A_11 : vector<2048xi32> to vector<1x2048xi32>
    %sub3A = arith.subi %get3A_7, %broadcast_in_dim3A : vector<1x2048xi32>
    %get3A_12 = arith.constant 0 : index
    %get3A_13 = arith.constant 0 : index
    %get3A_14 = vector.load %arg6[%get3A_12, %get3A_13] : memref<1x2048xi32, #tpu.memory_space<vmem>>, vector<1x2048xi32>
    %get3A_15 = arith.constant 0 : index
    %get3A_16 = arith.constant 0 : index
    %get3A_17 = vector.load %arg4[%get3A_15, %get3A_16] : memref<32x2048xi32, #tpu.memory_space<vmem>>, vector<32x2048xi32>
    %reduce_sum3A_18 = arith.constant dense<0> : vector<2048xi32>
    %reduce_sum3A_19 = vector.multi_reduction <add>, %get3A_17, %reduce_sum3A_18 [0] : vector<32x2048xi32> to vector<2048xi32>
    %broadcast_in_dim3A_20 = vector.shape_cast %reduce_sum3A_19 : vector<2048xi32> to vector<1x2048xi32>
    %sub3A_21 = arith.subi %get3A_14, %broadcast_in_dim3A_20 : vector<1x2048xi32>
    %iota3A = tpu.iota {dimensions = array<i32: 0>} : vector<256x2048xi32>
    %mul3A = arith.constant 256 : i32
    %mul3A_22 = arith.muli %arg0, %mul3A : i32
    %add3A = vector.broadcast %mul3A_22 : i32 to vector<256x2048xi32>
    %add3A_23 = arith.addi %iota3A, %add3A : vector<256x2048xi32>
    %iota3A_24 = tpu.iota {dimensions = array<i32: 1>} : vector<256x2048xi32>
    %broadcast_in_dim3A_25 = vector.shape_cast %sub3A : vector<1x2048xi32> to vector<1x2048xi32>
    %broadcast_in_dim3A_26 = vector.broadcast %broadcast_in_dim3A_25 : vector<1x2048xi32> to vector<256x2048xi32>
    %eq3A = arith.cmpi eq, %iota3A_24, %add3A_23 : vector<256x2048xi32>
    %jit3A = arith.constant 0 : i32
    %broadcast_in_dim3A_27 = vector.broadcast %jit3A : i32 to vector<256x2048xi32>
    %select_n3A = arith.select %eq3A, %broadcast_in_dim3A_26, %broadcast_in_dim3A_27 : vector<256x2048xi1>, vector<256x2048xi32>
    %reduce_sum3A_28 = arith.constant dense<0> : vector<256xi32>
    %reduce_sum3A_29 = vector.multi_reduction <add>, %select_n3A, %reduce_sum3A_28 [1] : vector<256x2048xi32> to vector<256xi32>
    %broadcast_in_dim3A_30 = vector.shape_cast %reduce_sum3A_29 : vector<256xi32> to vector<256x1xi32>
    %add3A_31 = arith.constant 1.000000e+00 : f32
    %add3A_32 = vector.broadcast %add3A_31 : f32 to vector<256x2048xf32>
    %add3A_33 = arith.addf %add3A_32, %get3A_1 : vector<256x2048xf32>
    %mul3A_34 = arith.constant 8.100000e-01 : f32
    %mul3A_35 = vector.broadcast %mul3A_34 : f32 to vector<256x2048xf32>
    %mul3A_36 = arith.mulf %mul3A_35, %add3A_33 : vector<256x2048xf32>
    %eq3A_37 = arith.constant 0 : i32
    %eq3A_38 = vector.broadcast %eq3A_37 : i32 to vector<256x2048xi32>
    %eq3A_39 = arith.cmpi eq, %get3A_4, %eq3A_38 : vector<256x2048xi32>
    %lt3A = arith.constant 32 : i32
    %lt3A_40 = vector.broadcast %lt3A : i32 to vector<256x1xi32>
    %lt3A_41 = arith.cmpi slt, %broadcast_in_dim3A_30, %lt3A_40 : vector<256x1xi32>
    %and3A = vector.broadcast %lt3A_41 : vector<256x1xi1> to vector<256x2048xi1>
    %and3A_42 = arith.andi %eq3A_39, %and3A : vector<256x2048xi1>
    %lt3A_43 = arith.constant 32 : i32
    %lt3A_44 = vector.broadcast %lt3A_43 : i32 to vector<1x2048xi32>
    %lt3A_45 = arith.cmpi slt, %sub3A_21, %lt3A_44 : vector<1x2048xi32>
    %and3A_46 = vector.broadcast %lt3A_45 : vector<1x2048xi1> to vector<256x2048xi1>
    %and3A_47 = arith.andi %and3A_42, %and3A_46 : vector<256x2048xi1>
    %get3A_48 = arith.constant 0 : index
    %get3A_49 = arith.constant 0 : index
    %get3A_50 = vector.load %arg7[%get3A_48, %get3A_49] : memref<1x1xf32, #tpu.memory_space<vmem>>, vector<1x1xf32>
    %gt3A = vector.broadcast %get3A_50 : vector<1x1xf32> to vector<256x2048xf32>
    %gt3A_51 = arith.cmpf ogt, %mul3A_36, %gt3A : vector<256x2048xf32>
    %and3A_52 = arith.andi %and3A_47, %gt3A_51 : vector<256x2048xi1>
    %convert_element_type3A = arith.extui %and3A_52 : vector<256x2048xi1> to vector<256x2048xi32>
    %convert_element_type3A_53 = arith.sitofp %convert_element_type3A : vector<256x2048xi32> to vector<256x2048xf32>
    %reduce_sum3A_54 = vector.shape_cast %convert_element_type3A_53 : vector<256x2048xf32> to vector<1x256x2048xf32>
    %reduce_sum3A_55 = arith.constant dense<0.000000e+00> : vector<1xf32>
    %reduce_sum3A_56 = vector.multi_reduction <add>, %reduce_sum3A_54, %reduce_sum3A_55 [1, 2] : vector<1x256x2048xf32> to vector<1xf32>
    %reduce_sum3A_57 = vector.shape_cast %reduce_sum3A_56 : vector<1xf32> to vector<1x1x1xf32>
    %reduce_sum3A_58 = vector.extract %reduce_sum3A_57[0, 0, 0] : f32 from vector<1x1x1xf32>
    %reshape3A = vector.broadcast %reduce_sum3A_58 : f32 to vector<1x1xf32>
    %eq3A_59 = arith.constant 0 : i32
    %eq3A_60 = arith.cmpi eq, %arg0, %eq3A_59 : i32
    %convert_element_type3A_61 = arith.extui %eq3A_60 : i1 to i32
    %cond3A = arith.constant 0 : i32
    %cond3A_62 = arith.cmpi ne, %convert_element_type3A_61, %cond3A : i32
    scf.if %cond3A_62 {
      %swap3A = arith.constant 0 : index
      %swap3A_67 = arith.constant 0 : index
      %swap3A_68 = vector.load %arg8[%swap3A, %swap3A_67] : memref<1x1xf32, #tpu.memory_space<vmem>>, vector<1x1xf32>
      tpu.vector_store %arg8[%swap3A, %swap3A_67], %reshape3A {strides = array<i32>} : memref<1x1xf32, #tpu.memory_space<vmem>>, vector<1x1xf32>,
    } else {
    }
    %ne3A = arith.constant 0 : i32
    %ne3A_63 = arith.cmpi ne, %arg0, %ne3A : i32
    %convert_element_type3A_64 = arith.extui %ne3A_63 : i1 to i32
    %cond3A_65 = arith.constant 0 : i32
    %cond3A_66 = arith.cmpi ne, %convert_element_type3A_64, %cond3A_65 : i32
    scf.if %cond3A_66 {
      %get3A_67 = arith.constant 0 : index
      %get3A_68 = arith.constant 0 : index
      %get3A_69 = vector.load %arg8[%get3A_67, %get3A_68] : memref<1x1xf32, #tpu.memory_space<vmem>>, vector<1x1xf32>
      %add3A_70 = arith.addf %get3A_69, %reshape3A : vector<1x1xf32>
      %swap3A = arith.constant 0 : index
      %swap3A_71 = arith.constant 0 : index
      %swap3A_72 = vector.load %arg8[%swap3A, %swap3A_71] : memref<1x1xf32, #tpu.memory_space<vmem>>, vector<1x1xf32>
      tpu.vector_store %arg8[%swap3A, %swap3A_71], %add3A_70 {strides = array<i32>} : memref<1x1xf32, #tpu.memory_space<vmem>>, vector<1x1xf32>,
    } else {
    }
    return
  }
  func.func @transform_0(%arg0: i32) -> (i32, i32) {
    %c0_i32 = arith.constant 0 : i32
    %c0_i32_0 = arith.constant 0 : i32
    return %arg0, %c0_i32 : i32, i32
  }
  func.func @transform_1(%arg0: i32) -> (i32, i32) {
    %c0_i32 = arith.constant 0 : i32
    %c0_i32_0 = arith.constant 0 : i32
    return %arg0, %c0_i32 : i32, i32
  }
  func.func @transform_2(%arg0: i32) -> (i32, i32) {
    %c0_i32 = arith.constant 0 : i32
    %c0_i32_0 = arith.constant 0 : i32
    %c0_i32_1 = arith.constant 0 : i32
    return %c0_i32, %c0_i32_0 : i32, i32
  }
  func.func @transform_3(%arg0: i32) -> (i32, i32) {
    %c0_i32 = arith.constant 0 : i32
    %c0_i32_0 = arith.constant 0 : i32
    %c0_i32_1 = arith.constant 0 : i32
    return %c0_i32, %c0_i32_0 : i32, i32
  }
  func.func @transform_4(%arg0: i32) -> (i32, i32) {
    %c0_i32 = arith.constant 0 : i32
    %c0_i32_0 = arith.constant 0 : i32
    %c0_i32_1 = arith.constant 0 : i32
    return %c0_i32, %c0_i32_0 : i32, i32
  }
  func.func @transform_5(%arg0: i32) -> (i32, i32) {
    %c0_i32 = arith.constant 0 : i32
    %c0_i32_0 = arith.constant 0 : i32
    %c0_i32_1 = arith.constant 0 : i32
    return %c0_i32, %c0_i32_0 : i32, i32
  }
  func.func @transform_6(%arg0: i32) -> (i32, i32) {
    %c0_i32 = arith.constant 0 : i32
    %c0_i32_0 = arith.constant 0 : i32
    %c0_i32_1 = arith.constant 0 : i32
    return %c0_i32, %c0_i32_0 : i32, i32
  }
  func.func @transform_7(%arg0: i32) -> (i32, i32) {
    %c0_i32 = arith.constant 0 : i32
    %c0_i32_0 = arith.constant 0 : i32
    %c0_i32_1 = arith.constant 0 : i32
    return %c0_i32, %c0_i32_0 : i32, i32
  }
}

</mosaic_0001>

<sc_bundles>
// kernel: branch_1_fun.12.cloned.1.call-start
scs
__scs_entry_jumppad:
0x0: {  	(pc) =	sbr.rel $0x88, $3  }
0x1: {  	(tag) =	ssettag $0x0;
	lr =	simm.s32 $0x1  }
0x2: {  	[smem:$0x3F9A] =	sst lr;
	_ =	strace $0xD0000000  }
0x3: {  	_ = 	snop  }
0x4: {  	_ = 	snop  }
0x5: {  	_ = 	snop  }
0x6: {  	_ = 	snop  }
0x7: {  	_ = 	snop  }
__scs_overlays_trampoline_lowered:
0x8: {  	[smem:$0x3FA9] =	sst s0  }
0x9: {  	[smem:$0x3FAA] =	sst s1  }
0xa: {  	[smem:$0x3FAB] =	sst s2  }
0xb: {  	[smem:$0x3FAC] =	sst s3  }
0xc: {  	[smem:$0x3FAD] =	sst s4  }
0xd: {  	[smem:$0x3FAE] =	sst s5  }
0xe: {  	[smem:$0x3FAF] =	sst s6  }
0xf: {  	[smem:$0x3FB0] =	sst s7  }
0x10: {  	[smem:$0x3FB1] =	sst s8  }
0x11: {  	[smem:$0x3FB2] =	sst s9;
	s0 =	simm.s32 @!p0 $0x0  }
0x12: {  	s1 =	sld [smem:$0x3F98];
	s0 =	simm.s32 @p0 $0x1  }
0x13: {  	[smem:$0x3FB3] =	sst s0;
	s0 =	simm.s32 @!p1 $0x0  }
0x14: {  	s2 =	sld [smem:$0x3F97];
	s0 =	simm.s32 @p1 $0x1  }
0x15: {  	[smem:$0x3FB4] =	sst s0;
	s0 =	simm.s32 @!p2 $0x0  }
0x16: {  	s3 =	sld [smem:$0x3FDB];
	s0 =	simm.s32 @p2 $0x1  }
0x17: {  	s4 =	simm.s32 $0x1BF5;
	[smem:$0x3FB6] =	sst s0  }
0x18: {  	s0 =	sld [smem:$0x3F99];
	_ =	swait.ge [sflag:s4], $0x0  }
0x19: {  	s7 =	sld [smem:$0x3F9A]  }
0x1a: {  	s8 =	sadd.s32 $0xFFFFE003, lr  }
0x1b: {  	s9 =	sadd.s32 $0xFFFFFEF7, lr;
	s5 =	simm.s32 $0xFFFFFFFF;
	p2 =	slt.u32 s8, $0xFFFFF086  }
0x1c: {  	p1 =	slt.u32 s9, $0xF7A;
	s5 =	simm.s32 @!p2 $0x0  }
0x1d: {  	s5 =	simm.s32 @p1 $0x1;
	p0 =	seq.s32 s7, s2  }
0x1e: {  	s7 =	smul.u32 @!p0 $0xF7A, s2;
	p2 =	seq.s32 @!p0 s5, $0x0  }
0x1f: {  	s9 =	smul.u32 $0xF7A, s1;
	s8 =	simm.s32 @!p0 $0x1BF5;
	p2 =	por !p2, p0  }
0x20: {  	[sflag:s8] =	ssyncset.s32 @!p0 $0xFFFFF086;
	s6 =	sadd.s32 @!p0 s3, s7;
	s7 =	simm.s32 @!p0 $0x108  }
0x21: {  	s3 =	sadd.s32 s3, s9;
	s6 =	sadd.s32 @!p0 $0x88, s6;
	s7 =	simm.s32 @p2 $0x1082  }
0x22: {  	[simem:s7], [sflag:s8] =	dma.local @!p0 [hbm:s6], $0xF7A  }
0x23: {  	s9 =	sor.u32 $0xD0000000, s2;
	s6 =	simm.s32 $0x108;
	_ =	swait.ge @!p0 [sflag:s8], $0x0  }
0x24: {  	s3 =	sadd.s32 $0x88, s3;
	s6 =	simm.s32 @!p1 $0x1082;
	[sflag:s4] =	ssyncset.s32 $0xFFFFF086  }
0x25: {  	[simem:s6], [sflag:s4] =	dma.local [hbm:s3], $0xF7A  }
0x26: {  	[smem:$0x3F9A] =	sst s1;
	(tag) =	ssettag s2;
	_ =	strace s9  }
0x27: {  	s1 =	sld [smem:$0x3FAA]  }
0x28: {  	s2 =	sld [smem:$0x3FAB]  }
0x29: {  	s4 =	sld [smem:$0x3FAD]  }
0x2a: {  	p0 =	seq.s32 s5, $0x0;
	s5 =	sld [smem:$0x3FAE]  }
0x2b: {  	s6 =	sld [smem:$0x3FAF]  }
0x2c: {  	s7 =	sld [smem:$0x3FB0]  }
0x2d: {  	s3 =	simm.s32 $0x108;
	s8 =	sld [smem:$0x3FB1]  }
0x2e: {  	s3 =	simm.s32 @!p0 $0x1082;
	s9 =	sld [smem:$0x3FB2]  }
0x2f: {  	lr =	sadd.s32 s0, s3;
	s0 =	sld [smem:$0x3FA9]  }
0x30: {  	s3 =	sld [smem:$0x3FAC]  }
0x31: {  	[smem:$0x3FB5] =	sst s10  }
0x32: {  	s10 =	sld [smem:$0x3FB3];
	_ =	sdelay $0x3  }
0x33: {  	p0 =	seq.s32 s10, $0x1;
	s10 =	sld [smem:$0x3FB5];
	_ =	sdelay $0x3  }
0x34: {  	[smem:$0x3FB5] =	sst s10  }
0x35: {  	s10 =	sld [smem:$0x3FB4];
	_ =	sdelay $0x3  }
0x36: {  	p1 =	seq.s32 s10, $0x1;
	s10 =	sld [smem:$0x3FB5];
	_ =	sdelay $0x3  }
0x37: {  	[smem:$0x3FB5] =	sst s10  }
0x38: {  	s10 =	sld [smem:$0x3FB6]  }
0x39: {  	_ = 	snop;
	(pc) =	sbr.ind lr, $3  }
0x3a: {  	_ = 	snop  }
0x3b: {  	_ = 	snop  }
0x3c: {  	p2 =	seq.s32 s10, $0x1;
	s10 =	sld [smem:$0x3FB5]  }
0x3d: {  	_ =	shalt  }
0x3e: {  	_ =	shalt  }
0x3f: {  	_ =	shalt  }
0x40: {  	_ =	shalt  }
0x41: {  	_ =	shalt  }
0x42: {  	_ =	shalt  }
0x43: {  	_ =	shalt  }
0x44: {  	_ =	shalt  }
0x45: {  	_ =	shalt  }
0x46: {  	_ =	shalt  }
0x47: {  	_ =	shalt  }
0x48: {  	_ =	shalt  }
0x49: {  	_ =	shalt  }
0x4a: {  	_ =	shalt  }
0x4b: {  	_ =	shalt  }
0x4c: {  	_ =	shalt  }
0x4d: {  	_ =	shalt  }
0x4e: {  	_ =	shalt  }
0x4f: {  	_ =	shalt  }
0x50: {  	_ =	shalt  }
0x51: {  	_ =	shalt  }
0x52: {  	_ =	shalt  }
0x53: {  	_ =	shalt  }
0x54: {  	_ =	shalt  }
0x55: {  	_ =	shalt  }
0x56: {  	_ =	shalt  }
0x57: {  	_ =	shalt  }
0x58: {  	_ =	shalt  }
0x59: {  	_ =	shalt  }
0x5a: {  	_ =	shalt  }
0x5b: {  	_ =	shalt  }
0x5c: {  	_ =	shalt  }
0x5d: {  	_ =	shalt  }
0x5e: {  	_ =	shalt  }
0x5f: {  	_ =	shalt  }
0x60: {  	_ =	shalt  }
0x61: {  	_ =	shalt  }
0x62: {  	_ =	shalt  }
0x63: {  	_ =	shalt  }
0x64: {  	_ =	shalt  }
0x65: {  	_ =	shalt  }
0x66: {  	_ =	shalt  }
0x67: {  	_ =	shalt  }
0x68: {  	_ =	shalt  }
0x69: {  	_ =	shalt  }
0x6a: {  	_ =	shalt  }
0x6b: {  	_ =	shalt  }
0x6c: {  	_ =	shalt  }
0x6d: {  	_ =	shalt  }
0x6e: {  	_ =	shalt  }
0x6f: {  	_ =	shalt  }
0x70: {  	_ =	shalt  }
0x71: {  	_ =	shalt  }
0x72: {  	_ =	shalt  }
0x73: {  	_ =	shalt  }
0x74: {  	_ =	shalt  }
0x75: {  	_ =	shalt  }
0x76: {  	_ =	shalt  }
0x77: {  	_ =	shalt  }
0x78: {  	_ =	shalt  }
0x79: {  	_ =	shalt  }
0x7a: {  	_ =	shalt  }
0x7b: {  	_ =	shalt  }
0x7c: {  	_ =	shalt  }
0x7d: {  	_ =	shalt  }
0x7e: {  	_ =	shalt  }
0x7f: {  	_ =	shalt  }
0x80: {  	_ =	shalt  }
0x81: {  	_ =	shalt  }
0x82: {  	_ =	shalt  }
0x83: {  	_ =	shalt  }
0x84: {  	_ =	shalt  }
0x85: {  	_ =	shalt  }
0x86: {  	_ =	shalt  }
0x87: {  	_ =	shalt  }
.Lfunc_end0:
.L_simem_size_0:
called_computation.2_lowered:
.L_overlay_start_0:
0x88: {  	s2 =	sld [smem:$0x3FD9]  }
0x89: {  	s3 =	sld [smem:$0x3FFE];
	_ =	sdelay $0x1  }
0x8a: {  	s1 =	srdreg.scid  }
0x8b: {  	s0 =	sand.u32 $0x1, s1  }
0x8c: {  	s16 =	sshll.u32 s0, $0xA;
	s2 =	sadd.s32 s3, s2  }
0x8d: {  	s2 =	sadd.s32 s2, s16  }
0x8e: {  	[smem:$0x3FC1] =	sst s2  }
0x8f: {  	_ = 	snop  }
0x90: {  	(tm) =	ssettm $0x1  }
0x91: {  	s17 =	sld [smem:$0x3FFB];
	_ =	sdelay $0x3  }
0x92: {  	_ =	strace s17  }
0x93: {  	s2 =	sld [smem:$0x3FFC];
	_ =	sdelay $0x3  }
0x94: {  	_ =	strace s2  }
0x95: {  	s2 =	sld [smem:$0x3FFD];
	_ =	sdelay $0x3  }
0x96: {  	_ =	strace s2  }
0x97: {  	_ =	strace $0x8FFFFFFF  }
0x98: {  	s18 =	sld [smem:$0x3FDB];
	_ =	sdelay $0x1  }
0x99: {  	s19 =	simm.s32 $_scs_section_size  }
0x9a: {  	s4 =	simm.s32 $_size__tile_overlayer_lowered;
	s5 =	simm.s32 $_tile_overlayer_lowered  }
0x9b: {  	s22 =	simm.s32 $0x1BFF;
	s21 =	sshll.u32 s5, $0x1;
	s2 =	sadd.s32 s19, s18  }
0x9c: {  	s6 =	simm.s32 $0x0;
	s20 =	sshll.u32 s4, $0x1;
	s4 =	sadd.s32 s21, s2  }
0x9d: {  	[timem:s6], [sflag:s22] =	dma.local [hbm:s4], s20  }
0x9e: {  	_ =	swait.ge [sflag:s22], s20  }
0x9f: {  	s3 =	ssub.s32 $0x0, s20;
	[sflag:s22] =	ssyncset.done $0x0  }
0xa0: {  	[sflag:s22] =	ssyncadd.s32 s3;
	_ =	sdelay $0x1  }
0xa1: {  	s23 =	simm.s32 $0x1B8B  }
0xa2: {  	_ =	swait.ge [sflag:s23], $0x1  }
0xa3: {  	[sflag:s23] =	ssyncset.done $0x0  }
0xa4: {  	s25 =	simm.s32 $0x1B8E;
	s24 =	sld [smem:$0x3FFE];
	[sflag:s23] =	ssyncadd.s32 $0xFFFFFFFF  }
0xa5: {  	s26 =	simm.s32 $execute0_lowered;
	[smem:$0x3FD2] =	sst s25  }
0xa6: {  	s4 =	sshll.u32 s26, $0x1;
	_ =	strace $0x8000004C;
	[dreg:$0x1] =	wrdreg $0xFFFFFFFF  }
0xa7: {  	s28 =	simm.s32 $_size_execute0_lowered;
	s2 =	sadd.s32 s2, s4;
	[dreg:$0x0] =	wrdreg $0x0  }
0xa8: {  	s4 =	sshll.u32 s28, $0x1;
	[dreg:$0x2] =	wrdreg s2  }
0xa9: {  	[dreg:$0x3] =	wrdreg s4  }
0xaa: {  	[dreg:$0x4] =	wrdreg $0xC0  }
0xab: {  	_ =	task [dreg:s6], $0x5FFFF  }
0xac: {  	[dreg:$0x1] =	wrdreg $0xFFFFFFFF  }
0xad: {  	[dreg:$0x0] =	wrdreg $0x60  }
0xae: {  	[dreg:$0x2] =	wrdreg s24  }
0xaf: {  	[dreg:$0x3] =	wrdreg $0x9  }
0xb0: {  	_ =	task.clear_ibuf [dreg:s6], $0x4FFFF;
	_ =	strace $0x9000004C  }
0xb1: {  	s29 =	simm.s32 $0x9;
	_ =	strace $0x8000004E  }
0xb2: {  	_ =	swait.ge [sflag:s29], $0x1  }
0xb3: {  	[sflag:s29] =	ssyncadd.s32 $0xFFFFFFFF  }
0xb4: {  	_ =	strace $0x9000004E  }
0xb5: {  	_ =	sfence  }
0xb6: {  	s30 =	sld [smem:$0x0];
	_ =	sdelay $0x2  }
0xb7: {  	s31 =	sshll.u32 s1, $0xD;
	s1 =	sshrl.u32 s1, $0x2  }
0xb8: {  	s3 =	sand.u32 $0x4000, s31;
	s1 =	sadd.s32 s1, s30  }
0xb9: {  	s0 =	sor.u32 s3, s0;
	s1 =	sshll.u32 s1, $0x11  }
0xba: {  	s0 =	sor.u32 s1, s0  }
0xbb: {  	s0 =	sadd.s32 $0x8F2B, s0  }
0xbc: {  	[sflag:s0] =	ssyncadd.remote.s32 $0x1  }
0xbd: {  	_ =	sfence.sel $0xFFFF  }
0xbe: {  	[dreg:$0x0] =	wrdreg $0xFFFFFFFF;
	(pc) =	sbr.abs _section_cstart, $3  }
0xbf: {  	[dreg:$0x1] =	wrdreg $0xFFFFFFFF  }
0xc0: {  	_ =	task.clear_ibuf [dreg:s6], $0x2FFFF;
	_ =	strace $0x9FFFFFFF  }
0xc1: {  	(tm) =	ssettm $0x7FFFFFFF  }
tec
execute0_lowered:
.L_overlay_start_1:
0x0: {  	(tag) =	ssettag $0x1  }
0x1: {  	s1 =	srdreg.scid  }
0x2: {  	s0 =	stileid.u32;
	s7 =	rddreg [dreg:$0x0]  }
0x3: {  	s2 =	simm.s32 $0x0;
	s13 =	simm.s32 $0x1000;
	s14 =	simm.s32 $0x2000  }
0x4: {  	s15 =	simm.s32 $0x3000;
	s11 =	sand.u32 $0x1, s1;
	s1 =	rddreg [dreg:$0x1]  }
0x5: {  	s16 =	simm.s32 $0x0;
	s3 =	sshll.u32 s0, $0x1;
	[smem:$0x7FF] =	sst s2  }
0x6: {  	s5 =	sadd.s32 $0x3600, s7;
	s6 =	sadd.s32 $0x98000, s7;
	s12 =	sshll.u32 s0, $0xD  }
0x7: {  	s3 =	sor.u32 s11, s3;
	_ =	strace $0x8000004D;
	s8 =	ssub.s32 $0x2, s11  }
0x8: {  	s11 =	sshll.u32 s11, $0xC;
	s4 =	sshll.u32 s3, $0x9;
	s10 =	sshrl.u32 s8, $0x1  }
0x9: {  	s11 =	sor.u32 s11, s12;
	s12 =	simm.s32 $0x2;
	s9 =	sadd.s32 s4, s7  }
0xa: {  	s4 =	sadd.s32 $0x3800, s7;
	s7 =	sadd.s32 $0x203C00, s7;
	s10 =	ssub.s32 s8, s10  }
0xb: {  	v0 =	vimm.f32 $0.0e+00;
	v1 =	vlaneseq.u32;
	s8 =	sadd.s32 $0x90000, s9;
	s9 =	sadd.s32 $0x94000, s9;
	s10 =	smax.u32 s10, $0x1  }
.LBB2_1:
0xc: {  	[tilespmem:s2], [sflag:$0x2] =	stream.linear.gather [hbm4b:s8+s2], $0x1000, $0x38;
	[tilespmem:$0x5080] =	vst v63  }
0xd: {  	_ =	swait.ge [sflag:s12], $0x1000  }
0xe: {  	[sflag:s12] =	ssyncset.done $0x0  }
0xf: {  	[sflag:s12] =	ssyncadd.s32 $0xFFFFF000  }
0x10: {  	[tilespmem:s13], [sflag:$0x2] =	stream.linear.gather [hbm4b:s9+s2], $0x1000, $0x38;
	[tilespmem:$0x5080] =	vst v63  }
0x11: {  	_ =	swait.ge [sflag:s12], $0x1000  }
0x12: {  	[sflag:s12] =	ssyncset.done $0x0  }
0x13: {  	[sflag:s12] =	ssyncadd.s32 $0xFFFFF000  }
0x14: {  	[tilespmem:s14], [sflag:$0x2] =	stream.linear.gather [hbm4b:s4+s2], $0x1000, $0x38;
	[tilespmem:$0x5080] =	vst v63  }
0x15: {  	_ =	swait.ge [sflag:s12], $0x1000  }
0x16: {  	s17 =	simm.s32 $0x0;
	s18 =	sand.u32 $0x400, s2;
	[sflag:s12] =	ssyncset.done $0x0  }
0x17: {  	s19 =	simm.s32 $0x0;
	s17 =	sand.u32 $0x800, s17;
	[sflag:s12] =	ssyncadd.s32 $0xFFFFF000  }
0x18: {  	[tilespmem:s15], [sflag:$0x2] =	stream.linear.gather [hbm4b:s5+s2], $0x80, $0x38;
	[tilespmem:$0x5080] =	vst v63  }
0x19: {  	s19 =	sand.u32 $0x380, s19;
	s17 =	sor.u32 s18, s17;
	_ =	swait.ge [sflag:s12], $0x80  }
0x1a: {  	s31 =	sand.u32 $0x70, s2;
	s17 =	sor.u32 s17, s19;
	[sflag:s12] =	ssyncset.done $0x0  }
0x1b: {  	s18 =	sor.u32 s31, s17;
	[sflag:s12] =	ssyncadd.s32 $0xFFFFFF80  }
0x1c: {  	s19 =	simm.s32 $0x0;
	s17 =	simm.s32 $0x1;
	[tilespmem:s18+$0x3080] =	vst v0;
	s18 =	simm.s32 $0x80  }
.LBB2_2:
0x1d: {  	s20 =	sshll.u32 s17, $0x4;
	p0 =	sne.s32 s17, $0xFF  }
0x1e: {  	s21 =	smov.u32 s17;
	s17 =	sadd.s32 $0x1, s17;
	s22 =	sand.u32 $0x400, s18  }
.Ltmp0:
0x1f: {  	s20 =	sand.u32 $0x800, s20;
	s21 =	sshll.u32 s21, $0x3;
	(pc) =	sbr.rel @p0 .LBB2_2-.Ltmp0, $4  }
0x20: {  	s19 =	sadd.s32 $0x10, s19;
	s21 =	sand.u32 $0x380, s21;
	s20 =	sor.u32 s22, s20  }
0x21: {  	s22 =	sand.u32 $0x70, s19;
	s20 =	sor.u32 s20, s21  }
0x22: {  	s20 =	sor.u32 s22, s20  }
0x23: {  	s18 =	sadd.s32 $0x80, s18;
	[tilespmem:s20+$0x3080] =	vst v0  }
0x24: {  	s17 =	simm.s32 $0x2000  }
0x25: {  	v2 =	vld [tilespmem:s17+$0x0];
	_ =	sdelay $0x4  }
0x26: {  	v2 =	vxor.u32 $0x80000000, v2  }
0x27: {  	(xrf0) =	vmin.scan.msk.u32 $0xffff, v2;
	_ =	sdelay $0x5  }
0x28: {  	s29 =	simm.s32 $0x2080;
	v2, _, _ =	vpop (xrf0)  }
0x29: {  	s30 =	simm.s32 $0x2100;
	(v2sf) =	vpush v2, $0xF;
	v2 =	vld [tilespmem:s29+$0x0]  }
0x2a: {  	v3 =	vld [tilespmem:s30+$0x0];
	_ =	sdelay $0x3  }
0x2b: {  	v2 =	vxor.u32 $0x80000000, v2  }
0x2c: {  	(xrf0) =	vmin.scan.msk.u32 $0xffff, v2;
	v2 =	vxor.u32 $0x80000000, v3  }
0x2d: {  	(xrf0) =	vmin.scan.msk.u32 $0xffff, v2;
	_ =	sdelay $0x4  }
0x2e: {  	v3, _, _ =	vpop (xrf0)  }
0x2f: {  	s31 =	simm.s32 $0x2180;
	(v2sf) =	vpush v3, $0xF;
	v3, _, _ =	vpop (xrf0)  }
0x30: {  	v2 =	vld [tilespmem:s31+$0x0];
	(v2sf) =	vpush v3, $0xF;
	_ =	sdelay $0x4  }
0x31: {  	s21 =	simm.s32 $0x0;
	s20 =	simm.s32 $0x1;
	s19 =	simm.s32 $0x2;
	v2 =	vxor.u32 $0x80000000, v2  }
0x32: {  	s18 =	simm.s32 $0x3;
	s23 =	simm.s32 $0x2200;
	s24 =	simm.s32 $0x5;
	(xrf0) =	vmin.scan.msk.u32 $0xffff, v2  }
0x33: {  	s22 =	simm.s32 $0x0;
	s17 =	simm.s32 $0x4;
	v2 =	vld [tilespmem:s23+$0x0];
	s25 =	spop (v2sf)  }
.LBB2_4:
0x34: {  	p0 =	sne.s32 s24, $0x1F;
	s25 =	sxor.u32 $0x80000000, s25;
	p1 =	slt.u32 s21, s3  }
0x35: {  	s21 =	smov.u32 s20;
	s20 =	smov.u32 s19;
	s25 =	simm.s32 @!p1 $0x0  }
.Ltmp1:
0x36: {  	s19 =	smov.u32 s18;
	s22 =	sadd.s32 s22, s25;
	(pc) =	sbr.rel @p0 .LBB2_4-.Ltmp1, $4  }
0x37: {  	s18 =	smov.u32 s17;
	s17 =	smov.u32 s24  }
0x38: {  	v2 =	vxor.u32 $0x80000000, v2;
	v3, _, _ =	vpop (xrf0)  }
0x39: {  	s23 =	sadd.s32 $0x80, s23;
	(xrf0) =	vmin.scan.msk.u32 $0xffff, v2;
	(v2sf) =	vpush v3, $0xF;
	_ =	sdelay $0x1  }
0x3a: {  	s24 =	sadd.s32 $0x1, s24;
	v2 =	vld [tilespmem:s23+$0x0];
	s25 =	spop (v2sf)  }
0x3b: {  	_ =	sdelay $0x2  }
0x3c: {  	v2 =	vxor.u32 $0x80000000, v2  }
0x3d: {  	(xrf0) =	vmin.scan.msk.u32 $0xffff, v2  }
0x3e: {  	v2 =	vld [tilespmem:$0x3000];
	_ =	sdelay $0x3  }
0x3f: {  	v3, _, _ =	vpop (xrf0)  }
0x40: {  	(v2sf) =	vpush v3, $0xF;
	v2 =	vxor.u32 $0x80000000, v2;
	v3, _, _ =	vpop (xrf0)  }
0x41: {  	(xrf0) =	vmin.scan.msk.u32 $0xffff, v2;
	(v2sf) =	vpush v3, $0xF;
	_ =	sdelay $0x5  }
0x42: {  	v2, _, _ =	vpop (xrf0)  }
0x43: {  	(v2sf) =	vpush v2, $0xF;
	_ =	sdelay $0x1  }
0x44: {  	s23 =	sxor.u32 $0x80000000, s25  }
0x45: {  	p0 =	slt.u32 s21, s3;
	s29 =	spop (v2sf);
	s30 =	simm.s32 $0x0  }
0x46: {  	s23 =	simm.s32 @!p0 $0x0;
	p0 =	slt.u32 s20, s3;
	s21 =	sxor.u32 $0x80000000, s29;
	v2 =	vld [tilespmem:s30+$0x1000]  }
0x47: {  	s22 =	sadd.s32 s22, s23;
	s21 =	simm.s32 @!p0 $0x0;
	s31 =	spop (v2sf)  }
0x48: {  	p0 =	slt.u32 s19, s3;
	s22 =	sadd.s32 s22, s21;
	v3 =	vld [tilespmem:s30+$0x0];
	s20 =	sxor.u32 $0x80000000, s31  }
0x49: {  	s20 =	simm.s32 @!p0 $0x0;
	p0 =	slt.u32 s18, s3;
	s24 =	spop (v2sf)  }
0x4a: {  	s19 =	sadd.s32 s22, s20;
	s20 =	sxor.u32 $0x80000000, s24;
	s25 =	spop (v2sf)  }
0x4b: {  	s20 =	simm.s32 @!p0 $0x0;
	p0 =	slt.u32 s17, s3;
	v4 =	vsub.s32 $0x1, v2;
	s18 =	sxor.u32 $0x80000000, s25  }
0x4c: {  	s26 =	sadd.s32 s19, s20;
	(xrf0) =	vadd.scan.msk.s32 $0xffff, v4;
	s18 =	simm.s32 @!p0 $0x0  }
0x4d: {  	(xrf0) =	vadd.scan.msk.s32 $0xffff, v3;
	s18 =	sadd.s32 s26, s18  }
0x4e: {  	v5 =	vmov s18  }
0x4f: {  	v5 =	vadd.s32 $0xFFFFFFFF, v5  }
0x50: {  	v5 =	vbroadcast v5, $0x0  }
0x51: {  	s28 =	spop (v2sf)  }
0x52: {  	v6, _, _ =	vpop (xrf0);
	s17 =	sxor.u32 $0x80000000, s28;
	v5 =	vadd.s32 v2, v5  }
0x53: {  	v7, _, _ =	vpop (xrf0);
	(v2sf) =	vpush v6, $0xF;
	v2 =	vmov s17;
	v5 =	vadd.s32 v6, v5  }
0x54: {  	(v2sf) =	vpush v7, $0xF;
	vm0 =	vlt.s32 v5, v2  }
0x55: {  	v4 =	vnsel vm0, $0x0, v4  }
0x56: {  	(xrf0) =	vadd.scan.msk.s32 $0xffff, v4;
	_ =	sdelay $0x5  }
0x57: {  	v63, _, _ =	vpop (xrf0)  }
0x58: {  	(v2sf) =	vpush v63, $0xF;
	_ =	sdelay $0x4  }
0x59: {  	s29 =	spop (v2sf)  }
0x5a: {  	s30 =	spop (v2sf)  }
0x5b: {  	p1 =	slt.s32 s30, $0x1  }
0x5c: {  	v6 =	vlaneseq.u32 @!p1  }
0x5d: {  	v7 =	vmov s11;
	v8 =	vor.u32 @!p1 $0x80000000, v6  }
0x5e: {  	vm1 =	veq.s32 @!p1 v3, $0x1;
	v3 =	vor.u32 @!p1 v8, v7  }
0x5f: {  	v3 =	vnsel @!p1 vm1, $0xC0000000, v3  }
0x60: {  	(xrf0) =	vmin.scan.msk.u32 @!p1 $0xffff, v3;
	_ =	sdelay $0x2  }
0x61: {  	s31 =	spop (v2sf)  }
0x62: {  	p0 =	slt.s32 s31, $0x1  }
0x63: {  	vm0 =	veq.s32 @!p0 v4, $0x1;
	v3 =	vxor.u32 @!p0 $0x80000000, v5  }
0x64: {  	v4, _, _ =	vpop @!p1 (xrf0);
	v3 =	vnsel @!p0 vm0, $0xC0000000, v3  }
0x65: {  	v4 =	vbroadcast @!p1 v4, $0xF;
	(xrf0) =	vmin.scan.msk.u32 @!p0 $0xffff, v3  }
0x66: {  	v8 =	vor.u32 s11, v1;
	v3 =	vlaneseq.u32 @!p0  }
0x67: {  	v9 =	vor.u32 @!p0 $0x80000000, v3;
	v4 =	vsel @!p1 vm1, v8, v4  }
0x68: {  	v10 =	vand.u32 @!p1 $0x7, v6;
	v7 =	vor.u32 @!p0 v9, v7;
	v9 =	vshll.u32 @!p1 v4, $0x1  }
0x69: {  	v4 =	vand.u32 @!p1 $0x7, v4;
	v9 =	vand.u32 @!p1 $0xFFFFFFF0, v9  }
0x6a: {  	v11 =	vshrl.u32 @!p1 v6, $0x3;
	v7 =	vnsel @!p0 vm0, $0xC0000000, v7;
	v4 =	vor.u32 @!p1 v4, v9  }
0x6b: {  	(xrf0) =	vmin.scan.msk.u32 @!p0 $0xffff, v7;
	v9 =	vmul.u32 @!p1 $0x8, v11;
	v7 =	vperm.xlane @!p1 v4, v10;
	v10, _, _ =	vpop @!p0 (xrf0)  }
0x6c: {  	v6 =	vor.u32 @!p1 $0x8, v6;
	v10 =	vbroadcast @!p0 v10, $0xF  }
0x6d: {  	v4 =	vperm.xlane @!p1 v4, v6;
	v6 =	vadd.s32 @!p1 v9, v7  }
0x6e: {  	v5 =	vsel @!p0 vm0, v5, v10  }
0x6f: {  	vm1 =	vmmov @!p1 $0xffff;
	v4 =	vadd.s32 @!p1 v9, v4;
	v9 =	vshll.u32 @!p0 v5, $0x1  }
0x70: {  	v11 =	vand.u32 @!p0 $0x7, v3;
	v5 =	vand.u32 @!p0 $0x7, v5;
	v9 =	vand.u32 @!p0 $0xFFFFFFF0, v9  }
0x71: {  	s17 =	simm.s32 @!p1 $0x0;
	s20 =	simm.s32 @!p1 $0x3080;
	v7 =	vshrl.u32 @!p0 v3, $0x3;
	v3 =	vor.u32 @!p0 $0x8, v3;
	v10, _, _ =	vpop @!p0 (xrf0);
	v5 =	vor.u32 @!p0 v5, v9  }
0x72: {  	v7 =	vmul.u32 @!p0 $0x8, v7;
	v10 =	vbroadcast @!p0 v10, $0xF;
	[hbm4b:s7+s17] =	stream.indirect_vreg.scatter @!p1 [tilespmem:s20], [sflag:$0x1], $0x80, v6, vm1, $0xb8;
	v6 =	vperm.xlane @!p0 v5, v11;
	[tilespmem:$0x5080] =	vst v63  }
0x73: {  	s20 =	simm.s32 @!p1 $0x3880;
	v5 =	vperm.xlane @!p0 v5, v3  }
0x74: {  	v8 =	vsel @!p0 vm0, v8, v10;
	[hbm4b:s7+s17] =	stream.indirect_vreg.scatter @!p1 [tilespmem:s20], [sflag:$0x1], $0x80, v4, vm1, $0xb8;
	v4 =	vadd.s32 @!p0 v7, v6;
	[tilespmem:$0x5080] =	vst v63  }
0x75: {  	s17 =	simm.s32 @!p1 $0x1;
	v6 =	vshll.u32 @!p0 v8, $0x1  }
0x76: {  	v8 =	vand.u32 @!p0 $0x7, v8;
	v5 =	vadd.s32 @!p0 v7, v5;
	_ =	swait.ge @!p1 [sflag:s17], $0x1000;
	v6 =	vand.u32 @!p0 $0xFFFFFFF0, v6  }
0x77: {  	[sflag:s17] =	ssyncset.done @!p1 $0x0;
	v6 =	vor.u32 @!p0 v8, v6  }
0x78: {  	s21 =	simm.s32 @!p0 $0x4080;
	vm0 =	vmmov @!p0 $0xffff;
	[sflag:s17] =	ssyncadd.s32 @!p1 $0xFFFFF000;
	s17 =	simm.s32 @!p0 $0x0;
	v8 =	vperm.xlane @!p0 v6, v11  }
0x79: {  	[tilespmem:s21], [sflag:$0x1] =	stream.indirect_vreg.gather @!p0 [hbm4b:s6+s17], $0x80, v4, vm0, $0xb8;
	[tilespmem:$0x5080] =	vst v63  }
0x7a: {  	s22 =	simm.s32 @!p0 $0x4880;
	s20 =	simm.s32 @!p0 $0x1;
	v3 =	vperm.xlane @!p0 v6, v3;
	v4 =	vadd.s32 @!p0 v7, v8  }
0x7b: {  	[tilespmem:s22], [sflag:$0x1] =	stream.indirect_vreg.gather @!p0 [hbm4b:s6+s17], $0x80, v5, vm0, $0xb8;
	[tilespmem:$0x5080] =	vst v63  }
0x7c: {  	v3 =	vadd.s32 @!p0 v7, v3;
	_ =	swait.ge @!p0 [sflag:s20], $0x1000  }
0x7d: {  	[sflag:s20] =	ssyncset.done @!p0 $0x0  }
0x7e: {  	[sflag:s20] =	ssyncadd.s32 @!p0 $0xFFFFF000  }
0x7f: {  	[hbm4b:s7+s17] =	stream.indirect_vreg.scatter @!p0 [tilespmem:s21], [sflag:$0x1], $0x80, v4, vm0, $0xb8;
	[tilespmem:$0x5080] =	vst v63  }
0x80: {  	_ = 	snop  }
0x81: {  	[hbm4b:s7+s17] =	stream.indirect_vreg.scatter @!p0 [tilespmem:s22], [sflag:$0x1], $0x80, v3, vm0, $0xb8;
	[tilespmem:$0x5080] =	vst v63  }
0x82: {  	s19 =	smov.u32 s11;
	_ =	swait.ge @!p0 [sflag:s20], $0x1000  }
0x83: {  	s18 =	sadd.s32 s18, s29;
	s17 =	simm.s32 $0x40;
	[sflag:s20] =	ssyncset.done @!p0 $0x0  }
.LBB2_6:
0x84: {  	[sflag:s20] =	ssyncadd.s32 @!p0 $0xFFFFF000  }
0x85: {  	s19 =	sadd.s32 $0x10, s19;
	s20 =	smov.u32 s17;
	s17 =	sadd.s32 $0x40, s17  }
0x86: {  	s20 =	sshra.s32 s20, $0x2;
	p1 =	sne.s32 s17, $0x4000  }
0x87: {  	v3 =	vld [tilespmem:s20+$0x1000]  }
0x88: {  	v4 =	vld [tilespmem:s20+$0x0];
	_ =	sdelay $0x3  }
0x89: {  	v5 =	vsub.s32 $0x1, v3  }
0x8a: {  	(xrf0) =	vadd.scan.msk.s32 $0xffff, v5  }
0x8b: {  	(xrf0) =	vadd.scan.msk.s32 $0xffff, v4  }
0x8c: {  	v6 =	vmov s18  }
0x8d: {  	v6 =	vadd.s32 $0xFFFFFFFF, v6  }
0x8e: {  	v8 =	vbroadcast v6, $0x0;
	_ =	sdelay $0x1  }
0x8f: {  	v3 =	vadd.s32 v3, v8;
	v6, _, _ =	vpop (xrf0)  }
0x90: {  	v3 =	vadd.s32 v6, v3;
	v7, _, _ =	vpop (xrf0);
	(v2sf) =	vpush v6, $0xF  }
0x91: {  	vm0 =	vlt.s32 v3, v2;
	(v2sf) =	vpush v7, $0xF  }
0x92: {  	v5 =	vnsel vm0, $0x0, v5  }
0x93: {  	(xrf0) =	vadd.scan.msk.s32 $0xffff, v5;
	_ =	sdelay $0x5  }
0x94: {  	v6, _, _ =	vpop (xrf0)  }
0x95: {  	(v2sf) =	vpush v6, $0xF;
	_ =	sdelay $0x4  }
0x96: {  	s20 =	spop (v2sf)  }
0x97: {  	s18 =	sadd.s32 s18, s20;
	s20 =	spop (v2sf)  }
0x98: {  	p2 =	slt.s32 s20, $0x1  }
0x99: {  	v6 =	vmov s19;
	v7 =	vlaneseq.u32 @!p2  }
0x9a: {  	v8 =	vor.u32 @!p2 $0x80000000, v7;
	v9 =	vand.u32 @!p2 $0x7, v7;
	v10 =	vshrl.u32 @!p2 v7, $0x3  }
0x9b: {  	vm1 =	veq.s32 @!p2 v4, $0x1;
	v7 =	vor.u32 @!p2 $0x8, v7;
	v4 =	vor.u32 @!p2 v8, v6  }
0x9c: {  	v4 =	vnsel @!p2 vm1, $0xC0000000, v4  }
0x9d: {  	(xrf0) =	vmin.scan.msk.u32 @!p2 $0xffff, v4;
	_ =	sdelay $0x2  }
0x9e: {  	s20 =	spop (v2sf)  }
0x9f: {  	p0 =	slt.s32 s20, $0x1  }
0xa0: {  	vm0 =	veq.s32 @!p0 v5, $0x1;
	v4 =	vxor.u32 @!p0 $0x80000000, v3;
	v5 =	vlaneseq.u32 @!p0  }
0xa1: {  	v4 =	vnsel @!p0 vm0, $0xC0000000, v4;
	v8 =	vor.u32 @!p0 $0x80000000, v5;
	v11 =	vshrl.u32 @!p0 v5, $0x3;
	v12, _, _ =	vpop @!p2 (xrf0)  }
0xa2: {  	v12 =	vbroadcast @!p2 v12, $0xF;
	v6 =	vor.u32 @!p0 v8, v6;
	(xrf0) =	vmin.scan.msk.u32 @!p0 $0xffff, v4  }
0xa3: {  	v4 =	vor.u32 s19, v1;
	v6 =	vnsel @!p0 vm0, $0xC0000000, v6  }
0xa4: {  	v8 =	vsel @!p2 vm1, v4, v12;
	(xrf0) =	vmin.scan.msk.u32 @!p0 $0xffff, v6  }
0xa5: {  	v6 =	vand.u32 @!p2 $0x7, v8;
	v8 =	vshll.u32 @!p2 v8, $0x1  }
0xa6: {  	v8 =	vand.u32 @!p2 $0xFFFFFFF0, v8  }
0xa7: {  	v6 =	vor.u32 @!p2 v6, v8  }
0xa8: {  	v10 =	vmul.u32 @!p2 $0x8, v10;
	v8 =	vperm.xlane @!p2 v6, v9;
	v6 =	vperm.xlane @!p2 v6, v7;
	v7, _, _ =	vpop @!p0 (xrf0)  }
0xa9: {  	v7 =	vbroadcast @!p0 v7, $0xF  }
0xaa: {  	vm1 =	vmmov @!p2 $0xffff;
	v8 =	vadd.s32 @!p2 v10, v8;
	v6 =	vadd.s32 @!p2 v10, v6;
	v9, _, _ =	vpop @!p0 (xrf0)  }
0xab: {  	v3 =	vsel @!p0 vm0, v3, v7;
	v7 =	vbroadcast @!p0 v9, $0xF;
	v9 =	vmul.u32 @!p0 $0x8, v11  }
0xac: {  	v11 =	vor.u32 @!p0 $0x8, v5;
	v10 =	vand.u32 @!p0 $0x7, v3;
	v3 =	vshll.u32 @!p0 v3, $0x1  }
0xad: {  	v5 =	vand.u32 @!p0 $0x7, v5;
	v4 =	vsel @!p0 vm0, v4, v7;
	v3 =	vand.u32 @!p0 $0xFFFFFFF0, v3  }
0xae: {  	s21 =	simm.s32 @!p2 $0x3080;
	s20 =	simm.s32 @!p2 $0x0;
	v3 =	vor.u32 @!p0 v10, v3;
	v7 =	vand.u32 @!p0 $0x7, v4;
	v4 =	vshll.u32 @!p0 v4, $0x1  }
0xaf: {  	[hbm4b:s7+s20] =	stream.indirect_vreg.scatter @!p2 [tilespmem:s21], [sflag:$0x1], $0x80, v8, vm1, $0xb8;
	v8 =	vperm.xlane @!p0 v3, v5;
	v3 =	vperm.xlane @!p0 v3, v11;
	v4 =	vand.u32 @!p0 $0xFFFFFFF0, v4;
	[tilespmem:$0x5080] =	vst v63  }
0xb0: {  	s21 =	simm.s32 @!p2 $0x3880;
	v4 =	vor.u32 @!p0 v7, v4  }
0xb1: {  	[hbm4b:s7+s20] =	stream.indirect_vreg.scatter @!p2 [tilespmem:s21], [sflag:$0x1], $0x80, v6, vm1, $0xb8;
	v6 =	vadd.s32 @!p0 v9, v8;
	v3 =	vadd.s32 @!p0 v9, v3;
	v5 =	vperm.xlane @!p0 v4, v5;
	[tilespmem:$0x5080] =	vst v63  }
0xb2: {  	s20 =	simm.s32 @!p2 $0x1;
	v4 =	vperm.xlane @!p0 v4, v11  }
0xb3: {  	_ =	swait.ge @!p2 [sflag:s20], $0x1000;
	v5 =	vadd.s32 @!p0 v9, v5  }
0xb4: {  	v4 =	vadd.s32 @!p0 v9, v4;
	[sflag:s20] =	ssyncset.done @!p2 $0x0  }
0xb5: {  	s22 =	simm.s32 @!p0 $0x4080;
	vm0 =	vmmov @!p0 $0xffff;
	s21 =	simm.s32 @!p0 $0x0;
	[sflag:s20] =	ssyncadd.s32 @!p2 $0xFFFFF000  }
0xb6: {  	[tilespmem:s22], [sflag:$0x1] =	stream.indirect_vreg.gather @!p0 [hbm4b:s6+s21], $0x80, v6, vm0, $0xb8;
	[tilespmem:$0x5080] =	vst v63  }
0xb7: {  	s23 =	simm.s32 @!p0 $0x4880;
	s20 =	simm.s32 @!p0 $0x1  }
0xb8: {  	[tilespmem:s23], [sflag:$0x1] =	stream.indirect_vreg.gather @!p0 [hbm4b:s6+s21], $0x80, v3, vm0, $0xb8;
	[tilespmem:$0x5080] =	vst v63  }
0xb9: {  	_ =	swait.ge @!p0 [sflag:s20], $0x1000  }
0xba: {  	[sflag:s20] =	ssyncset.done @!p0 $0x0  }
0xbb: {  	[sflag:s20] =	ssyncadd.s32 @!p0 $0xFFFFF000  }
0xbc: {  	[hbm4b:s7+s21] =	stream.indirect_vreg.scatter @!p0 [tilespmem:s22], [sflag:$0x1], $0x80, v5, vm0, $0xb8;
	[tilespmem:$0x5080] =	vst v63  }
.Ltmp2:
0xbd: {  	_ = 	snop;
	(pc) =	sbr.rel @p1 .LBB2_6-.Ltmp2, $4  }
0xbe: {  	_ = 	snop  }
0xbf: {  	[hbm4b:s7+s21] =	stream.indirect_vreg.scatter @!p0 [tilespmem:s23], [sflag:$0x1], $0x80, v4, vm0, $0xb8;
	[tilespmem:$0x5080] =	vst v63  }
0xc0: {  	_ =	swait.ge @!p0 [sflag:s20], $0x1000  }
0xc1: {  	[sflag:s20] =	ssyncset.done @!p0 $0x0  }
0xc2: {  	s16 =	sadd.s32 $0x1, s16  }
0xc3: {  	p1 =	sne.s32 s16, s10  }
.Ltmp3:
0xc4: {  	_ = 	snop;
	(pc) =	sbr.rel @p1 .LBB2_1-.Ltmp3, $2  }
0xc5: {  	_ =	sdelay $0x2  }
0xc6: {  	[sflag:s20] =	ssyncadd.s32 @!p0 $0xFFFFF000  }
0xc7: {  	_ =	sfence.sel $0x180000  }
0xc8: {  	[bflag:$0x0] =	sbarrier.arrive $0xFFFF  }
0xc9: {  	p0 =	sne.s32 s0, $0x0;
	_ =	strace $0x9000004D  }
0xca: {  	s0 =	sadd.s32 @!p0 $0x100000, s1;
	[bflag:$0x2] =	sbarrier.arrive $0xFFFF  }
0xcb: {  	[sflag:s0] =	ssyncadd.tile.s32 @!p0 $0x1;
	_ =	shalt  }
.Lfunc_end2:
_tile_overlayer_lowered:
.L_overlay_start_2:
0xcc: {  	(tag) =	ssettag $0x2  }
0xcd: {  	s0 =	rddreg [dreg:$0x0];
	s2 =	stileid.u32  }
0xce: {  	s1 =	rddreg [dreg:$0x1];
	p0 =	sne.s32 s2, $0x0  }
0xcf: {  	s3 =	rddreg [dreg:$0x2];
	[bflag:$0x3] =	sbarrier.arrive $0xFFFF;
	s2 =	simm.s32 @!p0 $0x1C02  }
0xd0: {  	[timem:s3], [sflag:s2] =	dma.local @!p0 [hbm:s0], s1  }
0xd1: {  	s0 =	simm.s32 @!p0 $0x2  }
0xd2: {  	_ =	swait.ge @!p0 [sflag:s0], s1  }
0xd3: {  	s1 =	ssub.s32 @!p0 $0x0, s1;
	[sflag:s0] =	ssyncset.done @!p0 $0x0  }
0xd4: {  	[sflag:s0] =	ssyncadd.s32 @!p0 s1  }
0xd5: {  	[bflag:$0x3] =	sbarrier.arrive $0xFFFF  }
0xd6: {  	_ =	shalt  }

// kernel: branch_1_fun.6.cloned.1.call-start
scs
__scs_entry_jumppad:
0x0: {  	(pc) =	sbr.rel $0x88, $3  }
0x1: {  	(tag) =	ssettag $0x0;
	lr =	simm.s32 $0x1  }
0x2: {  	[smem:$0x3F9A] =	sst lr;
	_ =	strace $0xD0000000  }
0x3: {  	_ = 	snop  }
0x4: {  	_ = 	snop  }
0x5: {  	_ = 	snop  }
0x6: {  	_ = 	snop  }
0x7: {  	_ = 	snop  }
__scs_overlays_trampoline_lowered:
0x8: {  	[smem:$0x3FA9] =	sst s0  }
0x9: {  	[smem:$0x3FAA] =	sst s1  }
0xa: {  	[smem:$0x3FAB] =	sst s2  }
0xb: {  	[smem:$0x3FAC] =	sst s3  }
0xc: {  	[smem:$0x3FAD] =	sst s4  }
0xd: {  	[smem:$0x3FAE] =	sst s5  }
0xe: {  	[smem:$0x3FAF] =	sst s6  }
0xf: {  	[smem:$0x3FB0] =	sst s7  }
0x10: {  	[smem:$0x3FB1] =	sst s8  }
0x11: {  	[smem:$0x3FB2] =	sst s9;
	s0 =	simm.s32 @!p0 $0x0  }
0x12: {  	s1 =	sld [smem:$0x3F98];
	s0 =	simm.s32 @p0 $0x1  }
0x13: {  	[smem:$0x3FB3] =	sst s0;
	s0 =	simm.s32 @!p1 $0x0  }
0x14: {  	s2 =	sld [smem:$0x3F97];
	s0 =	simm.s32 @p1 $0x1  }
0x15: {  	[smem:$0x3FB4] =	sst s0;
	s0 =	simm.s32 @!p2 $0x0  }
0x16: {  	s3 =	sld [smem:$0x3FDB];
	s0 =	simm.s32 @p2 $0x1  }
0x17: {  	s4 =	simm.s32 $0x1BF5;
	[smem:$0x3FB6] =	sst s0  }
0x18: {  	s0 =	sld [smem:$0x3F99];
	_ =	swait.ge [sflag:s4], $0x0  }
0x19: {  	s7 =	sld [smem:$0x3F9A]  }
0x1a: {  	s8 =	sadd.s32 $0xFFFFE003, lr  }
0x1b: {  	s9 =	sadd.s32 $0xFFFFFEF7, lr;
	s5 =	simm.s32 $0xFFFFFFFF;
	p2 =	slt.u32 s8, $0xFFFFF086  }
0x1c: {  	p1 =	slt.u32 s9, $0xF7A;
	s5 =	simm.s32 @!p2 $0x0  }
0x1d: {  	s5 =	simm.s32 @p1 $0x1;
	p0 =	seq.s32 s7, s2  }
0x1e: {  	s7 =	smul.u32 @!p0 $0xF7A, s2;
	p2 =	seq.s32 @!p0 s5, $0x0  }
0x1f: {  	s9 =	smul.u32 $0xF7A, s1;
	s8 =	simm.s32 @!p0 $0x1BF5;
	p2 =	por !p2, p0  }
0x20: {  	[sflag:s8] =	ssyncset.s32 @!p0 $0xFFFFF086;
	s6 =	sadd.s32 @!p0 s3, s7;
	s7 =	simm.s32 @!p0 $0x108  }
0x21: {  	s3 =	sadd.s32 s3, s9;
	s6 =	sadd.s32 @!p0 $0x88, s6;
	s7 =	simm.s32 @p2 $0x1082  }
0x22: {  	[simem:s7], [sflag:s8] =	dma.local @!p0 [hbm:s6], $0xF7A  }
0x23: {  	s9 =	sor.u32 $0xD0000000, s2;
	s6 =	simm.s32 $0x108;
	_ =	swait.ge @!p0 [sflag:s8], $0x0  }
0x24: {  	s3 =	sadd.s32 $0x88, s3;
	s6 =	simm.s32 @!p1 $0x1082;
	[sflag:s4] =	ssyncset.s32 $0xFFFFF086  }
0x25: {  	[simem:s6], [sflag:s4] =	dma.local [hbm:s3], $0xF7A  }
0x26: {  	[smem:$0x3F9A] =	sst s1;
	(tag) =	ssettag s2;
	_ =	strace s9  }
0x27: {  	s1 =	sld [smem:$0x3FAA]  }
0x28: {  	s2 =	sld [smem:$0x3FAB]  }
0x29: {  	s4 =	sld [smem:$0x3FAD]  }
0x2a: {  	p0 =	seq.s32 s5, $0x0;
	s5 =	sld [smem:$0x3FAE]  }
0x2b: {  	s6 =	sld [smem:$0x3FAF]  }
0x2c: {  	s7 =	sld [smem:$0x3FB0]  }
0x2d: {  	s3 =	simm.s32 $0x108;
	s8 =	sld [smem:$0x3FB1]  }
0x2e: {  	s3 =	simm.s32 @!p0 $0x1082;
	s9 =	sld [smem:$0x3FB2]  }
0x2f: {  	lr =	sadd.s32 s0, s3;
	s0 =	sld [smem:$0x3FA9]  }
0x30: {  	s3 =	sld [smem:$0x3FAC]  }
0x31: {  	[smem:$0x3FB5] =	sst s10  }
0x32: {  	s10 =	sld [smem:$0x3FB3];
	_ =	sdelay $0x3  }
0x33: {  	p0 =	seq.s32 s10, $0x1;
	s10 =	sld [smem:$0x3FB5];
	_ =	sdelay $0x3  }
0x34: {  	[smem:$0x3FB5] =	sst s10  }
0x35: {  	s10 =	sld [smem:$0x3FB4];
	_ =	sdelay $0x3  }
0x36: {  	p1 =	seq.s32 s10, $0x1;
	s10 =	sld [smem:$0x3FB5];
	_ =	sdelay $0x3  }
0x37: {  	[smem:$0x3FB5] =	sst s10  }
0x38: {  	s10 =	sld [smem:$0x3FB6]  }
0x39: {  	_ = 	snop;
	(pc) =	sbr.ind lr, $3  }
0x3a: {  	_ = 	snop  }
0x3b: {  	_ = 	snop  }
0x3c: {  	p2 =	seq.s32 s10, $0x1;
	s10 =	sld [smem:$0x3FB5]  }
0x3d: {  	_ =	shalt  }
0x3e: {  	_ =	shalt  }
0x3f: {  	_ =	shalt  }
0x40: {  	_ =	shalt  }
0x41: {  	_ =	shalt  }
0x42: {  	_ =	shalt  }
0x43: {  	_ =	shalt  }
0x44: {  	_ =	shalt  }
0x45: {  	_ =	shalt  }
0x46: {  	_ =	shalt  }
0x47: {  	_ =	shalt  }
0x48: {  	_ =	shalt  }
0x49: {  	_ =	shalt  }
0x4a: {  	_ =	shalt  }
0x4b: {  	_ =	shalt  }
0x4c: {  	_ =	shalt  }
0x4d: {  	_ =	shalt  }
0x4e: {  	_ =	shalt  }
0x4f: {  	_ =	shalt  }
0x50: {  	_ =	shalt  }
0x51: {  	_ =	shalt  }
0x52: {  	_ =	shalt  }
0x53: {  	_ =	shalt  }
0x54: {  	_ =	shalt  }
0x55: {  	_ =	shalt  }
0x56: {  	_ =	shalt  }
0x57: {  	_ =	shalt  }
0x58: {  	_ =	shalt  }
0x59: {  	_ =	shalt  }
0x5a: {  	_ =	shalt  }
0x5b: {  	_ =	shalt  }
0x5c: {  	_ =	shalt  }
0x5d: {  	_ =	shalt  }
0x5e: {  	_ =	shalt  }
0x5f: {  	_ =	shalt  }
0x60: {  	_ =	shalt  }
0x61: {  	_ =	shalt  }
0x62: {  	_ =	shalt  }
0x63: {  	_ =	shalt  }
0x64: {  	_ =	shalt  }
0x65: {  	_ =	shalt  }
0x66: {  	_ =	shalt  }
0x67: {  	_ =	shalt  }
0x68: {  	_ =	shalt  }
0x69: {  	_ =	shalt  }
0x6a: {  	_ =	shalt  }
0x6b: {  	_ =	shalt  }
0x6c: {  	_ =	shalt  }
0x6d: {  	_ =	shalt  }
0x6e: {  	_ =	shalt  }
0x6f: {  	_ =	shalt  }
0x70: {  	_ =	shalt  }
0x71: {  	_ =	shalt  }
0x72: {  	_ =	shalt  }
0x73: {  	_ =	shalt  }
0x74: {  	_ =	shalt  }
0x75: {  	_ =	shalt  }
0x76: {  	_ =	shalt  }
0x77: {  	_ =	shalt  }
0x78: {  	_ =	shalt  }
0x79: {  	_ =	shalt  }
0x7a: {  	_ =	shalt  }
0x7b: {  	_ =	shalt  }
0x7c: {  	_ =	shalt  }
0x7d: {  	_ =	shalt  }
0x7e: {  	_ =	shalt  }
0x7f: {  	_ =	shalt  }
0x80: {  	_ =	shalt  }
0x81: {  	_ =	shalt  }
0x82: {  	_ =	shalt  }
0x83: {  	_ =	shalt  }
0x84: {  	_ =	shalt  }
0x85: {  	_ =	shalt  }
0x86: {  	_ =	shalt  }
0x87: {  	_ =	shalt  }
.Lfunc_end0:
.L_simem_size_0:
called_computation_lowered:
.L_overlay_start_0:
0x88: {  	s2 =	sld [smem:$0x3FD9]  }
0x89: {  	s3 =	sld [smem:$0x3FFE];
	_ =	sdelay $0x1  }
0x8a: {  	s1 =	srdreg.scid  }
0x8b: {  	s0 =	sand.u32 $0x1, s1  }
0x8c: {  	s17 =	sshll.u32 s0, $0xA;
	s2 =	sadd.s32 s3, s2  }
0x8d: {  	s2 =	sadd.s32 s2, s17  }
0x8e: {  	[smem:$0x3FC1] =	sst s2  }
0x8f: {  	_ = 	snop  }
0x90: {  	s2 =	sld [smem:$0x3FC7]  }
0x91: {  	s18 =	sld [smem:$0x3FC6]  }
0x92: {  	s4 =	sld [smem:$0x3FD0];
	(tm) =	ssettm $0x1  }
0x93: {  	s5 =	sld [smem:$0x3FFB];
	_ =	sdelay $0x3  }
0x94: {  	_ =	strace s5  }
0x95: {  	s5 =	sld [smem:$0x3FFC];
	_ =	sdelay $0x3  }
0x96: {  	_ =	strace s5  }
0x97: {  	s5 =	sld [smem:$0x3FFD];
	_ =	sdelay $0x3  }
0x98: {  	_ =	strace s5  }
0x99: {  	_ =	strace $0x8FFFFFFF  }
0x9a: {  	s19 =	sld [smem:$0x3FDB];
	_ =	sdelay $0x1  }
0x9b: {  	s6 =	simm.s32 $_scs_section_size  }
0x9c: {  	s7 =	simm.s32 $_size__tile_overlayer_lowered;
	s8 =	simm.s32 $_tile_overlayer_lowered  }
0x9d: {  	s22 =	simm.s32 $0x1BFF;
	s21 =	sshll.u32 s8, $0x1;
	s5 =	sadd.s32 s6, s19  }
0x9e: {  	s9 =	simm.s32 $0x0;
	s20 =	sshll.u32 s7, $0x1;
	s7 =	sadd.s32 s21, s5  }
0x9f: {  	[timem:s9], [sflag:s22] =	dma.local [hbm:s7], s20  }
0xa0: {  	_ =	swait.ge [sflag:s22], s20  }
0xa1: {  	s6 =	ssub.s32 $0x0, s20;
	[sflag:s22] =	ssyncset.done $0x0  }
0xa2: {  	[sflag:s22] =	ssyncadd.s32 s6;
	_ =	sdelay $0x1  }
0xa3: {  	s23 =	simm.s32 $0x1B8B  }
0xa4: {  	_ =	swait.ge [sflag:s23], $0x1  }
0xa5: {  	[sflag:s23] =	ssyncset.done $0x0  }
0xa6: {  	s25 =	simm.s32 $0x1B8E;
	s24 =	sld [smem:$0x3FFE];
	[sflag:s23] =	ssyncadd.s32 $0xFFFFFFFF  }
0xa7: {  	s26 =	simm.s32 $execute0_lowered;
	[smem:$0x3FD2] =	sst s25  }
0xa8: {  	s7 =	sshll.u32 s26, $0x1;
	_ =	strace $0x80000046;
	[dreg:$0x1] =	wrdreg $0xFFFFFFFF  }
0xa9: {  	s28 =	simm.s32 $_size_execute0_lowered;
	s5 =	sadd.s32 s5, s7;
	[dreg:$0x0] =	wrdreg $0x0  }
0xaa: {  	s7 =	sshll.u32 s28, $0x1;
	[dreg:$0x2] =	wrdreg s5  }
0xab: {  	[dreg:$0x3] =	wrdreg s7  }
0xac: {  	[dreg:$0x4] =	wrdreg $0xC0  }
0xad: {  	_ =	task [dreg:s9], $0x5FFFF  }
0xae: {  	[dreg:$0x1] =	wrdreg $0xFFFFFFFF  }
0xaf: {  	[dreg:$0x0] =	wrdreg $0x60  }
0xb0: {  	[dreg:$0x2] =	wrdreg s2  }
0xb1: {  	[dreg:$0x3] =	wrdreg s18  }
0xb2: {  	[dreg:$0x4] =	wrdreg s24  }
0xb3: {  	[dreg:$0x5] =	wrdreg s4  }
0xb4: {  	[dreg:$0x6] =	wrdreg $0x9  }
0xb5: {  	_ =	task.clear_ibuf [dreg:s9], $0x7FFFF;
	_ =	strace $0x90000046  }
0xb6: {  	s29 =	simm.s32 $0x9;
	_ =	strace $0x80000048  }
0xb7: {  	_ =	swait.ge [sflag:s29], $0x1  }
0xb8: {  	[sflag:s29] =	ssyncadd.s32 $0xFFFFFFFF  }
0xb9: {  	_ =	strace $0x90000048  }
0xba: {  	_ =	sfence  }
0xbb: {  	s30 =	sld [smem:$0x0];
	_ =	sdelay $0x2  }
0xbc: {  	s31 =	sshll.u32 s1, $0xD;
	s1 =	sshrl.u32 s1, $0x2  }
0xbd: {  	s3 =	sand.u32 $0x4000, s31;
	s1 =	sadd.s32 s1, s30  }
0xbe: {  	s0 =	sor.u32 s3, s0;
	s1 =	sshll.u32 s1, $0x11  }
0xbf: {  	s0 =	sor.u32 s1, s0  }
0xc0: {  	s0 =	sadd.s32 $0x8F2B, s0  }
0xc1: {  	[sflag:s0] =	ssyncadd.remote.s32 $0x1  }
0xc2: {  	_ =	sfence.sel $0xFFFF  }
0xc3: {  	[dreg:$0x0] =	wrdreg $0xFFFFFFFF;
	(pc) =	sbr.abs _section_cstart, $3  }
0xc4: {  	[dreg:$0x1] =	wrdreg $0xFFFFFFFF  }
0xc5: {  	_ =	task.clear_ibuf [dreg:s9], $0x2FFFF;
	_ =	strace $0x9FFFFFFF  }
0xc6: {  	(tm) =	ssettm $0x7FFFFFFF  }
0xc7: {  	_ =	shalt  }
tec
execute0_lowered:
.L_overlay_start_1:
0x0: {  	(tag) =	ssettag $0x1  }
0x1: {  	s7 =	rddreg [dreg:$0x0]  }
0x2: {  	s8 =	rddreg [dreg:$0x1]  }
0x3: {  	s6 =	rddreg [dreg:$0x2]  }
0x4: {  	s2 =	rddreg [dreg:$0x3];
	s3 =	srdreg.scid  }
0x5: {  	s0 =	rddreg [dreg:$0x4];
	s1 =	stileid.u32  }
0x6: {  	s13 =	simm.s32 $0x1000;
	s14 =	simm.s32 $0x2000;
	s15 =	simm.s32 $0x3000  }
0x7: {  	s16 =	simm.s32 $0x7000;
	s17 =	simm.s32 $0x80;
	s18 =	simm.s32 $0x1  }
0x8: {  	s19 =	simm.s32 $0x0;
	s5 =	sand.u32 $0x1, s3;
	s3 =	simm.s32 $0x0  }
0x9: {  	s4 =	sshll.u32 s1, $0xD;
	s9 =	sshll.u32 s5, $0xC;
	[smem:$0x7FF] =	sst s3  }
0xa: {  	s10 =	ssub.s32 $0x2, s5;
	s5 =	sadd.s32 $0x3600, s6;
	s4 =	sor.u32 s9, s4  }
0xb: {  	_ =	strace $0x80000047;
	s12 =	sshrl.u32 s10, $0x1;
	s9 =	sshrl.u32 s4, $0x3  }
0xc: {  	s12 =	ssub.s32 s10, s12;
	s11 =	sadd.s32 s9, s6;
	s6 =	sadd.s32 $0x203C00, s6  }
0xd: {  	s7 =	sadd.s32 s7, s9;
	s8 =	sadd.s32 s8, s9;
	s9 =	sadd.s32 $0x8000, s11  }
0xe: {  	v0 =	vimm.f32 $0.0e+00;
	s10 =	sadd.s32 $0x3C00, s11;
	s11 =	smax.u32 s12, $0x1;
	s12 =	simm.s32 $0x3  }
.LBB2_1:
0xf: {  	[tilespmem:s3], [sflag:$0x3] =	stream.linear.gather [hbm4b:s7+s3], $0x1000, $0x38;
	[tilespmem:$0x7080] =	vst v63  }
0x10: {  	_ =	swait.ge [sflag:s12], $0x1000  }
0x11: {  	[sflag:s12] =	ssyncset.done $0x0  }
0x12: {  	[sflag:s12] =	ssyncadd.s32 $0xFFFFF000  }
0x13: {  	[tilespmem:s13], [sflag:$0x3] =	stream.linear.gather [hbm4b:s8+s3], $0x1000, $0x38;
	[tilespmem:$0x7080] =	vst v63  }
0x14: {  	_ =	swait.ge [sflag:s12], $0x1000  }
0x15: {  	[sflag:s12] =	ssyncset.done $0x0  }
0x16: {  	[sflag:s12] =	ssyncadd.s32 $0xFFFFF000  }
0x17: {  	[tilespmem:s14], [sflag:$0x3] =	stream.linear.gather [hbm4b:s9+s3], $0x1000, $0x38;
	[tilespmem:$0x7080] =	vst v63  }
0x18: {  	_ =	swait.ge [sflag:s12], $0x1000  }
0x19: {  	[sflag:s12] =	ssyncset.done $0x0  }
0x1a: {  	[sflag:s12] =	ssyncadd.s32 $0xFFFFF000  }
0x1b: {  	[tilespmem:s15], [sflag:$0x3] =	stream.linear.gather [hbm4b:s10+s3], $0x1000, $0x38;
	[tilespmem:$0x7080] =	vst v63  }
0x1c: {  	_ =	swait.ge [sflag:s12], $0x1000  }
0x1d: {  	s20 =	simm.s32 $0x0;
	s21 =	sand.u32 $0x400, s3;
	[sflag:s12] =	ssyncset.done $0x0  }
0x1e: {  	s22 =	simm.s32 $0x0;
	s20 =	sand.u32 $0x800, s20;
	[sflag:s12] =	ssyncadd.s32 $0xFFFFF000  }
0x1f: {  	[tilespmem:s16], [sflag:$0x3] =	stream.linear.gather [hbm4b:s5+s3], $0x80, $0x38;
	[tilespmem:$0x7080] =	vst v63  }
0x20: {  	s22 =	sand.u32 $0x380, s22;
	s20 =	sor.u32 s21, s20;
	_ =	swait.ge [sflag:s12], $0x80  }
0x21: {  	s31 =	sand.u32 $0x70, s3;
	s20 =	sor.u32 s22, s20;
	[sflag:s12] =	ssyncset.done $0x0  }
0x22: {  	s20 =	sor.u32 s31, s20;
	[sflag:s12] =	ssyncadd.s32 $0xFFFFFF80  }
0x23: {  	s23 =	simm.s32 $0x0;
	s21 =	simm.s32 $0x1;
	s22 =	simm.s32 $0x80;
	v1 =	vld [tilespmem:$0x7000];
	[tilespmem:s20+$0x6000] =	vst v0  }
.LBB2_2:
0x24: {  	s20 =	sshll.u32 s21, $0x4;
	p0 =	sne.s32 s21, $0xFF  }
0x25: {  	s24 =	smov.u32 s21;
	s21 =	sadd.s32 $0x1, s21;
	s25 =	sand.u32 $0x400, s22  }
.Ltmp0:
0x26: {  	s20 =	sand.u32 $0x800, s20;
	s24 =	sshll.u32 s24, $0x3;
	(pc) =	sbr.rel @p0 .LBB2_2-.Ltmp0, $4  }
0x27: {  	s23 =	sadd.s32 $0x10, s23;
	s24 =	sand.u32 $0x380, s24;
	s20 =	sor.u32 s25, s20  }
0x28: {  	s25 =	sand.u32 $0x70, s23;
	s20 =	sor.u32 s24, s20  }
0x29: {  	s20 =	sor.u32 s25, s20  }
0x2a: {  	s22 =	sadd.s32 $0x80, s22;
	[tilespmem:s20+$0x6000] =	vst v0;
	s20 =	simm.s32 $0x0  }
0x2b: {  	s21 =	simm.s32 $0x0  }
0x2c: {  	v9 =	vld [tilespmem:s21+$0x1000]  }
0x2d: {  	v7 =	vld [tilespmem:s21+$0x1010]  }
0x2e: {  	v6 =	vld [tilespmem:s21+$0x1020]  }
0x2f: {  	v5 =	vld [tilespmem:s21+$0x1030]  }
0x30: {  	v4 =	vld [tilespmem:s21+$0x1040]  }
0x31: {  	v3 =	vld [tilespmem:s21+$0x1050]  }
0x32: {  	v2 =	vld [tilespmem:s21+$0x1060]  }
0x33: {  	v8 =	vld [tilespmem:s21+$0x0]  }
0x34: {  	v14 =	vld [tilespmem:s21+$0x10]  }
0x35: {  	v12 =	vld [tilespmem:s21+$0x20]  }
0x36: {  	v11 =	vld [tilespmem:s21+$0x30]  }
0x37: {  	v10 =	vld [tilespmem:s21+$0x40]  }
0x38: {  	v13 =	vshll.u32 v8, $0xB;
	v8 =	vld [tilespmem:s21+$0x50]  }
0x39: {  	s22 =	simm.s32 $0x200;
	v14 =	vshll.u32 v14, $0xB;
	v13 =	vadd.s32 v9, v13;
	v9 =	vld [tilespmem:s21+$0x60]  }
.LBB2_4:
0x3a: {  	p0 =	sne.s32 s22, $0x3E00;
	[tilespmem:s21+$0x4000] =	vst v13;
	v7 =	vadd.s32 v7, v14;
	v12 =	vshll.u32 v12, $0xB;
	v13 =	vld [tilespmem:s21+$0x70]  }
0x3b: {  	[tilespmem:s21+$0x4010] =	vst v7;
	v6 =	vadd.s32 v6, v12;
	v7 =	vshll.u32 v11, $0xB;
	v11 =	vld [tilespmem:s21+$0x1070]  }
0x3c: {  	[tilespmem:s21+$0x4020] =	vst v6;
	v5 =	vadd.s32 v5, v7;
	v6 =	vshll.u32 v10, $0xB  }
0x3d: {  	[tilespmem:s21+$0x4030] =	vst v5;
	v4 =	vadd.s32 v4, v6;
	v5 =	vshll.u32 v8, $0xB  }
0x3e: {  	[tilespmem:s21+$0x4040] =	vst v4;
	v3 =	vadd.s32 v3, v5;
	v4 =	vshll.u32 v9, $0xB  }
0x3f: {  	[tilespmem:s21+$0x4050] =	vst v3;
	v2 =	vadd.s32 v2, v4;
	v3 =	vshll.u32 v13, $0xB  }
0x40: {  	s23 =	sshra.s32 s22, $0x2;
	s24 =	sadd.s32 $0x4000, s21;
	s25 =	sadd.s32 $0x5000, s21;
	[tilespmem:s21+$0x4060] =	vst v2;
	v2 =	vadd.s32 v11, v3  }
0x41: {  	[tilespmem:s21+$0x4070] =	vst v2;
	[tilespmem:s25], [sflag:$0x1] =	stream.indirect.gather [hbm4b:s2+s17], $0x1, s24, s17, $0xb8  }
0x42: {  	s21 =	smov.u32 s23;
	v9 =	vld [tilespmem:s23+$0x1000]  }
0x43: {  	v7 =	vld [tilespmem:s21+$0x1010]  }
0x44: {  	v6 =	vld [tilespmem:s21+$0x1020]  }
0x45: {  	v5 =	vld [tilespmem:s21+$0x1030]  }
0x46: {  	v4 =	vld [tilespmem:s21+$0x1040]  }
0x47: {  	v3 =	vld [tilespmem:s21+$0x1050]  }
0x48: {  	v2 =	vld [tilespmem:s21+$0x1060]  }
0x49: {  	v8 =	vld [tilespmem:s21+$0x0]  }
0x4a: {  	v14 =	vld [tilespmem:s21+$0x10]  }
.Ltmp1:
0x4b: {  	v12 =	vld [tilespmem:s21+$0x20];
	(pc) =	sbr.rel @p0 .LBB2_4-.Ltmp1, $4  }
0x4c: {  	v11 =	vld [tilespmem:s21+$0x30]  }
0x4d: {  	v10 =	vld [tilespmem:s21+$0x40]  }
0x4e: {  	v13 =	vshll.u32 v8, $0xB;
	v8 =	vld [tilespmem:s21+$0x50]  }
0x4f: {  	s22 =	sadd.s32 $0x200, s22;
	v13 =	vadd.s32 v9, v13;
	v14 =	vshll.u32 v14, $0xB;
	v9 =	vld [tilespmem:s21+$0x60]  }
0x50: {  	[tilespmem:s21+$0x4000] =	vst v13;
	v7 =	vadd.s32 v7, v14;
	v58 =	vld [tilespmem:s21+$0x70];
	v12 =	vshll.u32 v12, $0xB  }
0x51: {  	v60 =	vld [tilespmem:s21+$0x1070];
	[tilespmem:s21+$0x4010] =	vst v7;
	v6 =	vadd.s32 v6, v12;
	v59 =	vshll.u32 v11, $0xB  }
0x52: {  	[tilespmem:s21+$0x4020] =	vst v6;
	v5 =	vadd.s32 v5, v59;
	v61 =	vshll.u32 v10, $0xB  }
0x53: {  	[tilespmem:s21+$0x4030] =	vst v5;
	v4 =	vadd.s32 v4, v61;
	v62 =	vshll.u32 v8, $0xB  }
0x54: {  	[tilespmem:s21+$0x4040] =	vst v4;
	v3 =	vadd.s32 v3, v62;
	v63 =	vshll.u32 v9, $0xB  }
0x55: {  	[tilespmem:s21+$0x4050] =	vst v3;
	v2 =	vadd.s32 v2, v63;
	v3 =	vshll.u32 v58, $0xB  }
0x56: {  	[tilespmem:s21+$0x4060] =	vst v2;
	v2 =	vadd.s32 v60, v3  }
0x57: {  	s22 =	sadd.s32 $0x4000, s21;
	s23 =	sadd.s32 $0x5000, s21;
	[tilespmem:s21+$0x4070] =	vst v2  }
0x58: {  	[tilespmem:s23], [sflag:$0x1] =	stream.indirect.gather [hbm4b:s2+s17], $0x1, s22, s17, $0xb8;
	[tilespmem:$0x7080] =	vst v63  }
0x59: {  	s21 =	simm.s32 $0x5040;
	s22 =	simm.s32 $0x3040;
	s23 =	simm.s32 $0x2040  }
.LBB2_6:
0x5a: {  	_ =	swait.ge [sflag:s18], $0x80  }
0x5b: {  	[sflag:s18] =	ssyncset.done $0x0  }
0x5c: {  	[sflag:s18] =	ssyncadd.s32 $0xFFFFFF80  }
0x5d: {  	v2 =	vld [tilespmem:s21+$0xFFFFFFC0];
	_ =	sdelay $0x1  }
0x5e: {  	v3 =	vld [tilespmem:s22+$0xFFFFFFC0];
	_ =	sdelay $0x2  }
0x5f: {  	v4 =	vld [tilespmem:s23+$0xFFFFFFC0];
	v2 =	vadd.f32 $1.000000000e+00, v2;
	_ =	sdelay $0x1  }
0x60: {  	v2 =	vmul.f32 v2, v3;
	_ =	sdelay $0x1  }
0x61: {  	vm0 =	vlt.f32 v2, v1  }
0x62: {  	v2 =	vnsel vm0, $0x0, v4  }
0x63: {  	(xrf0) =	vadd.scan.msk.s32 $0xffff, v2;
	_ =	sdelay $0x5  }
0x64: {  	v3, _, _ =	vpop (xrf0)  }
0x65: {  	(v2sf) =	vpush v3, $0xF;
	_ =	sdelay $0xe  }
0x66: {  	s24 =	spop (v2sf)  }
0x67: {  	p0 =	slt.s32 s24, $0x1  }
0x68: {  	v3 =	vlaneseq.u32 @!p0  }
0x69: {  	s24 =	sadd.s32 @!p0 s20, s4;
	v4 =	vor.u32 @!p0 $0x80000000, v3  }
0x6a: {  	vm0 =	veq.s32 @!p0 v2, $0x1;
	v2 =	vor.u32 @!p0 s24, v4  }
0x6b: {  	v2 =	vnsel @!p0 vm0, $0xC0000000, v2  }
0x6c: {  	(xrf0) =	vmin.scan.msk.u32 @!p0 $0xffff, v2;
	_ =	sdelay $0x5  }
0x6d: {  	v2, _, _ =	vpop @!p0 (xrf0)  }
0x6e: {  	v2 =	vbroadcast @!p0 v2, $0xF  }
0x6f: {  	v4 =	vor.u32 @!p0 s24, v3  }
0x70: {  	v2 =	vsel @!p0 vm0, v4, v2  }
0x71: {  	v4 =	vshll.u32 @!p0 v2, $0x1  }
0x72: {  	v2 =	vand.u32 @!p0 $0x7, v2;
	v4 =	vand.u32 @!p0 $0xFFFFFFF0, v4  }
0x73: {  	v5 =	vshrl.u32 @!p0 v3, $0x3;
	v2 =	vor.u32 @!p0 v2, v4;
	v4 =	vand.u32 @!p0 $0x7, v3  }
0x74: {  	v5 =	vmul.u32 @!p0 $0x8, v5;
	v4 =	vperm.xlane @!p0 v2, v4  }
0x75: {  	v3 =	vor.u32 @!p0 $0x8, v3  }
0x76: {  	v2 =	vperm.xlane @!p0 v2, v3;
	v4 =	vadd.s32 @!p0 v5, v4;
	_ =	sdelay $0x1  }
0x77: {  	v2 =	vadd.s32 @!p0 v5, v2;
	_ =	sdelay $0x1  }
0x78: {  	s25 =	simm.s32 @!p0 $0x6000;
	s24 =	simm.s32 @!p0 $0x0;
	vm0 =	vmmov @!p0 $0xffff  }
0x79: {  	[hbm4b:s6+s24] =	stream.indirect_vreg.scatter @!p0 [tilespmem:s25], [sflag:$0x2], $0x80, v4, vm0, $0xb8;
	[tilespmem:$0x7080] =	vst v63  }
0x7a: {  	s25 =	simm.s32 @!p0 $0x6800  }
0x7b: {  	[hbm4b:s6+s24] =	stream.indirect_vreg.scatter @!p0 [tilespmem:s25], [sflag:$0x2], $0x80, v2, vm0, $0xb8;
	[tilespmem:$0x7080] =	vst v63  }
0x7c: {  	s24 =	simm.s32 @!p0 $0x2  }
0x7d: {  	_ =	swait.ge @!p0 [sflag:s24], $0x1000  }
0x7e: {  	[sflag:s24] =	ssyncset.done @!p0 $0x0  }
0x7f: {  	[sflag:s24] =	ssyncadd.s32 @!p0 $0xFFFFF000  }
0x80: {  	v2 =	vld [tilespmem:s21+$0xFFFFFFD0];
	_ =	sdelay $0x1  }
0x81: {  	v3 =	vld [tilespmem:s22+$0xFFFFFFD0];
	_ =	sdelay $0x2  }
0x82: {  	v57 =	vld [tilespmem:s23+$0xFFFFFFD0];
	v2 =	vadd.f32 $1.000000000e+00, v2;
	_ =	sdelay $0x1  }
0x83: {  	v2 =	vmul.f32 v2, v3;
	_ =	sdelay $0x1  }
0x84: {  	vm9 =	vlt.f32 v2, v1  }
0x85: {  	v2 =	vnsel vm9, $0x0, v57  }
0x86: {  	(xrf0) =	vadd.scan.msk.s32 $0xffff, v2;
	_ =	sdelay $0x5  }
0x87: {  	v3, _, _ =	vpop (xrf0)  }
0x88: {  	(v2sf) =	vpush v3, $0xF;
	_ =	sdelay $0xe  }
0x89: {  	s31 =	spop (v2sf)  }
0x8a: {  	p0 =	slt.s32 s31, $0x1  }
0x8b: {  	s24 =	sadd.s32 @!p0 s20, s4;
	v3 =	vlaneseq.u32 @!p0  }
0x8c: {  	s24 =	sadd.s32 @!p0 $0x10, s24;
	v4 =	vor.u32 @!p0 $0x80000000, v3  }
0x8d: {  	vm0 =	veq.s32 @!p0 v2, $0x1;
	v2 =	vor.u32 @!p0 s24, v4  }
0x8e: {  	v2 =	vnsel @!p0 vm0, $0xC0000000, v2  }
0x8f: {  	(xrf0) =	vmin.scan.msk.u32 @!p0 $0xffff, v2;
	_ =	sdelay $0x5  }
0x90: {  	v2, _, _ =	vpop @!p0 (xrf0)  }
0x91: {  	v2 =	vbroadcast @!p0 v2, $0xF  }
0x92: {  	v4 =	vor.u32 @!p0 s24, v3  }
0x93: {  	v2 =	vsel @!p0 vm0, v4, v2  }
0x94: {  	v4 =	vshll.u32 @!p0 v2, $0x1  }
0x95: {  	v2 =	vand.u32 @!p0 $0x7, v2;
	v4 =	vand.u32 @!p0 $0xFFFFFFF0, v4  }
0x96: {  	v5 =	vshrl.u32 @!p0 v3, $0x3;
	v2 =	vor.u32 @!p0 v2, v4;
	v4 =	vand.u32 @!p0 $0x7, v3  }
0x97: {  	v5 =	vmul.u32 @!p0 $0x8, v5;
	v4 =	vperm.xlane @!p0 v2, v4  }
0x98: {  	v3 =	vor.u32 @!p0 $0x8, v3  }
0x99: {  	v2 =	vperm.xlane @!p0 v2, v3;
	v4 =	vadd.s32 @!p0 v5, v4;
	_ =	sdelay $0x1  }
0x9a: {  	v2 =	vadd.s32 @!p0 v5, v2;
	_ =	sdelay $0x1  }
0x9b: {  	s25 =	simm.s32 @!p0 $0x6000;
	s24 =	simm.s32 @!p0 $0x0;
	vm0 =	vmmov @!p0 $0xffff  }
0x9c: {  	[hbm4b:s6+s24] =	stream.indirect_vreg.scatter @!p0 [tilespmem:s25], [sflag:$0x2], $0x80, v4, vm0, $0xb8;
	[tilespmem:$0x7080] =	vst v63  }
0x9d: {  	s25 =	simm.s32 @!p0 $0x6800  }
0x9e: {  	[hbm4b:s6+s24] =	stream.indirect_vreg.scatter @!p0 [tilespmem:s25], [sflag:$0x2], $0x80, v2, vm0, $0xb8;
	[tilespmem:$0x7080] =	vst v63  }
0x9f: {  	s24 =	simm.s32 @!p0 $0x2  }
0xa0: {  	_ =	swait.ge @!p0 [sflag:s24], $0x1000  }
0xa1: {  	[sflag:s24] =	ssyncset.done @!p0 $0x0  }
0xa2: {  	[sflag:s24] =	ssyncadd.s32 @!p0 $0xFFFFF000  }
0xa3: {  	v2 =	vld [tilespmem:s21+$0xFFFFFFE0];
	_ =	sdelay $0x1  }
0xa4: {  	v3 =	vld [tilespmem:s22+$0xFFFFFFE0];
	_ =	sdelay $0x2  }
0xa5: {  	v58 =	vld [tilespmem:s23+$0xFFFFFFE0];
	v2 =	vadd.f32 $1.000000000e+00, v2;
	_ =	sdelay $0x1  }
0xa6: {  	v2 =	vmul.f32 v2, v3;
	_ =	sdelay $0x1  }
0xa7: {  	vm10 =	vlt.f32 v2, v1  }
0xa8: {  	v2 =	vnsel vm10, $0x0, v58  }
0xa9: {  	(xrf0) =	vadd.scan.msk.s32 $0xffff, v2;
	_ =	sdelay $0x5  }
0xaa: {  	v3, _, _ =	vpop (xrf0)  }
0xab: {  	(v2sf) =	vpush v3, $0xF;
	_ =	sdelay $0xe  }
0xac: {  	s25 =	spop (v2sf)  }
0xad: {  	p0 =	slt.s32 s25, $0x1  }
0xae: {  	s24 =	sadd.s32 @!p0 s20, s4;
	v3 =	vlaneseq.u32 @!p0  }
0xaf: {  	s24 =	sadd.s32 @!p0 $0x20, s24;
	v4 =	vor.u32 @!p0 $0x80000000, v3  }
0xb0: {  	vm0 =	veq.s32 @!p0 v2, $0x1;
	v2 =	vor.u32 @!p0 s24, v4  }
0xb1: {  	v2 =	vnsel @!p0 vm0, $0xC0000000, v2  }
0xb2: {  	(xrf0) =	vmin.scan.msk.u32 @!p0 $0xffff, v2;
	_ =	sdelay $0x5  }
0xb3: {  	v2, _, _ =	vpop @!p0 (xrf0)  }
0xb4: {  	v2 =	vbroadcast @!p0 v2, $0xF  }
0xb5: {  	v4 =	vor.u32 @!p0 s24, v3  }
0xb6: {  	v2 =	vsel @!p0 vm0, v4, v2  }
0xb7: {  	v4 =	vshll.u32 @!p0 v2, $0x1  }
0xb8: {  	v2 =	vand.u32 @!p0 $0x7, v2;
	v4 =	vand.u32 @!p0 $0xFFFFFFF0, v4  }
0xb9: {  	v5 =	vshrl.u32 @!p0 v3, $0x3;
	v2 =	vor.u32 @!p0 v2, v4;
	v4 =	vand.u32 @!p0 $0x7, v3  }
0xba: {  	v5 =	vmul.u32 @!p0 $0x8, v5;
	v4 =	vperm.xlane @!p0 v2, v4  }
0xbb: {  	v3 =	vor.u32 @!p0 $0x8, v3  }
0xbc: {  	v2 =	vperm.xlane @!p0 v2, v3;
	v4 =	vadd.s32 @!p0 v5, v4;
	_ =	sdelay $0x1  }
0xbd: {  	v2 =	vadd.s32 @!p0 v5, v2;
	_ =	sdelay $0x1  }
0xbe: {  	s25 =	simm.s32 @!p0 $0x6000;
	s24 =	simm.s32 @!p0 $0x0;
	vm0 =	vmmov @!p0 $0xffff  }
0xbf: {  	[hbm4b:s6+s24] =	stream.indirect_vreg.scatter @!p0 [tilespmem:s25], [sflag:$0x2], $0x80, v4, vm0, $0xb8;
	[tilespmem:$0x7080] =	vst v63  }
0xc0: {  	s25 =	simm.s32 @!p0 $0x6800  }
0xc1: {  	[hbm4b:s6+s24] =	stream.indirect_vreg.scatter @!p0 [tilespmem:s25], [sflag:$0x2], $0x80, v2, vm0, $0xb8;
	[tilespmem:$0x7080] =	vst v63  }
0xc2: {  	s24 =	simm.s32 @!p0 $0x2  }
0xc3: {  	_ =	swait.ge @!p0 [sflag:s24], $0x1000  }
0xc4: {  	[sflag:s24] =	ssyncset.done @!p0 $0x0  }
0xc5: {  	[sflag:s24] =	ssyncadd.s32 @!p0 $0xFFFFF000  }
0xc6: {  	v2 =	vld [tilespmem:s21+$0xFFFFFFF0];
	_ =	sdelay $0x1  }
0xc7: {  	v3 =	vld [tilespmem:s22+$0xFFFFFFF0];
	_ =	sdelay $0x2  }
0xc8: {  	v59 =	vld [tilespmem:s23+$0xFFFFFFF0];
	v2 =	vadd.f32 $1.000000000e+00, v2;
	_ =	sdelay $0x1  }
0xc9: {  	v2 =	vmul.f32 v2, v3;
	_ =	sdelay $0x1  }
0xca: {  	vm11 =	vlt.f32 v2, v1  }
0xcb: {  	v2 =	vnsel vm11, $0x0, v59  }
0xcc: {  	(xrf0) =	vadd.scan.msk.s32 $0xffff, v2;
	_ =	sdelay $0x5  }
0xcd: {  	v3, _, _ =	vpop (xrf0)  }
0xce: {  	(v2sf) =	vpush v3, $0xF;
	_ =	sdelay $0xe  }
0xcf: {  	s26 =	spop (v2sf)  }
0xd0: {  	p0 =	slt.s32 s26, $0x1  }
0xd1: {  	s24 =	sadd.s32 @!p0 s20, s4;
	v3 =	vlaneseq.u32 @!p0  }
0xd2: {  	s24 =	sadd.s32 @!p0 $0x30, s24;
	v4 =	vor.u32 @!p0 $0x80000000, v3  }
0xd3: {  	vm0 =	veq.s32 @!p0 v2, $0x1;
	v2 =	vor.u32 @!p0 s24, v4  }
0xd4: {  	v2 =	vnsel @!p0 vm0, $0xC0000000, v2  }
0xd5: {  	(xrf0) =	vmin.scan.msk.u32 @!p0 $0xffff, v2;
	_ =	sdelay $0x5  }
0xd6: {  	v2, _, _ =	vpop @!p0 (xrf0)  }
0xd7: {  	v2 =	vbroadcast @!p0 v2, $0xF  }
0xd8: {  	v4 =	vor.u32 @!p0 s24, v3  }
0xd9: {  	v2 =	vsel @!p0 vm0, v4, v2  }
0xda: {  	v4 =	vshll.u32 @!p0 v2, $0x1  }
0xdb: {  	v2 =	vand.u32 @!p0 $0x7, v2;
	v4 =	vand.u32 @!p0 $0xFFFFFFF0, v4  }
0xdc: {  	v5 =	vshrl.u32 @!p0 v3, $0x3;
	v2 =	vor.u32 @!p0 v2, v4;
	v4 =	vand.u32 @!p0 $0x7, v3  }
0xdd: {  	v5 =	vmul.u32 @!p0 $0x8, v5;
	v4 =	vperm.xlane @!p0 v2, v4  }
0xde: {  	v3 =	vor.u32 @!p0 $0x8, v3  }
0xdf: {  	v2 =	vperm.xlane @!p0 v2, v3;
	v4 =	vadd.s32 @!p0 v5, v4;
	_ =	sdelay $0x1  }
0xe0: {  	v2 =	vadd.s32 @!p0 v5, v2;
	_ =	sdelay $0x1  }
0xe1: {  	s25 =	simm.s32 @!p0 $0x6000;
	s24 =	simm.s32 @!p0 $0x0;
	vm0 =	vmmov @!p0 $0xffff  }
0xe2: {  	[hbm4b:s6+s24] =	stream.indirect_vreg.scatter @!p0 [tilespmem:s25], [sflag:$0x2], $0x80, v4, vm0, $0xb8;
	[tilespmem:$0x7080] =	vst v63  }
0xe3: {  	s25 =	simm.s32 @!p0 $0x6800  }
0xe4: {  	[hbm4b:s6+s24] =	stream.indirect_vreg.scatter @!p0 [tilespmem:s25], [sflag:$0x2], $0x80, v2, vm0, $0xb8;
	[tilespmem:$0x7080] =	vst v63  }
0xe5: {  	s24 =	simm.s32 @!p0 $0x2  }
0xe6: {  	_ =	swait.ge @!p0 [sflag:s24], $0x1000  }
0xe7: {  	[sflag:s24] =	ssyncset.done @!p0 $0x0  }
0xe8: {  	[sflag:s24] =	ssyncadd.s32 @!p0 $0xFFFFF000  }
0xe9: {  	v2 =	vld [tilespmem:s21+$0x0];
	_ =	sdelay $0x1  }
0xea: {  	v3 =	vld [tilespmem:s22+$0x0];
	_ =	sdelay $0x2  }
0xeb: {  	v60 =	vld [tilespmem:s23+$0x0];
	v2 =	vadd.f32 $1.000000000e+00, v2;
	_ =	sdelay $0x1  }
0xec: {  	v2 =	vmul.f32 v2, v3;
	_ =	sdelay $0x1  }
0xed: {  	vm12 =	vlt.f32 v2, v1  }
0xee: {  	v2 =	vnsel vm12, $0x0, v60  }
0xef: {  	(xrf0) =	vadd.scan.msk.s32 $0xffff, v2;
	_ =	sdelay $0x5  }
0xf0: {  	v3, _, _ =	vpop (xrf0)  }
0xf1: {  	(v2sf) =	vpush v3, $0xF;
	_ =	sdelay $0xe  }
0xf2: {  	s28 =	spop (v2sf)  }
0xf3: {  	p0 =	slt.s32 s28, $0x1  }
0xf4: {  	s24 =	sadd.s32 @!p0 s20, s4;
	v3 =	vlaneseq.u32 @!p0  }
0xf5: {  	s24 =	sadd.s32 @!p0 $0x40, s24;
	v4 =	vor.u32 @!p0 $0x80000000, v3  }
0xf6: {  	vm0 =	veq.s32 @!p0 v2, $0x1;
	v2 =	vor.u32 @!p0 s24, v4  }
0xf7: {  	v2 =	vnsel @!p0 vm0, $0xC0000000, v2  }
0xf8: {  	(xrf0) =	vmin.scan.msk.u32 @!p0 $0xffff, v2;
	_ =	sdelay $0x5  }
0xf9: {  	v2, _, _ =	vpop @!p0 (xrf0)  }
0xfa: {  	v2 =	vbroadcast @!p0 v2, $0xF  }
0xfb: {  	v4 =	vor.u32 @!p0 s24, v3  }
0xfc: {  	v2 =	vsel @!p0 vm0, v4, v2  }
0xfd: {  	v4 =	vshll.u32 @!p0 v2, $0x1  }
0xfe: {  	v2 =	vand.u32 @!p0 $0x7, v2;
	v4 =	vand.u32 @!p0 $0xFFFFFFF0, v4  }
0xff: {  	v5 =	vshrl.u32 @!p0 v3, $0x3;
	v2 =	vor.u32 @!p0 v2, v4;
	v4 =	vand.u32 @!p0 $0x7, v3  }
0x100: {  	v5 =	vmul.u32 @!p0 $0x8, v5;
	v4 =	vperm.xlane @!p0 v2, v4  }
0x101: {  	v3 =	vor.u32 @!p0 $0x8, v3  }
0x102: {  	v2 =	vperm.xlane @!p0 v2, v3;
	v4 =	vadd.s32 @!p0 v5, v4;
	_ =	sdelay $0x1  }
0x103: {  	v2 =	vadd.s32 @!p0 v5, v2;
	_ =	sdelay $0x1  }
0x104: {  	s25 =	simm.s32 @!p0 $0x6000;
	s24 =	simm.s32 @!p0 $0x0;
	vm0 =	vmmov @!p0 $0xffff  }
0x105: {  	[hbm4b:s6+s24] =	stream.indirect_vreg.scatter @!p0 [tilespmem:s25], [sflag:$0x2], $0x80, v4, vm0, $0xb8;
	[tilespmem:$0x7080] =	vst v63  }
0x106: {  	s25 =	simm.s32 @!p0 $0x6800  }
0x107: {  	[hbm4b:s6+s24] =	stream.indirect_vreg.scatter @!p0 [tilespmem:s25], [sflag:$0x2], $0x80, v2, vm0, $0xb8;
	[tilespmem:$0x7080] =	vst v63  }
0x108: {  	s24 =	simm.s32 @!p0 $0x2  }
0x109: {  	_ =	swait.ge @!p0 [sflag:s24], $0x1000  }
0x10a: {  	[sflag:s24] =	ssyncset.done @!p0 $0x0  }
0x10b: {  	[sflag:s24] =	ssyncadd.s32 @!p0 $0xFFFFF000  }
0x10c: {  	v2 =	vld [tilespmem:s21+$0x10];
	_ =	sdelay $0x1  }
0x10d: {  	v3 =	vld [tilespmem:s22+$0x10];
	_ =	sdelay $0x2  }
0x10e: {  	v61 =	vld [tilespmem:s23+$0x10];
	v2 =	vadd.f32 $1.000000000e+00, v2;
	_ =	sdelay $0x1  }
0x10f: {  	v2 =	vmul.f32 v2, v3;
	_ =	sdelay $0x1  }
0x110: {  	vm13 =	vlt.f32 v2, v1  }
0x111: {  	v2 =	vnsel vm13, $0x0, v61  }
0x112: {  	(xrf0) =	vadd.scan.msk.s32 $0xffff, v2;
	_ =	sdelay $0x5  }
0x113: {  	v3, _, _ =	vpop (xrf0)  }
0x114: {  	(v2sf) =	vpush v3, $0xF;
	_ =	sdelay $0xe  }
0x115: {  	s29 =	spop (v2sf)  }
0x116: {  	p0 =	slt.s32 s29, $0x1  }
0x117: {  	s24 =	sadd.s32 @!p0 s20, s4;
	v3 =	vlaneseq.u32 @!p0  }
0x118: {  	s24 =	sadd.s32 @!p0 $0x50, s24;
	v4 =	vor.u32 @!p0 $0x80000000, v3  }
0x119: {  	vm0 =	veq.s32 @!p0 v2, $0x1;
	v2 =	vor.u32 @!p0 s24, v4  }
0x11a: {  	v2 =	vnsel @!p0 vm0, $0xC0000000, v2  }
0x11b: {  	(xrf0) =	vmin.scan.msk.u32 @!p0 $0xffff, v2;
	_ =	sdelay $0x5  }
0x11c: {  	v2, _, _ =	vpop @!p0 (xrf0)  }
0x11d: {  	v2 =	vbroadcast @!p0 v2, $0xF  }
0x11e: {  	v4 =	vor.u32 @!p0 s24, v3  }
0x11f: {  	v2 =	vsel @!p0 vm0, v4, v2  }
0x120: {  	v4 =	vshll.u32 @!p0 v2, $0x1  }
0x121: {  	v2 =	vand.u32 @!p0 $0x7, v2;
	v4 =	vand.u32 @!p0 $0xFFFFFFF0, v4  }
0x122: {  	v5 =	vshrl.u32 @!p0 v3, $0x3;
	v2 =	vor.u32 @!p0 v2, v4;
	v4 =	vand.u32 @!p0 $0x7, v3  }
0x123: {  	v5 =	vmul.u32 @!p0 $0x8, v5;
	v4 =	vperm.xlane @!p0 v2, v4  }
0x124: {  	v3 =	vor.u32 @!p0 $0x8, v3  }
0x125: {  	v2 =	vperm.xlane @!p0 v2, v3;
	v4 =	vadd.s32 @!p0 v5, v4;
	_ =	sdelay $0x1  }
0x126: {  	v2 =	vadd.s32 @!p0 v5, v2;
	_ =	sdelay $0x1  }
0x127: {  	s25 =	simm.s32 @!p0 $0x6000;
	s24 =	simm.s32 @!p0 $0x0;
	vm0 =	vmmov @!p0 $0xffff  }
0x128: {  	[hbm4b:s6+s24] =	stream.indirect_vreg.scatter @!p0 [tilespmem:s25], [sflag:$0x2], $0x80, v4, vm0, $0xb8;
	[tilespmem:$0x7080] =	vst v63  }
0x129: {  	s25 =	simm.s32 @!p0 $0x6800  }
0x12a: {  	[hbm4b:s6+s24] =	stream.indirect_vreg.scatter @!p0 [tilespmem:s25], [sflag:$0x2], $0x80, v2, vm0, $0xb8;
	[tilespmem:$0x7080] =	vst v63  }
0x12b: {  	s24 =	simm.s32 @!p0 $0x2  }
0x12c: {  	_ =	swait.ge @!p0 [sflag:s24], $0x1000  }
0x12d: {  	[sflag:s24] =	ssyncset.done @!p0 $0x0  }
0x12e: {  	[sflag:s24] =	ssyncadd.s32 @!p0 $0xFFFFF000  }
0x12f: {  	v2 =	vld [tilespmem:s21+$0x20];
	_ =	sdelay $0x1  }
0x130: {  	v3 =	vld [tilespmem:s22+$0x20];
	_ =	sdelay $0x2  }
0x131: {  	v62 =	vld [tilespmem:s23+$0x20];
	v2 =	vadd.f32 $1.000000000e+00, v2;
	_ =	sdelay $0x1  }
0x132: {  	v2 =	vmul.f32 v2, v3;
	_ =	sdelay $0x1  }
0x133: {  	vm14 =	vlt.f32 v2, v1  }
0x134: {  	v2 =	vnsel vm14, $0x0, v62  }
0x135: {  	(xrf0) =	vadd.scan.msk.s32 $0xffff, v2;
	_ =	sdelay $0x5  }
0x136: {  	v3, _, _ =	vpop (xrf0)  }
0x137: {  	(v2sf) =	vpush v3, $0xF;
	_ =	sdelay $0xe  }
0x138: {  	s30 =	spop (v2sf)  }
0x139: {  	p0 =	slt.s32 s30, $0x1  }
0x13a: {  	s24 =	sadd.s32 @!p0 s20, s4;
	v3 =	vlaneseq.u32 @!p0  }
0x13b: {  	s24 =	sadd.s32 @!p0 $0x60, s24;
	v4 =	vor.u32 @!p0 $0x80000000, v3  }
0x13c: {  	vm0 =	veq.s32 @!p0 v2, $0x1;
	v2 =	vor.u32 @!p0 s24, v4  }
0x13d: {  	v2 =	vnsel @!p0 vm0, $0xC0000000, v2  }
0x13e: {  	(xrf0) =	vmin.scan.msk.u32 @!p0 $0xffff, v2;
	_ =	sdelay $0x5  }
0x13f: {  	v2, _, _ =	vpop @!p0 (xrf0)  }
0x140: {  	v2 =	vbroadcast @!p0 v2, $0xF  }
0x141: {  	v4 =	vor.u32 @!p0 s24, v3  }
0x142: {  	v2 =	vsel @!p0 vm0, v4, v2  }
0x143: {  	v4 =	vshll.u32 @!p0 v2, $0x1  }
0x144: {  	v2 =	vand.u32 @!p0 $0x7, v2;
	v4 =	vand.u32 @!p0 $0xFFFFFFF0, v4  }
0x145: {  	v5 =	vshrl.u32 @!p0 v3, $0x3;
	v2 =	vor.u32 @!p0 v2, v4;
	v4 =	vand.u32 @!p0 $0x7, v3  }
0x146: {  	v5 =	vmul.u32 @!p0 $0x8, v5;
	v4 =	vperm.xlane @!p0 v2, v4  }
0x147: {  	v3 =	vor.u32 @!p0 $0x8, v3  }
0x148: {  	v2 =	vperm.xlane @!p0 v2, v3;
	v4 =	vadd.s32 @!p0 v5, v4;
	_ =	sdelay $0x1  }
0x149: {  	v2 =	vadd.s32 @!p0 v5, v2;
	_ =	sdelay $0x1  }
0x14a: {  	s25 =	simm.s32 @!p0 $0x6000;
	s24 =	simm.s32 @!p0 $0x0;
	vm0 =	vmmov @!p0 $0xffff  }
0x14b: {  	[hbm4b:s6+s24] =	stream.indirect_vreg.scatter @!p0 [tilespmem:s25], [sflag:$0x2], $0x80, v4, vm0, $0xb8;
	[tilespmem:$0x7080] =	vst v63  }
0x14c: {  	s25 =	simm.s32 @!p0 $0x6800  }
0x14d: {  	[hbm4b:s6+s24] =	stream.indirect_vreg.scatter @!p0 [tilespmem:s25], [sflag:$0x2], $0x80, v2, vm0, $0xb8;
	[tilespmem:$0x7080] =	vst v63  }
0x14e: {  	s24 =	simm.s32 @!p0 $0x2  }
0x14f: {  	_ =	swait.ge @!p0 [sflag:s24], $0x1000  }
0x150: {  	[sflag:s24] =	ssyncset.done @!p0 $0x0  }
0x151: {  	[sflag:s24] =	ssyncadd.s32 @!p0 $0xFFFFF000  }
0x152: {  	v2 =	vld [tilespmem:s21+$0x30];
	_ =	sdelay $0x1  }
0x153: {  	v3 =	vld [tilespmem:s22+$0x30];
	_ =	sdelay $0x2  }
0x154: {  	v63 =	vld [tilespmem:s23+$0x30];
	v2 =	vadd.f32 $1.000000000e+00, v2;
	_ =	sdelay $0x1  }
0x155: {  	v2 =	vmul.f32 v2, v3;
	_ =	sdelay $0x1  }
0x156: {  	vm15 =	vlt.f32 v2, v1  }
0x157: {  	v2 =	vnsel vm15, $0x0, v63  }
0x158: {  	(xrf0) =	vadd.scan.msk.s32 $0xffff, v2;
	_ =	sdelay $0x5  }
0x159: {  	v3, _, _ =	vpop (xrf0)  }
0x15a: {  	(v2sf) =	vpush v3, $0xF;
	_ =	sdelay $0xe  }
0x15b: {  	s31 =	spop (v2sf)  }
0x15c: {  	p0 =	slt.s32 s31, $0x1  }
0x15d: {  	s24 =	sadd.s32 @!p0 s20, s4;
	v3 =	vlaneseq.u32 @!p0  }
0x15e: {  	s24 =	sadd.s32 @!p0 $0x70, s24;
	v4 =	vor.u32 @!p0 $0x80000000, v3  }
0x15f: {  	vm0 =	veq.s32 @!p0 v2, $0x1;
	v2 =	vor.u32 @!p0 s24, v4  }
0x160: {  	v2 =	vnsel @!p0 vm0, $0xC0000000, v2  }
0x161: {  	(xrf0) =	vmin.scan.msk.u32 @!p0 $0xffff, v2;
	_ =	sdelay $0x5  }
0x162: {  	v2, _, _ =	vpop @!p0 (xrf0)  }
0x163: {  	v2 =	vbroadcast @!p0 v2, $0xF  }
0x164: {  	v4 =	vor.u32 @!p0 s24, v3  }
0x165: {  	v2 =	vsel @!p0 vm0, v4, v2  }
0x166: {  	v4 =	vshll.u32 @!p0 v2, $0x1  }
0x167: {  	v2 =	vand.u32 @!p0 $0x7, v2;
	v4 =	vand.u32 @!p0 $0xFFFFFFF0, v4  }
0x168: {  	v5 =	vshrl.u32 @!p0 v3, $0x3;
	v2 =	vor.u32 @!p0 v2, v4;
	v4 =	vand.u32 @!p0 $0x7, v3  }
0x169: {  	v5 =	vmul.u32 @!p0 $0x8, v5;
	v4 =	vperm.xlane @!p0 v2, v4  }
0x16a: {  	v3 =	vor.u32 @!p0 $0x8, v3  }
0x16b: {  	v2 =	vperm.xlane @!p0 v2, v3;
	v4 =	vadd.s32 @!p0 v5, v4;
	_ =	sdelay $0x1  }
0x16c: {  	v2 =	vadd.s32 @!p0 v5, v2;
	_ =	sdelay $0x1  }
0x16d: {  	s25 =	simm.s32 @!p0 $0x6000;
	s24 =	simm.s32 @!p0 $0x0;
	vm0 =	vmmov @!p0 $0xffff  }
0x16e: {  	[hbm4b:s6+s24] =	stream.indirect_vreg.scatter @!p0 [tilespmem:s25], [sflag:$0x2], $0x80, v4, vm0, $0xb8;
	[tilespmem:$0x7080] =	vst v63  }
0x16f: {  	s25 =	simm.s32 @!p0 $0x6800  }
0x170: {  	[hbm4b:s6+s24] =	stream.indirect_vreg.scatter @!p0 [tilespmem:s25], [sflag:$0x2], $0x80, v2, vm0, $0xb8;
	[tilespmem:$0x7080] =	vst v63  }
0x171: {  	s24 =	simm.s32 @!p0 $0x2  }
0x172: {  	_ =	swait.ge @!p0 [sflag:s24], $0x1000  }
0x173: {  	s20 =	sadd.s32 $0x80, s20;
	[sflag:s24] =	ssyncset.done @!p0 $0x0  }
0x174: {  	[sflag:s24] =	ssyncadd.s32 @!p0 $0xFFFFF000;
	p0 =	sne.s32 s20, $0x1000  }
.Ltmp2:
0x175: {  	_ = 	snop;
	(pc) =	sbr.rel @p0 .LBB2_6-.Ltmp2, $2  }
0x176: {  	_ =	sdelay $0x2  }
0x177: {  	s21 =	sadd.s32 $0x80, s21;
	s22 =	sadd.s32 $0x80, s22;
	s23 =	sadd.s32 $0x80, s23  }
0x178: {  	s19 =	sadd.s32 $0x1, s19  }
0x179: {  	p0 =	sne.s32 s19, s11  }
.Ltmp3:
0x17a: {  	_ = 	snop;
	(pc) =	sbr.rel @p0 .LBB2_1-.Ltmp3, $1  }
0x17b: {  	_ =	sdelay $0x3  }
0x17c: {  	_ =	sfence.sel $0x180000  }
0x17d: {  	[bflag:$0x0] =	sbarrier.arrive $0xFFFF  }
0x17e: {  	p0 =	sne.s32 s1, $0x0;
	_ =	strace $0x90000047  }
0x17f: {  	s0 =	sadd.s32 @!p0 $0x100000, s0;
	[bflag:$0x2] =	sbarrier.arrive $0xFFFF  }
0x180: {  	[sflag:s0] =	ssyncadd.tile.s32 @!p0 $0x1;
	_ =	shalt  }
.Lfunc_end2:
_tile_overlayer_lowered:
.L_overlay_start_2:
0x181: {  	(tag) =	ssettag $0x2  }
0x182: {  	s0 =	rddreg [dreg:$0x0];
	s2 =	stileid.u32  }
0x183: {  	s1 =	rddreg [dreg:$0x1];
	p0 =	sne.s32 s2, $0x0  }
0x184: {  	s3 =	rddreg [dreg:$0x2];
	[bflag:$0x3] =	sbarrier.arrive $0xFFFF;
	s2 =	simm.s32 @!p0 $0x1C03  }
0x185: {  	[timem:s3], [sflag:s2] =	dma.local @!p0 [hbm:s0], s1  }
0x186: {  	s0 =	simm.s32 @!p0 $0x3  }
0x187: {  	_ =	swait.ge @!p0 [sflag:s0], s1  }
0x188: {  	s1 =	ssub.s32 @!p0 $0x0, s1;
	[sflag:s0] =	ssyncset.done @!p0 $0x0  }
0x189: {  	[sflag:s0] =	ssyncadd.s32 @!p0 s1  }
0x18a: {  	[bflag:$0x3] =	sbarrier.arrive $0xFFFF  }
0x18b: {  	_ =	shalt  }

// kernel: branch_1_fun.9.cloned.1.call-start
scs
__scs_entry_jumppad:
0x0: {  	(pc) =	sbr.rel $0x88, $3  }
0x1: {  	(tag) =	ssettag $0x0;
	lr =	simm.s32 $0x1  }
0x2: {  	[smem:$0x3F9A] =	sst lr;
	_ =	strace $0xD0000000  }
0x3: {  	_ = 	snop  }
0x4: {  	_ = 	snop  }
0x5: {  	_ = 	snop  }
0x6: {  	_ = 	snop  }
0x7: {  	_ = 	snop  }
__scs_overlays_trampoline_lowered:
0x8: {  	[smem:$0x3FA9] =	sst s0  }
0x9: {  	[smem:$0x3FAA] =	sst s1  }
0xa: {  	[smem:$0x3FAB] =	sst s2  }
0xb: {  	[smem:$0x3FAC] =	sst s3  }
0xc: {  	[smem:$0x3FAD] =	sst s4  }
0xd: {  	[smem:$0x3FAE] =	sst s5  }
0xe: {  	[smem:$0x3FAF] =	sst s6  }
0xf: {  	[smem:$0x3FB0] =	sst s7  }
0x10: {  	[smem:$0x3FB1] =	sst s8  }
0x11: {  	[smem:$0x3FB2] =	sst s9;
	s0 =	simm.s32 @!p0 $0x0  }
0x12: {  	s1 =	sld [smem:$0x3F98];
	s0 =	simm.s32 @p0 $0x1  }
0x13: {  	[smem:$0x3FB3] =	sst s0;
	s0 =	simm.s32 @!p1 $0x0  }
0x14: {  	s2 =	sld [smem:$0x3F97];
	s0 =	simm.s32 @p1 $0x1  }
0x15: {  	[smem:$0x3FB4] =	sst s0;
	s0 =	simm.s32 @!p2 $0x0  }
0x16: {  	s3 =	sld [smem:$0x3FDB];
	s0 =	simm.s32 @p2 $0x1  }
0x17: {  	s4 =	simm.s32 $0x1BF5;
	[smem:$0x3FB6] =	sst s0  }
0x18: {  	s0 =	sld [smem:$0x3F99];
	_ =	swait.ge [sflag:s4], $0x0  }
0x19: {  	s7 =	sld [smem:$0x3F9A]  }
0x1a: {  	s8 =	sadd.s32 $0xFFFFE003, lr  }
0x1b: {  	s9 =	sadd.s32 $0xFFFFFEF7, lr;
	s5 =	simm.s32 $0xFFFFFFFF;
	p2 =	slt.u32 s8, $0xFFFFF086  }
0x1c: {  	p1 =	slt.u32 s9, $0xF7A;
	s5 =	simm.s32 @!p2 $0x0  }
0x1d: {  	s5 =	simm.s32 @p1 $0x1;
	p0 =	seq.s32 s7, s2  }
0x1e: {  	s7 =	smul.u32 @!p0 $0xF7A, s2;
	p2 =	seq.s32 @!p0 s5, $0x0  }
0x1f: {  	s9 =	smul.u32 $0xF7A, s1;
	s8 =	simm.s32 @!p0 $0x1BF5;
	p2 =	por !p2, p0  }
0x20: {  	[sflag:s8] =	ssyncset.s32 @!p0 $0xFFFFF086;
	s6 =	sadd.s32 @!p0 s3, s7;
	s7 =	simm.s32 @!p0 $0x108  }
0x21: {  	s3 =	sadd.s32 s3, s9;
	s6 =	sadd.s32 @!p0 $0x88, s6;
	s7 =	simm.s32 @p2 $0x1082  }
0x22: {  	[simem:s7], [sflag:s8] =	dma.local @!p0 [hbm:s6], $0xF7A  }
0x23: {  	s9 =	sor.u32 $0xD0000000, s2;
	s6 =	simm.s32 $0x108;
	_ =	swait.ge @!p0 [sflag:s8], $0x0  }
0x24: {  	s3 =	sadd.s32 $0x88, s3;
	s6 =	simm.s32 @!p1 $0x1082;
	[sflag:s4] =	ssyncset.s32 $0xFFFFF086  }
0x25: {  	[simem:s6], [sflag:s4] =	dma.local [hbm:s3], $0xF7A  }
0x26: {  	[smem:$0x3F9A] =	sst s1;
	(tag) =	ssettag s2;
	_ =	strace s9  }
0x27: {  	s1 =	sld [smem:$0x3FAA]  }
0x28: {  	s2 =	sld [smem:$0x3FAB]  }
0x29: {  	s4 =	sld [smem:$0x3FAD]  }
0x2a: {  	p0 =	seq.s32 s5, $0x0;
	s5 =	sld [smem:$0x3FAE]  }
0x2b: {  	s6 =	sld [smem:$0x3FAF]  }
0x2c: {  	s7 =	sld [smem:$0x3FB0]  }
0x2d: {  	s3 =	simm.s32 $0x108;
	s8 =	sld [smem:$0x3FB1]  }
0x2e: {  	s3 =	simm.s32 @!p0 $0x1082;
	s9 =	sld [smem:$0x3FB2]  }
0x2f: {  	lr =	sadd.s32 s0, s3;
	s0 =	sld [smem:$0x3FA9]  }
0x30: {  	s3 =	sld [smem:$0x3FAC]  }
0x31: {  	[smem:$0x3FB5] =	sst s10  }
0x32: {  	s10 =	sld [smem:$0x3FB3];
	_ =	sdelay $0x3  }
0x33: {  	p0 =	seq.s32 s10, $0x1;
	s10 =	sld [smem:$0x3FB5];
	_ =	sdelay $0x3  }
0x34: {  	[smem:$0x3FB5] =	sst s10  }
0x35: {  	s10 =	sld [smem:$0x3FB4];
	_ =	sdelay $0x3  }
0x36: {  	p1 =	seq.s32 s10, $0x1;
	s10 =	sld [smem:$0x3FB5];
	_ =	sdelay $0x3  }
0x37: {  	[smem:$0x3FB5] =	sst s10  }
0x38: {  	s10 =	sld [smem:$0x3FB6]  }
0x39: {  	_ = 	snop;
	(pc) =	sbr.ind lr, $3  }
0x3a: {  	_ = 	snop  }
0x3b: {  	_ = 	snop  }
0x3c: {  	p2 =	seq.s32 s10, $0x1;
	s10 =	sld [smem:$0x3FB5]  }
0x3d: {  	_ =	shalt  }
0x3e: {  	_ =	shalt  }
0x3f: {  	_ =	shalt  }
0x40: {  	_ =	shalt  }
0x41: {  	_ =	shalt  }
0x42: {  	_ =	shalt  }
0x43: {  	_ =	shalt  }
0x44: {  	_ =	shalt  }
0x45: {  	_ =	shalt  }
0x46: {  	_ =	shalt  }
0x47: {  	_ =	shalt  }
0x48: {  	_ =	shalt  }
0x49: {  	_ =	shalt  }
0x4a: {  	_ =	shalt  }
0x4b: {  	_ =	shalt  }
0x4c: {  	_ =	shalt  }
0x4d: {  	_ =	shalt  }
0x4e: {  	_ =	shalt  }
0x4f: {  	_ =	shalt  }
0x50: {  	_ =	shalt  }
0x51: {  	_ =	shalt  }
0x52: {  	_ =	shalt  }
0x53: {  	_ =	shalt  }
0x54: {  	_ =	shalt  }
0x55: {  	_ =	shalt  }
0x56: {  	_ =	shalt  }
0x57: {  	_ =	shalt  }
0x58: {  	_ =	shalt  }
0x59: {  	_ =	shalt  }
0x5a: {  	_ =	shalt  }
0x5b: {  	_ =	shalt  }
0x5c: {  	_ =	shalt  }
0x5d: {  	_ =	shalt  }
0x5e: {  	_ =	shalt  }
0x5f: {  	_ =	shalt  }
0x60: {  	_ =	shalt  }
0x61: {  	_ =	shalt  }
0x62: {  	_ =	shalt  }
0x63: {  	_ =	shalt  }
0x64: {  	_ =	shalt  }
0x65: {  	_ =	shalt  }
0x66: {  	_ =	shalt  }
0x67: {  	_ =	shalt  }
0x68: {  	_ =	shalt  }
0x69: {  	_ =	shalt  }
0x6a: {  	_ =	shalt  }
0x6b: {  	_ =	shalt  }
0x6c: {  	_ =	shalt  }
0x6d: {  	_ =	shalt  }
0x6e: {  	_ =	shalt  }
0x6f: {  	_ =	shalt  }
0x70: {  	_ =	shalt  }
0x71: {  	_ =	shalt  }
0x72: {  	_ =	shalt  }
0x73: {  	_ =	shalt  }
0x74: {  	_ =	shalt  }
0x75: {  	_ =	shalt  }
0x76: {  	_ =	shalt  }
0x77: {  	_ =	shalt  }
0x78: {  	_ =	shalt  }
0x79: {  	_ =	shalt  }
0x7a: {  	_ =	shalt  }
0x7b: {  	_ =	shalt  }
0x7c: {  	_ =	shalt  }
0x7d: {  	_ =	shalt  }
0x7e: {  	_ =	shalt  }
0x7f: {  	_ =	shalt  }
0x80: {  	_ =	shalt  }
0x81: {  	_ =	shalt  }
0x82: {  	_ =	shalt  }
0x83: {  	_ =	shalt  }
0x84: {  	_ =	shalt  }
0x85: {  	_ =	shalt  }
0x86: {  	_ =	shalt  }
0x87: {  	_ =	shalt  }
.Lfunc_end0:
.L_simem_size_0:
called_computation.1_lowered:
.L_overlay_start_0:
0x88: {  	s2 =	sld [smem:$0x3FD9]  }
0x89: {  	s3 =	sld [smem:$0x3FFE];
	_ =	sdelay $0x1  }
0x8a: {  	s1 =	srdreg.scid  }
0x8b: {  	s0 =	sand.u32 $0x1, s1  }
0x8c: {  	s17 =	sshll.u32 s0, $0xA;
	s2 =	sadd.s32 s3, s2  }
0x8d: {  	s2 =	sadd.s32 s2, s17  }
0x8e: {  	[smem:$0x3FC1] =	sst s2  }
0x8f: {  	_ = 	snop  }
0x90: {  	s2 =	sld [smem:$0x3FC7]  }
0x91: {  	s18 =	sld [smem:$0x3FC6]  }
0x92: {  	s4 =	sld [smem:$0x3FD0];
	(tm) =	ssettm $0x1  }
0x93: {  	s5 =	sld [smem:$0x3FFB];
	_ =	sdelay $0x3  }
0x94: {  	_ =	strace s5  }
0x95: {  	s5 =	sld [smem:$0x3FFC];
	_ =	sdelay $0x3  }
0x96: {  	_ =	strace s5  }
0x97: {  	s5 =	sld [smem:$0x3FFD];
	_ =	sdelay $0x3  }
0x98: {  	_ =	strace s5  }
0x99: {  	_ =	strace $0x8FFFFFFF  }
0x9a: {  	s19 =	sld [smem:$0x3FDB];
	_ =	sdelay $0x1  }
0x9b: {  	s6 =	simm.s32 $_scs_section_size  }
0x9c: {  	s7 =	simm.s32 $_size__tile_overlayer_lowered;
	s8 =	simm.s32 $_tile_overlayer_lowered  }
0x9d: {  	s22 =	simm.s32 $0x1BFF;
	s21 =	sshll.u32 s8, $0x1;
	s5 =	sadd.s32 s6, s19  }
0x9e: {  	s9 =	simm.s32 $0x0;
	s20 =	sshll.u32 s7, $0x1;
	s7 =	sadd.s32 s21, s5  }
0x9f: {  	[timem:s9], [sflag:s22] =	dma.local [hbm:s7], s20  }
0xa0: {  	_ =	swait.ge [sflag:s22], s20  }
0xa1: {  	s6 =	ssub.s32 $0x0, s20;
	[sflag:s22] =	ssyncset.done $0x0  }
0xa2: {  	[sflag:s22] =	ssyncadd.s32 s6;
	_ =	sdelay $0x1  }
0xa3: {  	s23 =	simm.s32 $0x1B8B  }
0xa4: {  	_ =	swait.ge [sflag:s23], $0x1  }
0xa5: {  	[sflag:s23] =	ssyncset.done $0x0  }
0xa6: {  	s25 =	simm.s32 $0x1B8E;
	s24 =	sld [smem:$0x3FFE];
	[sflag:s23] =	ssyncadd.s32 $0xFFFFFFFF  }
0xa7: {  	s26 =	simm.s32 $execute0_lowered;
	[smem:$0x3FD2] =	sst s25  }
0xa8: {  	s7 =	sshll.u32 s26, $0x1;
	_ =	strace $0x80000049;
	[dreg:$0x1] =	wrdreg $0xFFFFFFFF  }
0xa9: {  	s28 =	simm.s32 $_size_execute0_lowered;
	s5 =	sadd.s32 s5, s7;
	[dreg:$0x0] =	wrdreg $0x0  }
0xaa: {  	s7 =	sshll.u32 s28, $0x1;
	[dreg:$0x2] =	wrdreg s5  }
0xab: {  	[dreg:$0x3] =	wrdreg s7  }
0xac: {  	[dreg:$0x4] =	wrdreg $0xC0  }
0xad: {  	_ =	task [dreg:s9], $0x5FFFF  }
0xae: {  	[dreg:$0x1] =	wrdreg $0xFFFFFFFF  }
0xaf: {  	[dreg:$0x0] =	wrdreg $0x60  }
0xb0: {  	[dreg:$0x2] =	wrdreg s2  }
0xb1: {  	[dreg:$0x3] =	wrdreg s18  }
0xb2: {  	[dreg:$0x4] =	wrdreg s24  }
0xb3: {  	[dreg:$0x5] =	wrdreg s4  }
0xb4: {  	[dreg:$0x6] =	wrdreg $0x9  }
0xb5: {  	_ =	task.clear_ibuf [dreg:s9], $0x7FFFF;
	_ =	strace $0x90000049  }
0xb6: {  	s29 =	simm.s32 $0x9;
	_ =	strace $0x8000004B  }
0xb7: {  	_ =	swait.ge [sflag:s29], $0x1  }
0xb8: {  	[sflag:s29] =	ssyncadd.s32 $0xFFFFFFFF  }
0xb9: {  	_ =	strace $0x9000004B  }
0xba: {  	_ =	sfence  }
0xbb: {  	s30 =	sld [smem:$0x0];
	_ =	sdelay $0x2  }
0xbc: {  	s31 =	sshll.u32 s1, $0xD;
	s1 =	sshrl.u32 s1, $0x2  }
0xbd: {  	s3 =	sand.u32 $0x4000, s31;
	s1 =	sadd.s32 s1, s30  }
0xbe: {  	s0 =	sor.u32 s3, s0;
	s1 =	sshll.u32 s1, $0x11  }
0xbf: {  	s0 =	sor.u32 s1, s0  }
0xc0: {  	s0 =	sadd.s32 $0x8F2B, s0  }
0xc1: {  	[sflag:s0] =	ssyncadd.remote.s32 $0x1  }
0xc2: {  	_ =	sfence.sel $0xFFFF  }
0xc3: {  	[dreg:$0x0] =	wrdreg $0xFFFFFFFF;
	(pc) =	sbr.abs _section_cstart, $3  }
0xc4: {  	[dreg:$0x1] =	wrdreg $0xFFFFFFFF  }
0xc5: {  	_ =	task.clear_ibuf [dreg:s9], $0x2FFFF;
	_ =	strace $0x9FFFFFFF  }
0xc6: {  	(tm) =	ssettm $0x7FFFFFFF  }
0xc7: {  	_ =	shalt  }
tec
execute0_lowered:
.L_overlay_start_1:
0x0: {  	(tag) =	ssettag $0x1  }
0x1: {  	s0 =	rddreg [dreg:$0x0]  }
0x2: {  	s2 =	rddreg [dreg:$0x1]  }
0x3: {  	s6 =	rddreg [dreg:$0x2]  }
0x4: {  	s1 =	rddreg [dreg:$0x3]  }
0x5: {  	s3 =	simm.s32 $0x0;
	s4 =	srdreg.scid;
	s10 =	stileid.u32  }
0x6: {  	s16 =	simm.s32 $0x3;
	s21 =	simm.s32 $0x80;
	s22 =	simm.s32 $0x2  }
0x7: {  	s23 =	simm.s32 $0x9000;
	s24 =	simm.s32 $0x9800;
	s25 =	simm.s32 $0xA000  }
0x8: {  	s29 =	simm.s32 $0x8000;
	s30 =	simm.s32 $0x400;
	s31 =	simm.s32 $0xA080  }
0x9: {  	[smem:$0x7FF] =	sst s3;
	s7 =	sand.u32 $0x1, s4;
	s8 =	sshll.u32 s10, $0x1  }
0xa: {  	s4 =	sadd.s32 $0x3600, s6;
	s5 =	sadd.s32 $0xC000, s6;
	s10 =	sshrl.u32 s10, $0x2  }
0xb: {  	_ =	strace $0x8000004A;
	s8 =	sor.u32 s7, s8;
	s11 =	sshll.u32 s10, $0xE  }
0xc: {  	s7 =	ssub.s32 $0x2, s7;
	s9 =	sshll.u32 s8, $0x9;
	s8 =	sshll.u32 s8, $0x7  }
0xd: {  	s10 =	sshll.u32 s10, $0xA;
	s28 =	sshrl.u32 s7, $0x1;
	s8 =	sand.u32 $0x380, s8  }
0xe: {  	s12 =	sadd.s32 s9, s6;
	s15 =	ssub.s32 s7, s28;
	s7 =	sadd.s32 s2, s9  }
0xf: {  	s11 =	sor.u32 s11, s8;
	s8 =	sor.u32 s10, s8;
	s10 =	sadd.s32 $0x90000, s12  }
.Ltmp0:
0x10: {  	s15 =	smax.u32 s15, $0x1;
	s26 =	sshrl.u32 s11, $0x3;
	(pc) =	sbr.rel .LBB2_1-.Ltmp0, $4  }
0x11: {  	s8 =	sshrl.u32 s8, $0x3;
	s11 =	sadd.s32 $0x94000, s12;
	s13 =	sadd.s32 s26, s6  }
0x12: {  	s14 =	sadd.s32 s8, s6;
	s6 =	sadd.s32 s0, s9;
	s8 =	sadd.s32 $0x8000, s12  }
0x13: {  	s9 =	sadd.s32 $0x3C00, s12;
	s26 =	simm.s32 $0x1;
	s0 =	simm.s32 $0x0  }
0x14: {  	v0 =	vimm.s32 $0x0;
	v1 =	vimm.s32 $0x1;
	s12 =	sadd.s32 $0x8C000, s13;
	s13 =	sadd.s32 $0x8E000, s13;
	s14 =	sadd.s32 $0x3800, s14  }
.LBB2_10:
0x15: {  	[tilespmem:s17+$0x6000] =	vst v9;
	v8 =	vsel vm0, v2, v8;
	vm10 =	vlt.s32 v7, $0x0;
	v63 =	vld [tilespmem:s17+$0x6070]  }
0x16: {  	vm11 =	vlt.s32 v6, $0x0;
	[tilespmem:s17+$0x6010] =	vst v8;
	v7 =	vsel vm10, v2, v7  }
0x17: {  	vm12 =	vlt.s32 v5, $0x0;
	v6 =	vsel vm11, v2, v6;
	[tilespmem:s17+$0x6020] =	vst v7  }
0x18: {  	vm13 =	vlt.s32 v3, $0x0;
	v5 =	vsel vm12, v2, v5;
	[tilespmem:s17+$0x6030] =	vst v6  }
0x19: {  	vm14 =	vlt.s32 v4, $0x0;
	v3 =	vsel vm13, v2, v3;
	[tilespmem:s17+$0x6040] =	vst v5  }
0x1a: {  	[tilespmem:s17+$0x6050] =	vst v3;
	v3 =	vsel vm14, v2, v4;
	vm15 =	vlt.s32 v63, $0x0  }
0x1b: {  	[tilespmem:s17+$0x6060] =	vst v3;
	v2 =	vsel vm15, v2, v63  }
0x1c: {  	s18 =	sadd.s32 $0x6000, s17;
	[tilespmem:s17+$0x6070] =	vst v2  }
0x1d: {  	[hbm4b:s5+s21] =	stream.indirect.scatter [tilespmem:s25], [sflag:$0x1], $0x1, s18, s21, $0xb8;
	[tilespmem:$0xA180] =	vst v63  }
0x1e: {  	_ =	swait.ge [sflag:s26], $0x80  }
0x1f: {  	[sflag:s26] =	ssyncset.done $0x0  }
0x20: {  	[sflag:s26] =	ssyncadd.s32 $0xFFFFFF80  }
0x21: {  	_ =	swait.ge [sflag:s26], $0x80  }
0x22: {  	[sflag:s26] =	ssyncset.done $0x0  }
0x23: {  	[sflag:s26] =	ssyncadd.s32 $0xFFFFFF80  }
0x24: {  	_ =	swait.ge [sflag:s26], $0x80  }
0x25: {  	[sflag:s26] =	ssyncset.done $0x0  }
0x26: {  	[sflag:s26] =	ssyncadd.s32 $0xFFFFFF80  }
0x27: {  	_ =	swait.ge [sflag:s26], $0x80  }
0x28: {  	[sflag:s26] =	ssyncset.done $0x0  }
0x29: {  	[sflag:s26] =	ssyncadd.s32 $0xFFFFFF80  }
0x2a: {  	_ =	swait.ge [sflag:s26], $0x80  }
0x2b: {  	[sflag:s26] =	ssyncset.done $0x0  }
0x2c: {  	[sflag:s26] =	ssyncadd.s32 $0xFFFFFF80  }
0x2d: {  	_ =	swait.ge [sflag:s26], $0x80  }
0x2e: {  	[sflag:s26] =	ssyncset.done $0x0  }
0x2f: {  	[sflag:s26] =	ssyncadd.s32 $0xFFFFFF80  }
0x30: {  	_ =	swait.ge [sflag:s26], $0x80  }
0x31: {  	[sflag:s26] =	ssyncset.done $0x0  }
0x32: {  	[sflag:s26] =	ssyncadd.s32 $0xFFFFFF80  }
0x33: {  	_ =	swait.ge [sflag:s26], $0x80  }
0x34: {  	[sflag:s26] =	ssyncset.done $0x0  }
0x35: {  	[sflag:s26] =	ssyncadd.s32 $0xFFFFFF80  }
0x36: {  	_ =	swait.ge [sflag:s26], $0x80  }
0x37: {  	[sflag:s26] =	ssyncset.done $0x0  }
0x38: {  	[sflag:s26] =	ssyncadd.s32 $0xFFFFFF80  }
0x39: {  	_ =	swait.ge [sflag:s26], $0x80  }
0x3a: {  	[sflag:s26] =	ssyncset.done $0x0  }
0x3b: {  	[sflag:s26] =	ssyncadd.s32 $0xFFFFFF80  }
0x3c: {  	_ =	swait.ge [sflag:s26], $0x80  }
0x3d: {  	[sflag:s26] =	ssyncset.done $0x0  }
0x3e: {  	[sflag:s26] =	ssyncadd.s32 $0xFFFFFF80  }
0x3f: {  	_ =	swait.ge [sflag:s26], $0x80  }
0x40: {  	[sflag:s26] =	ssyncset.done $0x0  }
0x41: {  	[sflag:s26] =	ssyncadd.s32 $0xFFFFFF80  }
0x42: {  	_ =	swait.ge [sflag:s26], $0x80  }
0x43: {  	[sflag:s26] =	ssyncset.done $0x0  }
0x44: {  	[sflag:s26] =	ssyncadd.s32 $0xFFFFFF80  }
0x45: {  	_ =	swait.ge [sflag:s26], $0x80  }
0x46: {  	[sflag:s26] =	ssyncset.done $0x0  }
0x47: {  	[sflag:s26] =	ssyncadd.s32 $0xFFFFFF80  }
0x48: {  	_ =	swait.ge [sflag:s26], $0x80  }
0x49: {  	[sflag:s26] =	ssyncset.done $0x0  }
0x4a: {  	[sflag:s26] =	ssyncadd.s32 $0xFFFFFF80  }
0x4b: {  	_ =	swait.ge [sflag:s26], $0x80  }
0x4c: {  	[sflag:s26] =	ssyncset.done $0x0  }
0x4d: {  	[sflag:s26] =	ssyncadd.s32 $0xFFFFFF80  }
0x4e: {  	_ =	swait.ge [sflag:s26], $0x80  }
0x4f: {  	[sflag:s26] =	ssyncset.done $0x0  }
0x50: {  	[sflag:s26] =	ssyncadd.s32 $0xFFFFFF80  }
0x51: {  	_ =	swait.ge [sflag:s26], $0x80  }
0x52: {  	[sflag:s26] =	ssyncset.done $0x0  }
0x53: {  	[sflag:s26] =	ssyncadd.s32 $0xFFFFFF80  }
0x54: {  	_ =	swait.ge [sflag:s26], $0x80  }
0x55: {  	[sflag:s26] =	ssyncset.done $0x0  }
0x56: {  	[sflag:s26] =	ssyncadd.s32 $0xFFFFFF80  }
0x57: {  	_ =	swait.ge [sflag:s26], $0x80  }
0x58: {  	[sflag:s26] =	ssyncset.done $0x0  }
0x59: {  	[sflag:s26] =	ssyncadd.s32 $0xFFFFFF80  }
0x5a: {  	_ =	swait.ge [sflag:s26], $0x80  }
0x5b: {  	[sflag:s26] =	ssyncset.done $0x0  }
0x5c: {  	[sflag:s26] =	ssyncadd.s32 $0xFFFFFF80  }
0x5d: {  	_ =	swait.ge [sflag:s26], $0x80  }
0x5e: {  	[sflag:s26] =	ssyncset.done $0x0  }
0x5f: {  	[sflag:s26] =	ssyncadd.s32 $0xFFFFFF80  }
0x60: {  	_ =	swait.ge [sflag:s26], $0x80  }
0x61: {  	[sflag:s26] =	ssyncset.done $0x0  }
0x62: {  	[sflag:s26] =	ssyncadd.s32 $0xFFFFFF80  }
0x63: {  	_ =	swait.ge [sflag:s26], $0x80  }
0x64: {  	[sflag:s26] =	ssyncset.done $0x0  }
0x65: {  	[sflag:s26] =	ssyncadd.s32 $0xFFFFFF80  }
0x66: {  	_ =	swait.ge [sflag:s26], $0x80  }
0x67: {  	[sflag:s26] =	ssyncset.done $0x0  }
0x68: {  	[sflag:s26] =	ssyncadd.s32 $0xFFFFFF80  }
0x69: {  	_ =	swait.ge [sflag:s26], $0x80  }
0x6a: {  	[sflag:s26] =	ssyncset.done $0x0  }
0x6b: {  	[sflag:s26] =	ssyncadd.s32 $0xFFFFFF80  }
0x6c: {  	_ =	swait.ge [sflag:s26], $0x80  }
0x6d: {  	[sflag:s26] =	ssyncset.done $0x0  }
0x6e: {  	[sflag:s26] =	ssyncadd.s32 $0xFFFFFF80  }
0x6f: {  	_ =	swait.ge [sflag:s26], $0x80  }
0x70: {  	[sflag:s26] =	ssyncset.done $0x0  }
0x71: {  	[sflag:s26] =	ssyncadd.s32 $0xFFFFFF80  }
0x72: {  	_ =	swait.ge [sflag:s26], $0x80  }
0x73: {  	[sflag:s26] =	ssyncset.done $0x0  }
0x74: {  	[sflag:s26] =	ssyncadd.s32 $0xFFFFFF80  }
0x75: {  	_ =	swait.ge [sflag:s26], $0x80  }
0x76: {  	[sflag:s26] =	ssyncset.done $0x0  }
0x77: {  	[sflag:s26] =	ssyncadd.s32 $0xFFFFFF80  }
0x78: {  	_ =	swait.ge [sflag:s26], $0x80  }
0x79: {  	[sflag:s26] =	ssyncset.done $0x0  }
0x7a: {  	[sflag:s26] =	ssyncadd.s32 $0xFFFFFF80  }
0x7b: {  	_ =	swait.ge [sflag:s26], $0x80  }
0x7c: {  	[sflag:s26] =	ssyncset.done $0x0  }
0x7d: {  	[sflag:s26] =	ssyncadd.s32 $0xFFFFFF80  }
.LBB2_11:
0x7e: {  	s17 =	simm.s32 $0x7000  }
0x7f: {  	[hbm4b:s10+s3] =	stream.linear.scatter [tilespmem:s17], [sflag:$0x3], $0x1000, $0x38;
	[tilespmem:$0xA180] =	vst v63  }
0x80: {  	_ =	swait.ge [sflag:s16], $0x1000  }
0x81: {  	[sflag:s16] =	ssyncset.done $0x0  }
0x82: {  	[sflag:s16] =	ssyncadd.s32 $0xFFFFF000  }
0x83: {  	[hbm4b:s11+s3] =	stream.linear.scatter [tilespmem:s29], [sflag:$0x3], $0x1000, $0x38;
	[tilespmem:$0xA180] =	vst v63  }
0x84: {  	_ =	swait.ge [sflag:s16], $0x1000  }
0x85: {  	[sflag:s16] =	ssyncset.done $0x0  }
0x86: {  	[sflag:s16] =	ssyncadd.s32 $0xFFFFF000  }
0x87: {  	[hbm4b:s12+s21] =	stream.strided.scatter [tilespmem:s23], [sflag:$0x3], $0x800, s30, s21, $0x38;
	[tilespmem:$0xA180] =	vst v63  }
0x88: {  	_ =	swait.ge [sflag:s16], $0x800  }
0x89: {  	[sflag:s16] =	ssyncset.done $0x0  }
0x8a: {  	[sflag:s16] =	ssyncadd.s32 $0xFFFFF800  }
0x8b: {  	[hbm4b:s13+s21] =	stream.strided.scatter [tilespmem:s24], [sflag:$0x3], $0x800, s30, s21, $0x38;
	[tilespmem:$0xA180] =	vst v63  }
0x8c: {  	_ =	swait.ge [sflag:s16], $0x800  }
0x8d: {  	s2 =	ssub.s32 $0x1000, s2;
	s0 =	sadd.s32 $0x1, s0;
	[sflag:s16] =	ssyncset.done $0x0  }
0x8e: {  	v2 =	vmov s2;
	p0 =	sne.s32 s0, s15;
	[sflag:s16] =	ssyncadd.s32 $0xFFFFF800  }
.Ltmp1:
0x8f: {  	[tilespmem:$0xA080] =	vst v2;
	(pc) =	sbr.rel @!p0 .LBB2_12-.Ltmp1, $4  }
0x90: {  	[hbm4b:s14+s3] =	stream.linear.scatter [tilespmem:s31], [sflag:$0x3], $0x80, $0x38;
	[tilespmem:$0xA180] =	vst v63  }
0x91: {  	_ =	swait.ge [sflag:s16], $0x80  }
0x92: {  	[sflag:s16] =	ssyncset.done $0x0  }
0x93: {  	[sflag:s16] =	ssyncadd.s32 $0xFFFFFF80  }
.LBB2_1:
0x94: {  	[tilespmem:s3], [sflag:$0x3] =	stream.linear.gather [hbm4b:s6+s3], $0x1000, $0x38;
	[tilespmem:$0xA180] =	vst v63  }
0x95: {  	_ =	swait.ge [sflag:s16], $0x1000  }
0x96: {  	[sflag:s16] =	ssyncset.done $0x0  }
0x97: {  	s2 =	simm.s32 $0x1000;
	[sflag:s16] =	ssyncadd.s32 $0xFFFFF000  }
0x98: {  	[tilespmem:s2], [sflag:$0x3] =	stream.linear.gather [hbm4b:s7+s3], $0x1000, $0x38;
	[tilespmem:$0xA180] =	vst v63  }
0x99: {  	_ =	swait.ge [sflag:s16], $0x1000  }
0x9a: {  	[sflag:s16] =	ssyncset.done $0x0  }
0x9b: {  	s19 =	simm.s32 $0x2000;
	[sflag:s16] =	ssyncadd.s32 $0xFFFFF000  }
0x9c: {  	[tilespmem:s19], [sflag:$0x3] =	stream.linear.gather [hbm4b:s8+s3], $0x1000, $0x38;
	[tilespmem:$0xA180] =	vst v63  }
0x9d: {  	_ =	swait.ge [sflag:s16], $0x1000  }
0x9e: {  	[sflag:s16] =	ssyncset.done $0x0  }
0x9f: {  	s20 =	simm.s32 $0x3000;
	[sflag:s16] =	ssyncadd.s32 $0xFFFFF000  }
0xa0: {  	[tilespmem:s20], [sflag:$0x3] =	stream.linear.gather [hbm4b:s9+s3], $0x1000, $0x38;
	[tilespmem:$0xA180] =	vst v63  }
0xa1: {  	_ =	swait.ge [sflag:s16], $0x1000  }
0xa2: {  	[sflag:s16] =	ssyncset.done $0x0  }
0xa3: {  	s28 =	simm.s32 $0xA100;
	[sflag:s16] =	ssyncadd.s32 $0xFFFFF000  }
0xa4: {  	[tilespmem:s28], [sflag:$0x3] =	stream.linear.gather [hbm4b:s4+s3], $0x80, $0x38;
	[tilespmem:$0xA180] =	vst v63  }
0xa5: {  	_ =	swait.ge [sflag:s16], $0x80  }
0xa6: {  	[sflag:s16] =	ssyncset.done $0x0  }
0xa7: {  	[sflag:s16] =	ssyncadd.s32 $0xFFFFFF80  }
0xa8: {  	s17 =	simm.s32 $0x0;
	s2 =	simm.s32 $0x40;
	v2 =	vld [tilespmem:$0xA100]  }
.LBB2_2:
0xa9: {  	p0 =	sne.s32 s2, $0x1FC0;
	[tilespmem:s17+$0x9000] =	vst v0;
	s18 =	smov.u32 s2;
	s2 =	sadd.s32 $0x40, s2  }
.Ltmp2:
0xaa: {  	[tilespmem:s17+$0x9800] =	vst v0;
	(pc) =	sbr.rel @p0 .LBB2_2-.Ltmp2, $2  }
0xab: {  	_ =	sdelay $0x2  }
0xac: {  	s17 =	sshra.s32 s18, $0x2  }
0xad: {  	[tilespmem:s17+$0x9000] =	vst v0  }
0xae: {  	[tilespmem:s17+$0x9800] =	vst v0  }
0xaf: {  	[tilespmem:$0xA000] =	vst v1  }
0xb0: {  	[tilespmem:$0xA010] =	vst v1  }
0xb1: {  	[tilespmem:$0xA020] =	vst v1  }
0xb2: {  	[tilespmem:$0xA030] =	vst v1  }
0xb3: {  	[tilespmem:$0xA040] =	vst v1  }
0xb4: {  	[tilespmem:$0xA050] =	vst v1  }
0xb5: {  	[tilespmem:$0xA060] =	vst v1  }
0xb6: {  	s17 =	simm.s32 $0x0;
	[tilespmem:$0xA070] =	vst v1  }
0xb7: {  	v10 =	vld [tilespmem:s17+$0x1000]  }
0xb8: {  	v8 =	vld [tilespmem:s17+$0x1010]  }
0xb9: {  	v7 =	vld [tilespmem:s17+$0x1020]  }
0xba: {  	v6 =	vld [tilespmem:s17+$0x1030]  }
0xbb: {  	v5 =	vld [tilespmem:s17+$0x1040]  }
0xbc: {  	v4 =	vld [tilespmem:s17+$0x1050]  }
0xbd: {  	v3 =	vld [tilespmem:s17+$0x1060]  }
0xbe: {  	v9 =	vld [tilespmem:s17+$0x0]  }
0xbf: {  	v15 =	vld [tilespmem:s17+$0x10]  }
0xc0: {  	v13 =	vld [tilespmem:s17+$0x20]  }
0xc1: {  	v12 =	vld [tilespmem:s17+$0x30]  }
0xc2: {  	v11 =	vld [tilespmem:s17+$0x40]  }
0xc3: {  	v14 =	vshll.u32 v9, $0xB;
	v9 =	vld [tilespmem:s17+$0x50]  }
0xc4: {  	s2 =	simm.s32 $0x0;
	s18 =	simm.s32 $0x200;
	v15 =	vshll.u32 v15, $0xB;
	v14 =	vadd.s32 v10, v14;
	v10 =	vld [tilespmem:s17+$0x60]  }
.LBB2_4:
0xc5: {  	p0 =	sne.s32 s18, $0x3E00;
	[tilespmem:s17+$0x4000] =	vst v14;
	v8 =	vadd.s32 v8, v15;
	v13 =	vshll.u32 v13, $0xB;
	v14 =	vld [tilespmem:s17+$0x70]  }
0xc6: {  	[tilespmem:s17+$0x4010] =	vst v8;
	v7 =	vadd.s32 v7, v13;
	v8 =	vshll.u32 v12, $0xB;
	v12 =	vld [tilespmem:s17+$0x1070]  }
0xc7: {  	[tilespmem:s17+$0x4020] =	vst v7;
	v6 =	vadd.s32 v6, v8;
	v7 =	vshll.u32 v11, $0xB  }
0xc8: {  	[tilespmem:s17+$0x4030] =	vst v6;
	v5 =	vadd.s32 v5, v7;
	v6 =	vshll.u32 v9, $0xB  }
0xc9: {  	[tilespmem:s17+$0x4040] =	vst v5;
	v4 =	vadd.s32 v4, v6;
	v5 =	vshll.u32 v10, $0xB  }
0xca: {  	[tilespmem:s17+$0x4050] =	vst v4;
	v3 =	vadd.s32 v3, v5;
	v4 =	vshll.u32 v14, $0xB  }
0xcb: {  	s19 =	sshra.s32 s18, $0x2;
	s20 =	sadd.s32 $0x4000, s17;
	s28 =	sadd.s32 $0x5000, s17;
	[tilespmem:s17+$0x4060] =	vst v3;
	v3 =	vadd.s32 v12, v4  }
0xcc: {  	[tilespmem:s17+$0x4070] =	vst v3;
	[tilespmem:s28], [sflag:$0x2] =	stream.indirect.gather [hbm4b:s1+s21], $0x1, s20, s21, $0xb8  }
0xcd: {  	s17 =	smov.u32 s19;
	v10 =	vld [tilespmem:s19+$0x1000]  }
0xce: {  	v8 =	vld [tilespmem:s17+$0x1010]  }
0xcf: {  	v7 =	vld [tilespmem:s17+$0x1020]  }
0xd0: {  	v6 =	vld [tilespmem:s17+$0x1030]  }
0xd1: {  	v5 =	vld [tilespmem:s17+$0x1040]  }
0xd2: {  	v4 =	vld [tilespmem:s17+$0x1050]  }
0xd3: {  	v3 =	vld [tilespmem:s17+$0x1060]  }
0xd4: {  	v9 =	vld [tilespmem:s17+$0x0]  }
0xd5: {  	v15 =	vld [tilespmem:s17+$0x10]  }
.Ltmp3:
0xd6: {  	v13 =	vld [tilespmem:s17+$0x20];
	(pc) =	sbr.rel @p0 .LBB2_4-.Ltmp3, $4  }
0xd7: {  	v12 =	vld [tilespmem:s17+$0x30]  }
0xd8: {  	v11 =	vld [tilespmem:s17+$0x40]  }
0xd9: {  	v14 =	vshll.u32 v9, $0xB;
	v9 =	vld [tilespmem:s17+$0x50]  }
0xda: {  	s18 =	sadd.s32 $0x200, s18;
	v14 =	vadd.s32 v10, v14;
	v15 =	vshll.u32 v15, $0xB;
	v10 =	vld [tilespmem:s17+$0x60]  }
0xdb: {  	[tilespmem:s17+$0x4000] =	vst v14;
	v8 =	vadd.s32 v8, v15;
	v62 =	vld [tilespmem:s17+$0x70];
	v13 =	vshll.u32 v13, $0xB  }
0xdc: {  	v63 =	vld [tilespmem:s17+$0x1070];
	[tilespmem:s17+$0x4010] =	vst v8;
	v7 =	vadd.s32 v7, v13;
	v8 =	vshll.u32 v12, $0xB  }
0xdd: {  	[tilespmem:s17+$0x4020] =	vst v7;
	v6 =	vadd.s32 v6, v8;
	v7 =	vshll.u32 v11, $0xB  }
0xde: {  	[tilespmem:s17+$0x4030] =	vst v6;
	v5 =	vadd.s32 v5, v7;
	v6 =	vshll.u32 v9, $0xB  }
0xdf: {  	[tilespmem:s17+$0x4040] =	vst v5;
	v4 =	vadd.s32 v4, v6;
	v5 =	vshll.u32 v10, $0xB  }
0xe0: {  	[tilespmem:s17+$0x4050] =	vst v4;
	v3 =	vadd.s32 v3, v5;
	v4 =	vshll.u32 v62, $0xB  }
0xe1: {  	[tilespmem:s17+$0x4060] =	vst v3;
	v3 =	vadd.s32 v63, v4  }
0xe2: {  	s18 =	sadd.s32 $0x4000, s17;
	s19 =	sadd.s32 $0x5000, s17;
	[tilespmem:s17+$0x4070] =	vst v3  }
0xe3: {  	v6 =	vimm.s32 $0xFFFFFFFF;
	v4 =	vimm.s32 $0xFFFFFFFF;
	v3 =	vimm.s32 $0x0;
	[tilespmem:s19], [sflag:$0x2] =	stream.indirect.gather [hbm4b:s1+s21], $0x1, s18, s21, $0xb8;
	[tilespmem:$0xA180] =	vst v63  }
.LBB2_6:
0xe4: {  	_ =	swait.ge [sflag:s22], $0x80  }
0xe5: {  	[sflag:s22] =	ssyncset.done $0x0  }
0xe6: {  	s17 =	sshra.s32 s2, $0x2;
	[sflag:s22] =	ssyncadd.s32 $0xFFFFFF80  }
0xe7: {  	v5 =	vld [tilespmem:s17+$0x5000];
	_ =	sdelay $0x1  }
0xe8: {  	v7 =	vld [tilespmem:s17+$0x3000];
	_ =	sdelay $0x1  }
0xe9: {  	v8 =	vld [tilespmem:s17+$0x2000]  }
0xea: {  	v9 =	vld [tilespmem:s17+$0x0];
	v5 =	vadd.f32 $1.000000000e+00, v5;
	_ =	sdelay $0x1  }
0xeb: {  	v5 =	vmul.f32 v5, v7;
	_ =	sdelay $0x1  }
0xec: {  	vm0 =	vlt.f32 v5, v2  }
0xed: {  	v7 =	vnsel vm0, $0x0, v8  }
0xee: {  	v5 =	vsub.s32 v8, v7;
	[tilespmem:s17+$0x7000] =	vst v7  }
0xef: {  	v8 =	vld [tilespmem:s17+$0x4000];
	[tilespmem:s17+$0x8000] =	vst v5  }
0xf0: {  	[tilespmem:v9+s23+$0x0] =	vst.idx.add.s32.msk $0xffff, v7  }
0xf1: {  	v9 =	vld [tilespmem:s17+$0x1000];
	_ =	sdelay $0x7  }
0xf2: {  	[tilespmem:v9+s24+$0x0] =	vst.idx.add.s32.msk $0xffff, v7  }
0xf3: {  	v7 =	vld [tilespmem:s17+$0x5010];
	_ =	sdelay $0x1  }
0xf4: {  	v9 =	vld [tilespmem:s17+$0x3010];
	_ =	sdelay $0x1  }
0xf5: {  	v10 =	vld [tilespmem:s17+$0x2010]  }
0xf6: {  	v11 =	vld [tilespmem:s17+$0x10];
	v7 =	vadd.f32 $1.000000000e+00, v7;
	_ =	sdelay $0x1  }
0xf7: {  	v7 =	vmul.f32 v7, v9  }
0xf8: {  	vm11 =	veq.s32 v5, $0x1  }
0xf9: {  	v49 =	vsel vm11, v8, v6;
	vm1 =	vlt.f32 v7, v2  }
0xfa: {  	[tilespmem:s17+$0x6000] =	vst v49;
	v7 =	vnsel vm1, $0x0, v10  }
0xfb: {  	v6 =	vsub.s32 v10, v7;
	[tilespmem:s17+$0x7010] =	vst v7  }
0xfc: {  	v50 =	vld [tilespmem:s17+$0x4010];
	[tilespmem:s17+$0x8010] =	vst v6  }
0xfd: {  	[tilespmem:v11+s23+$0x0] =	vst.idx.add.s32.msk $0xffff, v7  }
0xfe: {  	v11 =	vld [tilespmem:s17+$0x1010];
	_ =	sdelay $0x7  }
0xff: {  	[tilespmem:v11+s24+$0x0] =	vst.idx.add.s32.msk $0xffff, v7  }
0x100: {  	v7 =	vld [tilespmem:s17+$0x5020];
	_ =	sdelay $0x1  }
0x101: {  	v11 =	vld [tilespmem:s17+$0x3020];
	_ =	sdelay $0x1  }
0x102: {  	v12 =	vld [tilespmem:s17+$0x2020]  }
0x103: {  	v13 =	vld [tilespmem:s17+$0x20];
	v7 =	vadd.f32 $1.000000000e+00, v7;
	_ =	sdelay $0x1  }
0x104: {  	v7 =	vmul.f32 v7, v11  }
0x105: {  	vm12 =	veq.s32 v6, $0x1  }
0x106: {  	v9 =	vsel vm12, v50, v49;
	vm2 =	vlt.f32 v7, v2  }
0x107: {  	[tilespmem:s17+$0x6010] =	vst v9;
	v7 =	vnsel vm2, $0x0, v12  }
0x108: {  	v51 =	vsub.s32 v12, v7;
	[tilespmem:s17+$0x7020] =	vst v7  }
0x109: {  	v52 =	vld [tilespmem:s17+$0x4020];
	[tilespmem:s17+$0x8020] =	vst v51  }
0x10a: {  	[tilespmem:v13+s23+$0x0] =	vst.idx.add.s32.msk $0xffff, v7  }
0x10b: {  	v13 =	vld [tilespmem:s17+$0x1020];
	_ =	sdelay $0x7  }
0x10c: {  	[tilespmem:v13+s24+$0x0] =	vst.idx.add.s32.msk $0xffff, v7  }
0x10d: {  	v7 =	vld [tilespmem:s17+$0x5030];
	_ =	sdelay $0x1  }
0x10e: {  	v13 =	vld [tilespmem:s17+$0x3030];
	_ =	sdelay $0x1  }
0x10f: {  	v14 =	vld [tilespmem:s17+$0x2030]  }
0x110: {  	v15 =	vld [tilespmem:s17+$0x30];
	v7 =	vadd.f32 $1.000000000e+00, v7;
	_ =	sdelay $0x1  }
0x111: {  	v7 =	vmul.f32 v7, v13  }
0x112: {  	vm13 =	veq.s32 v51, $0x1  }
0x113: {  	v9 =	vsel vm13, v52, v9;
	vm3 =	vlt.f32 v7, v2  }
0x114: {  	[tilespmem:s17+$0x6020] =	vst v9;
	v7 =	vnsel vm3, $0x0, v14  }
0x115: {  	v53 =	vsub.s32 v14, v7;
	[tilespmem:s17+$0x7030] =	vst v7  }
0x116: {  	v54 =	vld [tilespmem:s17+$0x4030];
	[tilespmem:s17+$0x8030] =	vst v53  }
0x117: {  	[tilespmem:v15+s23+$0x0] =	vst.idx.add.s32.msk $0xffff, v7  }
0x118: {  	v15 =	vld [tilespmem:s17+$0x1030];
	_ =	sdelay $0x7  }
0x119: {  	[tilespmem:v15+s24+$0x0] =	vst.idx.add.s32.msk $0xffff, v7  }
0x11a: {  	v7 =	vld [tilespmem:s17+$0x5040];
	_ =	sdelay $0x1  }
0x11b: {  	v15 =	vld [tilespmem:s17+$0x3040];
	_ =	sdelay $0x1  }
0x11c: {  	v16 =	vld [tilespmem:s17+$0x2040]  }
0x11d: {  	v17 =	vld [tilespmem:s17+$0x40];
	v7 =	vadd.f32 $1.000000000e+00, v7;
	_ =	sdelay $0x1  }
0x11e: {  	v7 =	vmul.f32 v7, v15  }
0x11f: {  	vm14 =	veq.s32 v53, $0x1  }
0x120: {  	v9 =	vsel vm14, v54, v9;
	vm4 =	vlt.f32 v7, v2  }
0x121: {  	[tilespmem:s17+$0x6030] =	vst v9;
	v7 =	vnsel vm4, $0x0, v16  }
0x122: {  	v55 =	vsub.s32 v16, v7;
	[tilespmem:s17+$0x7040] =	vst v7  }
0x123: {  	v56 =	vld [tilespmem:s17+$0x4040];
	[tilespmem:s17+$0x8040] =	vst v55  }
0x124: {  	[tilespmem:v17+s23+$0x0] =	vst.idx.add.s32.msk $0xffff, v7  }
0x125: {  	v17 =	vld [tilespmem:s17+$0x1040];
	_ =	sdelay $0x7  }
0x126: {  	[tilespmem:v17+s24+$0x0] =	vst.idx.add.s32.msk $0xffff, v7  }
0x127: {  	v7 =	vld [tilespmem:s17+$0x5050];
	_ =	sdelay $0x1  }
0x128: {  	v17 =	vld [tilespmem:s17+$0x3050];
	_ =	sdelay $0x1  }
0x129: {  	v18 =	vld [tilespmem:s17+$0x2050]  }
0x12a: {  	v19 =	vld [tilespmem:s17+$0x50];
	v7 =	vadd.f32 $1.000000000e+00, v7;
	_ =	sdelay $0x1  }
0x12b: {  	v7 =	vmul.f32 v7, v17  }
0x12c: {  	vm15 =	veq.s32 v55, $0x1  }
0x12d: {  	v9 =	vsel vm15, v56, v9;
	vm5 =	vlt.f32 v7, v2  }
0x12e: {  	[tilespmem:s17+$0x6040] =	vst v9;
	v7 =	vnsel vm5, $0x0, v18  }
0x12f: {  	v57 =	vsub.s32 v18, v7;
	[tilespmem:s17+$0x7050] =	vst v7  }
0x130: {  	v58 =	vld [tilespmem:s17+$0x4050];
	[tilespmem:s17+$0x8050] =	vst v57  }
0x131: {  	[tilespmem:v19+s23+$0x0] =	vst.idx.add.s32.msk $0xffff, v7  }
0x132: {  	v19 =	vld [tilespmem:s17+$0x1050];
	_ =	sdelay $0x7  }
0x133: {  	[tilespmem:v19+s24+$0x0] =	vst.idx.add.s32.msk $0xffff, v7  }
0x134: {  	v7 =	vld [tilespmem:s17+$0x5060];
	_ =	sdelay $0x1  }
0x135: {  	v19 =	vld [tilespmem:s17+$0x3060];
	_ =	sdelay $0x1  }
0x136: {  	v20 =	vld [tilespmem:s17+$0x2060]  }
0x137: {  	v21 =	vld [tilespmem:s17+$0x60];
	v7 =	vadd.f32 $1.000000000e+00, v7;
	_ =	sdelay $0x1  }
0x138: {  	v7 =	vmul.f32 v7, v19  }
0x139: {  	vm9 =	veq.s32 v57, $0x1  }
0x13a: {  	v9 =	vsel vm9, v58, v9;
	vm6 =	vlt.f32 v7, v2  }
0x13b: {  	[tilespmem:s17+$0x6050] =	vst v9;
	v7 =	vnsel vm6, $0x0, v20  }
0x13c: {  	v59 =	vsub.s32 v20, v7;
	[tilespmem:s17+$0x7060] =	vst v7  }
0x13d: {  	v60 =	vld [tilespmem:s17+$0x4060];
	[tilespmem:s17+$0x8060] =	vst v59  }
0x13e: {  	[tilespmem:v21+s23+$0x0] =	vst.idx.add.s32.msk $0xffff, v7  }
0x13f: {  	v21 =	vld [tilespmem:s17+$0x1060];
	_ =	sdelay $0x7  }
0x140: {  	[tilespmem:v21+s24+$0x0] =	vst.idx.add.s32.msk $0xffff, v7  }
0x141: {  	vm10 =	vlt.s32 v4, $0x0;
	v7 =	vld [tilespmem:s17+$0x5070]  }
0x142: {  	vm0 =	vmand vm10, vm11  }
0x143: {  	v4 =	vsel vm0, v8, v4;
	v8 =	vld [tilespmem:s17+$0x3070]  }
0x144: {  	vm0 =	vlt.s32 v4, $0x0  }
0x145: {  	vm0 =	vmand vm0, vm12;
	v21 =	vld [tilespmem:s17+$0x2070]  }
0x146: {  	v4 =	vsel vm0, v50, v4;
	v61 =	vld [tilespmem:s17+$0x70];
	v7 =	vadd.f32 $1.000000000e+00, v7  }
0x147: {  	vm0 =	vlt.s32 v4, $0x0  }
0x148: {  	vm0 =	vmand vm0, vm13;
	v7 =	vmul.f32 v7, v8  }
0x149: {  	v4 =	vsel vm0, v52, v4;
	vm11 =	veq.s32 v59, $0x1  }
0x14a: {  	vm12 =	vlt.s32 v4, $0x0;
	v8 =	vsel vm11, v60, v9;
	vm13 =	vlt.f32 v7, v2  }
0x14b: {  	vm1 =	vmand vm12, vm14;
	[tilespmem:s17+$0x6060] =	vst v8;
	v7 =	vnsel vm13, $0x0, v21  }
0x14c: {  	v4 =	vsel vm1, v54, v4;
	v62 =	vsub.s32 v21, v7;
	[tilespmem:s17+$0x7070] =	vst v7  }
0x14d: {  	vm1 =	vlt.s32 v4, $0x0;
	v63 =	vld [tilespmem:s17+$0x4070];
	[tilespmem:s17+$0x8070] =	vst v62  }
0x14e: {  	vm1 =	vmand vm1, vm15;
	[tilespmem:v61+s23+$0x0] =	vst.idx.add.s32.msk $0xffff, v7  }
0x14f: {  	v4 =	vsel vm1, v56, v4;
	v10 =	vld [tilespmem:s17+$0x1070]  }
0x150: {  	vm1 =	vlt.s32 v4, $0x0  }
0x151: {  	v3 =	vadd.s32 v3, v5;
	vm1 =	vmand vm1, vm9  }
0x152: {  	v3 =	vadd.s32 v6, v3;
	v4 =	vsel vm1, v58, v4  }
0x153: {  	p0 =	sne.s32 s2, $0x3E00;
	v3 =	vadd.s32 v51, v3;
	vm1 =	vlt.s32 v4, $0x0  }
.Ltmp4:
0x154: {  	v3 =	vadd.s32 v53, v3;
	vm0 =	vmand vm1, vm11;
	(pc) =	sbr.rel @p0 .LBB2_6-.Ltmp4, $4  }
0x155: {  	v3 =	vadd.s32 v55, v3;
	v4 =	vsel vm0, v60, v4  }
0x156: {  	v3 =	vadd.s32 v57, v3;
	vm15 =	vlt.s32 v4, $0x0;
	vm14 =	veq.s32 v62, $0x1  }
0x157: {  	v3 =	vadd.s32 v59, v3;
	v6 =	vsel vm14, v63, v8;
	vm0 =	vmand vm15, vm14;
	[tilespmem:v10+s24+$0x0] =	vst.idx.add.s32.msk $0xffff, v7  }
0x158: {  	s2 =	sadd.s32 $0x200, s2;
	v3 =	vadd.s32 v62, v3;
	v4 =	vsel vm0, v63, v4;
	[tilespmem:s17+$0x6070] =	vst v6  }
0x159: {  	(xrf0) =	vadd.scan.msk.s32 $0xffff, v3;
	_ =	sdelay $0x5  }
0x15a: {  	v2, _, _ =	vpop (xrf0)  }
0x15b: {  	(v2sf) =	vpush v2, $0xF;
	_ =	sdelay $0xe  }
0x15c: {  	s2 =	spop (v2sf)  }
0x15d: {  	p0 =	slt.s32 s2, $0x1  }
.Ltmp5:
0x15e: {  	_ = 	snop;
	(pc) =	sbr.rel @p0 .LBB2_11-.Ltmp5, $1  }
0x15f: {  	_ =	sdelay $0x3  }
0x160: {  	vm0 =	vlt.s32 v4, $0x0;
	v2 =	vxor.u32 $0x80000000, v4  }
0x161: {  	v2 =	vsel vm0, $0xC0000000, v2  }
0x162: {  	(xrf0) =	vmin.scan.msk.u32 $0xffff, v2;
	_ =	sdelay $0x5  }
0x163: {  	v2, _, _ =	vpop (xrf0)  }
0x164: {  	(v2sf) =	vpush v2, $0xF;
	_ =	sdelay $0xa  }
0x165: {  	s17 =	simm.s32 $0x0  }
0x166: {  	v9 =	vld [tilespmem:s17+$0x6000]  }
0x167: {  	v8 =	vld [tilespmem:s17+$0x6010]  }
0x168: {  	v7 =	vld [tilespmem:s17+$0x6020]  }
0x169: {  	v6 =	vld [tilespmem:s17+$0x6030];
	s18 =	spop (v2sf)  }
0x16a: {  	v5 =	vld [tilespmem:s17+$0x6040];
	s18 =	sxor.u32 $0x80000000, s18  }
0x16b: {  	v3 =	vld [tilespmem:s17+$0x6050];
	v2 =	vsel vm0, s18, v4;
	vm0 =	vlt.s32 v9, $0x0  }
0x16c: {  	v4 =	vld [tilespmem:s17+$0x6060];
	s18 =	simm.s32 $0x200;
	v9 =	vsel vm0, v2, v9;
	vm0 =	vlt.s32 v8, $0x0  }
.LBB2_9:
0x16d: {  	p0 =	sne.s32 s18, $0x3E00;
	[tilespmem:s17+$0x6000] =	vst v9;
	v8 =	vsel vm0, v2, v8;
	vm0 =	vlt.s32 v7, $0x0;
	v9 =	vld [tilespmem:s17+$0x6070]  }
0x16e: {  	[tilespmem:s17+$0x6010] =	vst v8;
	v7 =	vsel vm0, v2, v7;
	vm0 =	vlt.s32 v6, $0x0  }
0x16f: {  	[tilespmem:s17+$0x6020] =	vst v7;
	v6 =	vsel vm0, v2, v6;
	vm0 =	vlt.s32 v5, $0x0  }
0x170: {  	[tilespmem:s17+$0x6030] =	vst v6;
	v5 =	vsel vm0, v2, v5;
	vm0 =	vlt.s32 v3, $0x0  }
0x171: {  	[tilespmem:s17+$0x6040] =	vst v5;
	v3 =	vsel vm0, v2, v3;
	vm0 =	vlt.s32 v4, $0x0  }
0x172: {  	[tilespmem:s17+$0x6050] =	vst v3;
	v3 =	vsel vm0, v2, v4;
	vm0 =	vlt.s32 v9, $0x0  }
0x173: {  	s19 =	sshra.s32 s18, $0x2;
	s20 =	sadd.s32 $0x6000, s17;
	[tilespmem:s17+$0x6060] =	vst v3;
	v3 =	vsel vm0, v2, v9  }
0x174: {  	[tilespmem:s17+$0x6070] =	vst v3;
	[hbm4b:s5+s21] =	stream.indirect.scatter [tilespmem:s25], [sflag:$0x1], $0x1, s20, s21, $0xb8  }
0x175: {  	s17 =	smov.u32 s19;
	v4 =	vld [tilespmem:s19+$0x6000]  }
0x176: {  	v8 =	vld [tilespmem:s17+$0x6010]  }
.Ltmp6:
0x177: {  	v7 =	vld [tilespmem:s17+$0x6020];
	(pc) =	sbr.rel @p0 .LBB2_9-.Ltmp6, $4  }
0x178: {  	v6 =	vld [tilespmem:s17+$0x6030]  }
0x179: {  	v5 =	vld [tilespmem:s17+$0x6040]  }
0x17a: {  	vm0 =	vlt.s32 v4, $0x0;
	v3 =	vld [tilespmem:s17+$0x6050]  }
0x17b: {  	s18 =	sadd.s32 $0x200, s18;
	v9 =	vsel vm0, v2, v4;
	vm0 =	vlt.s32 v8, $0x0;
	v4 =	vld [tilespmem:s17+$0x6060]  }
.Ltmp7:
0x17c: {  	_ = 	snop;
	(pc) =	sbr.rel .LBB2_10-.Ltmp7, $1  }
0x17d: {  	_ =	sdelay $0x3  }
.LBB2_12:
0x17e: {  	_ =	sfence.sel $0x180000  }
0x17f: {  	[bflag:$0x0] =	sbarrier.arrive $0xFFFF  }
0x180: {  	_ =	strace $0x9000004A  }
0x181: {  	s0 =	stileid.u32;
	[bflag:$0x2] =	sbarrier.arrive $0xFFFF  }
0x182: {  	p0 =	sne.s32 s0, $0x0;
	s0 =	rddreg [dreg:$0x4]  }
0x183: {  	s0 =	sadd.s32 @!p0 $0x100000, s0  }
0x184: {  	[sflag:s0] =	ssyncadd.tile.s32 @!p0 $0x1;
	_ =	shalt  }
.Lfunc_end2:
_tile_overlayer_lowered:
.L_overlay_start_2:
0x185: {  	(tag) =	ssettag $0x2  }
0x186: {  	s0 =	rddreg [dreg:$0x0];
	s2 =	stileid.u32  }
0x187: {  	s1 =	rddreg [dreg:$0x1];
	p0 =	sne.s32 s2, $0x0  }
0x188: {  	s3 =	rddreg [dreg:$0x2];
	[bflag:$0x3] =	sbarrier.arrive $0xFFFF;
	s2 =	simm.s32 @!p0 $0x1C03  }
0x189: {  	[timem:s3], [sflag:s2] =	dma.local @!p0 [hbm:s0], s1  }
0x18a: {  	s0 =	simm.s32 @!p0 $0x3  }
0x18b: {  	_ =	swait.ge @!p0 [sflag:s0], s1  }
0x18c: {  	s1 =	ssub.s32 @!p0 $0x0, s1;
	[sflag:s0] =	ssyncset.done @!p0 $0x0  }
0x18d: {  	[sflag:s0] =	ssyncadd.s32 @!p0 s1  }
0x18e: {  	[bflag:$0x3] =	sbarrier.arrive $0xFFFF  }
0x18f: {  	_ =	shalt  }

</sc_bundles>
